<compile_context>
chip_gen: v7x
topology: tpu7x:2x2x1
jax: 0.10.2.dev20260603
libtpu: 0.0.44.dev20260713+nightly
codegen_flags: <defaults>
</compile_context>

<pallas_src>
import jax
import jax.numpy as jnp
from jax import lax
from jax.experimental import pallas as pl
from jax.experimental.pallas import tpu as pltpu
from jax.experimental.pallas import tpu_sc as plsc

N_NODES = 10000
D_FEAT = 128
OUT_NODES = 100
N_EDGES = 320000

NC = 2
NS = 16
NW = NC * NS
CHUNK = 128
EPW = (N_EDGES + NW - 1) // NW
CPW = 80
HALF = CPW // 2
EPW_PAD = CPW * CHUNK
E_PAD = NW * EPW_PAD
ACC_ROWS = NS * 640
DUMMY = N_NODES
RPT = ACC_ROWS // NS
DEG_W = 8


def _sc_mesh():
    return plsc.VectorSubcoreMesh(
        core_axis_name="c", subcore_axis_name="s", num_cores=NC, num_subcores=NS
    )


def _deg_body(dst_hbm, out_hbm, dst_v, ones_v, acc, sem):
    c = lax.axis_index("c")
    s = lax.axis_index("s")
    wid = c * NS + s

    zeros16 = jnp.zeros((16,), jnp.float32)
    ones16 = jnp.ones((16,), jnp.float32)

    @pl.loop(0, CHUNK)
    def _(r):
        for k in range(D_FEAT // 16):
            ones_v[r, pl.ds(k * 16, 16)] = zeros16

    pltpu.sync_copy(dst_hbm.at[wid], dst_v)
    for h in range(RPT // CHUNK):
        pltpu.sync_copy(ones_v, acc.at[pl.ds(s * RPT + h * CHUNK, CHUNK)])

    @pl.loop(0, CHUNK)
    def _(r):
        for k in range(D_FEAT // 16):
            ones_v[r, pl.ds(k * 16, 16)] = ones16

    plsc.subcore_barrier()

    @pl.loop(0, 8)
    def _(j):
        pltpu.async_copy(ones_v, acc.at[dst_v.at[j]], sem, add=True)

    @pl.loop(8, CPW)
    def _(j):
        pltpu.async_copy(ones_v, acc.at[dst_v.at[j]], sem, add=True)
        pltpu.make_async_copy(out_hbm.at[c, pl.ds(0, CHUNK)], ones_v, sem).wait()

    @pl.loop(0, 8)
    def _(j):
        pltpu.make_async_copy(out_hbm.at[c, pl.ds(0, CHUNK)], ones_v, sem).wait()

    plsc.subcore_barrier()
    for h in range(RPT // CHUNK):
        pltpu.sync_copy(acc.at[pl.ds(s * RPT + h * CHUNK, CHUNK)], ones_v)
        pltpu.sync_copy(ones_v, out_hbm.at[c, pl.ds(s * RPT + h * CHUNK, CHUNK)])


def _make_deg_kernel():
    return pl.kernel(
        _deg_body,
        out_type=jax.ShapeDtypeStruct((NC, ACC_ROWS, D_FEAT), jnp.float32),
        mesh=_sc_mesh(),
        scratch_types=[
            pltpu.VMEM((CPW, CHUNK), jnp.int32),
            pltpu.VMEM((CHUNK, D_FEAT), jnp.float32),
            pltpu.VMEM_SHARED((ACC_ROWS, D_FEAT), jnp.float32),
            pltpu.SemaphoreType.DMA,
        ],
    )


def _agg_body(g_hbm, src_hbm, dst_hbm, out_hbm, src_v, dst_v, ra, rb,
              acc, gsa, gsb, ssa, ssb):
    c = lax.axis_index("c")
    s = lax.axis_index("s")
    wid = c * NS + s

    zeros16 = jnp.zeros((16,), jnp.float32)

    @pl.loop(0, CHUNK)
    def _(r):
        for k in range(D_FEAT // 16):
            ra[r, pl.ds(k * 16, 16)] = zeros16

    for h in range(RPT // CHUNK):
        pltpu.sync_copy(ra, acc.at[pl.ds(s * RPT + h * CHUNK, CHUNK)])
    plsc.subcore_barrier()

    def wait_gather(buf, sem):
        pltpu.make_async_copy(g_hbm.at[src_v.at[0]], buf, sem).wait()

    def wait_scatter(buf, sem):
        pltpu.make_async_copy(g_hbm.at[src_v.at[0]], buf, sem).wait()

    for half in range(2):
        pltpu.sync_copy(src_hbm.at[wid, pl.ds(half * HALF, HALF)], src_v)
        pltpu.sync_copy(dst_hbm.at[wid, pl.ds(half * HALF, HALF)], dst_v)
        pltpu.async_copy(g_hbm.at[src_v.at[0]], ra, gsa)
        pltpu.async_copy(g_hbm.at[src_v.at[1]], rb, gsb)

        @pl.loop(0, HALF // 2 - 1)
        def _(t):
            wait_gather(ra, gsa)
            pltpu.async_copy(ra, acc.at[dst_v.at[2 * t]], ssa, add=True)
            wait_gather(rb, gsb)
            pltpu.async_copy(rb, acc.at[dst_v.at[2 * t + 1]], ssb, add=True)
            wait_scatter(ra, ssa)
            pltpu.async_copy(g_hbm.at[src_v.at[2 * t + 2]], ra, gsa)
            wait_scatter(rb, ssb)
            pltpu.async_copy(g_hbm.at[src_v.at[2 * t + 3]], rb, gsb)

        wait_gather(ra, gsa)
        pltpu.async_copy(ra, acc.at[dst_v.at[HALF - 2]], ssa, add=True)
        wait_gather(rb, gsb)
        pltpu.async_copy(rb, acc.at[dst_v.at[HALF - 1]], ssb, add=True)
        wait_scatter(ra, ssa)
        wait_scatter(rb, ssb)

    plsc.subcore_barrier()
    for h in range(RPT // CHUNK):
        pltpu.sync_copy(acc.at[pl.ds(s * RPT + h * CHUNK, CHUNK)], ra)
        pltpu.sync_copy(ra, out_hbm.at[c, pl.ds(s * RPT + h * CHUNK, CHUNK)])


def _make_agg_kernel():
    return pl.kernel(
        _agg_body,
        out_type=jax.ShapeDtypeStruct((NC, ACC_ROWS, D_FEAT), jnp.float32),
        mesh=_sc_mesh(),
        scratch_types=[
            pltpu.VMEM((HALF, CHUNK), jnp.int32),
            pltpu.VMEM((HALF, CHUNK), jnp.int32),
            pltpu.VMEM((CHUNK, D_FEAT), jnp.float32),
            pltpu.VMEM((CHUNK, D_FEAT), jnp.float32),
            pltpu.VMEM_SHARED((ACC_ROWS, D_FEAT), jnp.float32),
            pltpu.SemaphoreType.DMA,
            pltpu.SemaphoreType.DMA,
            pltpu.SemaphoreType.DMA,
            pltpu.SemaphoreType.DMA,
        ],
    )


def _tc1_body(x_ref, w_ref, da_ref, db_ref, g_ref):
    p = lax.rsqrt(da_ref[:, 0:1] + db_ref[:, 0:1] + 1.0)
    h = jnp.dot(x_ref[...], w_ref[...], preferred_element_type=jnp.float32)
    g_ref[...] = p * h


def _tc2_body(pa_ref, pb_ref, g_ref, da_ref, db_ref, b_ref, w_ref, o_ref):
    p = lax.rsqrt(da_ref[:, 0:1] + db_ref[:, 0:1] + 1.0)
    t = p * (pa_ref[...] + pb_ref[...] + g_ref[...]) + b_ref[...]
    h = jnp.maximum(t, 0.0)
    o_ref[...] = p * jnp.dot(h, w_ref[...], preferred_element_type=jnp.float32)


def _tc3_body(pa_ref, pb_ref, g_ref, da_ref, db_ref, b_ref, wa_ref, ba_ref, o_ref):
    p = lax.rsqrt(da_ref[:, 0:1] + db_ref[:, 0:1] + 1.0)
    h = p * (pa_ref[...] + pb_ref[...] + g_ref[...]) + b_ref[...]
    logits = jnp.dot(h, wa_ref[...], preferred_element_type=jnp.float32) + ba_ref[...]
    m = jnp.max(logits, axis=1, keepdims=True)
    e = jnp.exp(logits - m)
    o_ref[...] = e / jnp.sum(e, axis=1, keepdims=True)


_BLK = 1000
_GRID = N_NODES // _BLK


def _row_blk(shape_minor):
    nmin = len(shape_minor)
    return pl.BlockSpec((_BLK,) + shape_minor, lambda i: (i,) + (0,) * nmin)


def _full(shape):
    n = len(shape)
    return pl.BlockSpec(shape, lambda i: (0,) * n)


def _tc1(x, W1, da, db):
    return pl.pallas_call(
        _tc1_body,
        grid=(_GRID,),
        in_specs=[
            _row_blk((D_FEAT,)),
            _full((D_FEAT, D_FEAT)),
            _row_blk((DEG_W,)),
            _row_blk((DEG_W,)),
        ],
        out_specs=_row_blk((D_FEAT,)),
        out_shape=jax.ShapeDtypeStruct((N_NODES, D_FEAT), jnp.float32),
    )(x, W1, da, db)


def _tc2(pa, pb, g, da, db, b, W):
    return pl.pallas_call(
        _tc2_body,
        grid=(_GRID,),
        in_specs=[
            _row_blk((D_FEAT,)),
            _row_blk((D_FEAT,)),
            _row_blk((D_FEAT,)),
            _row_blk((DEG_W,)),
            _row_blk((DEG_W,)),
            _full((1, D_FEAT)),
            _full((D_FEAT, D_FEAT)),
        ],
        out_specs=_row_blk((D_FEAT,)),
        out_shape=jax.ShapeDtypeStruct((N_NODES, D_FEAT), jnp.float32),
    )(pa, pb, g, da, db, b, W)


def _tc3(pa, pb, g, da, db, b, Wa, ba):
    return pl.pallas_call(
        _tc3_body,
        grid=(_GRID,),
        in_specs=[
            _row_blk((D_FEAT,)),
            _row_blk((D_FEAT,)),
            _row_blk((D_FEAT,)),
            _row_blk((DEG_W,)),
            _row_blk((DEG_W,)),
            _full((1, D_FEAT)),
            _full((D_FEAT, OUT_NODES)),
            _full((1, OUT_NODES)),
        ],
        out_specs=_row_blk((OUT_NODES,)),
        out_shape=jax.ShapeDtypeStruct((N_NODES, OUT_NODES), jnp.float32),
    )(pa, pb, g, da, db, b, Wa, ba)


@jax.jit
def kernel(x, edge_index, W1, b1, W2, b2, Wa, ba):
    ei = edge_index.astype(jnp.int32)
    pad_s = jnp.arange(E_PAD - N_EDGES, dtype=jnp.int32) % N_NODES
    pad_d = DUMMY + jnp.arange(E_PAD - N_EDGES, dtype=jnp.int32) % (ACC_ROWS - DUMMY)
    src3 = jnp.concatenate([ei[0], pad_s]).reshape(NW, CPW, CHUNK)
    dst3 = jnp.concatenate([ei[1], pad_d]).reshape(NW, CPW, CHUNK)

    deg_parts = _make_deg_kernel()(dst3)
    da = deg_parts[0, :N_NODES, :DEG_W]
    db = deg_parts[1, :N_NODES, :DEG_W]

    agg = _make_agg_kernel()

    g1 = _tc1(x, W1, da, db)
    parts1 = agg(g1, src3, dst3)
    g2 = _tc2(parts1[0, :N_NODES], parts1[1, :N_NODES], g1, da, db,
              b1.reshape(1, D_FEAT), W2)
    parts2 = agg(g2, src3, dst3)
    s = _tc3(parts2[0, :N_NODES], parts2[1, :N_NODES], g2, da, db,
             b2.reshape(1, D_FEAT), Wa, ba.reshape(1, OUT_NODES))
    return s

# --- scband reference (transcript-rebuilt; emitter-appended) ---
"""Pipeline reference for scband-align-layer-8486855377200 (READ-ONLY COPY).

The authoritative reference and input builder live on the scoring server;
editing this copy changes nothing except your own understanding.
"""

import jax, jax.numpy as jnp
import numpy as np

N_NODES = 10000
D_FEAT = 128
OUT_NODES = 100
N_EDGES = 320000


def gcn_conv(x, edge_index, W, b):
    # Faithful GCNConv (PyG default): add self-loops, symmetric normalization,
    # message = norm * (x W), scatter-add at dst, plus bias.
    N = x.shape[0]
    src = edge_index[0]
    dst = edge_index[1]
    loop = jnp.arange(N, dtype=src.dtype)
    src = jnp.concatenate([src, loop])
    dst = jnp.concatenate([dst, loop])
    deg = jnp.zeros((N,), dtype=x.dtype).at[dst].add(1.0)
    deg_inv_sqrt = jnp.where(deg > 0, deg ** -0.5, 0.0)
    norm = deg_inv_sqrt[src] * deg_inv_sqrt[dst]
    h = x @ W
    msg = h[src] * norm[:, None]
    out = jnp.zeros_like(h).at[dst].add(msg)
    return out + b


def setup_inputs(seed: int = 0) -> dict:
    key = jax.random.key(seed)
    k_x, k_e, k_w1, k_w2, k_wa = jax.random.split(key, 5)
    x = jax.random.normal(k_x, (N_NODES, D_FEAT), dtype=jnp.float32)
    edge_index = jax.random.randint(k_e, (2, N_EDGES), 0, N_NODES, dtype=jnp.int64)
    s1 = 1.0 / np.sqrt(D_FEAT)
    W1 = jax.random.uniform(k_w1, (D_FEAT, D_FEAT), minval=-s1, maxval=s1, dtype=jnp.float32)
    b1 = jnp.zeros((D_FEAT,), dtype=jnp.float32)
    W2 = jax.random.uniform(k_w2, (D_FEAT, D_FEAT), minval=-s1, maxval=s1, dtype=jnp.float32)
    b2 = jnp.zeros((D_FEAT,), dtype=jnp.float32)
    Wa = jax.random.uniform(k_wa, (D_FEAT, OUT_NODES), minval=-s1, maxval=s1, dtype=jnp.float32)
    ba = jnp.zeros((OUT_NODES,), dtype=jnp.float32)
    return {"x": x, "edge_index": edge_index, "W1": W1, "b1": b1, "W2": W2, "b2": b2, "Wa": Wa, "ba": ba}


def reference(x, edge_index, W1, b1, W2, b2, Wa, ba):
    h = gcn_conv(x, edge_index, W1, b1)
    h = jax.nn.relu(h)
    h = gcn_conv(h, edge_index, W2, b2)
    logits = h @ Wa + ba
    s = jax.nn.softmax(logits, axis=1)
    return s

if __name__ == "__main__":
    import jax
    _d = setup_inputs()
    print(jax.jit(kernel)(*tuple(_d.values())))

</pallas_src>

<mosaic_0001>
#map = affine_map<(d0, d1) -> (0, 0, 0)>
module attributes {stable_mosaic.version = 14 : i64} {
  func.func @_deg_body(%arg0: i32, %arg1: i32, %arg2: memref<32x80x128xi32, #tpu.memory_space<hbm>>, %arg3: memref<2x10240x128xf32, #tpu.memory_space<hbm>>, %arg4: memref<80x128xi32, #tpu.memory_space<vmem>>, %arg5: memref<128x128xf32, #tpu.memory_space<vmem>>, %arg6: memref<10240x128xf32, #tpu.memory_space<vmem_shared>>, %arg7: memref<!tpu.dma_semaphore, #tpu.memory_space<semaphore_mem>>) attributes {dimension_semantics = [#tpu.dimension_semantics<core_parallel>, #tpu.dimension_semantics<subcore_parallel>], iteration_bounds = array<i64: 2, 16>, scalar_prefetch = 0 : i64, scratch_operands = 4 : i64, tpu.core_type = #tpu.core_type<sc_vector_subcore>, window_params = [{transform_indices = #map}, {transform_indices = #map}]} {
    %mul3A = arith.constant 16 : i32
    %mul3A_0 = arith.muli %arg0, %mul3A : i32
    %add3A = arith.addi %mul3A_0, %arg1 : i32
    %broadcast_in_dim3A = arith.constant 0.000000e+00 : f32
    %broadcast_in_dim3A_1 = vector.broadcast %broadcast_in_dim3A : f32 to vector<16xf32>
    %broadcast_in_dim3A_2 = arith.constant 1.000000e+00 : f32
    %broadcast_in_dim3A_3 = vector.broadcast %broadcast_in_dim3A_2 : f32 to vector<16xf32>
    %scan3A = arith.constant 0 : i32
    %scan3A_4 = arith.constant 128 : i32
    %scan3A_5 = arith.addi %scan3A, %scan3A_4 : i32
    %scan3A_6 = arith.constant 1 : i32
    scf.for %scan3A_89 = %scan3A to %scan3A_5 step %scan3A_6  : i32 {
      %mul3A_90 = arith.constant 1 : i32
      %mul3A_91 = arith.muli %scan3A_89, %mul3A_90 : i32
      %add3A_92 = arith.constant 0 : i32
      %add3A_93 = arith.addi %add3A_92, %mul3A_91 : i32
      %swap3A = arith.index_cast %add3A_93 : i32 to index
      %swap3A_94 = arith.constant 0 : index
      %swap3A_95 = tpu.vector_load %arg5[%swap3A, %swap3A_94] {strides = array<i32>} : memref<128x128xf32, #tpu.memory_space<vmem>>, vector<1x16xf32>,
      %swap3A_96 = vector.shape_cast %swap3A_95 : vector<1x16xf32> to vector<16xf32>
      %swap3A_97 = vector.shape_cast %broadcast_in_dim3A_1 : vector<16xf32> to vector<1x16xf32>
      tpu.vector_store %arg5[%swap3A, %swap3A_94], %swap3A_97 {strides = array<i32>} : memref<128x128xf32, #tpu.memory_space<vmem>>, vector<1x16xf32>,
      %swap3A_98 = arith.index_cast %add3A_93 : i32 to index
      %swap3A_99 = arith.constant 16 : index
      %swap3A_100 = tpu.vector_load %arg5[%swap3A_98, %swap3A_99] {strides = array<i32>} : memref<128x128xf32, #tpu.memory_space<vmem>>, vector<1x16xf32>,
      %swap3A_101 = vector.shape_cast %swap3A_100 : vector<1x16xf32> to vector<16xf32>
      %swap3A_102 = vector.shape_cast %broadcast_in_dim3A_1 : vector<16xf32> to vector<1x16xf32>
      tpu.vector_store %arg5[%swap3A_98, %swap3A_99], %swap3A_102 {strides = array<i32>} : memref<128x128xf32, #tpu.memory_space<vmem>>, vector<1x16xf32>,
      %swap3A_103 = arith.index_cast %add3A_93 : i32 to index
      %swap3A_104 = arith.constant 32 : index
      %swap3A_105 = tpu.vector_load %arg5[%swap3A_103, %swap3A_104] {strides = array<i32>} : memref<128x128xf32, #tpu.memory_space<vmem>>, vector<1x16xf32>,
      %swap3A_106 = vector.shape_cast %swap3A_105 : vector<1x16xf32> to vector<16xf32>
      %swap3A_107 = vector.shape_cast %broadcast_in_dim3A_1 : vector<16xf32> to vector<1x16xf32>
      tpu.vector_store %arg5[%swap3A_103, %swap3A_104], %swap3A_107 {strides = array<i32>} : memref<128x128xf32, #tpu.memory_space<vmem>>, vector<1x16xf32>,
      %swap3A_108 = arith.index_cast %add3A_93 : i32 to index
      %swap3A_109 = arith.constant 48 : index
      %swap3A_110 = tpu.vector_load %arg5[%swap3A_108, %swap3A_109] {strides = array<i32>} : memref<128x128xf32, #tpu.memory_space<vmem>>, vector<1x16xf32>,
      %swap3A_111 = vector.shape_cast %swap3A_110 : vector<1x16xf32> to vector<16xf32>
      %swap3A_112 = vector.shape_cast %broadcast_in_dim3A_1 : vector<16xf32> to vector<1x16xf32>
      tpu.vector_store %arg5[%swap3A_108, %swap3A_109], %swap3A_112 {strides = array<i32>} : memref<128x128xf32, #tpu.memory_space<vmem>>, vector<1x16xf32>,
      %swap3A_113 = arith.index_cast %add3A_93 : i32 to index
      %swap3A_114 = arith.constant 64 : index
      %swap3A_115 = tpu.vector_load %arg5[%swap3A_113, %swap3A_114] {strides = array<i32>} : memref<128x128xf32, #tpu.memory_space<vmem>>, vector<1x16xf32>,
      %swap3A_116 = vector.shape_cast %swap3A_115 : vector<1x16xf32> to vector<16xf32>
      %swap3A_117 = vector.shape_cast %broadcast_in_dim3A_1 : vector<16xf32> to vector<1x16xf32>
      tpu.vector_store %arg5[%swap3A_113, %swap3A_114], %swap3A_117 {strides = array<i32>} : memref<128x128xf32, #tpu.memory_space<vmem>>, vector<1x16xf32>,
      %swap3A_118 = arith.index_cast %add3A_93 : i32 to index
      %swap3A_119 = arith.constant 80 : index
      %swap3A_120 = tpu.vector_load %arg5[%swap3A_118, %swap3A_119] {strides = array<i32>} : memref<128x128xf32, #tpu.memory_space<vmem>>, vector<1x16xf32>,
      %swap3A_121 = vector.shape_cast %swap3A_120 : vector<1x16xf32> to vector<16xf32>
      %swap3A_122 = vector.shape_cast %broadcast_in_dim3A_1 : vector<16xf32> to vector<1x16xf32>
      tpu.vector_store %arg5[%swap3A_118, %swap3A_119], %swap3A_122 {strides = array<i32>} : memref<128x128xf32, #tpu.memory_space<vmem>>, vector<1x16xf32>,
      %swap3A_123 = arith.index_cast %add3A_93 : i32 to index
      %swap3A_124 = arith.constant 96 : index
      %swap3A_125 = tpu.vector_load %arg5[%swap3A_123, %swap3A_124] {strides = array<i32>} : memref<128x128xf32, #tpu.memory_space<vmem>>, vector<1x16xf32>,
      %swap3A_126 = vector.shape_cast %swap3A_125 : vector<1x16xf32> to vector<16xf32>
      %swap3A_127 = vector.shape_cast %broadcast_in_dim3A_1 : vector<16xf32> to vector<1x16xf32>
      tpu.vector_store %arg5[%swap3A_123, %swap3A_124], %swap3A_127 {strides = array<i32>} : memref<128x128xf32, #tpu.memory_space<vmem>>, vector<1x16xf32>,
      %swap3A_128 = arith.index_cast %add3A_93 : i32 to index
      %swap3A_129 = arith.constant 112 : index
      %swap3A_130 = tpu.vector_load %arg5[%swap3A_128, %swap3A_129] {strides = array<i32>} : memref<128x128xf32, #tpu.memory_space<vmem>>, vector<1x16xf32>,
      %swap3A_131 = vector.shape_cast %swap3A_130 : vector<1x16xf32> to vector<16xf32>
      %swap3A_132 = vector.shape_cast %broadcast_in_dim3A_1 : vector<16xf32> to vector<1x16xf32>
      tpu.vector_store %arg5[%swap3A_128, %swap3A_129], %swap3A_132 {strides = array<i32>} : memref<128x128xf32, #tpu.memory_space<vmem>>, vector<1x16xf32>,
    }
    %scan3A_7 = arith.constant 128 : i32
    "tpu.region"() ({
      %run_scoped3A = tpu.sem_alloc : memref<!tpu.dma_semaphore, #tpu.memory_space<semaphore_mem>>
      %dma_start3A = arith.constant 0 : i32
      %dma_start3A_89 = arith.constant 0 : i32
      %dma_start3A_90 = tpu.memref_slice %arg2[%add3A, %dma_start3A, %dma_start3A_89] : memref<32x80x128xi32, #tpu.memory_space<hbm>> -> memref<1x80x128xi32, #tpu.memory_space<hbm>>
      %dma_start3A_91 = tpu.memref_squeeze %dma_start3A_90 : memref<1x80x128xi32, #tpu.memory_space<hbm>> -> memref<80x128xi32, #tpu.memory_space<hbm>>
      %dma_start3A_92 = arith.constant 0 : i32
      %dma_start3A_93 = arith.constant 0 : i32
      %dma_start3A_94 = tpu.memref_slice %arg2[%add3A, %dma_start3A_92, %dma_start3A_93] : memref<32x80x128xi32, #tpu.memory_space<hbm>> -> memref<1x80x128xi32, #tpu.memory_space<hbm>>
      %dma_start3A_95 = tpu.memref_squeeze %dma_start3A_94 : memref<1x80x128xi32, #tpu.memory_space<hbm>> -> memref<80x128xi32, #tpu.memory_space<hbm>>
      tpu.enqueue_dma source(%dma_start3A_95 : memref<80x128xi32, #tpu.memory_space<hbm>>) target(%arg4 : memref<80x128xi32, #tpu.memory_space<vmem>>) target_semaphore(%run_scoped3A : memref<!tpu.dma_semaphore, #tpu.memory_space<semaphore_mem>>)
      %dma_wait3A = arith.constant 0 : i32
      %dma_wait3A_96 = arith.constant 0 : i32
      %dma_wait3A_97 = tpu.memref_slice %arg2[%add3A, %dma_wait3A, %dma_wait3A_96] : memref<32x80x128xi32, #tpu.memory_space<hbm>> -> memref<1x80x128xi32, #tpu.memory_space<hbm>>
      %dma_wait3A_98 = tpu.memref_squeeze %dma_wait3A_97 : memref<1x80x128xi32, #tpu.memory_space<hbm>> -> memref<80x128xi32, #tpu.memory_space<hbm>>
      %dma_wait3A_99 = arith.constant 0 : i32
      %dma_wait3A_100 = arith.constant 0 : i32
      %dma_wait3A_101 = tpu.memref_slice %arg2[%add3A, %dma_wait3A_99, %dma_wait3A_100] : memref<32x80x128xi32, #tpu.memory_space<hbm>> -> memref<1x80x128xi32, #tpu.memory_space<hbm>>
      %dma_wait3A_102 = tpu.memref_squeeze %dma_wait3A_101 : memref<1x80x128xi32, #tpu.memory_space<hbm>> -> memref<80x128xi32, #tpu.memory_space<hbm>>
      tpu.wait_dma2 semaphore(%run_scoped3A : memref<!tpu.dma_semaphore, #tpu.memory_space<semaphore_mem>>) src(%dma_wait3A_102 : memref<80x128xi32, #tpu.memory_space<hbm>>) dst(%arg4 : memref<80x128xi32, #tpu.memory_space<vmem>>)
      tpu.yield
    }) : () -> ()
    %mul3A_8 = arith.constant 640 : i32
    %mul3A_9 = arith.muli %arg1, %mul3A_8 : i32
    %add3A_10 = arith.constant 0 : i32
    %add3A_11 = arith.addi %mul3A_9, %add3A_10 : i32
    "tpu.region"() ({
      %run_scoped3A = tpu.sem_alloc : memref<!tpu.dma_semaphore, #tpu.memory_space<semaphore_mem>>
      %dma_start3A = arith.constant 0 : i32
      %dma_start3A_89 = tpu.memref_slice %arg6[%add3A_11, %dma_start3A] : memref<10240x128xf32, #tpu.memory_space<vmem_shared>> -> memref<128x128xf32, #tpu.memory_space<vmem_shared>>
      %dma_start3A_90 = arith.constant 0 : i32
      %dma_start3A_91 = tpu.memref_slice %arg6[%add3A_11, %dma_start3A_90] : memref<10240x128xf32, #tpu.memory_space<vmem_shared>> -> memref<128x128xf32, #tpu.memory_space<vmem_shared>>
      tpu.enqueue_dma source(%arg5 : memref<128x128xf32, #tpu.memory_space<vmem>>) target(%dma_start3A_91 : memref<128x128xf32, #tpu.memory_space<vmem_shared>>) target_semaphore(%run_scoped3A : memref<!tpu.dma_semaphore, #tpu.memory_space<semaphore_mem>>)
      %dma_wait3A = arith.constant 0 : i32
      %dma_wait3A_92 = tpu.memref_slice %arg6[%add3A_11, %dma_wait3A] : memref<10240x128xf32, #tpu.memory_space<vmem_shared>> -> memref<128x128xf32, #tpu.memory_space<vmem_shared>>
      %dma_wait3A_93 = arith.constant 0 : i32
      %dma_wait3A_94 = tpu.memref_slice %arg6[%add3A_11, %dma_wait3A_93] : memref<10240x128xf32, #tpu.memory_space<vmem_shared>> -> memref<128x128xf32, #tpu.memory_space<vmem_shared>>
      tpu.wait_dma2 semaphore(%run_scoped3A : memref<!tpu.dma_semaphore, #tpu.memory_space<semaphore_mem>>) src(%arg5 : memref<128x128xf32, #tpu.memory_space<vmem>>) dst(%dma_wait3A_94 : memref<128x128xf32, #tpu.memory_space<vmem_shared>>)
      tpu.yield
    }) : () -> ()
    %mul3A_12 = arith.constant 640 : i32
    %mul3A_13 = arith.muli %arg1, %mul3A_12 : i32
    %add3A_14 = arith.constant 128 : i32
    %add3A_15 = arith.addi %mul3A_13, %add3A_14 : i32
    "tpu.region"() ({
      %run_scoped3A = tpu.sem_alloc : memref<!tpu.dma_semaphore, #tpu.memory_space<semaphore_mem>>
      %dma_start3A = arith.constant 0 : i32
      %dma_start3A_89 = tpu.memref_slice %arg6[%add3A_15, %dma_start3A] : memref<10240x128xf32, #tpu.memory_space<vmem_shared>> -> memref<128x128xf32, #tpu.memory_space<vmem_shared>>
      %dma_start3A_90 = arith.constant 0 : i32
      %dma_start3A_91 = tpu.memref_slice %arg6[%add3A_15, %dma_start3A_90] : memref<10240x128xf32, #tpu.memory_space<vmem_shared>> -> memref<128x128xf32, #tpu.memory_space<vmem_shared>>
      tpu.enqueue_dma source(%arg5 : memref<128x128xf32, #tpu.memory_space<vmem>>) target(%dma_start3A_91 : memref<128x128xf32, #tpu.memory_space<vmem_shared>>) target_semaphore(%run_scoped3A : memref<!tpu.dma_semaphore, #tpu.memory_space<semaphore_mem>>)
      %dma_wait3A = arith.constant 0 : i32
      %dma_wait3A_92 = tpu.memref_slice %arg6[%add3A_15, %dma_wait3A] : memref<10240x128xf32, #tpu.memory_space<vmem_shared>> -> memref<128x128xf32, #tpu.memory_space<vmem_shared>>
      %dma_wait3A_93 = arith.constant 0 : i32
      %dma_wait3A_94 = tpu.memref_slice %arg6[%add3A_15, %dma_wait3A_93] : memref<10240x128xf32, #tpu.memory_space<vmem_shared>> -> memref<128x128xf32, #tpu.memory_space<vmem_shared>>
      tpu.wait_dma2 semaphore(%run_scoped3A : memref<!tpu.dma_semaphore, #tpu.memory_space<semaphore_mem>>) src(%arg5 : memref<128x128xf32, #tpu.memory_space<vmem>>) dst(%dma_wait3A_94 : memref<128x128xf32, #tpu.memory_space<vmem_shared>>)
      tpu.yield
    }) : () -> ()
    %mul3A_16 = arith.constant 640 : i32
    %mul3A_17 = arith.muli %arg1, %mul3A_16 : i32
    %add3A_18 = arith.constant 256 : i32
    %add3A_19 = arith.addi %mul3A_17, %add3A_18 : i32
    "tpu.region"() ({
      %run_scoped3A = tpu.sem_alloc : memref<!tpu.dma_semaphore, #tpu.memory_space<semaphore_mem>>
      %dma_start3A = arith.constant 0 : i32
      %dma_start3A_89 = tpu.memref_slice %arg6[%add3A_19, %dma_start3A] : memref<10240x128xf32, #tpu.memory_space<vmem_shared>> -> memref<128x128xf32, #tpu.memory_space<vmem_shared>>
      %dma_start3A_90 = arith.constant 0 : i32
      %dma_start3A_91 = tpu.memref_slice %arg6[%add3A_19, %dma_start3A_90] : memref<10240x128xf32, #tpu.memory_space<vmem_shared>> -> memref<128x128xf32, #tpu.memory_space<vmem_shared>>
      tpu.enqueue_dma source(%arg5 : memref<128x128xf32, #tpu.memory_space<vmem>>) target(%dma_start3A_91 : memref<128x128xf32, #tpu.memory_space<vmem_shared>>) target_semaphore(%run_scoped3A : memref<!tpu.dma_semaphore, #tpu.memory_space<semaphore_mem>>)
      %dma_wait3A = arith.constant 0 : i32
      %dma_wait3A_92 = tpu.memref_slice %arg6[%add3A_19, %dma_wait3A] : memref<10240x128xf32, #tpu.memory_space<vmem_shared>> -> memref<128x128xf32, #tpu.memory_space<vmem_shared>>
      %dma_wait3A_93 = arith.constant 0 : i32
      %dma_wait3A_94 = tpu.memref_slice %arg6[%add3A_19, %dma_wait3A_93] : memref<10240x128xf32, #tpu.memory_space<vmem_shared>> -> memref<128x128xf32, #tpu.memory_space<vmem_shared>>
      tpu.wait_dma2 semaphore(%run_scoped3A : memref<!tpu.dma_semaphore, #tpu.memory_space<semaphore_mem>>) src(%arg5 : memref<128x128xf32, #tpu.memory_space<vmem>>) dst(%dma_wait3A_94 : memref<128x128xf32, #tpu.memory_space<vmem_shared>>)
      tpu.yield
    }) : () -> ()
    %mul3A_20 = arith.constant 640 : i32
    %mul3A_21 = arith.muli %arg1, %mul3A_20 : i32
    %add3A_22 = arith.constant 384 : i32
    %add3A_23 = arith.addi %mul3A_21, %add3A_22 : i32
    "tpu.region"() ({
      %run_scoped3A = tpu.sem_alloc : memref<!tpu.dma_semaphore, #tpu.memory_space<semaphore_mem>>
      %dma_start3A = arith.constant 0 : i32
      %dma_start3A_89 = tpu.memref_slice %arg6[%add3A_23, %dma_start3A] : memref<10240x128xf32, #tpu.memory_space<vmem_shared>> -> memref<128x128xf32, #tpu.memory_space<vmem_shared>>
      %dma_start3A_90 = arith.constant 0 : i32
      %dma_start3A_91 = tpu.memref_slice %arg6[%add3A_23, %dma_start3A_90] : memref<10240x128xf32, #tpu.memory_space<vmem_shared>> -> memref<128x128xf32, #tpu.memory_space<vmem_shared>>
      tpu.enqueue_dma source(%arg5 : memref<128x128xf32, #tpu.memory_space<vmem>>) target(%dma_start3A_91 : memref<128x128xf32, #tpu.memory_space<vmem_shared>>) target_semaphore(%run_scoped3A : memref<!tpu.dma_semaphore, #tpu.memory_space<semaphore_mem>>)
      %dma_wait3A = arith.constant 0 : i32
      %dma_wait3A_92 = tpu.memref_slice %arg6[%add3A_23, %dma_wait3A] : memref<10240x128xf32, #tpu.memory_space<vmem_shared>> -> memref<128x128xf32, #tpu.memory_space<vmem_shared>>
      %dma_wait3A_93 = arith.constant 0 : i32
      %dma_wait3A_94 = tpu.memref_slice %arg6[%add3A_23, %dma_wait3A_93] : memref<10240x128xf32, #tpu.memory_space<vmem_shared>> -> memref<128x128xf32, #tpu.memory_space<vmem_shared>>
      tpu.wait_dma2 semaphore(%run_scoped3A : memref<!tpu.dma_semaphore, #tpu.memory_space<semaphore_mem>>) src(%arg5 : memref<128x128xf32, #tpu.memory_space<vmem>>) dst(%dma_wait3A_94 : memref<128x128xf32, #tpu.memory_space<vmem_shared>>)
      tpu.yield
    }) : () -> ()
    %mul3A_24 = arith.constant 640 : i32
    %mul3A_25 = arith.muli %arg1, %mul3A_24 : i32
    %add3A_26 = arith.constant 512 : i32
    %add3A_27 = arith.addi %mul3A_25, %add3A_26 : i32
    "tpu.region"() ({
      %run_scoped3A = tpu.sem_alloc : memref<!tpu.dma_semaphore, #tpu.memory_space<semaphore_mem>>
      %dma_start3A = arith.constant 0 : i32
      %dma_start3A_89 = tpu.memref_slice %arg6[%add3A_27, %dma_start3A] : memref<10240x128xf32, #tpu.memory_space<vmem_shared>> -> memref<128x128xf32, #tpu.memory_space<vmem_shared>>
      %dma_start3A_90 = arith.constant 0 : i32
      %dma_start3A_91 = tpu.memref_slice %arg6[%add3A_27, %dma_start3A_90] : memref<10240x128xf32, #tpu.memory_space<vmem_shared>> -> memref<128x128xf32, #tpu.memory_space<vmem_shared>>
      tpu.enqueue_dma source(%arg5 : memref<128x128xf32, #tpu.memory_space<vmem>>) target(%dma_start3A_91 : memref<128x128xf32, #tpu.memory_space<vmem_shared>>) target_semaphore(%run_scoped3A : memref<!tpu.dma_semaphore, #tpu.memory_space<semaphore_mem>>)
      %dma_wait3A = arith.constant 0 : i32
      %dma_wait3A_92 = tpu.memref_slice %arg6[%add3A_27, %dma_wait3A] : memref<10240x128xf32, #tpu.memory_space<vmem_shared>> -> memref<128x128xf32, #tpu.memory_space<vmem_shared>>
      %dma_wait3A_93 = arith.constant 0 : i32
      %dma_wait3A_94 = tpu.memref_slice %arg6[%add3A_27, %dma_wait3A_93] : memref<10240x128xf32, #tpu.memory_space<vmem_shared>> -> memref<128x128xf32, #tpu.memory_space<vmem_shared>>
      tpu.wait_dma2 semaphore(%run_scoped3A : memref<!tpu.dma_semaphore, #tpu.memory_space<semaphore_mem>>) src(%arg5 : memref<128x128xf32, #tpu.memory_space<vmem>>) dst(%dma_wait3A_94 : memref<128x128xf32, #tpu.memory_space<vmem_shared>>)
      tpu.yield
    }) : () -> ()
    %scan3A_28 = arith.constant 0 : i32
    %scan3A_29 = arith.constant 128 : i32
    %scan3A_30 = arith.addi %scan3A_28, %scan3A_29 : i32
    %scan3A_31 = arith.constant 1 : i32
    scf.for %scan3A_89 = %scan3A_28 to %scan3A_30 step %scan3A_31  : i32 {
      %mul3A_90 = arith.constant 1 : i32
      %mul3A_91 = arith.muli %scan3A_89, %mul3A_90 : i32
      %add3A_92 = arith.constant 0 : i32
      %add3A_93 = arith.addi %add3A_92, %mul3A_91 : i32
      %swap3A = arith.index_cast %add3A_93 : i32 to index
      %swap3A_94 = arith.constant 0 : index
      %swap3A_95 = tpu.vector_load %arg5[%swap3A, %swap3A_94] {strides = array<i32>} : memref<128x128xf32, #tpu.memory_space<vmem>>, vector<1x16xf32>,
      %swap3A_96 = vector.shape_cast %swap3A_95 : vector<1x16xf32> to vector<16xf32>
      %swap3A_97 = vector.shape_cast %broadcast_in_dim3A_3 : vector<16xf32> to vector<1x16xf32>
      tpu.vector_store %arg5[%swap3A, %swap3A_94], %swap3A_97 {strides = array<i32>} : memref<128x128xf32, #tpu.memory_space<vmem>>, vector<1x16xf32>,
      %swap3A_98 = arith.index_cast %add3A_93 : i32 to index
      %swap3A_99 = arith.constant 16 : index
      %swap3A_100 = tpu.vector_load %arg5[%swap3A_98, %swap3A_99] {strides = array<i32>} : memref<128x128xf32, #tpu.memory_space<vmem>>, vector<1x16xf32>,
      %swap3A_101 = vector.shape_cast %swap3A_100 : vector<1x16xf32> to vector<16xf32>
      %swap3A_102 = vector.shape_cast %broadcast_in_dim3A_3 : vector<16xf32> to vector<1x16xf32>
      tpu.vector_store %arg5[%swap3A_98, %swap3A_99], %swap3A_102 {strides = array<i32>} : memref<128x128xf32, #tpu.memory_space<vmem>>, vector<1x16xf32>,
      %swap3A_103 = arith.index_cast %add3A_93 : i32 to index
      %swap3A_104 = arith.constant 32 : index
      %swap3A_105 = tpu.vector_load %arg5[%swap3A_103, %swap3A_104] {strides = array<i32>} : memref<128x128xf32, #tpu.memory_space<vmem>>, vector<1x16xf32>,
      %swap3A_106 = vector.shape_cast %swap3A_105 : vector<1x16xf32> to vector<16xf32>
      %swap3A_107 = vector.shape_cast %broadcast_in_dim3A_3 : vector<16xf32> to vector<1x16xf32>
      tpu.vector_store %arg5[%swap3A_103, %swap3A_104], %swap3A_107 {strides = array<i32>} : memref<128x128xf32, #tpu.memory_space<vmem>>, vector<1x16xf32>,
      %swap3A_108 = arith.index_cast %add3A_93 : i32 to index
      %swap3A_109 = arith.constant 48 : index
      %swap3A_110 = tpu.vector_load %arg5[%swap3A_108, %swap3A_109] {strides = array<i32>} : memref<128x128xf32, #tpu.memory_space<vmem>>, vector<1x16xf32>,
      %swap3A_111 = vector.shape_cast %swap3A_110 : vector<1x16xf32> to vector<16xf32>
      %swap3A_112 = vector.shape_cast %broadcast_in_dim3A_3 : vector<16xf32> to vector<1x16xf32>
      tpu.vector_store %arg5[%swap3A_108, %swap3A_109], %swap3A_112 {strides = array<i32>} : memref<128x128xf32, #tpu.memory_space<vmem>>, vector<1x16xf32>,
      %swap3A_113 = arith.index_cast %add3A_93 : i32 to index
      %swap3A_114 = arith.constant 64 : index
      %swap3A_115 = tpu.vector_load %arg5[%swap3A_113, %swap3A_114] {strides = array<i32>} : memref<128x128xf32, #tpu.memory_space<vmem>>, vector<1x16xf32>,
      %swap3A_116 = vector.shape_cast %swap3A_115 : vector<1x16xf32> to vector<16xf32>
      %swap3A_117 = vector.shape_cast %broadcast_in_dim3A_3 : vector<16xf32> to vector<1x16xf32>
      tpu.vector_store %arg5[%swap3A_113, %swap3A_114], %swap3A_117 {strides = array<i32>} : memref<128x128xf32, #tpu.memory_space<vmem>>, vector<1x16xf32>,
      %swap3A_118 = arith.index_cast %add3A_93 : i32 to index
      %swap3A_119 = arith.constant 80 : index
      %swap3A_120 = tpu.vector_load %arg5[%swap3A_118, %swap3A_119] {strides = array<i32>} : memref<128x128xf32, #tpu.memory_space<vmem>>, vector<1x16xf32>,
      %swap3A_121 = vector.shape_cast %swap3A_120 : vector<1x16xf32> to vector<16xf32>
      %swap3A_122 = vector.shape_cast %broadcast_in_dim3A_3 : vector<16xf32> to vector<1x16xf32>
      tpu.vector_store %arg5[%swap3A_118, %swap3A_119], %swap3A_122 {strides = array<i32>} : memref<128x128xf32, #tpu.memory_space<vmem>>, vector<1x16xf32>,
      %swap3A_123 = arith.index_cast %add3A_93 : i32 to index
      %swap3A_124 = arith.constant 96 : index
      %swap3A_125 = tpu.vector_load %arg5[%swap3A_123, %swap3A_124] {strides = array<i32>} : memref<128x128xf32, #tpu.memory_space<vmem>>, vector<1x16xf32>,
      %swap3A_126 = vector.shape_cast %swap3A_125 : vector<1x16xf32> to vector<16xf32>
      %swap3A_127 = vector.shape_cast %broadcast_in_dim3A_3 : vector<16xf32> to vector<1x16xf32>
      tpu.vector_store %arg5[%swap3A_123, %swap3A_124], %swap3A_127 {strides = array<i32>} : memref<128x128xf32, #tpu.memory_space<vmem>>, vector<1x16xf32>,
      %swap3A_128 = arith.index_cast %add3A_93 : i32 to index
      %swap3A_129 = arith.constant 112 : index
      %swap3A_130 = tpu.vector_load %arg5[%swap3A_128, %swap3A_129] {strides = array<i32>} : memref<128x128xf32, #tpu.memory_space<vmem>>, vector<1x16xf32>,
      %swap3A_131 = vector.shape_cast %swap3A_130 : vector<1x16xf32> to vector<16xf32>
      %swap3A_132 = vector.shape_cast %broadcast_in_dim3A_3 : vector<16xf32> to vector<1x16xf32>
      tpu.vector_store %arg5[%swap3A_128, %swap3A_129], %swap3A_132 {strides = array<i32>} : memref<128x128xf32, #tpu.memory_space<vmem>>, vector<1x16xf32>,
    }
    %scan3A_32 = arith.constant 128 : i32
    %barrier3A = arith.constant 0 : index
    tpu.barrier barrier_id(%barrier3A)
    %scan3A_33 = arith.constant 0 : i32
    %scan3A_34 = arith.constant 8 : i32
    %scan3A_35 = arith.addi %scan3A_33, %scan3A_34 : i32
    %scan3A_36 = arith.constant 1 : i32
    scf.for %scan3A_89 = %scan3A_33 to %scan3A_35 step %scan3A_36  : i32 {
      %mul3A_90 = arith.constant 1 : i32
      %mul3A_91 = arith.muli %scan3A_89, %mul3A_90 : i32
      %add3A_92 = arith.constant 0 : i32
      %add3A_93 = arith.addi %add3A_92, %mul3A_91 : i32
      %dma_start3A = arith.constant 0 : i32
      %dma_start3A_94 = tpu.memref_slice %arg4[%add3A_93, %dma_start3A] : memref<80x128xi32, #tpu.memory_space<vmem>> -> memref<1x128xi32, #tpu.memory_space<vmem>>
      %dma_start3A_95 = tpu.memref_squeeze %dma_start3A_94 : memref<1x128xi32, #tpu.memory_space<vmem>> -> memref<128xi32, #tpu.memory_space<vmem>>
      %dma_start3A_96 = arith.constant 0 : i32
      %dma_start3A_97 = arith.constant 0 : i32
      %dma_start3A_98 = tpu.memref_slice %arg6[%dma_start3A_96, %dma_start3A_97] : memref<10240x128xf32, #tpu.memory_space<vmem_shared>> -> memref<10240x128xf32, #tpu.memory_space<vmem_shared>>
      tpu.enqueue_indirect_dma source(%arg5 : memref<128x128xf32, #tpu.memory_space<vmem>>) target(%dma_start3A_98 : memref<10240x128xf32, #tpu.memory_space<vmem_shared>>) offsets(%dma_start3A_95 : memref<128xi32, #tpu.memory_space<vmem>>) semaphore(%arg7 : memref<!tpu.dma_semaphore, #tpu.memory_space<semaphore_mem>>) {add = true}
    }
    %scan3A_37 = arith.constant 8 : i32
    %scan3A_38 = arith.constant 0 : i32
    %scan3A_39 = arith.constant 72 : i32
    %scan3A_40 = arith.addi %scan3A_38, %scan3A_39 : i32
    %scan3A_41 = arith.constant 1 : i32
    scf.for %scan3A_89 = %scan3A_38 to %scan3A_40 step %scan3A_41  : i32 {
      %mul3A_90 = arith.constant 1 : i32
      %mul3A_91 = arith.muli %scan3A_89, %mul3A_90 : i32
      %add3A_92 = arith.constant 8 : i32
      %add3A_93 = arith.addi %add3A_92, %mul3A_91 : i32
      %dma_start3A = arith.constant 0 : i32
      %dma_start3A_94 = tpu.memref_slice %arg4[%add3A_93, %dma_start3A] : memref<80x128xi32, #tpu.memory_space<vmem>> -> memref<1x128xi32, #tpu.memory_space<vmem>>
      %dma_start3A_95 = tpu.memref_squeeze %dma_start3A_94 : memref<1x128xi32, #tpu.memory_space<vmem>> -> memref<128xi32, #tpu.memory_space<vmem>>
      %dma_start3A_96 = arith.constant 0 : i32
      %dma_start3A_97 = arith.constant 0 : i32
      %dma_start3A_98 = tpu.memref_slice %arg6[%dma_start3A_96, %dma_start3A_97] : memref<10240x128xf32, #tpu.memory_space<vmem_shared>> -> memref<10240x128xf32, #tpu.memory_space<vmem_shared>>
      tpu.enqueue_indirect_dma source(%arg5 : memref<128x128xf32, #tpu.memory_space<vmem>>) target(%dma_start3A_98 : memref<10240x128xf32, #tpu.memory_space<vmem_shared>>) offsets(%dma_start3A_95 : memref<128xi32, #tpu.memory_space<vmem>>) semaphore(%arg7 : memref<!tpu.dma_semaphore, #tpu.memory_space<semaphore_mem>>) {add = true}
      %dma_wait3A = arith.constant 0 : i32
      %dma_wait3A_99 = arith.constant 0 : i32
      %dma_wait3A_100 = tpu.memref_slice %arg3[%arg0, %dma_wait3A, %dma_wait3A_99] : memref<2x10240x128xf32, #tpu.memory_space<hbm>> -> memref<1x128x128xf32, #tpu.memory_space<hbm>>
      %dma_wait3A_101 = tpu.memref_squeeze %dma_wait3A_100 : memref<1x128x128xf32, #tpu.memory_space<hbm>> -> memref<128x128xf32, #tpu.memory_space<hbm>>
      %dma_wait3A_102 = arith.constant 0 : i32
      %dma_wait3A_103 = arith.constant 0 : i32
      %dma_wait3A_104 = tpu.memref_slice %arg3[%arg0, %dma_wait3A_102, %dma_wait3A_103] : memref<2x10240x128xf32, #tpu.memory_space<hbm>> -> memref<1x128x128xf32, #tpu.memory_space<hbm>>
      %dma_wait3A_105 = tpu.memref_squeeze %dma_wait3A_104 : memref<1x128x128xf32, #tpu.memory_space<hbm>> -> memref<128x128xf32, #tpu.memory_space<hbm>>
      tpu.wait_dma2 semaphore(%arg7 : memref<!tpu.dma_semaphore, #tpu.memory_space<semaphore_mem>>) src(%dma_wait3A_105 : memref<128x128xf32, #tpu.memory_space<hbm>>) dst(%arg5 : memref<128x128xf32, #tpu.memory_space<vmem>>)
    }
    %scan3A_42 = arith.constant 72 : i32
    %scan3A_43 = arith.constant 0 : i32
    %scan3A_44 = arith.constant 8 : i32
    %scan3A_45 = arith.addi %scan3A_43, %scan3A_44 : i32
    %scan3A_46 = arith.constant 1 : i32
    scf.for %scan3A_89 = %scan3A_43 to %scan3A_45 step %scan3A_46  : i32 {
      %mul3A_90 = arith.constant 1 : i32
      %mul3A_91 = arith.muli %scan3A_89, %mul3A_90 : i32
      %add3A_92 = arith.constant 0 : i32
      %add3A_93 = arith.addi %add3A_92, %mul3A_91 : i32
      %dma_wait3A = arith.constant 0 : i32
      %dma_wait3A_94 = arith.constant 0 : i32
      %dma_wait3A_95 = tpu.memref_slice %arg3[%arg0, %dma_wait3A, %dma_wait3A_94] : memref<2x10240x128xf32, #tpu.memory_space<hbm>> -> memref<1x128x128xf32, #tpu.memory_space<hbm>>
      %dma_wait3A_96 = tpu.memref_squeeze %dma_wait3A_95 : memref<1x128x128xf32, #tpu.memory_space<hbm>> -> memref<128x128xf32, #tpu.memory_space<hbm>>
      %dma_wait3A_97 = arith.constant 0 : i32
      %dma_wait3A_98 = arith.constant 0 : i32
      %dma_wait3A_99 = tpu.memref_slice %arg3[%arg0, %dma_wait3A_97, %dma_wait3A_98] : memref<2x10240x128xf32, #tpu.memory_space<hbm>> -> memref<1x128x128xf32, #tpu.memory_space<hbm>>
      %dma_wait3A_100 = tpu.memref_squeeze %dma_wait3A_99 : memref<1x128x128xf32, #tpu.memory_space<hbm>> -> memref<128x128xf32, #tpu.memory_space<hbm>>
      tpu.wait_dma2 semaphore(%arg7 : memref<!tpu.dma_semaphore, #tpu.memory_space<semaphore_mem>>) src(%dma_wait3A_100 : memref<128x128xf32, #tpu.memory_space<hbm>>) dst(%arg5 : memref<128x128xf32, #tpu.memory_space<vmem>>)
    }
    %scan3A_47 = arith.constant 8 : i32
    %barrier3A_48 = arith.constant 0 : index
    tpu.barrier barrier_id(%barrier3A_48)
    %mul3A_49 = arith.constant 640 : i32
    %mul3A_50 = arith.muli %arg1, %mul3A_49 : i32
    %add3A_51 = arith.constant 0 : i32
    %add3A_52 = arith.addi %mul3A_50, %add3A_51 : i32
    "tpu.region"() ({
      %run_scoped3A = tpu.sem_alloc : memref<!tpu.dma_semaphore, #tpu.memory_space<semaphore_mem>>
      %dma_start3A = arith.constant 0 : i32
      %dma_start3A_89 = tpu.memref_slice %arg6[%add3A_52, %dma_start3A] : memref<10240x128xf32, #tpu.memory_space<vmem_shared>> -> memref<128x128xf32, #tpu.memory_space<vmem_shared>>
      %dma_start3A_90 = arith.constant 0 : i32
      %dma_start3A_91 = tpu.memref_slice %arg6[%add3A_52, %dma_start3A_90] : memref<10240x128xf32, #tpu.memory_space<vmem_shared>> -> memref<128x128xf32, #tpu.memory_space<vmem_shared>>
      tpu.enqueue_dma source(%dma_start3A_91 : memref<128x128xf32, #tpu.memory_space<vmem_shared>>) target(%arg5 : memref<128x128xf32, #tpu.memory_space<vmem>>) target_semaphore(%run_scoped3A : memref<!tpu.dma_semaphore, #tpu.memory_space<semaphore_mem>>)
      %dma_wait3A = arith.constant 0 : i32
      %dma_wait3A_92 = tpu.memref_slice %arg6[%add3A_52, %dma_wait3A] : memref<10240x128xf32, #tpu.memory_space<vmem_shared>> -> memref<128x128xf32, #tpu.memory_space<vmem_shared>>
      %dma_wait3A_93 = arith.constant 0 : i32
      %dma_wait3A_94 = tpu.memref_slice %arg6[%add3A_52, %dma_wait3A_93] : memref<10240x128xf32, #tpu.memory_space<vmem_shared>> -> memref<128x128xf32, #tpu.memory_space<vmem_shared>>
      tpu.wait_dma2 semaphore(%run_scoped3A : memref<!tpu.dma_semaphore, #tpu.memory_space<semaphore_mem>>) src(%dma_wait3A_94 : memref<128x128xf32, #tpu.memory_space<vmem_shared>>) dst(%arg5 : memref<128x128xf32, #tpu.memory_space<vmem>>)
      tpu.yield
    }) : () -> ()
    %mul3A_53 = arith.constant 640 : i32
    %mul3A_54 = arith.muli %arg1, %mul3A_53 : i32
    %add3A_55 = arith.constant 0 : i32
    %add3A_56 = arith.addi %mul3A_54, %add3A_55 : i32
    "tpu.region"() ({
      %run_scoped3A = tpu.sem_alloc : memref<!tpu.dma_semaphore, #tpu.memory_space<semaphore_mem>>
      %dma_start3A = arith.constant 0 : i32
      %dma_start3A_89 = tpu.memref_slice %arg3[%arg0, %add3A_56, %dma_start3A] : memref<2x10240x128xf32, #tpu.memory_space<hbm>> -> memref<1x128x128xf32, #tpu.memory_space<hbm>>
      %dma_start3A_90 = tpu.memref_squeeze %dma_start3A_89 : memref<1x128x128xf32, #tpu.memory_space<hbm>> -> memref<128x128xf32, #tpu.memory_space<hbm>>
      %dma_start3A_91 = arith.constant 0 : i32
      %dma_start3A_92 = tpu.memref_slice %arg3[%arg0, %add3A_56, %dma_start3A_91] : memref<2x10240x128xf32, #tpu.memory_space<hbm>> -> memref<1x128x128xf32, #tpu.memory_space<hbm>>
      %dma_start3A_93 = tpu.memref_squeeze %dma_start3A_92 : memref<1x128x128xf32, #tpu.memory_space<hbm>> -> memref<128x128xf32, #tpu.memory_space<hbm>>
      tpu.enqueue_dma source(%arg5 : memref<128x128xf32, #tpu.memory_space<vmem>>) target(%dma_start3A_93 : memref<128x128xf32, #tpu.memory_space<hbm>>) target_semaphore(%run_scoped3A : memref<!tpu.dma_semaphore, #tpu.memory_space<semaphore_mem>>)
      %dma_wait3A = arith.constant 0 : i32
      %dma_wait3A_94 = tpu.memref_slice %arg3[%arg0, %add3A_56, %dma_wait3A] : memref<2x10240x128xf32, #tpu.memory_space<hbm>> -> memref<1x128x128xf32, #tpu.memory_space<hbm>>
      %dma_wait3A_95 = tpu.memref_squeeze %dma_wait3A_94 : memref<1x128x128xf32, #tpu.memory_space<hbm>> -> memref<128x128xf32, #tpu.memory_space<hbm>>
      %dma_wait3A_96 = arith.constant 0 : i32
      %dma_wait3A_97 = tpu.memref_slice %arg3[%arg0, %add3A_56, %dma_wait3A_96] : memref<2x10240x128xf32, #tpu.memory_space<hbm>> -> memref<1x128x128xf32, #tpu.memory_space<hbm>>
      %dma_wait3A_98 = tpu.memref_squeeze %dma_wait3A_97 : memref<1x128x128xf32, #tpu.memory_space<hbm>> -> memref<128x128xf32, #tpu.memory_space<hbm>>
      tpu.wait_dma2 semaphore(%run_scoped3A : memref<!tpu.dma_semaphore, #tpu.memory_space<semaphore_mem>>) src(%arg5 : memref<128x128xf32, #tpu.memory_space<vmem>>) dst(%dma_wait3A_98 : memref<128x128xf32, #tpu.memory_space<hbm>>)
      tpu.yield
    }) : () -> ()
    %mul3A_57 = arith.constant 640 : i32
    %mul3A_58 = arith.muli %arg1, %mul3A_57 : i32
    %add3A_59 = arith.constant 128 : i32
    %add3A_60 = arith.addi %mul3A_58, %add3A_59 : i32
    "tpu.region"() ({
      %run_scoped3A = tpu.sem_alloc : memref<!tpu.dma_semaphore, #tpu.memory_space<semaphore_mem>>
      %dma_start3A = arith.constant 0 : i32
      %dma_start3A_89 = tpu.memref_slice %arg6[%add3A_60, %dma_start3A] : memref<10240x128xf32, #tpu.memory_space<vmem_shared>> -> memref<128x128xf32, #tpu.memory_space<vmem_shared>>
      %dma_start3A_90 = arith.constant 0 : i32
      %dma_start3A_91 = tpu.memref_slice %arg6[%add3A_60, %dma_start3A_90] : memref<10240x128xf32, #tpu.memory_space<vmem_shared>> -> memref<128x128xf32, #tpu.memory_space<vmem_shared>>
      tpu.enqueue_dma source(%dma_start3A_91 : memref<128x128xf32, #tpu.memory_space<vmem_shared>>) target(%arg5 : memref<128x128xf32, #tpu.memory_space<vmem>>) target_semaphore(%run_scoped3A : memref<!tpu.dma_semaphore, #tpu.memory_space<semaphore_mem>>)
      %dma_wait3A = arith.constant 0 : i32
      %dma_wait3A_92 = tpu.memref_slice %arg6[%add3A_60, %dma_wait3A] : memref<10240x128xf32, #tpu.memory_space<vmem_shared>> -> memref<128x128xf32, #tpu.memory_space<vmem_shared>>
      %dma_wait3A_93 = arith.constant 0 : i32
      %dma_wait3A_94 = tpu.memref_slice %arg6[%add3A_60, %dma_wait3A_93] : memref<10240x128xf32, #tpu.memory_space<vmem_shared>> -> memref<128x128xf32, #tpu.memory_space<vmem_shared>>
      tpu.wait_dma2 semaphore(%run_scoped3A : memref<!tpu.dma_semaphore, #tpu.memory_space<semaphore_mem>>) src(%dma_wait3A_94 : memref<128x128xf32, #tpu.memory_space<vmem_shared>>) dst(%arg5 : memref<128x128xf32, #tpu.memory_space<vmem>>)
      tpu.yield
    }) : () -> ()
    %mul3A_61 = arith.constant 640 : i32
    %mul3A_62 = arith.muli %arg1, %mul3A_61 : i32
    %add3A_63 = arith.constant 128 : i32
    %add3A_64 = arith.addi %mul3A_62, %add3A_63 : i32
    "tpu.region"() ({
      %run_scoped3A = tpu.sem_alloc : memref<!tpu.dma_semaphore, #tpu.memory_space<semaphore_mem>>
      %dma_start3A = arith.constant 0 : i32
      %dma_start3A_89 = tpu.memref_slice %arg3[%arg0, %add3A_64, %dma_start3A] : memref<2x10240x128xf32, #tpu.memory_space<hbm>> -> memref<1x128x128xf32, #tpu.memory_space<hbm>>
      %dma_start3A_90 = tpu.memref_squeeze %dma_start3A_89 : memref<1x128x128xf32, #tpu.memory_space<hbm>> -> memref<128x128xf32, #tpu.memory_space<hbm>>
      %dma_start3A_91 = arith.constant 0 : i32
      %dma_start3A_92 = tpu.memref_slice %arg3[%arg0, %add3A_64, %dma_start3A_91] : memref<2x10240x128xf32, #tpu.memory_space<hbm>> -> memref<1x128x128xf32, #tpu.memory_space<hbm>>
      %dma_start3A_93 = tpu.memref_squeeze %dma_start3A_92 : memref<1x128x128xf32, #tpu.memory_space<hbm>> -> memref<128x128xf32, #tpu.memory_space<hbm>>
      tpu.enqueue_dma source(%arg5 : memref<128x128xf32, #tpu.memory_space<vmem>>) target(%dma_start3A_93 : memref<128x128xf32, #tpu.memory_space<hbm>>) target_semaphore(%run_scoped3A : memref<!tpu.dma_semaphore, #tpu.memory_space<semaphore_mem>>)
      %dma_wait3A = arith.constant 0 : i32
      %dma_wait3A_94 = tpu.memref_slice %arg3[%arg0, %add3A_64, %dma_wait3A] : memref<2x10240x128xf32, #tpu.memory_space<hbm>> -> memref<1x128x128xf32, #tpu.memory_space<hbm>>
      %dma_wait3A_95 = tpu.memref_squeeze %dma_wait3A_94 : memref<1x128x128xf32, #tpu.memory_space<hbm>> -> memref<128x128xf32, #tpu.memory_space<hbm>>
      %dma_wait3A_96 = arith.constant 0 : i32
      %dma_wait3A_97 = tpu.memref_slice %arg3[%arg0, %add3A_64, %dma_wait3A_96] : memref<2x10240x128xf32, #tpu.memory_space<hbm>> -> memref<1x128x128xf32, #tpu.memory_space<hbm>>
      %dma_wait3A_98 = tpu.memref_squeeze %dma_wait3A_97 : memref<1x128x128xf32, #tpu.memory_space<hbm>> -> memref<128x128xf32, #tpu.memory_space<hbm>>
      tpu.wait_dma2 semaphore(%run_scoped3A : memref<!tpu.dma_semaphore, #tpu.memory_space<semaphore_mem>>) src(%arg5 : memref<128x128xf32, #tpu.memory_space<vmem>>) dst(%dma_wait3A_98 : memref<128x128xf32, #tpu.memory_space<hbm>>)
      tpu.yield
    }) : () -> ()
    %mul3A_65 = arith.constant 640 : i32
    %mul3A_66 = arith.muli %arg1, %mul3A_65 : i32
    %add3A_67 = arith.constant 256 : i32
    %add3A_68 = arith.addi %mul3A_66, %add3A_67 : i32
    "tpu.region"() ({
      %run_scoped3A = tpu.sem_alloc : memref<!tpu.dma_semaphore, #tpu.memory_space<semaphore_mem>>
      %dma_start3A = arith.constant 0 : i32
      %dma_start3A_89 = tpu.memref_slice %arg6[%add3A_68, %dma_start3A] : memref<10240x128xf32, #tpu.memory_space<vmem_shared>> -> memref<128x128xf32, #tpu.memory_space<vmem_shared>>
      %dma_start3A_90 = arith.constant 0 : i32
      %dma_start3A_91 = tpu.memref_slice %arg6[%add3A_68, %dma_start3A_90] : memref<10240x128xf32, #tpu.memory_space<vmem_shared>> -> memref<128x128xf32, #tpu.memory_space<vmem_shared>>
      tpu.enqueue_dma source(%dma_start3A_91 : memref<128x128xf32, #tpu.memory_space<vmem_shared>>) target(%arg5 : memref<128x128xf32, #tpu.memory_space<vmem>>) target_semaphore(%run_scoped3A : memref<!tpu.dma_semaphore, #tpu.memory_space<semaphore_mem>>)
      %dma_wait3A = arith.constant 0 : i32
      %dma_wait3A_92 = tpu.memref_slice %arg6[%add3A_68, %dma_wait3A] : memref<10240x128xf32, #tpu.memory_space<vmem_shared>> -> memref<128x128xf32, #tpu.memory_space<vmem_shared>>
      %dma_wait3A_93 = arith.constant 0 : i32
      %dma_wait3A_94 = tpu.memref_slice %arg6[%add3A_68, %dma_wait3A_93] : memref<10240x128xf32, #tpu.memory_space<vmem_shared>> -> memref<128x128xf32, #tpu.memory_space<vmem_shared>>
      tpu.wait_dma2 semaphore(%run_scoped3A : memref<!tpu.dma_semaphore, #tpu.memory_space<semaphore_mem>>) src(%dma_wait3A_94 : memref<128x128xf32, #tpu.memory_space<vmem_shared>>) dst(%arg5 : memref<128x128xf32, #tpu.memory_space<vmem>>)
      tpu.yield
    }) : () -> ()
    %mul3A_69 = arith.constant 640 : i32
    %mul3A_70 = arith.muli %arg1, %mul3A_69 : i32
    %add3A_71 = arith.constant 256 : i32
    %add3A_72 = arith.addi %mul3A_70, %add3A_71 : i32
    "tpu.region"() ({
      %run_scoped3A = tpu.sem_alloc : memref<!tpu.dma_semaphore, #tpu.memory_space<semaphore_mem>>
      %dma_start3A = arith.constant 0 : i32
      %dma_start3A_89 = tpu.memref_slice %arg3[%arg0, %add3A_72, %dma_start3A] : memref<2x10240x128xf32, #tpu.memory_space<hbm>> -> memref<1x128x128xf32, #tpu.memory_space<hbm>>
      %dma_start3A_90 = tpu.memref_squeeze %dma_start3A_89 : memref<1x128x128xf32, #tpu.memory_space<hbm>> -> memref<128x128xf32, #tpu.memory_space<hbm>>
      %dma_start3A_91 = arith.constant 0 : i32
      %dma_start3A_92 = tpu.memref_slice %arg3[%arg0, %add3A_72, %dma_start3A_91] : memref<2x10240x128xf32, #tpu.memory_space<hbm>> -> memref<1x128x128xf32, #tpu.memory_space<hbm>>
      %dma_start3A_93 = tpu.memref_squeeze %dma_start3A_92 : memref<1x128x128xf32, #tpu.memory_space<hbm>> -> memref<128x128xf32, #tpu.memory_space<hbm>>
      tpu.enqueue_dma source(%arg5 : memref<128x128xf32, #tpu.memory_space<vmem>>) target(%dma_start3A_93 : memref<128x128xf32, #tpu.memory_space<hbm>>) target_semaphore(%run_scoped3A : memref<!tpu.dma_semaphore, #tpu.memory_space<semaphore_mem>>)
      %dma_wait3A = arith.constant 0 : i32
      %dma_wait3A_94 = tpu.memref_slice %arg3[%arg0, %add3A_72, %dma_wait3A] : memref<2x10240x128xf32, #tpu.memory_space<hbm>> -> memref<1x128x128xf32, #tpu.memory_space<hbm>>
      %dma_wait3A_95 = tpu.memref_squeeze %dma_wait3A_94 : memref<1x128x128xf32, #tpu.memory_space<hbm>> -> memref<128x128xf32, #tpu.memory_space<hbm>>
      %dma_wait3A_96 = arith.constant 0 : i32
      %dma_wait3A_97 = tpu.memref_slice %arg3[%arg0, %add3A_72, %dma_wait3A_96] : memref<2x10240x128xf32, #tpu.memory_space<hbm>> -> memref<1x128x128xf32, #tpu.memory_space<hbm>>
      %dma_wait3A_98 = tpu.memref_squeeze %dma_wait3A_97 : memref<1x128x128xf32, #tpu.memory_space<hbm>> -> memref<128x128xf32, #tpu.memory_space<hbm>>
      tpu.wait_dma2 semaphore(%run_scoped3A : memref<!tpu.dma_semaphore, #tpu.memory_space<semaphore_mem>>) src(%arg5 : memref<128x128xf32, #tpu.memory_space<vmem>>) dst(%dma_wait3A_98 : memref<128x128xf32, #tpu.memory_space<hbm>>)
      tpu.yield
    }) : () -> ()
    %mul3A_73 = arith.constant 640 : i32
    %mul3A_74 = arith.muli %arg1, %mul3A_73 : i32
    %add3A_75 = arith.constant 384 : i32
    %add3A_76 = arith.addi %mul3A_74, %add3A_75 : i32
    "tpu.region"() ({
      %run_scoped3A = tpu.sem_alloc : memref<!tpu.dma_semaphore, #tpu.memory_space<semaphore_mem>>
      %dma_start3A = arith.constant 0 : i32
      %dma_start3A_89 = tpu.memref_slice %arg6[%add3A_76, %dma_start3A] : memref<10240x128xf32, #tpu.memory_space<vmem_shared>> -> memref<128x128xf32, #tpu.memory_space<vmem_shared>>
      %dma_start3A_90 = arith.constant 0 : i32
      %dma_start3A_91 = tpu.memref_slice %arg6[%add3A_76, %dma_start3A_90] : memref<10240x128xf32, #tpu.memory_space<vmem_shared>> -> memref<128x128xf32, #tpu.memory_space<vmem_shared>>
      tpu.enqueue_dma source(%dma_start3A_91 : memref<128x128xf32, #tpu.memory_space<vmem_shared>>) target(%arg5 : memref<128x128xf32, #tpu.memory_space<vmem>>) target_semaphore(%run_scoped3A : memref<!tpu.dma_semaphore, #tpu.memory_space<semaphore_mem>>)
      %dma_wait3A = arith.constant 0 : i32
      %dma_wait3A_92 = tpu.memref_slice %arg6[%add3A_76, %dma_wait3A] : memref<10240x128xf32, #tpu.memory_space<vmem_shared>> -> memref<128x128xf32, #tpu.memory_space<vmem_shared>>
      %dma_wait3A_93 = arith.constant 0 : i32
      %dma_wait3A_94 = tpu.memref_slice %arg6[%add3A_76, %dma_wait3A_93] : memref<10240x128xf32, #tpu.memory_space<vmem_shared>> -> memref<128x128xf32, #tpu.memory_space<vmem_shared>>
      tpu.wait_dma2 semaphore(%run_scoped3A : memref<!tpu.dma_semaphore, #tpu.memory_space<semaphore_mem>>) src(%dma_wait3A_94 : memref<128x128xf32, #tpu.memory_space<vmem_shared>>) dst(%arg5 : memref<128x128xf32, #tpu.memory_space<vmem>>)
      tpu.yield
    }) : () -> ()
    %mul3A_77 = arith.constant 640 : i32
    %mul3A_78 = arith.muli %arg1, %mul3A_77 : i32
    %add3A_79 = arith.constant 384 : i32
    %add3A_80 = arith.addi %mul3A_78, %add3A_79 : i32
    "tpu.region"() ({
      %run_scoped3A = tpu.sem_alloc : memref<!tpu.dma_semaphore, #tpu.memory_space<semaphore_mem>>
      %dma_start3A = arith.constant 0 : i32
      %dma_start3A_89 = tpu.memref_slice %arg3[%arg0, %add3A_80, %dma_start3A] : memref<2x10240x128xf32, #tpu.memory_space<hbm>> -> memref<1x128x128xf32, #tpu.memory_space<hbm>>
      %dma_start3A_90 = tpu.memref_squeeze %dma_start3A_89 : memref<1x128x128xf32, #tpu.memory_space<hbm>> -> memref<128x128xf32, #tpu.memory_space<hbm>>
      %dma_start3A_91 = arith.constant 0 : i32
      %dma_start3A_92 = tpu.memref_slice %arg3[%arg0, %add3A_80, %dma_start3A_91] : memref<2x10240x128xf32, #tpu.memory_space<hbm>> -> memref<1x128x128xf32, #tpu.memory_space<hbm>>
      %dma_start3A_93 = tpu.memref_squeeze %dma_start3A_92 : memref<1x128x128xf32, #tpu.memory_space<hbm>> -> memref<128x128xf32, #tpu.memory_space<hbm>>
      tpu.enqueue_dma source(%arg5 : memref<128x128xf32, #tpu.memory_space<vmem>>) target(%dma_start3A_93 : memref<128x128xf32, #tpu.memory_space<hbm>>) target_semaphore(%run_scoped3A : memref<!tpu.dma_semaphore, #tpu.memory_space<semaphore_mem>>)
      %dma_wait3A = arith.constant 0 : i32
      %dma_wait3A_94 = tpu.memref_slice %arg3[%arg0, %add3A_80, %dma_wait3A] : memref<2x10240x128xf32, #tpu.memory_space<hbm>> -> memref<1x128x128xf32, #tpu.memory_space<hbm>>
      %dma_wait3A_95 = tpu.memref_squeeze %dma_wait3A_94 : memref<1x128x128xf32, #tpu.memory_space<hbm>> -> memref<128x128xf32, #tpu.memory_space<hbm>>
      %dma_wait3A_96 = arith.constant 0 : i32
      %dma_wait3A_97 = tpu.memref_slice %arg3[%arg0, %add3A_80, %dma_wait3A_96] : memref<2x10240x128xf32, #tpu.memory_space<hbm>> -> memref<1x128x128xf32, #tpu.memory_space<hbm>>
      %dma_wait3A_98 = tpu.memref_squeeze %dma_wait3A_97 : memref<1x128x128xf32, #tpu.memory_space<hbm>> -> memref<128x128xf32, #tpu.memory_space<hbm>>
      tpu.wait_dma2 semaphore(%run_scoped3A : memref<!tpu.dma_semaphore, #tpu.memory_space<semaphore_mem>>) src(%arg5 : memref<128x128xf32, #tpu.memory_space<vmem>>) dst(%dma_wait3A_98 : memref<128x128xf32, #tpu.memory_space<hbm>>)
      tpu.yield
    }) : () -> ()
    %mul3A_81 = arith.constant 640 : i32
    %mul3A_82 = arith.muli %arg1, %mul3A_81 : i32
    %add3A_83 = arith.constant 512 : i32
    %add3A_84 = arith.addi %mul3A_82, %add3A_83 : i32
    "tpu.region"() ({
      %run_scoped3A = tpu.sem_alloc : memref<!tpu.dma_semaphore, #tpu.memory_space<semaphore_mem>>
      %dma_start3A = arith.constant 0 : i32
      %dma_start3A_89 = tpu.memref_slice %arg6[%add3A_84, %dma_start3A] : memref<10240x128xf32, #tpu.memory_space<vmem_shared>> -> memref<128x128xf32, #tpu.memory_space<vmem_shared>>
      %dma_start3A_90 = arith.constant 0 : i32
      %dma_start3A_91 = tpu.memref_slice %arg6[%add3A_84, %dma_start3A_90] : memref<10240x128xf32, #tpu.memory_space<vmem_shared>> -> memref<128x128xf32, #tpu.memory_space<vmem_shared>>
      tpu.enqueue_dma source(%dma_start3A_91 : memref<128x128xf32, #tpu.memory_space<vmem_shared>>) target(%arg5 : memref<128x128xf32, #tpu.memory_space<vmem>>) target_semaphore(%run_scoped3A : memref<!tpu.dma_semaphore, #tpu.memory_space<semaphore_mem>>)
      %dma_wait3A = arith.constant 0 : i32
      %dma_wait3A_92 = tpu.memref_slice %arg6[%add3A_84, %dma_wait3A] : memref<10240x128xf32, #tpu.memory_space<vmem_shared>> -> memref<128x128xf32, #tpu.memory_space<vmem_shared>>
      %dma_wait3A_93 = arith.constant 0 : i32
      %dma_wait3A_94 = tpu.memref_slice %arg6[%add3A_84, %dma_wait3A_93] : memref<10240x128xf32, #tpu.memory_space<vmem_shared>> -> memref<128x128xf32, #tpu.memory_space<vmem_shared>>
      tpu.wait_dma2 semaphore(%run_scoped3A : memref<!tpu.dma_semaphore, #tpu.memory_space<semaphore_mem>>) src(%dma_wait3A_94 : memref<128x128xf32, #tpu.memory_space<vmem_shared>>) dst(%arg5 : memref<128x128xf32, #tpu.memory_space<vmem>>)
      tpu.yield
    }) : () -> ()
    %mul3A_85 = arith.constant 640 : i32
    %mul3A_86 = arith.muli %arg1, %mul3A_85 : i32
    %add3A_87 = arith.constant 512 : i32
    %add3A_88 = arith.addi %mul3A_86, %add3A_87 : i32
    "tpu.region"() ({
      %run_scoped3A = tpu.sem_alloc : memref<!tpu.dma_semaphore, #tpu.memory_space<semaphore_mem>>
      %dma_start3A = arith.constant 0 : i32
      %dma_start3A_89 = tpu.memref_slice %arg3[%arg0, %add3A_88, %dma_start3A] : memref<2x10240x128xf32, #tpu.memory_space<hbm>> -> memref<1x128x128xf32, #tpu.memory_space<hbm>>
      %dma_start3A_90 = tpu.memref_squeeze %dma_start3A_89 : memref<1x128x128xf32, #tpu.memory_space<hbm>> -> memref<128x128xf32, #tpu.memory_space<hbm>>
      %dma_start3A_91 = arith.constant 0 : i32
      %dma_start3A_92 = tpu.memref_slice %arg3[%arg0, %add3A_88, %dma_start3A_91] : memref<2x10240x128xf32, #tpu.memory_space<hbm>> -> memref<1x128x128xf32, #tpu.memory_space<hbm>>
      %dma_start3A_93 = tpu.memref_squeeze %dma_start3A_92 : memref<1x128x128xf32, #tpu.memory_space<hbm>> -> memref<128x128xf32, #tpu.memory_space<hbm>>
      tpu.enqueue_dma source(%arg5 : memref<128x128xf32, #tpu.memory_space<vmem>>) target(%dma_start3A_93 : memref<128x128xf32, #tpu.memory_space<hbm>>) target_semaphore(%run_scoped3A : memref<!tpu.dma_semaphore, #tpu.memory_space<semaphore_mem>>)
      %dma_wait3A = arith.constant 0 : i32
      %dma_wait3A_94 = tpu.memref_slice %arg3[%arg0, %add3A_88, %dma_wait3A] : memref<2x10240x128xf32, #tpu.memory_space<hbm>> -> memref<1x128x128xf32, #tpu.memory_space<hbm>>
      %dma_wait3A_95 = tpu.memref_squeeze %dma_wait3A_94 : memref<1x128x128xf32, #tpu.memory_space<hbm>> -> memref<128x128xf32, #tpu.memory_space<hbm>>
      %dma_wait3A_96 = arith.constant 0 : i32
      %dma_wait3A_97 = tpu.memref_slice %arg3[%arg0, %add3A_88, %dma_wait3A_96] : memref<2x10240x128xf32, #tpu.memory_space<hbm>> -> memref<1x128x128xf32, #tpu.memory_space<hbm>>
      %dma_wait3A_98 = tpu.memref_squeeze %dma_wait3A_97 : memref<1x128x128xf32, #tpu.memory_space<hbm>> -> memref<128x128xf32, #tpu.memory_space<hbm>>
      tpu.wait_dma2 semaphore(%run_scoped3A : memref<!tpu.dma_semaphore, #tpu.memory_space<semaphore_mem>>) src(%arg5 : memref<128x128xf32, #tpu.memory_space<vmem>>) dst(%dma_wait3A_98 : memref<128x128xf32, #tpu.memory_space<hbm>>)
      tpu.yield
    }) : () -> ()
    return
  }
}

#map = affine_map<(d0, d1) -> (0, 0)>
#map1 = affine_map<(d0, d1) -> (0, 0, 0)>
module attributes {stable_mosaic.version = 14 : i64} {
  func.func @_agg_body(%arg0: i32, %arg1: i32, %arg2: memref<10000x128xf32, #tpu.memory_space<hbm>>, %arg3: memref<32x80x128xi32, #tpu.memory_space<hbm>>, %arg4: memref<32x80x128xi32, #tpu.memory_space<hbm>>, %arg5: memref<2x10240x128xf32, #tpu.memory_space<hbm>>, %arg6: memref<40x128xi32, #tpu.memory_space<vmem>>, %arg7: memref<40x128xi32, #tpu.memory_space<vmem>>, %arg8: memref<128x128xf32, #tpu.memory_space<vmem>>, %arg9: memref<128x128xf32, #tpu.memory_space<vmem>>, %arg10: memref<10240x128xf32, #tpu.memory_space<vmem_shared>>, %arg11: memref<!tpu.dma_semaphore, #tpu.memory_space<semaphore_mem>>, %arg12: memref<!tpu.dma_semaphore, #tpu.memory_space<semaphore_mem>>, %arg13: memref<!tpu.dma_semaphore, #tpu.memory_space<semaphore_mem>>, %arg14: memref<!tpu.dma_semaphore, #tpu.memory_space<semaphore_mem>>) attributes {dimension_semantics = [#tpu.dimension_semantics<core_parallel>, #tpu.dimension_semantics<subcore_parallel>], iteration_bounds = array<i64: 2, 16>, scalar_prefetch = 0 : i64, scratch_operands = 9 : i64, tpu.core_type = #tpu.core_type<sc_vector_subcore>, window_params = [{transform_indices = #map}, {transform_indices = #map1}, {transform_indices = #map1}, {transform_indices = #map1}]} {
    %mul3A = arith.constant 16 : i32
    %mul3A_0 = arith.muli %arg0, %mul3A : i32
    %add3A = arith.addi %mul3A_0, %arg1 : i32
    %broadcast_in_dim3A = arith.constant 0.000000e+00 : f32
    %broadcast_in_dim3A_1 = vector.broadcast %broadcast_in_dim3A : f32 to vector<16xf32>
    %scan3A = arith.constant 0 : i32
    %scan3A_2 = arith.constant 128 : i32
    %scan3A_3 = arith.addi %scan3A, %scan3A_2 : i32
    %scan3A_4 = arith.constant 1 : i32
    scf.for %scan3A_187 = %scan3A to %scan3A_3 step %scan3A_4  : i32 {
      %mul3A_188 = arith.constant 1 : i32
      %mul3A_189 = arith.muli %scan3A_187, %mul3A_188 : i32
      %add3A_190 = arith.constant 0 : i32
      %add3A_191 = arith.addi %add3A_190, %mul3A_189 : i32
      %swap3A = arith.index_cast %add3A_191 : i32 to index
      %swap3A_192 = arith.constant 0 : index
      %swap3A_193 = tpu.vector_load %arg8[%swap3A, %swap3A_192] {strides = array<i32>} : memref<128x128xf32, #tpu.memory_space<vmem>>, vector<1x16xf32>,
      %swap3A_194 = vector.shape_cast %swap3A_193 : vector<1x16xf32> to vector<16xf32>
      %swap3A_195 = vector.shape_cast %broadcast_in_dim3A_1 : vector<16xf32> to vector<1x16xf32>
      tpu.vector_store %arg8[%swap3A, %swap3A_192], %swap3A_195 {strides = array<i32>} : memref<128x128xf32, #tpu.memory_space<vmem>>, vector<1x16xf32>,
      %swap3A_196 = arith.index_cast %add3A_191 : i32 to index
      %swap3A_197 = arith.constant 16 : index
      %swap3A_198 = tpu.vector_load %arg8[%swap3A_196, %swap3A_197] {strides = array<i32>} : memref<128x128xf32, #tpu.memory_space<vmem>>, vector<1x16xf32>,
      %swap3A_199 = vector.shape_cast %swap3A_198 : vector<1x16xf32> to vector<16xf32>
      %swap3A_200 = vector.shape_cast %broadcast_in_dim3A_1 : vector<16xf32> to vector<1x16xf32>
      tpu.vector_store %arg8[%swap3A_196, %swap3A_197], %swap3A_200 {strides = array<i32>} : memref<128x128xf32, #tpu.memory_space<vmem>>, vector<1x16xf32>,
      %swap3A_201 = arith.index_cast %add3A_191 : i32 to index
      %swap3A_202 = arith.constant 32 : index
      %swap3A_203 = tpu.vector_load %arg8[%swap3A_201, %swap3A_202] {strides = array<i32>} : memref<128x128xf32, #tpu.memory_space<vmem>>, vector<1x16xf32>,
      %swap3A_204 = vector.shape_cast %swap3A_203 : vector<1x16xf32> to vector<16xf32>
      %swap3A_205 = vector.shape_cast %broadcast_in_dim3A_1 : vector<16xf32> to vector<1x16xf32>
      tpu.vector_store %arg8[%swap3A_201, %swap3A_202], %swap3A_205 {strides = array<i32>} : memref<128x128xf32, #tpu.memory_space<vmem>>, vector<1x16xf32>,
      %swap3A_206 = arith.index_cast %add3A_191 : i32 to index
      %swap3A_207 = arith.constant 48 : index
      %swap3A_208 = tpu.vector_load %arg8[%swap3A_206, %swap3A_207] {strides = array<i32>} : memref<128x128xf32, #tpu.memory_space<vmem>>, vector<1x16xf32>,
      %swap3A_209 = vector.shape_cast %swap3A_208 : vector<1x16xf32> to vector<16xf32>
      %swap3A_210 = vector.shape_cast %broadcast_in_dim3A_1 : vector<16xf32> to vector<1x16xf32>
      tpu.vector_store %arg8[%swap3A_206, %swap3A_207], %swap3A_210 {strides = array<i32>} : memref<128x128xf32, #tpu.memory_space<vmem>>, vector<1x16xf32>,
      %swap3A_211 = arith.index_cast %add3A_191 : i32 to index
      %swap3A_212 = arith.constant 64 : index
      %swap3A_213 = tpu.vector_load %arg8[%swap3A_211, %swap3A_212] {strides = array<i32>} : memref<128x128xf32, #tpu.memory_space<vmem>>, vector<1x16xf32>,
      %swap3A_214 = vector.shape_cast %swap3A_213 : vector<1x16xf32> to vector<16xf32>
      %swap3A_215 = vector.shape_cast %broadcast_in_dim3A_1 : vector<16xf32> to vector<1x16xf32>
      tpu.vector_store %arg8[%swap3A_211, %swap3A_212], %swap3A_215 {strides = array<i32>} : memref<128x128xf32, #tpu.memory_space<vmem>>, vector<1x16xf32>,
      %swap3A_216 = arith.index_cast %add3A_191 : i32 to index
      %swap3A_217 = arith.constant 80 : index
      %swap3A_218 = tpu.vector_load %arg8[%swap3A_216, %swap3A_217] {strides = array<i32>} : memref<128x128xf32, #tpu.memory_space<vmem>>, vector<1x16xf32>,
      %swap3A_219 = vector.shape_cast %swap3A_218 : vector<1x16xf32> to vector<16xf32>
      %swap3A_220 = vector.shape_cast %broadcast_in_dim3A_1 : vector<16xf32> to vector<1x16xf32>
      tpu.vector_store %arg8[%swap3A_216, %swap3A_217], %swap3A_220 {strides = array<i32>} : memref<128x128xf32, #tpu.memory_space<vmem>>, vector<1x16xf32>,
      %swap3A_221 = arith.index_cast %add3A_191 : i32 to index
      %swap3A_222 = arith.constant 96 : index
      %swap3A_223 = tpu.vector_load %arg8[%swap3A_221, %swap3A_222] {strides = array<i32>} : memref<128x128xf32, #tpu.memory_space<vmem>>, vector<1x16xf32>,
      %swap3A_224 = vector.shape_cast %swap3A_223 : vector<1x16xf32> to vector<16xf32>
      %swap3A_225 = vector.shape_cast %broadcast_in_dim3A_1 : vector<16xf32> to vector<1x16xf32>
      tpu.vector_store %arg8[%swap3A_221, %swap3A_222], %swap3A_225 {strides = array<i32>} : memref<128x128xf32, #tpu.memory_space<vmem>>, vector<1x16xf32>,
      %swap3A_226 = arith.index_cast %add3A_191 : i32 to index
      %swap3A_227 = arith.constant 112 : index
      %swap3A_228 = tpu.vector_load %arg8[%swap3A_226, %swap3A_227] {strides = array<i32>} : memref<128x128xf32, #tpu.memory_space<vmem>>, vector<1x16xf32>,
      %swap3A_229 = vector.shape_cast %swap3A_228 : vector<1x16xf32> to vector<16xf32>
      %swap3A_230 = vector.shape_cast %broadcast_in_dim3A_1 : vector<16xf32> to vector<1x16xf32>
      tpu.vector_store %arg8[%swap3A_226, %swap3A_227], %swap3A_230 {strides = array<i32>} : memref<128x128xf32, #tpu.memory_space<vmem>>, vector<1x16xf32>,
    }
    %scan3A_5 = arith.constant 128 : i32
    %mul3A_6 = arith.constant 640 : i32
    %mul3A_7 = arith.muli %arg1, %mul3A_6 : i32
    %add3A_8 = arith.constant 0 : i32
    %add3A_9 = arith.addi %mul3A_7, %add3A_8 : i32
    "tpu.region"() ({
      %run_scoped3A = tpu.sem_alloc : memref<!tpu.dma_semaphore, #tpu.memory_space<semaphore_mem>>
      %dma_start3A_187 = arith.constant 0 : i32
      %dma_start3A_188 = tpu.memref_slice %arg10[%add3A_9, %dma_start3A_187] : memref<10240x128xf32, #tpu.memory_space<vmem_shared>> -> memref<128x128xf32, #tpu.memory_space<vmem_shared>>
      %dma_start3A_189 = arith.constant 0 : i32
      %dma_start3A_190 = tpu.memref_slice %arg10[%add3A_9, %dma_start3A_189] : memref<10240x128xf32, #tpu.memory_space<vmem_shared>> -> memref<128x128xf32, #tpu.memory_space<vmem_shared>>
      tpu.enqueue_dma source(%arg8 : memref<128x128xf32, #tpu.memory_space<vmem>>) target(%dma_start3A_190 : memref<128x128xf32, #tpu.memory_space<vmem_shared>>) target_semaphore(%run_scoped3A : memref<!tpu.dma_semaphore, #tpu.memory_space<semaphore_mem>>)
      %dma_wait3A_191 = arith.constant 0 : i32
      %dma_wait3A_192 = tpu.memref_slice %arg10[%add3A_9, %dma_wait3A_191] : memref<10240x128xf32, #tpu.memory_space<vmem_shared>> -> memref<128x128xf32, #tpu.memory_space<vmem_shared>>
      %dma_wait3A_193 = arith.constant 0 : i32
      %dma_wait3A_194 = tpu.memref_slice %arg10[%add3A_9, %dma_wait3A_193] : memref<10240x128xf32, #tpu.memory_space<vmem_shared>> -> memref<128x128xf32, #tpu.memory_space<vmem_shared>>
      tpu.wait_dma2 semaphore(%run_scoped3A : memref<!tpu.dma_semaphore, #tpu.memory_space<semaphore_mem>>) src(%arg8 : memref<128x128xf32, #tpu.memory_space<vmem>>) dst(%dma_wait3A_194 : memref<128x128xf32, #tpu.memory_space<vmem_shared>>)
      tpu.yield
    }) : () -> ()
    %mul3A_10 = arith.constant 640 : i32
    %mul3A_11 = arith.muli %arg1, %mul3A_10 : i32
    %add3A_12 = arith.constant 128 : i32
    %add3A_13 = arith.addi %mul3A_11, %add3A_12 : i32
    "tpu.region"() ({
      %run_scoped3A = tpu.sem_alloc : memref<!tpu.dma_semaphore, #tpu.memory_space<semaphore_mem>>
      %dma_start3A_187 = arith.constant 0 : i32
      %dma_start3A_188 = tpu.memref_slice %arg10[%add3A_13, %dma_start3A_187] : memref<10240x128xf32, #tpu.memory_space<vmem_shared>> -> memref<128x128xf32, #tpu.memory_space<vmem_shared>>
      %dma_start3A_189 = arith.constant 0 : i32
      %dma_start3A_190 = tpu.memref_slice %arg10[%add3A_13, %dma_start3A_189] : memref<10240x128xf32, #tpu.memory_space<vmem_shared>> -> memref<128x128xf32, #tpu.memory_space<vmem_shared>>
      tpu.enqueue_dma source(%arg8 : memref<128x128xf32, #tpu.memory_space<vmem>>) target(%dma_start3A_190 : memref<128x128xf32, #tpu.memory_space<vmem_shared>>) target_semaphore(%run_scoped3A : memref<!tpu.dma_semaphore, #tpu.memory_space<semaphore_mem>>)
      %dma_wait3A_191 = arith.constant 0 : i32
      %dma_wait3A_192 = tpu.memref_slice %arg10[%add3A_13, %dma_wait3A_191] : memref<10240x128xf32, #tpu.memory_space<vmem_shared>> -> memref<128x128xf32, #tpu.memory_space<vmem_shared>>
      %dma_wait3A_193 = arith.constant 0 : i32
      %dma_wait3A_194 = tpu.memref_slice %arg10[%add3A_13, %dma_wait3A_193] : memref<10240x128xf32, #tpu.memory_space<vmem_shared>> -> memref<128x128xf32, #tpu.memory_space<vmem_shared>>
      tpu.wait_dma2 semaphore(%run_scoped3A : memref<!tpu.dma_semaphore, #tpu.memory_space<semaphore_mem>>) src(%arg8 : memref<128x128xf32, #tpu.memory_space<vmem>>) dst(%dma_wait3A_194 : memref<128x128xf32, #tpu.memory_space<vmem_shared>>)
      tpu.yield
    }) : () -> ()
    %mul3A_14 = arith.constant 640 : i32
    %mul3A_15 = arith.muli %arg1, %mul3A_14 : i32
    %add3A_16 = arith.constant 256 : i32
    %add3A_17 = arith.addi %mul3A_15, %add3A_16 : i32
    "tpu.region"() ({
      %run_scoped3A = tpu.sem_alloc : memref<!tpu.dma_semaphore, #tpu.memory_space<semaphore_mem>>
      %dma_start3A_187 = arith.constant 0 : i32
      %dma_start3A_188 = tpu.memref_slice %arg10[%add3A_17, %dma_start3A_187] : memref<10240x128xf32, #tpu.memory_space<vmem_shared>> -> memref<128x128xf32, #tpu.memory_space<vmem_shared>>
      %dma_start3A_189 = arith.constant 0 : i32
      %dma_start3A_190 = tpu.memref_slice %arg10[%add3A_17, %dma_start3A_189] : memref<10240x128xf32, #tpu.memory_space<vmem_shared>> -> memref<128x128xf32, #tpu.memory_space<vmem_shared>>
      tpu.enqueue_dma source(%arg8 : memref<128x128xf32, #tpu.memory_space<vmem>>) target(%dma_start3A_190 : memref<128x128xf32, #tpu.memory_space<vmem_shared>>) target_semaphore(%run_scoped3A : memref<!tpu.dma_semaphore, #tpu.memory_space<semaphore_mem>>)
      %dma_wait3A_191 = arith.constant 0 : i32
      %dma_wait3A_192 = tpu.memref_slice %arg10[%add3A_17, %dma_wait3A_191] : memref<10240x128xf32, #tpu.memory_space<vmem_shared>> -> memref<128x128xf32, #tpu.memory_space<vmem_shared>>
      %dma_wait3A_193 = arith.constant 0 : i32
      %dma_wait3A_194 = tpu.memref_slice %arg10[%add3A_17, %dma_wait3A_193] : memref<10240x128xf32, #tpu.memory_space<vmem_shared>> -> memref<128x128xf32, #tpu.memory_space<vmem_shared>>
      tpu.wait_dma2 semaphore(%run_scoped3A : memref<!tpu.dma_semaphore, #tpu.memory_space<semaphore_mem>>) src(%arg8 : memref<128x128xf32, #tpu.memory_space<vmem>>) dst(%dma_wait3A_194 : memref<128x128xf32, #tpu.memory_space<vmem_shared>>)
      tpu.yield
    }) : () -> ()
    %mul3A_18 = arith.constant 640 : i32
    %mul3A_19 = arith.muli %arg1, %mul3A_18 : i32
    %add3A_20 = arith.constant 384 : i32
    %add3A_21 = arith.addi %mul3A_19, %add3A_20 : i32
    "tpu.region"() ({
      %run_scoped3A = tpu.sem_alloc : memref<!tpu.dma_semaphore, #tpu.memory_space<semaphore_mem>>
      %dma_start3A_187 = arith.constant 0 : i32
      %dma_start3A_188 = tpu.memref_slice %arg10[%add3A_21, %dma_start3A_187] : memref<10240x128xf32, #tpu.memory_space<vmem_shared>> -> memref<128x128xf32, #tpu.memory_space<vmem_shared>>
      %dma_start3A_189 = arith.constant 0 : i32
      %dma_start3A_190 = tpu.memref_slice %arg10[%add3A_21, %dma_start3A_189] : memref<10240x128xf32, #tpu.memory_space<vmem_shared>> -> memref<128x128xf32, #tpu.memory_space<vmem_shared>>
      tpu.enqueue_dma source(%arg8 : memref<128x128xf32, #tpu.memory_space<vmem>>) target(%dma_start3A_190 : memref<128x128xf32, #tpu.memory_space<vmem_shared>>) target_semaphore(%run_scoped3A : memref<!tpu.dma_semaphore, #tpu.memory_space<semaphore_mem>>)
      %dma_wait3A_191 = arith.constant 0 : i32
      %dma_wait3A_192 = tpu.memref_slice %arg10[%add3A_21, %dma_wait3A_191] : memref<10240x128xf32, #tpu.memory_space<vmem_shared>> -> memref<128x128xf32, #tpu.memory_space<vmem_shared>>
      %dma_wait3A_193 = arith.constant 0 : i32
      %dma_wait3A_194 = tpu.memref_slice %arg10[%add3A_21, %dma_wait3A_193] : memref<10240x128xf32, #tpu.memory_space<vmem_shared>> -> memref<128x128xf32, #tpu.memory_space<vmem_shared>>
      tpu.wait_dma2 semaphore(%run_scoped3A : memref<!tpu.dma_semaphore, #tpu.memory_space<semaphore_mem>>) src(%arg8 : memref<128x128xf32, #tpu.memory_space<vmem>>) dst(%dma_wait3A_194 : memref<128x128xf32, #tpu.memory_space<vmem_shared>>)
      tpu.yield
    }) : () -> ()
    %mul3A_22 = arith.constant 640 : i32
    %mul3A_23 = arith.muli %arg1, %mul3A_22 : i32
    %add3A_24 = arith.constant 512 : i32
    %add3A_25 = arith.addi %mul3A_23, %add3A_24 : i32
    "tpu.region"() ({
      %run_scoped3A = tpu.sem_alloc : memref<!tpu.dma_semaphore, #tpu.memory_space<semaphore_mem>>
      %dma_start3A_187 = arith.constant 0 : i32
      %dma_start3A_188 = tpu.memref_slice %arg10[%add3A_25, %dma_start3A_187] : memref<10240x128xf32, #tpu.memory_space<vmem_shared>> -> memref<128x128xf32, #tpu.memory_space<vmem_shared>>
      %dma_start3A_189 = arith.constant 0 : i32
      %dma_start3A_190 = tpu.memref_slice %arg10[%add3A_25, %dma_start3A_189] : memref<10240x128xf32, #tpu.memory_space<vmem_shared>> -> memref<128x128xf32, #tpu.memory_space<vmem_shared>>
      tpu.enqueue_dma source(%arg8 : memref<128x128xf32, #tpu.memory_space<vmem>>) target(%dma_start3A_190 : memref<128x128xf32, #tpu.memory_space<vmem_shared>>) target_semaphore(%run_scoped3A : memref<!tpu.dma_semaphore, #tpu.memory_space<semaphore_mem>>)
      %dma_wait3A_191 = arith.constant 0 : i32
      %dma_wait3A_192 = tpu.memref_slice %arg10[%add3A_25, %dma_wait3A_191] : memref<10240x128xf32, #tpu.memory_space<vmem_shared>> -> memref<128x128xf32, #tpu.memory_space<vmem_shared>>
      %dma_wait3A_193 = arith.constant 0 : i32
      %dma_wait3A_194 = tpu.memref_slice %arg10[%add3A_25, %dma_wait3A_193] : memref<10240x128xf32, #tpu.memory_space<vmem_shared>> -> memref<128x128xf32, #tpu.memory_space<vmem_shared>>
      tpu.wait_dma2 semaphore(%run_scoped3A : memref<!tpu.dma_semaphore, #tpu.memory_space<semaphore_mem>>) src(%arg8 : memref<128x128xf32, #tpu.memory_space<vmem>>) dst(%dma_wait3A_194 : memref<128x128xf32, #tpu.memory_space<vmem_shared>>)
      tpu.yield
    }) : () -> ()
    %barrier3A = arith.constant 0 : index
    tpu.barrier barrier_id(%barrier3A)
    "tpu.region"() ({
      %run_scoped3A = tpu.sem_alloc : memref<!tpu.dma_semaphore, #tpu.memory_space<semaphore_mem>>
      %dma_start3A_187 = arith.constant 0 : i32
      %dma_start3A_188 = arith.constant 0 : i32
      %dma_start3A_189 = tpu.memref_slice %arg3[%add3A, %dma_start3A_187, %dma_start3A_188] : memref<32x80x128xi32, #tpu.memory_space<hbm>> -> memref<1x40x128xi32, #tpu.memory_space<hbm>>
      %dma_start3A_190 = tpu.memref_squeeze %dma_start3A_189 : memref<1x40x128xi32, #tpu.memory_space<hbm>> -> memref<40x128xi32, #tpu.memory_space<hbm>>
      %dma_start3A_191 = arith.constant 0 : i32
      %dma_start3A_192 = arith.constant 0 : i32
      %dma_start3A_193 = tpu.memref_slice %arg3[%add3A, %dma_start3A_191, %dma_start3A_192] : memref<32x80x128xi32, #tpu.memory_space<hbm>> -> memref<1x40x128xi32, #tpu.memory_space<hbm>>
      %dma_start3A_194 = tpu.memref_squeeze %dma_start3A_193 : memref<1x40x128xi32, #tpu.memory_space<hbm>> -> memref<40x128xi32, #tpu.memory_space<hbm>>
      tpu.enqueue_dma source(%dma_start3A_194 : memref<40x128xi32, #tpu.memory_space<hbm>>) target(%arg6 : memref<40x128xi32, #tpu.memory_space<vmem>>) target_semaphore(%run_scoped3A : memref<!tpu.dma_semaphore, #tpu.memory_space<semaphore_mem>>)
      %dma_wait3A_195 = arith.constant 0 : i32
      %dma_wait3A_196 = arith.constant 0 : i32
      %dma_wait3A_197 = tpu.memref_slice %arg3[%add3A, %dma_wait3A_195, %dma_wait3A_196] : memref<32x80x128xi32, #tpu.memory_space<hbm>> -> memref<1x40x128xi32, #tpu.memory_space<hbm>>
      %dma_wait3A_198 = tpu.memref_squeeze %dma_wait3A_197 : memref<1x40x128xi32, #tpu.memory_space<hbm>> -> memref<40x128xi32, #tpu.memory_space<hbm>>
      %dma_wait3A_199 = arith.constant 0 : i32
      %dma_wait3A_200 = arith.constant 0 : i32
      %dma_wait3A_201 = tpu.memref_slice %arg3[%add3A, %dma_wait3A_199, %dma_wait3A_200] : memref<32x80x128xi32, #tpu.memory_space<hbm>> -> memref<1x40x128xi32, #tpu.memory_space<hbm>>
      %dma_wait3A_202 = tpu.memref_squeeze %dma_wait3A_201 : memref<1x40x128xi32, #tpu.memory_space<hbm>> -> memref<40x128xi32, #tpu.memory_space<hbm>>
      tpu.wait_dma2 semaphore(%run_scoped3A : memref<!tpu.dma_semaphore, #tpu.memory_space<semaphore_mem>>) src(%dma_wait3A_202 : memref<40x128xi32, #tpu.memory_space<hbm>>) dst(%arg6 : memref<40x128xi32, #tpu.memory_space<vmem>>)
      tpu.yield
    }) : () -> ()
    "tpu.region"() ({
      %run_scoped3A = tpu.sem_alloc : memref<!tpu.dma_semaphore, #tpu.memory_space<semaphore_mem>>
      %dma_start3A_187 = arith.constant 0 : i32
      %dma_start3A_188 = arith.constant 0 : i32
      %dma_start3A_189 = tpu.memref_slice %arg4[%add3A, %dma_start3A_187, %dma_start3A_188] : memref<32x80x128xi32, #tpu.memory_space<hbm>> -> memref<1x40x128xi32, #tpu.memory_space<hbm>>
      %dma_start3A_190 = tpu.memref_squeeze %dma_start3A_189 : memref<1x40x128xi32, #tpu.memory_space<hbm>> -> memref<40x128xi32, #tpu.memory_space<hbm>>
      %dma_start3A_191 = arith.constant 0 : i32
      %dma_start3A_192 = arith.constant 0 : i32
      %dma_start3A_193 = tpu.memref_slice %arg4[%add3A, %dma_start3A_191, %dma_start3A_192] : memref<32x80x128xi32, #tpu.memory_space<hbm>> -> memref<1x40x128xi32, #tpu.memory_space<hbm>>
      %dma_start3A_194 = tpu.memref_squeeze %dma_start3A_193 : memref<1x40x128xi32, #tpu.memory_space<hbm>> -> memref<40x128xi32, #tpu.memory_space<hbm>>
      tpu.enqueue_dma source(%dma_start3A_194 : memref<40x128xi32, #tpu.memory_space<hbm>>) target(%arg7 : memref<40x128xi32, #tpu.memory_space<vmem>>) target_semaphore(%run_scoped3A : memref<!tpu.dma_semaphore, #tpu.memory_space<semaphore_mem>>)
      %dma_wait3A_195 = arith.constant 0 : i32
      %dma_wait3A_196 = arith.constant 0 : i32
      %dma_wait3A_197 = tpu.memref_slice %arg4[%add3A, %dma_wait3A_195, %dma_wait3A_196] : memref<32x80x128xi32, #tpu.memory_space<hbm>> -> memref<1x40x128xi32, #tpu.memory_space<hbm>>
      %dma_wait3A_198 = tpu.memref_squeeze %dma_wait3A_197 : memref<1x40x128xi32, #tpu.memory_space<hbm>> -> memref<40x128xi32, #tpu.memory_space<hbm>>
      %dma_wait3A_199 = arith.constant 0 : i32
      %dma_wait3A_200 = arith.constant 0 : i32
      %dma_wait3A_201 = tpu.memref_slice %arg4[%add3A, %dma_wait3A_199, %dma_wait3A_200] : memref<32x80x128xi32, #tpu.memory_space<hbm>> -> memref<1x40x128xi32, #tpu.memory_space<hbm>>
      %dma_wait3A_202 = tpu.memref_squeeze %dma_wait3A_201 : memref<1x40x128xi32, #tpu.memory_space<hbm>> -> memref<40x128xi32, #tpu.memory_space<hbm>>
      tpu.wait_dma2 semaphore(%run_scoped3A : memref<!tpu.dma_semaphore, #tpu.memory_space<semaphore_mem>>) src(%dma_wait3A_202 : memref<40x128xi32, #tpu.memory_space<hbm>>) dst(%arg7 : memref<40x128xi32, #tpu.memory_space<vmem>>)
      tpu.yield
    }) : () -> ()
    %dma_start3A = arith.constant 0 : i32
    %dma_start3A_26 = arith.constant 0 : i32
    %dma_start3A_27 = tpu.memref_slice %arg6[%dma_start3A, %dma_start3A_26] : memref<40x128xi32, #tpu.memory_space<vmem>> -> memref<1x128xi32, #tpu.memory_space<vmem>>
    %dma_start3A_28 = tpu.memref_squeeze %dma_start3A_27 : memref<1x128xi32, #tpu.memory_space<vmem>> -> memref<128xi32, #tpu.memory_space<vmem>>
    %dma_start3A_29 = arith.constant 0 : i32
    %dma_start3A_30 = arith.constant 0 : i32
    %dma_start3A_31 = tpu.memref_slice %arg2[%dma_start3A_29, %dma_start3A_30] : memref<10000x128xf32, #tpu.memory_space<hbm>> -> memref<10000x128xf32, #tpu.memory_space<hbm>>
    tpu.enqueue_indirect_dma source(%dma_start3A_31 : memref<10000x128xf32, #tpu.memory_space<hbm>>) target(%arg8 : memref<128x128xf32, #tpu.memory_space<vmem>>) offsets(%dma_start3A_28 : memref<128xi32, #tpu.memory_space<vmem>>) semaphore(%arg11 : memref<!tpu.dma_semaphore, #tpu.memory_space<semaphore_mem>>)
    %dma_start3A_32 = arith.constant 1 : i32
    %dma_start3A_33 = arith.constant 0 : i32
    %dma_start3A_34 = tpu.memref_slice %arg6[%dma_start3A_32, %dma_start3A_33] : memref<40x128xi32, #tpu.memory_space<vmem>> -> memref<1x128xi32, #tpu.memory_space<vmem>>
    %dma_start3A_35 = tpu.memref_squeeze %dma_start3A_34 : memref<1x128xi32, #tpu.memory_space<vmem>> -> memref<128xi32, #tpu.memory_space<vmem>>
    %dma_start3A_36 = arith.constant 0 : i32
    %dma_start3A_37 = arith.constant 0 : i32
    %dma_start3A_38 = tpu.memref_slice %arg2[%dma_start3A_36, %dma_start3A_37] : memref<10000x128xf32, #tpu.memory_space<hbm>> -> memref<10000x128xf32, #tpu.memory_space<hbm>>
    tpu.enqueue_indirect_dma source(%dma_start3A_38 : memref<10000x128xf32, #tpu.memory_space<hbm>>) target(%arg9 : memref<128x128xf32, #tpu.memory_space<vmem>>) offsets(%dma_start3A_35 : memref<128xi32, #tpu.memory_space<vmem>>) semaphore(%arg12 : memref<!tpu.dma_semaphore, #tpu.memory_space<semaphore_mem>>)
    %scan3A_39 = arith.constant 0 : i32
    %scan3A_40 = arith.constant 19 : i32
    %scan3A_41 = arith.addi %scan3A_39, %scan3A_40 : i32
    %scan3A_42 = arith.constant 1 : i32
    scf.for %scan3A_187 = %scan3A_39 to %scan3A_41 step %scan3A_42  : i32 {
      %mul3A_188 = arith.constant 1 : i32
      %mul3A_189 = arith.muli %scan3A_187, %mul3A_188 : i32
      %add3A_190 = arith.constant 0 : i32
      %add3A_191 = arith.addi %add3A_190, %mul3A_189 : i32
      %dma_wait3A_192 = arith.constant 0 : i32
      %dma_wait3A_193 = arith.constant 0 : i32
      %dma_wait3A_194 = tpu.memref_slice %arg6[%dma_wait3A_192, %dma_wait3A_193] : memref<40x128xi32, #tpu.memory_space<vmem>> -> memref<1x128xi32, #tpu.memory_space<vmem>>
      %dma_wait3A_195 = tpu.memref_squeeze %dma_wait3A_194 : memref<1x128xi32, #tpu.memory_space<vmem>> -> memref<128xi32, #tpu.memory_space<vmem>>
      %dma_wait3A_196 = arith.constant 0 : i32
      %dma_wait3A_197 = arith.constant 0 : i32
      %dma_wait3A_198 = tpu.memref_slice %arg2[%dma_wait3A_196, %dma_wait3A_197] : memref<10000x128xf32, #tpu.memory_space<hbm>> -> memref<10000x128xf32, #tpu.memory_space<hbm>>
      tpu.wait_indirect_dma semaphore(%arg11 : memref<!tpu.dma_semaphore, #tpu.memory_space<semaphore_mem>>) src(%dma_wait3A_198 : memref<10000x128xf32, #tpu.memory_space<hbm>>) dst(%arg8 : memref<128x128xf32, #tpu.memory_space<vmem>>)
      %mul3A_199 = arith.constant 2 : i32
      %mul3A_200 = arith.muli %mul3A_199, %add3A_191 : i32
      %dma_start3A_201 = arith.constant 0 : i32
      %dma_start3A_202 = tpu.memref_slice %arg7[%mul3A_200, %dma_start3A_201] : memref<40x128xi32, #tpu.memory_space<vmem>> -> memref<1x128xi32, #tpu.memory_space<vmem>>
      %dma_start3A_203 = tpu.memref_squeeze %dma_start3A_202 : memref<1x128xi32, #tpu.memory_space<vmem>> -> memref<128xi32, #tpu.memory_space<vmem>>
      %dma_start3A_204 = arith.constant 0 : i32
      %dma_start3A_205 = arith.constant 0 : i32
      %dma_start3A_206 = tpu.memref_slice %arg10[%dma_start3A_204, %dma_start3A_205] : memref<10240x128xf32, #tpu.memory_space<vmem_shared>> -> memref<10240x128xf32, #tpu.memory_space<vmem_shared>>
      tpu.enqueue_indirect_dma source(%arg8 : memref<128x128xf32, #tpu.memory_space<vmem>>) target(%dma_start3A_206 : memref<10240x128xf32, #tpu.memory_space<vmem_shared>>) offsets(%dma_start3A_203 : memref<128xi32, #tpu.memory_space<vmem>>) semaphore(%arg13 : memref<!tpu.dma_semaphore, #tpu.memory_space<semaphore_mem>>) {add = true}
      %dma_wait3A_207 = arith.constant 0 : i32
      %dma_wait3A_208 = arith.constant 0 : i32
      %dma_wait3A_209 = tpu.memref_slice %arg6[%dma_wait3A_207, %dma_wait3A_208] : memref<40x128xi32, #tpu.memory_space<vmem>> -> memref<1x128xi32, #tpu.memory_space<vmem>>
      %dma_wait3A_210 = tpu.memref_squeeze %dma_wait3A_209 : memref<1x128xi32, #tpu.memory_space<vmem>> -> memref<128xi32, #tpu.memory_space<vmem>>
      %dma_wait3A_211 = arith.constant 0 : i32
      %dma_wait3A_212 = arith.constant 0 : i32
      %dma_wait3A_213 = tpu.memref_slice %arg2[%dma_wait3A_211, %dma_wait3A_212] : memref<10000x128xf32, #tpu.memory_space<hbm>> -> memref<10000x128xf32, #tpu.memory_space<hbm>>
      tpu.wait_indirect_dma semaphore(%arg12 : memref<!tpu.dma_semaphore, #tpu.memory_space<semaphore_mem>>) src(%dma_wait3A_213 : memref<10000x128xf32, #tpu.memory_space<hbm>>) dst(%arg9 : memref<128x128xf32, #tpu.memory_space<vmem>>)
      %mul3A_214 = arith.constant 2 : i32
      %mul3A_215 = arith.muli %mul3A_214, %add3A_191 : i32
      %add3A_216 = arith.constant 1 : i32
      %add3A_217 = arith.addi %mul3A_215, %add3A_216 : i32
      %dma_start3A_218 = arith.constant 0 : i32
      %dma_start3A_219 = tpu.memref_slice %arg7[%add3A_217, %dma_start3A_218] : memref<40x128xi32, #tpu.memory_space<vmem>> -> memref<1x128xi32, #tpu.memory_space<vmem>>
      %dma_start3A_220 = tpu.memref_squeeze %dma_start3A_219 : memref<1x128xi32, #tpu.memory_space<vmem>> -> memref<128xi32, #tpu.memory_space<vmem>>
      %dma_start3A_221 = arith.constant 0 : i32
      %dma_start3A_222 = arith.constant 0 : i32
      %dma_start3A_223 = tpu.memref_slice %arg10[%dma_start3A_221, %dma_start3A_222] : memref<10240x128xf32, #tpu.memory_space<vmem_shared>> -> memref<10240x128xf32, #tpu.memory_space<vmem_shared>>
      tpu.enqueue_indirect_dma source(%arg9 : memref<128x128xf32, #tpu.memory_space<vmem>>) target(%dma_start3A_223 : memref<10240x128xf32, #tpu.memory_space<vmem_shared>>) offsets(%dma_start3A_220 : memref<128xi32, #tpu.memory_space<vmem>>) semaphore(%arg14 : memref<!tpu.dma_semaphore, #tpu.memory_space<semaphore_mem>>) {add = true}
      %dma_wait3A_224 = arith.constant 0 : i32
      %dma_wait3A_225 = arith.constant 0 : i32
      %dma_wait3A_226 = tpu.memref_slice %arg6[%dma_wait3A_224, %dma_wait3A_225] : memref<40x128xi32, #tpu.memory_space<vmem>> -> memref<1x128xi32, #tpu.memory_space<vmem>>
      %dma_wait3A_227 = tpu.memref_squeeze %dma_wait3A_226 : memref<1x128xi32, #tpu.memory_space<vmem>> -> memref<128xi32, #tpu.memory_space<vmem>>
      %dma_wait3A_228 = arith.constant 0 : i32
      %dma_wait3A_229 = arith.constant 0 : i32
      %dma_wait3A_230 = tpu.memref_slice %arg2[%dma_wait3A_228, %dma_wait3A_229] : memref<10000x128xf32, #tpu.memory_space<hbm>> -> memref<10000x128xf32, #tpu.memory_space<hbm>>
      tpu.wait_indirect_dma semaphore(%arg13 : memref<!tpu.dma_semaphore, #tpu.memory_space<semaphore_mem>>) src(%dma_wait3A_230 : memref<10000x128xf32, #tpu.memory_space<hbm>>) dst(%arg8 : memref<128x128xf32, #tpu.memory_space<vmem>>)
      %mul3A_231 = arith.constant 2 : i32
      %mul3A_232 = arith.muli %mul3A_231, %add3A_191 : i32
      %add3A_233 = arith.constant 2 : i32
      %add3A_234 = arith.addi %mul3A_232, %add3A_233 : i32
      %dma_start3A_235 = arith.constant 0 : i32
      %dma_start3A_236 = tpu.memref_slice %arg6[%add3A_234, %dma_start3A_235] : memref<40x128xi32, #tpu.memory_space<vmem>> -> memref<1x128xi32, #tpu.memory_space<vmem>>
      %dma_start3A_237 = tpu.memref_squeeze %dma_start3A_236 : memref<1x128xi32, #tpu.memory_space<vmem>> -> memref<128xi32, #tpu.memory_space<vmem>>
      %dma_start3A_238 = arith.constant 0 : i32
      %dma_start3A_239 = arith.constant 0 : i32
      %dma_start3A_240 = tpu.memref_slice %arg2[%dma_start3A_238, %dma_start3A_239] : memref<10000x128xf32, #tpu.memory_space<hbm>> -> memref<10000x128xf32, #tpu.memory_space<hbm>>
      tpu.enqueue_indirect_dma source(%dma_start3A_240 : memref<10000x128xf32, #tpu.memory_space<hbm>>) target(%arg8 : memref<128x128xf32, #tpu.memory_space<vmem>>) offsets(%dma_start3A_237 : memref<128xi32, #tpu.memory_space<vmem>>) semaphore(%arg11 : memref<!tpu.dma_semaphore, #tpu.memory_space<semaphore_mem>>)
      %dma_wait3A_241 = arith.constant 0 : i32
      %dma_wait3A_242 = arith.constant 0 : i32
      %dma_wait3A_243 = tpu.memref_slice %arg6[%dma_wait3A_241, %dma_wait3A_242] : memref<40x128xi32, #tpu.memory_space<vmem>> -> memref<1x128xi32, #tpu.memory_space<vmem>>
      %dma_wait3A_244 = tpu.memref_squeeze %dma_wait3A_243 : memref<1x128xi32, #tpu.memory_space<vmem>> -> memref<128xi32, #tpu.memory_space<vmem>>
      %dma_wait3A_245 = arith.constant 0 : i32
      %dma_wait3A_246 = arith.constant 0 : i32
      %dma_wait3A_247 = tpu.memref_slice %arg2[%dma_wait3A_245, %dma_wait3A_246] : memref<10000x128xf32, #tpu.memory_space<hbm>> -> memref<10000x128xf32, #tpu.memory_space<hbm>>
      tpu.wait_indirect_dma semaphore(%arg14 : memref<!tpu.dma_semaphore, #tpu.memory_space<semaphore_mem>>) src(%dma_wait3A_247 : memref<10000x128xf32, #tpu.memory_space<hbm>>) dst(%arg9 : memref<128x128xf32, #tpu.memory_space<vmem>>)
      %mul3A_248 = arith.constant 2 : i32
      %mul3A_249 = arith.muli %mul3A_248, %add3A_191 : i32
      %add3A_250 = arith.constant 3 : i32
      %add3A_251 = arith.addi %mul3A_249, %add3A_250 : i32
      %dma_start3A_252 = arith.constant 0 : i32
      %dma_start3A_253 = tpu.memref_slice %arg6[%add3A_251, %dma_start3A_252] : memref<40x128xi32, #tpu.memory_space<vmem>> -> memref<1x128xi32, #tpu.memory_space<vmem>>
      %dma_start3A_254 = tpu.memref_squeeze %dma_start3A_253 : memref<1x128xi32, #tpu.memory_space<vmem>> -> memref<128xi32, #tpu.memory_space<vmem>>
      %dma_start3A_255 = arith.constant 0 : i32
      %dma_start3A_256 = arith.constant 0 : i32
      %dma_start3A_257 = tpu.memref_slice %arg2[%dma_start3A_255, %dma_start3A_256] : memref<10000x128xf32, #tpu.memory_space<hbm>> -> memref<10000x128xf32, #tpu.memory_space<hbm>>
      tpu.enqueue_indirect_dma source(%dma_start3A_257 : memref<10000x128xf32, #tpu.memory_space<hbm>>) target(%arg9 : memref<128x128xf32, #tpu.memory_space<vmem>>) offsets(%dma_start3A_254 : memref<128xi32, #tpu.memory_space<vmem>>) semaphore(%arg12 : memref<!tpu.dma_semaphore, #tpu.memory_space<semaphore_mem>>)
    }
    %scan3A_43 = arith.constant 19 : i32
    %dma_wait3A = arith.constant 0 : i32
    %dma_wait3A_44 = arith.constant 0 : i32
    %dma_wait3A_45 = tpu.memref_slice %arg6[%dma_wait3A, %dma_wait3A_44] : memref<40x128xi32, #tpu.memory_space<vmem>> -> memref<1x128xi32, #tpu.memory_space<vmem>>
    %dma_wait3A_46 = tpu.memref_squeeze %dma_wait3A_45 : memref<1x128xi32, #tpu.memory_space<vmem>> -> memref<128xi32, #tpu.memory_space<vmem>>
    %dma_wait3A_47 = arith.constant 0 : i32
    %dma_wait3A_48 = arith.constant 0 : i32
    %dma_wait3A_49 = tpu.memref_slice %arg2[%dma_wait3A_47, %dma_wait3A_48] : memref<10000x128xf32, #tpu.memory_space<hbm>> -> memref<10000x128xf32, #tpu.memory_space<hbm>>
    tpu.wait_indirect_dma semaphore(%arg11 : memref<!tpu.dma_semaphore, #tpu.memory_space<semaphore_mem>>) src(%dma_wait3A_49 : memref<10000x128xf32, #tpu.memory_space<hbm>>) dst(%arg8 : memref<128x128xf32, #tpu.memory_space<vmem>>)
    %dma_start3A_50 = arith.constant 38 : i32
    %dma_start3A_51 = arith.constant 0 : i32
    %dma_start3A_52 = tpu.memref_slice %arg7[%dma_start3A_50, %dma_start3A_51] : memref<40x128xi32, #tpu.memory_space<vmem>> -> memref<1x128xi32, #tpu.memory_space<vmem>>
    %dma_start3A_53 = tpu.memref_squeeze %dma_start3A_52 : memref<1x128xi32, #tpu.memory_space<vmem>> -> memref<128xi32, #tpu.memory_space<vmem>>
    %dma_start3A_54 = arith.constant 0 : i32
    %dma_start3A_55 = arith.constant 0 : i32
    %dma_start3A_56 = tpu.memref_slice %arg10[%dma_start3A_54, %dma_start3A_55] : memref<10240x128xf32, #tpu.memory_space<vmem_shared>> -> memref<10240x128xf32, #tpu.memory_space<vmem_shared>>
    tpu.enqueue_indirect_dma source(%arg8 : memref<128x128xf32, #tpu.memory_space<vmem>>) target(%dma_start3A_56 : memref<10240x128xf32, #tpu.memory_space<vmem_shared>>) offsets(%dma_start3A_53 : memref<128xi32, #tpu.memory_space<vmem>>) semaphore(%arg13 : memref<!tpu.dma_semaphore, #tpu.memory_space<semaphore_mem>>) {add = true}
    %dma_wait3A_57 = arith.constant 0 : i32
    %dma_wait3A_58 = arith.constant 0 : i32
    %dma_wait3A_59 = tpu.memref_slice %arg6[%dma_wait3A_57, %dma_wait3A_58] : memref<40x128xi32, #tpu.memory_space<vmem>> -> memref<1x128xi32, #tpu.memory_space<vmem>>
    %dma_wait3A_60 = tpu.memref_squeeze %dma_wait3A_59 : memref<1x128xi32, #tpu.memory_space<vmem>> -> memref<128xi32, #tpu.memory_space<vmem>>
    %dma_wait3A_61 = arith.constant 0 : i32
    %dma_wait3A_62 = arith.constant 0 : i32
    %dma_wait3A_63 = tpu.memref_slice %arg2[%dma_wait3A_61, %dma_wait3A_62] : memref<10000x128xf32, #tpu.memory_space<hbm>> -> memref<10000x128xf32, #tpu.memory_space<hbm>>
    tpu.wait_indirect_dma semaphore(%arg12 : memref<!tpu.dma_semaphore, #tpu.memory_space<semaphore_mem>>) src(%dma_wait3A_63 : memref<10000x128xf32, #tpu.memory_space<hbm>>) dst(%arg9 : memref<128x128xf32, #tpu.memory_space<vmem>>)
    %dma_start3A_64 = arith.constant 39 : i32
    %dma_start3A_65 = arith.constant 0 : i32
    %dma_start3A_66 = tpu.memref_slice %arg7[%dma_start3A_64, %dma_start3A_65] : memref<40x128xi32, #tpu.memory_space<vmem>> -> memref<1x128xi32, #tpu.memory_space<vmem>>
    %dma_start3A_67 = tpu.memref_squeeze %dma_start3A_66 : memref<1x128xi32, #tpu.memory_space<vmem>> -> memref<128xi32, #tpu.memory_space<vmem>>
    %dma_start3A_68 = arith.constant 0 : i32
    %dma_start3A_69 = arith.constant 0 : i32
    %dma_start3A_70 = tpu.memref_slice %arg10[%dma_start3A_68, %dma_start3A_69] : memref<10240x128xf32, #tpu.memory_space<vmem_shared>> -> memref<10240x128xf32, #tpu.memory_space<vmem_shared>>
    tpu.enqueue_indirect_dma source(%arg9 : memref<128x128xf32, #tpu.memory_space<vmem>>) target(%dma_start3A_70 : memref<10240x128xf32, #tpu.memory_space<vmem_shared>>) offsets(%dma_start3A_67 : memref<128xi32, #tpu.memory_space<vmem>>) semaphore(%arg14 : memref<!tpu.dma_semaphore, #tpu.memory_space<semaphore_mem>>) {add = true}
    %dma_wait3A_71 = arith.constant 0 : i32
    %dma_wait3A_72 = arith.constant 0 : i32
    %dma_wait3A_73 = tpu.memref_slice %arg6[%dma_wait3A_71, %dma_wait3A_72] : memref<40x128xi32, #tpu.memory_space<vmem>> -> memref<1x128xi32, #tpu.memory_space<vmem>>
    %dma_wait3A_74 = tpu.memref_squeeze %dma_wait3A_73 : memref<1x128xi32, #tpu.memory_space<vmem>> -> memref<128xi32, #tpu.memory_space<vmem>>
    %dma_wait3A_75 = arith.constant 0 : i32
    %dma_wait3A_76 = arith.constant 0 : i32
    %dma_wait3A_77 = tpu.memref_slice %arg2[%dma_wait3A_75, %dma_wait3A_76] : memref<10000x128xf32, #tpu.memory_space<hbm>> -> memref<10000x128xf32, #tpu.memory_space<hbm>>
    tpu.wait_indirect_dma semaphore(%arg13 : memref<!tpu.dma_semaphore, #tpu.memory_space<semaphore_mem>>) src(%dma_wait3A_77 : memref<10000x128xf32, #tpu.memory_space<hbm>>) dst(%arg8 : memref<128x128xf32, #tpu.memory_space<vmem>>)
    %dma_wait3A_78 = arith.constant 0 : i32
    %dma_wait3A_79 = arith.constant 0 : i32
    %dma_wait3A_80 = tpu.memref_slice %arg6[%dma_wait3A_78, %dma_wait3A_79] : memref<40x128xi32, #tpu.memory_space<vmem>> -> memref<1x128xi32, #tpu.memory_space<vmem>>
    %dma_wait3A_81 = tpu.memref_squeeze %dma_wait3A_80 : memref<1x128xi32, #tpu.memory_space<vmem>> -> memref<128xi32, #tpu.memory_space<vmem>>
    %dma_wait3A_82 = arith.constant 0 : i32
    %dma_wait3A_83 = arith.constant 0 : i32
    %dma_wait3A_84 = tpu.memref_slice %arg2[%dma_wait3A_82, %dma_wait3A_83] : memref<10000x128xf32, #tpu.memory_space<hbm>> -> memref<10000x128xf32, #tpu.memory_space<hbm>>
    tpu.wait_indirect_dma semaphore(%arg14 : memref<!tpu.dma_semaphore, #tpu.memory_space<semaphore_mem>>) src(%dma_wait3A_84 : memref<10000x128xf32, #tpu.memory_space<hbm>>) dst(%arg9 : memref<128x128xf32, #tpu.memory_space<vmem>>)
    "tpu.region"() ({
      %run_scoped3A = tpu.sem_alloc : memref<!tpu.dma_semaphore, #tpu.memory_space<semaphore_mem>>
      %dma_start3A_187 = arith.constant 40 : i32
      %dma_start3A_188 = arith.constant 0 : i32
      %dma_start3A_189 = tpu.memref_slice %arg3[%add3A, %dma_start3A_187, %dma_start3A_188] : memref<32x80x128xi32, #tpu.memory_space<hbm>> -> memref<1x40x128xi32, #tpu.memory_space<hbm>>
      %dma_start3A_190 = tpu.memref_squeeze %dma_start3A_189 : memref<1x40x128xi32, #tpu.memory_space<hbm>> -> memref<40x128xi32, #tpu.memory_space<hbm>>
      %dma_start3A_191 = arith.constant 40 : i32
      %dma_start3A_192 = arith.constant 0 : i32
      %dma_start3A_193 = tpu.memref_slice %arg3[%add3A, %dma_start3A_191, %dma_start3A_192] : memref<32x80x128xi32, #tpu.memory_space<hbm>> -> memref<1x40x128xi32, #tpu.memory_space<hbm>>
      %dma_start3A_194 = tpu.memref_squeeze %dma_start3A_193 : memref<1x40x128xi32, #tpu.memory_space<hbm>> -> memref<40x128xi32, #tpu.memory_space<hbm>>
      tpu.enqueue_dma source(%dma_start3A_194 : memref<40x128xi32, #tpu.memory_space<hbm>>) target(%arg6 : memref<40x128xi32, #tpu.memory_space<vmem>>) target_semaphore(%run_scoped3A : memref<!tpu.dma_semaphore, #tpu.memory_space<semaphore_mem>>)
      %dma_wait3A_195 = arith.constant 40 : i32
      %dma_wait3A_196 = arith.constant 0 : i32
      %dma_wait3A_197 = tpu.memref_slice %arg3[%add3A, %dma_wait3A_195, %dma_wait3A_196] : memref<32x80x128xi32, #tpu.memory_space<hbm>> -> memref<1x40x128xi32, #tpu.memory_space<hbm>>
      %dma_wait3A_198 = tpu.memref_squeeze %dma_wait3A_197 : memref<1x40x128xi32, #tpu.memory_space<hbm>> -> memref<40x128xi32, #tpu.memory_space<hbm>>
      %dma_wait3A_199 = arith.constant 40 : i32
      %dma_wait3A_200 = arith.constant 0 : i32
      %dma_wait3A_201 = tpu.memref_slice %arg3[%add3A, %dma_wait3A_199, %dma_wait3A_200] : memref<32x80x128xi32, #tpu.memory_space<hbm>> -> memref<1x40x128xi32, #tpu.memory_space<hbm>>
      %dma_wait3A_202 = tpu.memref_squeeze %dma_wait3A_201 : memref<1x40x128xi32, #tpu.memory_space<hbm>> -> memref<40x128xi32, #tpu.memory_space<hbm>>
      tpu.wait_dma2 semaphore(%run_scoped3A : memref<!tpu.dma_semaphore, #tpu.memory_space<semaphore_mem>>) src(%dma_wait3A_202 : memref<40x128xi32, #tpu.memory_space<hbm>>) dst(%arg6 : memref<40x128xi32, #tpu.memory_space<vmem>>)
      tpu.yield
    }) : () -> ()
    "tpu.region"() ({
      %run_scoped3A = tpu.sem_alloc : memref<!tpu.dma_semaphore, #tpu.memory_space<semaphore_mem>>
      %dma_start3A_187 = arith.constant 40 : i32
      %dma_start3A_188 = arith.constant 0 : i32
      %dma_start3A_189 = tpu.memref_slice %arg4[%add3A, %dma_start3A_187, %dma_start3A_188] : memref<32x80x128xi32, #tpu.memory_space<hbm>> -> memref<1x40x128xi32, #tpu.memory_space<hbm>>
      %dma_start3A_190 = tpu.memref_squeeze %dma_start3A_189 : memref<1x40x128xi32, #tpu.memory_space<hbm>> -> memref<40x128xi32, #tpu.memory_space<hbm>>
      %dma_start3A_191 = arith.constant 40 : i32
      %dma_start3A_192 = arith.constant 0 : i32
      %dma_start3A_193 = tpu.memref_slice %arg4[%add3A, %dma_start3A_191, %dma_start3A_192] : memref<32x80x128xi32, #tpu.memory_space<hbm>> -> memref<1x40x128xi32, #tpu.memory_space<hbm>>
      %dma_start3A_194 = tpu.memref_squeeze %dma_start3A_193 : memref<1x40x128xi32, #tpu.memory_space<hbm>> -> memref<40x128xi32, #tpu.memory_space<hbm>>
      tpu.enqueue_dma source(%dma_start3A_194 : memref<40x128xi32, #tpu.memory_space<hbm>>) target(%arg7 : memref<40x128xi32, #tpu.memory_space<vmem>>) target_semaphore(%run_scoped3A : memref<!tpu.dma_semaphore, #tpu.memory_space<semaphore_mem>>)
      %dma_wait3A_195 = arith.constant 40 : i32
      %dma_wait3A_196 = arith.constant 0 : i32
      %dma_wait3A_197 = tpu.memref_slice %arg4[%add3A, %dma_wait3A_195, %dma_wait3A_196] : memref<32x80x128xi32, #tpu.memory_space<hbm>> -> memref<1x40x128xi32, #tpu.memory_space<hbm>>
      %dma_wait3A_198 = tpu.memref_squeeze %dma_wait3A_197 : memref<1x40x128xi32, #tpu.memory_space<hbm>> -> memref<40x128xi32, #tpu.memory_space<hbm>>
      %dma_wait3A_199 = arith.constant 40 : i32
      %dma_wait3A_200 = arith.constant 0 : i32
      %dma_wait3A_201 = tpu.memref_slice %arg4[%add3A, %dma_wait3A_199, %dma_wait3A_200] : memref<32x80x128xi32, #tpu.memory_space<hbm>> -> memref<1x40x128xi32, #tpu.memory_space<hbm>>
      %dma_wait3A_202 = tpu.memref_squeeze %dma_wait3A_201 : memref<1x40x128xi32, #tpu.memory_space<hbm>> -> memref<40x128xi32, #tpu.memory_space<hbm>>
      tpu.wait_dma2 semaphore(%run_scoped3A : memref<!tpu.dma_semaphore, #tpu.memory_space<semaphore_mem>>) src(%dma_wait3A_202 : memref<40x128xi32, #tpu.memory_space<hbm>>) dst(%arg7 : memref<40x128xi32, #tpu.memory_space<vmem>>)
      tpu.yield
    }) : () -> ()
    %dma_start3A_85 = arith.constant 0 : i32
    %dma_start3A_86 = arith.constant 0 : i32
    %dma_start3A_87 = tpu.memref_slice %arg6[%dma_start3A_85, %dma_start3A_86] : memref<40x128xi32, #tpu.memory_space<vmem>> -> memref<1x128xi32, #tpu.memory_space<vmem>>
    %dma_start3A_88 = tpu.memref_squeeze %dma_start3A_87 : memref<1x128xi32, #tpu.memory_space<vmem>> -> memref<128xi32, #tpu.memory_space<vmem>>
    %dma_start3A_89 = arith.constant 0 : i32
    %dma_start3A_90 = arith.constant 0 : i32
    %dma_start3A_91 = tpu.memref_slice %arg2[%dma_start3A_89, %dma_start3A_90] : memref<10000x128xf32, #tpu.memory_space<hbm>> -> memref<10000x128xf32, #tpu.memory_space<hbm>>
    tpu.enqueue_indirect_dma source(%dma_start3A_91 : memref<10000x128xf32, #tpu.memory_space<hbm>>) target(%arg8 : memref<128x128xf32, #tpu.memory_space<vmem>>) offsets(%dma_start3A_88 : memref<128xi32, #tpu.memory_space<vmem>>) semaphore(%arg11 : memref<!tpu.dma_semaphore, #tpu.memory_space<semaphore_mem>>)
    %dma_start3A_92 = arith.constant 1 : i32
    %dma_start3A_93 = arith.constant 0 : i32
    %dma_start3A_94 = tpu.memref_slice %arg6[%dma_start3A_92, %dma_start3A_93] : memref<40x128xi32, #tpu.memory_space<vmem>> -> memref<1x128xi32, #tpu.memory_space<vmem>>
    %dma_start3A_95 = tpu.memref_squeeze %dma_start3A_94 : memref<1x128xi32, #tpu.memory_space<vmem>> -> memref<128xi32, #tpu.memory_space<vmem>>
    %dma_start3A_96 = arith.constant 0 : i32
    %dma_start3A_97 = arith.constant 0 : i32
    %dma_start3A_98 = tpu.memref_slice %arg2[%dma_start3A_96, %dma_start3A_97] : memref<10000x128xf32, #tpu.memory_space<hbm>> -> memref<10000x128xf32, #tpu.memory_space<hbm>>
    tpu.enqueue_indirect_dma source(%dma_start3A_98 : memref<10000x128xf32, #tpu.memory_space<hbm>>) target(%arg9 : memref<128x128xf32, #tpu.memory_space<vmem>>) offsets(%dma_start3A_95 : memref<128xi32, #tpu.memory_space<vmem>>) semaphore(%arg12 : memref<!tpu.dma_semaphore, #tpu.memory_space<semaphore_mem>>)
    %scan3A_99 = arith.constant 0 : i32
    %scan3A_100 = arith.constant 19 : i32
    %scan3A_101 = arith.addi %scan3A_99, %scan3A_100 : i32
    %scan3A_102 = arith.constant 1 : i32
    scf.for %scan3A_187 = %scan3A_99 to %scan3A_101 step %scan3A_102  : i32 {
      %mul3A_188 = arith.constant 1 : i32
      %mul3A_189 = arith.muli %scan3A_187, %mul3A_188 : i32
      %add3A_190 = arith.constant 0 : i32
      %add3A_191 = arith.addi %add3A_190, %mul3A_189 : i32
      %dma_wait3A_192 = arith.constant 0 : i32
      %dma_wait3A_193 = arith.constant 0 : i32
      %dma_wait3A_194 = tpu.memref_slice %arg6[%dma_wait3A_192, %dma_wait3A_193] : memref<40x128xi32, #tpu.memory_space<vmem>> -> memref<1x128xi32, #tpu.memory_space<vmem>>
      %dma_wait3A_195 = tpu.memref_squeeze %dma_wait3A_194 : memref<1x128xi32, #tpu.memory_space<vmem>> -> memref<128xi32, #tpu.memory_space<vmem>>
      %dma_wait3A_196 = arith.constant 0 : i32
      %dma_wait3A_197 = arith.constant 0 : i32
      %dma_wait3A_198 = tpu.memref_slice %arg2[%dma_wait3A_196, %dma_wait3A_197] : memref<10000x128xf32, #tpu.memory_space<hbm>> -> memref<10000x128xf32, #tpu.memory_space<hbm>>
      tpu.wait_indirect_dma semaphore(%arg11 : memref<!tpu.dma_semaphore, #tpu.memory_space<semaphore_mem>>) src(%dma_wait3A_198 : memref<10000x128xf32, #tpu.memory_space<hbm>>) dst(%arg8 : memref<128x128xf32, #tpu.memory_space<vmem>>)
      %mul3A_199 = arith.constant 2 : i32
      %mul3A_200 = arith.muli %mul3A_199, %add3A_191 : i32
      %dma_start3A_201 = arith.constant 0 : i32
      %dma_start3A_202 = tpu.memref_slice %arg7[%mul3A_200, %dma_start3A_201] : memref<40x128xi32, #tpu.memory_space<vmem>> -> memref<1x128xi32, #tpu.memory_space<vmem>>
      %dma_start3A_203 = tpu.memref_squeeze %dma_start3A_202 : memref<1x128xi32, #tpu.memory_space<vmem>> -> memref<128xi32, #tpu.memory_space<vmem>>
      %dma_start3A_204 = arith.constant 0 : i32
      %dma_start3A_205 = arith.constant 0 : i32
      %dma_start3A_206 = tpu.memref_slice %arg10[%dma_start3A_204, %dma_start3A_205] : memref<10240x128xf32, #tpu.memory_space<vmem_shared>> -> memref<10240x128xf32, #tpu.memory_space<vmem_shared>>
      tpu.enqueue_indirect_dma source(%arg8 : memref<128x128xf32, #tpu.memory_space<vmem>>) target(%dma_start3A_206 : memref<10240x128xf32, #tpu.memory_space<vmem_shared>>) offsets(%dma_start3A_203 : memref<128xi32, #tpu.memory_space<vmem>>) semaphore(%arg13 : memref<!tpu.dma_semaphore, #tpu.memory_space<semaphore_mem>>) {add = true}
      %dma_wait3A_207 = arith.constant 0 : i32
      %dma_wait3A_208 = arith.constant 0 : i32
      %dma_wait3A_209 = tpu.memref_slice %arg6[%dma_wait3A_207, %dma_wait3A_208] : memref<40x128xi32, #tpu.memory_space<vmem>> -> memref<1x128xi32, #tpu.memory_space<vmem>>
      %dma_wait3A_210 = tpu.memref_squeeze %dma_wait3A_209 : memref<1x128xi32, #tpu.memory_space<vmem>> -> memref<128xi32, #tpu.memory_space<vmem>>
      %dma_wait3A_211 = arith.constant 0 : i32
      %dma_wait3A_212 = arith.constant 0 : i32
      %dma_wait3A_213 = tpu.memref_slice %arg2[%dma_wait3A_211, %dma_wait3A_212] : memref<10000x128xf32, #tpu.memory_space<hbm>> -> memref<10000x128xf32, #tpu.memory_space<hbm>>
      tpu.wait_indirect_dma semaphore(%arg12 : memref<!tpu.dma_semaphore, #tpu.memory_space<semaphore_mem>>) src(%dma_wait3A_213 : memref<10000x128xf32, #tpu.memory_space<hbm>>) dst(%arg9 : memref<128x128xf32, #tpu.memory_space<vmem>>)
      %mul3A_214 = arith.constant 2 : i32
      %mul3A_215 = arith.muli %mul3A_214, %add3A_191 : i32
      %add3A_216 = arith.constant 1 : i32
      %add3A_217 = arith.addi %mul3A_215, %add3A_216 : i32
      %dma_start3A_218 = arith.constant 0 : i32
      %dma_start3A_219 = tpu.memref_slice %arg7[%add3A_217, %dma_start3A_218] : memref<40x128xi32, #tpu.memory_space<vmem>> -> memref<1x128xi32, #tpu.memory_space<vmem>>
      %dma_start3A_220 = tpu.memref_squeeze %dma_start3A_219 : memref<1x128xi32, #tpu.memory_space<vmem>> -> memref<128xi32, #tpu.memory_space<vmem>>
      %dma_start3A_221 = arith.constant 0 : i32
      %dma_start3A_222 = arith.constant 0 : i32
      %dma_start3A_223 = tpu.memref_slice %arg10[%dma_start3A_221, %dma_start3A_222] : memref<10240x128xf32, #tpu.memory_space<vmem_shared>> -> memref<10240x128xf32, #tpu.memory_space<vmem_shared>>
      tpu.enqueue_indirect_dma source(%arg9 : memref<128x128xf32, #tpu.memory_space<vmem>>) target(%dma_start3A_223 : memref<10240x128xf32, #tpu.memory_space<vmem_shared>>) offsets(%dma_start3A_220 : memref<128xi32, #tpu.memory_space<vmem>>) semaphore(%arg14 : memref<!tpu.dma_semaphore, #tpu.memory_space<semaphore_mem>>) {add = true}
      %dma_wait3A_224 = arith.constant 0 : i32
      %dma_wait3A_225 = arith.constant 0 : i32
      %dma_wait3A_226 = tpu.memref_slice %arg6[%dma_wait3A_224, %dma_wait3A_225] : memref<40x128xi32, #tpu.memory_space<vmem>> -> memref<1x128xi32, #tpu.memory_space<vmem>>
      %dma_wait3A_227 = tpu.memref_squeeze %dma_wait3A_226 : memref<1x128xi32, #tpu.memory_space<vmem>> -> memref<128xi32, #tpu.memory_space<vmem>>
      %dma_wait3A_228 = arith.constant 0 : i32
      %dma_wait3A_229 = arith.constant 0 : i32
      %dma_wait3A_230 = tpu.memref_slice %arg2[%dma_wait3A_228, %dma_wait3A_229] : memref<10000x128xf32, #tpu.memory_space<hbm>> -> memref<10000x128xf32, #tpu.memory_space<hbm>>
      tpu.wait_indirect_dma semaphore(%arg13 : memref<!tpu.dma_semaphore, #tpu.memory_space<semaphore_mem>>) src(%dma_wait3A_230 : memref<10000x128xf32, #tpu.memory_space<hbm>>) dst(%arg8 : memref<128x128xf32, #tpu.memory_space<vmem>>)
      %mul3A_231 = arith.constant 2 : i32
      %mul3A_232 = arith.muli %mul3A_231, %add3A_191 : i32
      %add3A_233 = arith.constant 2 : i32
      %add3A_234 = arith.addi %mul3A_232, %add3A_233 : i32
      %dma_start3A_235 = arith.constant 0 : i32
      %dma_start3A_236 = tpu.memref_slice %arg6[%add3A_234, %dma_start3A_235] : memref<40x128xi32, #tpu.memory_space<vmem>> -> memref<1x128xi32, #tpu.memory_space<vmem>>
      %dma_start3A_237 = tpu.memref_squeeze %dma_start3A_236 : memref<1x128xi32, #tpu.memory_space<vmem>> -> memref<128xi32, #tpu.memory_space<vmem>>
      %dma_start3A_238 = arith.constant 0 : i32
      %dma_start3A_239 = arith.constant 0 : i32
      %dma_start3A_240 = tpu.memref_slice %arg2[%dma_start3A_238, %dma_start3A_239] : memref<10000x128xf32, #tpu.memory_space<hbm>> -> memref<10000x128xf32, #tpu.memory_space<hbm>>
      tpu.enqueue_indirect_dma source(%dma_start3A_240 : memref<10000x128xf32, #tpu.memory_space<hbm>>) target(%arg8 : memref<128x128xf32, #tpu.memory_space<vmem>>) offsets(%dma_start3A_237 : memref<128xi32, #tpu.memory_space<vmem>>) semaphore(%arg11 : memref<!tpu.dma_semaphore, #tpu.memory_space<semaphore_mem>>)
      %dma_wait3A_241 = arith.constant 0 : i32
      %dma_wait3A_242 = arith.constant 0 : i32
      %dma_wait3A_243 = tpu.memref_slice %arg6[%dma_wait3A_241, %dma_wait3A_242] : memref<40x128xi32, #tpu.memory_space<vmem>> -> memref<1x128xi32, #tpu.memory_space<vmem>>
      %dma_wait3A_244 = tpu.memref_squeeze %dma_wait3A_243 : memref<1x128xi32, #tpu.memory_space<vmem>> -> memref<128xi32, #tpu.memory_space<vmem>>
      %dma_wait3A_245 = arith.constant 0 : i32
      %dma_wait3A_246 = arith.constant 0 : i32
      %dma_wait3A_247 = tpu.memref_slice %arg2[%dma_wait3A_245, %dma_wait3A_246] : memref<10000x128xf32, #tpu.memory_space<hbm>> -> memref<10000x128xf32, #tpu.memory_space<hbm>>
      tpu.wait_indirect_dma semaphore(%arg14 : memref<!tpu.dma_semaphore, #tpu.memory_space<semaphore_mem>>) src(%dma_wait3A_247 : memref<10000x128xf32, #tpu.memory_space<hbm>>) dst(%arg9 : memref<128x128xf32, #tpu.memory_space<vmem>>)
      %mul3A_248 = arith.constant 2 : i32
      %mul3A_249 = arith.muli %mul3A_248, %add3A_191 : i32
      %add3A_250 = arith.constant 3 : i32
      %add3A_251 = arith.addi %mul3A_249, %add3A_250 : i32
      %dma_start3A_252 = arith.constant 0 : i32
      %dma_start3A_253 = tpu.memref_slice %arg6[%add3A_251, %dma_start3A_252] : memref<40x128xi32, #tpu.memory_space<vmem>> -> memref<1x128xi32, #tpu.memory_space<vmem>>
      %dma_start3A_254 = tpu.memref_squeeze %dma_start3A_253 : memref<1x128xi32, #tpu.memory_space<vmem>> -> memref<128xi32, #tpu.memory_space<vmem>>
      %dma_start3A_255 = arith.constant 0 : i32
      %dma_start3A_256 = arith.constant 0 : i32
      %dma_start3A_257 = tpu.memref_slice %arg2[%dma_start3A_255, %dma_start3A_256] : memref<10000x128xf32, #tpu.memory_space<hbm>> -> memref<10000x128xf32, #tpu.memory_space<hbm>>
      tpu.enqueue_indirect_dma source(%dma_start3A_257 : memref<10000x128xf32, #tpu.memory_space<hbm>>) target(%arg9 : memref<128x128xf32, #tpu.memory_space<vmem>>) offsets(%dma_start3A_254 : memref<128xi32, #tpu.memory_space<vmem>>) semaphore(%arg12 : memref<!tpu.dma_semaphore, #tpu.memory_space<semaphore_mem>>)
    }
    %scan3A_103 = arith.constant 19 : i32
    %dma_wait3A_104 = arith.constant 0 : i32
    %dma_wait3A_105 = arith.constant 0 : i32
    %dma_wait3A_106 = tpu.memref_slice %arg6[%dma_wait3A_104, %dma_wait3A_105] : memref<40x128xi32, #tpu.memory_space<vmem>> -> memref<1x128xi32, #tpu.memory_space<vmem>>
    %dma_wait3A_107 = tpu.memref_squeeze %dma_wait3A_106 : memref<1x128xi32, #tpu.memory_space<vmem>> -> memref<128xi32, #tpu.memory_space<vmem>>
    %dma_wait3A_108 = arith.constant 0 : i32
    %dma_wait3A_109 = arith.constant 0 : i32
    %dma_wait3A_110 = tpu.memref_slice %arg2[%dma_wait3A_108, %dma_wait3A_109] : memref<10000x128xf32, #tpu.memory_space<hbm>> -> memref<10000x128xf32, #tpu.memory_space<hbm>>
    tpu.wait_indirect_dma semaphore(%arg11 : memref<!tpu.dma_semaphore, #tpu.memory_space<semaphore_mem>>) src(%dma_wait3A_110 : memref<10000x128xf32, #tpu.memory_space<hbm>>) dst(%arg8 : memref<128x128xf32, #tpu.memory_space<vmem>>)
    %dma_start3A_111 = arith.constant 38 : i32
    %dma_start3A_112 = arith.constant 0 : i32
    %dma_start3A_113 = tpu.memref_slice %arg7[%dma_start3A_111, %dma_start3A_112] : memref<40x128xi32, #tpu.memory_space<vmem>> -> memref<1x128xi32, #tpu.memory_space<vmem>>
    %dma_start3A_114 = tpu.memref_squeeze %dma_start3A_113 : memref<1x128xi32, #tpu.memory_space<vmem>> -> memref<128xi32, #tpu.memory_space<vmem>>
    %dma_start3A_115 = arith.constant 0 : i32
    %dma_start3A_116 = arith.constant 0 : i32
    %dma_start3A_117 = tpu.memref_slice %arg10[%dma_start3A_115, %dma_start3A_116] : memref<10240x128xf32, #tpu.memory_space<vmem_shared>> -> memref<10240x128xf32, #tpu.memory_space<vmem_shared>>
    tpu.enqueue_indirect_dma source(%arg8 : memref<128x128xf32, #tpu.memory_space<vmem>>) target(%dma_start3A_117 : memref<10240x128xf32, #tpu.memory_space<vmem_shared>>) offsets(%dma_start3A_114 : memref<128xi32, #tpu.memory_space<vmem>>) semaphore(%arg13 : memref<!tpu.dma_semaphore, #tpu.memory_space<semaphore_mem>>) {add = true}
    %dma_wait3A_118 = arith.constant 0 : i32
    %dma_wait3A_119 = arith.constant 0 : i32
    %dma_wait3A_120 = tpu.memref_slice %arg6[%dma_wait3A_118, %dma_wait3A_119] : memref<40x128xi32, #tpu.memory_space<vmem>> -> memref<1x128xi32, #tpu.memory_space<vmem>>
    %dma_wait3A_121 = tpu.memref_squeeze %dma_wait3A_120 : memref<1x128xi32, #tpu.memory_space<vmem>> -> memref<128xi32, #tpu.memory_space<vmem>>
    %dma_wait3A_122 = arith.constant 0 : i32
    %dma_wait3A_123 = arith.constant 0 : i32
    %dma_wait3A_124 = tpu.memref_slice %arg2[%dma_wait3A_122, %dma_wait3A_123] : memref<10000x128xf32, #tpu.memory_space<hbm>> -> memref<10000x128xf32, #tpu.memory_space<hbm>>
    tpu.wait_indirect_dma semaphore(%arg12 : memref<!tpu.dma_semaphore, #tpu.memory_space<semaphore_mem>>) src(%dma_wait3A_124 : memref<10000x128xf32, #tpu.memory_space<hbm>>) dst(%arg9 : memref<128x128xf32, #tpu.memory_space<vmem>>)
    %dma_start3A_125 = arith.constant 39 : i32
    %dma_start3A_126 = arith.constant 0 : i32
    %dma_start3A_127 = tpu.memref_slice %arg7[%dma_start3A_125, %dma_start3A_126] : memref<40x128xi32, #tpu.memory_space<vmem>> -> memref<1x128xi32, #tpu.memory_space<vmem>>
    %dma_start3A_128 = tpu.memref_squeeze %dma_start3A_127 : memref<1x128xi32, #tpu.memory_space<vmem>> -> memref<128xi32, #tpu.memory_space<vmem>>
    %dma_start3A_129 = arith.constant 0 : i32
    %dma_start3A_130 = arith.constant 0 : i32
    %dma_start3A_131 = tpu.memref_slice %arg10[%dma_start3A_129, %dma_start3A_130] : memref<10240x128xf32, #tpu.memory_space<vmem_shared>> -> memref<10240x128xf32, #tpu.memory_space<vmem_shared>>
    tpu.enqueue_indirect_dma source(%arg9 : memref<128x128xf32, #tpu.memory_space<vmem>>) target(%dma_start3A_131 : memref<10240x128xf32, #tpu.memory_space<vmem_shared>>) offsets(%dma_start3A_128 : memref<128xi32, #tpu.memory_space<vmem>>) semaphore(%arg14 : memref<!tpu.dma_semaphore, #tpu.memory_space<semaphore_mem>>) {add = true}
    %dma_wait3A_132 = arith.constant 0 : i32
    %dma_wait3A_133 = arith.constant 0 : i32
    %dma_wait3A_134 = tpu.memref_slice %arg6[%dma_wait3A_132, %dma_wait3A_133] : memref<40x128xi32, #tpu.memory_space<vmem>> -> memref<1x128xi32, #tpu.memory_space<vmem>>
    %dma_wait3A_135 = tpu.memref_squeeze %dma_wait3A_134 : memref<1x128xi32, #tpu.memory_space<vmem>> -> memref<128xi32, #tpu.memory_space<vmem>>
    %dma_wait3A_136 = arith.constant 0 : i32
    %dma_wait3A_137 = arith.constant 0 : i32
    %dma_wait3A_138 = tpu.memref_slice %arg2[%dma_wait3A_136, %dma_wait3A_137] : memref<10000x128xf32, #tpu.memory_space<hbm>> -> memref<10000x128xf32, #tpu.memory_space<hbm>>
    tpu.wait_indirect_dma semaphore(%arg13 : memref<!tpu.dma_semaphore, #tpu.memory_space<semaphore_mem>>) src(%dma_wait3A_138 : memref<10000x128xf32, #tpu.memory_space<hbm>>) dst(%arg8 : memref<128x128xf32, #tpu.memory_space<vmem>>)
    %dma_wait3A_139 = arith.constant 0 : i32
    %dma_wait3A_140 = arith.constant 0 : i32
    %dma_wait3A_141 = tpu.memref_slice %arg6[%dma_wait3A_139, %dma_wait3A_140] : memref<40x128xi32, #tpu.memory_space<vmem>> -> memref<1x128xi32, #tpu.memory_space<vmem>>
    %dma_wait3A_142 = tpu.memref_squeeze %dma_wait3A_141 : memref<1x128xi32, #tpu.memory_space<vmem>> -> memref<128xi32, #tpu.memory_space<vmem>>
    %dma_wait3A_143 = arith.constant 0 : i32
    %dma_wait3A_144 = arith.constant 0 : i32
    %dma_wait3A_145 = tpu.memref_slice %arg2[%dma_wait3A_143, %dma_wait3A_144] : memref<10000x128xf32, #tpu.memory_space<hbm>> -> memref<10000x128xf32, #tpu.memory_space<hbm>>
    tpu.wait_indirect_dma semaphore(%arg14 : memref<!tpu.dma_semaphore, #tpu.memory_space<semaphore_mem>>) src(%dma_wait3A_145 : memref<10000x128xf32, #tpu.memory_space<hbm>>) dst(%arg9 : memref<128x128xf32, #tpu.memory_space<vmem>>)
    %barrier3A_146 = arith.constant 0 : index
    tpu.barrier barrier_id(%barrier3A_146)
    %mul3A_147 = arith.constant 640 : i32
    %mul3A_148 = arith.muli %arg1, %mul3A_147 : i32
    %add3A_149 = arith.constant 0 : i32
    %add3A_150 = arith.addi %mul3A_148, %add3A_149 : i32
    "tpu.region"() ({
      %run_scoped3A = tpu.sem_alloc : memref<!tpu.dma_semaphore, #tpu.memory_space<semaphore_mem>>
      %dma_start3A_187 = arith.constant 0 : i32
      %dma_start3A_188 = tpu.memref_slice %arg10[%add3A_150, %dma_start3A_187] : memref<10240x128xf32, #tpu.memory_space<vmem_shared>> -> memref<128x128xf32, #tpu.memory_space<vmem_shared>>
      %dma_start3A_189 = arith.constant 0 : i32
      %dma_start3A_190 = tpu.memref_slice %arg10[%add3A_150, %dma_start3A_189] : memref<10240x128xf32, #tpu.memory_space<vmem_shared>> -> memref<128x128xf32, #tpu.memory_space<vmem_shared>>
      tpu.enqueue_dma source(%dma_start3A_190 : memref<128x128xf32, #tpu.memory_space<vmem_shared>>) target(%arg8 : memref<128x128xf32, #tpu.memory_space<vmem>>) target_semaphore(%run_scoped3A : memref<!tpu.dma_semaphore, #tpu.memory_space<semaphore_mem>>)
      %dma_wait3A_191 = arith.constant 0 : i32
      %dma_wait3A_192 = tpu.memref_slice %arg10[%add3A_150, %dma_wait3A_191] : memref<10240x128xf32, #tpu.memory_space<vmem_shared>> -> memref<128x128xf32, #tpu.memory_space<vmem_shared>>
      %dma_wait3A_193 = arith.constant 0 : i32
      %dma_wait3A_194 = tpu.memref_slice %arg10[%add3A_150, %dma_wait3A_193] : memref<10240x128xf32, #tpu.memory_space<vmem_shared>> -> memref<128x128xf32, #tpu.memory_space<vmem_shared>>
      tpu.wait_dma2 semaphore(%run_scoped3A : memref<!tpu.dma_semaphore, #tpu.memory_space<semaphore_mem>>) src(%dma_wait3A_194 : memref<128x128xf32, #tpu.memory_space<vmem_shared>>) dst(%arg8 : memref<128x128xf32, #tpu.memory_space<vmem>>)
      tpu.yield
    }) : () -> ()
    %mul3A_151 = arith.constant 640 : i32
    %mul3A_152 = arith.muli %arg1, %mul3A_151 : i32
    %add3A_153 = arith.constant 0 : i32
    %add3A_154 = arith.addi %mul3A_152, %add3A_153 : i32
    "tpu.region"() ({
      %run_scoped3A = tpu.sem_alloc : memref<!tpu.dma_semaphore, #tpu.memory_space<semaphore_mem>>
      %dma_start3A_187 = arith.constant 0 : i32
      %dma_start3A_188 = tpu.memref_slice %arg5[%arg0, %add3A_154, %dma_start3A_187] : memref<2x10240x128xf32, #tpu.memory_space<hbm>> -> memref<1x128x128xf32, #tpu.memory_space<hbm>>
      %dma_start3A_189 = tpu.memref_squeeze %dma_start3A_188 : memref<1x128x128xf32, #tpu.memory_space<hbm>> -> memref<128x128xf32, #tpu.memory_space<hbm>>
      %dma_start3A_190 = arith.constant 0 : i32
      %dma_start3A_191 = tpu.memref_slice %arg5[%arg0, %add3A_154, %dma_start3A_190] : memref<2x10240x128xf32, #tpu.memory_space<hbm>> -> memref<1x128x128xf32, #tpu.memory_space<hbm>>
      %dma_start3A_192 = tpu.memref_squeeze %dma_start3A_191 : memref<1x128x128xf32, #tpu.memory_space<hbm>> -> memref<128x128xf32, #tpu.memory_space<hbm>>
      tpu.enqueue_dma source(%arg8 : memref<128x128xf32, #tpu.memory_space<vmem>>) target(%dma_start3A_192 : memref<128x128xf32, #tpu.memory_space<hbm>>) target_semaphore(%run_scoped3A : memref<!tpu.dma_semaphore, #tpu.memory_space<semaphore_mem>>)
      %dma_wait3A_193 = arith.constant 0 : i32
      %dma_wait3A_194 = tpu.memref_slice %arg5[%arg0, %add3A_154, %dma_wait3A_193] : memref<2x10240x128xf32, #tpu.memory_space<hbm>> -> memref<1x128x128xf32, #tpu.memory_space<hbm>>
      %dma_wait3A_195 = tpu.memref_squeeze %dma_wait3A_194 : memref<1x128x128xf32, #tpu.memory_space<hbm>> -> memref<128x128xf32, #tpu.memory_space<hbm>>
      %dma_wait3A_196 = arith.constant 0 : i32
      %dma_wait3A_197 = tpu.memref_slice %arg5[%arg0, %add3A_154, %dma_wait3A_196] : memref<2x10240x128xf32, #tpu.memory_space<hbm>> -> memref<1x128x128xf32, #tpu.memory_space<hbm>>
      %dma_wait3A_198 = tpu.memref_squeeze %dma_wait3A_197 : memref<1x128x128xf32, #tpu.memory_space<hbm>> -> memref<128x128xf32, #tpu.memory_space<hbm>>
      tpu.wait_dma2 semaphore(%run_scoped3A : memref<!tpu.dma_semaphore, #tpu.memory_space<semaphore_mem>>) src(%arg8 : memref<128x128xf32, #tpu.memory_space<vmem>>) dst(%dma_wait3A_198 : memref<128x128xf32, #tpu.memory_space<hbm>>)
      tpu.yield
    }) : () -> ()
    %mul3A_155 = arith.constant 640 : i32
    %mul3A_156 = arith.muli %arg1, %mul3A_155 : i32
    %add3A_157 = arith.constant 128 : i32
    %add3A_158 = arith.addi %mul3A_156, %add3A_157 : i32
    "tpu.region"() ({
      %run_scoped3A = tpu.sem_alloc : memref<!tpu.dma_semaphore, #tpu.memory_space<semaphore_mem>>
      %dma_start3A_187 = arith.constant 0 : i32
      %dma_start3A_188 = tpu.memref_slice %arg10[%add3A_158, %dma_start3A_187] : memref<10240x128xf32, #tpu.memory_space<vmem_shared>> -> memref<128x128xf32, #tpu.memory_space<vmem_shared>>
      %dma_start3A_189 = arith.constant 0 : i32
      %dma_start3A_190 = tpu.memref_slice %arg10[%add3A_158, %dma_start3A_189] : memref<10240x128xf32, #tpu.memory_space<vmem_shared>> -> memref<128x128xf32, #tpu.memory_space<vmem_shared>>
      tpu.enqueue_dma source(%dma_start3A_190 : memref<128x128xf32, #tpu.memory_space<vmem_shared>>) target(%arg8 : memref<128x128xf32, #tpu.memory_space<vmem>>) target_semaphore(%run_scoped3A : memref<!tpu.dma_semaphore, #tpu.memory_space<semaphore_mem>>)
      %dma_wait3A_191 = arith.constant 0 : i32
      %dma_wait3A_192 = tpu.memref_slice %arg10[%add3A_158, %dma_wait3A_191] : memref<10240x128xf32, #tpu.memory_space<vmem_shared>> -> memref<128x128xf32, #tpu.memory_space<vmem_shared>>
      %dma_wait3A_193 = arith.constant 0 : i32
      %dma_wait3A_194 = tpu.memref_slice %arg10[%add3A_158, %dma_wait3A_193] : memref<10240x128xf32, #tpu.memory_space<vmem_shared>> -> memref<128x128xf32, #tpu.memory_space<vmem_shared>>
      tpu.wait_dma2 semaphore(%run_scoped3A : memref<!tpu.dma_semaphore, #tpu.memory_space<semaphore_mem>>) src(%dma_wait3A_194 : memref<128x128xf32, #tpu.memory_space<vmem_shared>>) dst(%arg8 : memref<128x128xf32, #tpu.memory_space<vmem>>)
      tpu.yield
    }) : () -> ()
    %mul3A_159 = arith.constant 640 : i32
    %mul3A_160 = arith.muli %arg1, %mul3A_159 : i32
    %add3A_161 = arith.constant 128 : i32
    %add3A_162 = arith.addi %mul3A_160, %add3A_161 : i32
    "tpu.region"() ({
      %run_scoped3A = tpu.sem_alloc : memref<!tpu.dma_semaphore, #tpu.memory_space<semaphore_mem>>
      %dma_start3A_187 = arith.constant 0 : i32
      %dma_start3A_188 = tpu.memref_slice %arg5[%arg0, %add3A_162, %dma_start3A_187] : memref<2x10240x128xf32, #tpu.memory_space<hbm>> -> memref<1x128x128xf32, #tpu.memory_space<hbm>>
      %dma_start3A_189 = tpu.memref_squeeze %dma_start3A_188 : memref<1x128x128xf32, #tpu.memory_space<hbm>> -> memref<128x128xf32, #tpu.memory_space<hbm>>
      %dma_start3A_190 = arith.constant 0 : i32
      %dma_start3A_191 = tpu.memref_slice %arg5[%arg0, %add3A_162, %dma_start3A_190] : memref<2x10240x128xf32, #tpu.memory_space<hbm>> -> memref<1x128x128xf32, #tpu.memory_space<hbm>>
      %dma_start3A_192 = tpu.memref_squeeze %dma_start3A_191 : memref<1x128x128xf32, #tpu.memory_space<hbm>> -> memref<128x128xf32, #tpu.memory_space<hbm>>
      tpu.enqueue_dma source(%arg8 : memref<128x128xf32, #tpu.memory_space<vmem>>) target(%dma_start3A_192 : memref<128x128xf32, #tpu.memory_space<hbm>>) target_semaphore(%run_scoped3A : memref<!tpu.dma_semaphore, #tpu.memory_space<semaphore_mem>>)
      %dma_wait3A_193 = arith.constant 0 : i32
      %dma_wait3A_194 = tpu.memref_slice %arg5[%arg0, %add3A_162, %dma_wait3A_193] : memref<2x10240x128xf32, #tpu.memory_space<hbm>> -> memref<1x128x128xf32, #tpu.memory_space<hbm>>
      %dma_wait3A_195 = tpu.memref_squeeze %dma_wait3A_194 : memref<1x128x128xf32, #tpu.memory_space<hbm>> -> memref<128x128xf32, #tpu.memory_space<hbm>>
      %dma_wait3A_196 = arith.constant 0 : i32
      %dma_wait3A_197 = tpu.memref_slice %arg5[%arg0, %add3A_162, %dma_wait3A_196] : memref<2x10240x128xf32, #tpu.memory_space<hbm>> -> memref<1x128x128xf32, #tpu.memory_space<hbm>>
      %dma_wait3A_198 = tpu.memref_squeeze %dma_wait3A_197 : memref<1x128x128xf32, #tpu.memory_space<hbm>> -> memref<128x128xf32, #tpu.memory_space<hbm>>
      tpu.wait_dma2 semaphore(%run_scoped3A : memref<!tpu.dma_semaphore, #tpu.memory_space<semaphore_mem>>) src(%arg8 : memref<128x128xf32, #tpu.memory_space<vmem>>) dst(%dma_wait3A_198 : memref<128x128xf32, #tpu.memory_space<hbm>>)
      tpu.yield
    }) : () -> ()
    %mul3A_163 = arith.constant 640 : i32
    %mul3A_164 = arith.muli %arg1, %mul3A_163 : i32
    %add3A_165 = arith.constant 256 : i32
    %add3A_166 = arith.addi %mul3A_164, %add3A_165 : i32
    "tpu.region"() ({
      %run_scoped3A = tpu.sem_alloc : memref<!tpu.dma_semaphore, #tpu.memory_space<semaphore_mem>>
      %dma_start3A_187 = arith.constant 0 : i32
      %dma_start3A_188 = tpu.memref_slice %arg10[%add3A_166, %dma_start3A_187] : memref<10240x128xf32, #tpu.memory_space<vmem_shared>> -> memref<128x128xf32, #tpu.memory_space<vmem_shared>>
      %dma_start3A_189 = arith.constant 0 : i32
      %dma_start3A_190 = tpu.memref_slice %arg10[%add3A_166, %dma_start3A_189] : memref<10240x128xf32, #tpu.memory_space<vmem_shared>> -> memref<128x128xf32, #tpu.memory_space<vmem_shared>>
      tpu.enqueue_dma source(%dma_start3A_190 : memref<128x128xf32, #tpu.memory_space<vmem_shared>>) target(%arg8 : memref<128x128xf32, #tpu.memory_space<vmem>>) target_semaphore(%run_scoped3A : memref<!tpu.dma_semaphore, #tpu.memory_space<semaphore_mem>>)
      %dma_wait3A_191 = arith.constant 0 : i32
      %dma_wait3A_192 = tpu.memref_slice %arg10[%add3A_166, %dma_wait3A_191] : memref<10240x128xf32, #tpu.memory_space<vmem_shared>> -> memref<128x128xf32, #tpu.memory_space<vmem_shared>>
      %dma_wait3A_193 = arith.constant 0 : i32
      %dma_wait3A_194 = tpu.memref_slice %arg10[%add3A_166, %dma_wait3A_193] : memref<10240x128xf32, #tpu.memory_space<vmem_shared>> -> memref<128x128xf32, #tpu.memory_space<vmem_shared>>
      tpu.wait_dma2 semaphore(%run_scoped3A : memref<!tpu.dma_semaphore, #tpu.memory_space<semaphore_mem>>) src(%dma_wait3A_194 : memref<128x128xf32, #tpu.memory_space<vmem_shared>>) dst(%arg8 : memref<128x128xf32, #tpu.memory_space<vmem>>)
      tpu.yield
    }) : () -> ()
    %mul3A_167 = arith.constant 640 : i32
    %mul3A_168 = arith.muli %arg1, %mul3A_167 : i32
    %add3A_169 = arith.constant 256 : i32
    %add3A_170 = arith.addi %mul3A_168, %add3A_169 : i32
    "tpu.region"() ({
      %run_scoped3A = tpu.sem_alloc : memref<!tpu.dma_semaphore, #tpu.memory_space<semaphore_mem>>
      %dma_start3A_187 = arith.constant 0 : i32
      %dma_start3A_188 = tpu.memref_slice %arg5[%arg0, %add3A_170, %dma_start3A_187] : memref<2x10240x128xf32, #tpu.memory_space<hbm>> -> memref<1x128x128xf32, #tpu.memory_space<hbm>>
      %dma_start3A_189 = tpu.memref_squeeze %dma_start3A_188 : memref<1x128x128xf32, #tpu.memory_space<hbm>> -> memref<128x128xf32, #tpu.memory_space<hbm>>
      %dma_start3A_190 = arith.constant 0 : i32
      %dma_start3A_191 = tpu.memref_slice %arg5[%arg0, %add3A_170, %dma_start3A_190] : memref<2x10240x128xf32, #tpu.memory_space<hbm>> -> memref<1x128x128xf32, #tpu.memory_space<hbm>>
      %dma_start3A_192 = tpu.memref_squeeze %dma_start3A_191 : memref<1x128x128xf32, #tpu.memory_space<hbm>> -> memref<128x128xf32, #tpu.memory_space<hbm>>
      tpu.enqueue_dma source(%arg8 : memref<128x128xf32, #tpu.memory_space<vmem>>) target(%dma_start3A_192 : memref<128x128xf32, #tpu.memory_space<hbm>>) target_semaphore(%run_scoped3A : memref<!tpu.dma_semaphore, #tpu.memory_space<semaphore_mem>>)
      %dma_wait3A_193 = arith.constant 0 : i32
      %dma_wait3A_194 = tpu.memref_slice %arg5[%arg0, %add3A_170, %dma_wait3A_193] : memref<2x10240x128xf32, #tpu.memory_space<hbm>> -> memref<1x128x128xf32, #tpu.memory_space<hbm>>
      %dma_wait3A_195 = tpu.memref_squeeze %dma_wait3A_194 : memref<1x128x128xf32, #tpu.memory_space<hbm>> -> memref<128x128xf32, #tpu.memory_space<hbm>>
      %dma_wait3A_196 = arith.constant 0 : i32
      %dma_wait3A_197 = tpu.memref_slice %arg5[%arg0, %add3A_170, %dma_wait3A_196] : memref<2x10240x128xf32, #tpu.memory_space<hbm>> -> memref<1x128x128xf32, #tpu.memory_space<hbm>>
      %dma_wait3A_198 = tpu.memref_squeeze %dma_wait3A_197 : memref<1x128x128xf32, #tpu.memory_space<hbm>> -> memref<128x128xf32, #tpu.memory_space<hbm>>
      tpu.wait_dma2 semaphore(%run_scoped3A : memref<!tpu.dma_semaphore, #tpu.memory_space<semaphore_mem>>) src(%arg8 : memref<128x128xf32, #tpu.memory_space<vmem>>) dst(%dma_wait3A_198 : memref<128x128xf32, #tpu.memory_space<hbm>>)
      tpu.yield
    }) : () -> ()
    %mul3A_171 = arith.constant 640 : i32
    %mul3A_172 = arith.muli %arg1, %mul3A_171 : i32
    %add3A_173 = arith.constant 384 : i32
    %add3A_174 = arith.addi %mul3A_172, %add3A_173 : i32
    "tpu.region"() ({
      %run_scoped3A = tpu.sem_alloc : memref<!tpu.dma_semaphore, #tpu.memory_space<semaphore_mem>>
      %dma_start3A_187 = arith.constant 0 : i32
      %dma_start3A_188 = tpu.memref_slice %arg10[%add3A_174, %dma_start3A_187] : memref<10240x128xf32, #tpu.memory_space<vmem_shared>> -> memref<128x128xf32, #tpu.memory_space<vmem_shared>>
      %dma_start3A_189 = arith.constant 0 : i32
      %dma_start3A_190 = tpu.memref_slice %arg10[%add3A_174, %dma_start3A_189] : memref<10240x128xf32, #tpu.memory_space<vmem_shared>> -> memref<128x128xf32, #tpu.memory_space<vmem_shared>>
      tpu.enqueue_dma source(%dma_start3A_190 : memref<128x128xf32, #tpu.memory_space<vmem_shared>>) target(%arg8 : memref<128x128xf32, #tpu.memory_space<vmem>>) target_semaphore(%run_scoped3A : memref<!tpu.dma_semaphore, #tpu.memory_space<semaphore_mem>>)
      %dma_wait3A_191 = arith.constant 0 : i32
      %dma_wait3A_192 = tpu.memref_slice %arg10[%add3A_174, %dma_wait3A_191] : memref<10240x128xf32, #tpu.memory_space<vmem_shared>> -> memref<128x128xf32, #tpu.memory_space<vmem_shared>>
      %dma_wait3A_193 = arith.constant 0 : i32
      %dma_wait3A_194 = tpu.memref_slice %arg10[%add3A_174, %dma_wait3A_193] : memref<10240x128xf32, #tpu.memory_space<vmem_shared>> -> memref<128x128xf32, #tpu.memory_space<vmem_shared>>
      tpu.wait_dma2 semaphore(%run_scoped3A : memref<!tpu.dma_semaphore, #tpu.memory_space<semaphore_mem>>) src(%dma_wait3A_194 : memref<128x128xf32, #tpu.memory_space<vmem_shared>>) dst(%arg8 : memref<128x128xf32, #tpu.memory_space<vmem>>)
      tpu.yield
    }) : () -> ()
    %mul3A_175 = arith.constant 640 : i32
    %mul3A_176 = arith.muli %arg1, %mul3A_175 : i32
    %add3A_177 = arith.constant 384 : i32
    %add3A_178 = arith.addi %mul3A_176, %add3A_177 : i32
    "tpu.region"() ({
      %run_scoped3A = tpu.sem_alloc : memref<!tpu.dma_semaphore, #tpu.memory_space<semaphore_mem>>
      %dma_start3A_187 = arith.constant 0 : i32
      %dma_start3A_188 = tpu.memref_slice %arg5[%arg0, %add3A_178, %dma_start3A_187] : memref<2x10240x128xf32, #tpu.memory_space<hbm>> -> memref<1x128x128xf32, #tpu.memory_space<hbm>>
      %dma_start3A_189 = tpu.memref_squeeze %dma_start3A_188 : memref<1x128x128xf32, #tpu.memory_space<hbm>> -> memref<128x128xf32, #tpu.memory_space<hbm>>
      %dma_start3A_190 = arith.constant 0 : i32
      %dma_start3A_191 = tpu.memref_slice %arg5[%arg0, %add3A_178, %dma_start3A_190] : memref<2x10240x128xf32, #tpu.memory_space<hbm>> -> memref<1x128x128xf32, #tpu.memory_space<hbm>>
      %dma_start3A_192 = tpu.memref_squeeze %dma_start3A_191 : memref<1x128x128xf32, #tpu.memory_space<hbm>> -> memref<128x128xf32, #tpu.memory_space<hbm>>
      tpu.enqueue_dma source(%arg8 : memref<128x128xf32, #tpu.memory_space<vmem>>) target(%dma_start3A_192 : memref<128x128xf32, #tpu.memory_space<hbm>>) target_semaphore(%run_scoped3A : memref<!tpu.dma_semaphore, #tpu.memory_space<semaphore_mem>>)
      %dma_wait3A_193 = arith.constant 0 : i32
      %dma_wait3A_194 = tpu.memref_slice %arg5[%arg0, %add3A_178, %dma_wait3A_193] : memref<2x10240x128xf32, #tpu.memory_space<hbm>> -> memref<1x128x128xf32, #tpu.memory_space<hbm>>
      %dma_wait3A_195 = tpu.memref_squeeze %dma_wait3A_194 : memref<1x128x128xf32, #tpu.memory_space<hbm>> -> memref<128x128xf32, #tpu.memory_space<hbm>>
      %dma_wait3A_196 = arith.constant 0 : i32
      %dma_wait3A_197 = tpu.memref_slice %arg5[%arg0, %add3A_178, %dma_wait3A_196] : memref<2x10240x128xf32, #tpu.memory_space<hbm>> -> memref<1x128x128xf32, #tpu.memory_space<hbm>>
      %dma_wait3A_198 = tpu.memref_squeeze %dma_wait3A_197 : memref<1x128x128xf32, #tpu.memory_space<hbm>> -> memref<128x128xf32, #tpu.memory_space<hbm>>
      tpu.wait_dma2 semaphore(%run_scoped3A : memref<!tpu.dma_semaphore, #tpu.memory_space<semaphore_mem>>) src(%arg8 : memref<128x128xf32, #tpu.memory_space<vmem>>) dst(%dma_wait3A_198 : memref<128x128xf32, #tpu.memory_space<hbm>>)
      tpu.yield
    }) : () -> ()
    %mul3A_179 = arith.constant 640 : i32
    %mul3A_180 = arith.muli %arg1, %mul3A_179 : i32
    %add3A_181 = arith.constant 512 : i32
    %add3A_182 = arith.addi %mul3A_180, %add3A_181 : i32
    "tpu.region"() ({
      %run_scoped3A = tpu.sem_alloc : memref<!tpu.dma_semaphore, #tpu.memory_space<semaphore_mem>>
      %dma_start3A_187 = arith.constant 0 : i32
      %dma_start3A_188 = tpu.memref_slice %arg10[%add3A_182, %dma_start3A_187] : memref<10240x128xf32, #tpu.memory_space<vmem_shared>> -> memref<128x128xf32, #tpu.memory_space<vmem_shared>>
      %dma_start3A_189 = arith.constant 0 : i32
      %dma_start3A_190 = tpu.memref_slice %arg10[%add3A_182, %dma_start3A_189] : memref<10240x128xf32, #tpu.memory_space<vmem_shared>> -> memref<128x128xf32, #tpu.memory_space<vmem_shared>>
      tpu.enqueue_dma source(%dma_start3A_190 : memref<128x128xf32, #tpu.memory_space<vmem_shared>>) target(%arg8 : memref<128x128xf32, #tpu.memory_space<vmem>>) target_semaphore(%run_scoped3A : memref<!tpu.dma_semaphore, #tpu.memory_space<semaphore_mem>>)
      %dma_wait3A_191 = arith.constant 0 : i32
      %dma_wait3A_192 = tpu.memref_slice %arg10[%add3A_182, %dma_wait3A_191] : memref<10240x128xf32, #tpu.memory_space<vmem_shared>> -> memref<128x128xf32, #tpu.memory_space<vmem_shared>>
      %dma_wait3A_193 = arith.constant 0 : i32
      %dma_wait3A_194 = tpu.memref_slice %arg10[%add3A_182, %dma_wait3A_193] : memref<10240x128xf32, #tpu.memory_space<vmem_shared>> -> memref<128x128xf32, #tpu.memory_space<vmem_shared>>
      tpu.wait_dma2 semaphore(%run_scoped3A : memref<!tpu.dma_semaphore, #tpu.memory_space<semaphore_mem>>) src(%dma_wait3A_194 : memref<128x128xf32, #tpu.memory_space<vmem_shared>>) dst(%arg8 : memref<128x128xf32, #tpu.memory_space<vmem>>)
      tpu.yield
    }) : () -> ()
    %mul3A_183 = arith.constant 640 : i32
    %mul3A_184 = arith.muli %arg1, %mul3A_183 : i32
    %add3A_185 = arith.constant 512 : i32
    %add3A_186 = arith.addi %mul3A_184, %add3A_185 : i32
    "tpu.region"() ({
      %run_scoped3A = tpu.sem_alloc : memref<!tpu.dma_semaphore, #tpu.memory_space<semaphore_mem>>
      %dma_start3A_187 = arith.constant 0 : i32
      %dma_start3A_188 = tpu.memref_slice %arg5[%arg0, %add3A_186, %dma_start3A_187] : memref<2x10240x128xf32, #tpu.memory_space<hbm>> -> memref<1x128x128xf32, #tpu.memory_space<hbm>>
      %dma_start3A_189 = tpu.memref_squeeze %dma_start3A_188 : memref<1x128x128xf32, #tpu.memory_space<hbm>> -> memref<128x128xf32, #tpu.memory_space<hbm>>
      %dma_start3A_190 = arith.constant 0 : i32
      %dma_start3A_191 = tpu.memref_slice %arg5[%arg0, %add3A_186, %dma_start3A_190] : memref<2x10240x128xf32, #tpu.memory_space<hbm>> -> memref<1x128x128xf32, #tpu.memory_space<hbm>>
      %dma_start3A_192 = tpu.memref_squeeze %dma_start3A_191 : memref<1x128x128xf32, #tpu.memory_space<hbm>> -> memref<128x128xf32, #tpu.memory_space<hbm>>
      tpu.enqueue_dma source(%arg8 : memref<128x128xf32, #tpu.memory_space<vmem>>) target(%dma_start3A_192 : memref<128x128xf32, #tpu.memory_space<hbm>>) target_semaphore(%run_scoped3A : memref<!tpu.dma_semaphore, #tpu.memory_space<semaphore_mem>>)
      %dma_wait3A_193 = arith.constant 0 : i32
      %dma_wait3A_194 = tpu.memref_slice %arg5[%arg0, %add3A_186, %dma_wait3A_193] : memref<2x10240x128xf32, #tpu.memory_space<hbm>> -> memref<1x128x128xf32, #tpu.memory_space<hbm>>
      %dma_wait3A_195 = tpu.memref_squeeze %dma_wait3A_194 : memref<1x128x128xf32, #tpu.memory_space<hbm>> -> memref<128x128xf32, #tpu.memory_space<hbm>>
      %dma_wait3A_196 = arith.constant 0 : i32
      %dma_wait3A_197 = tpu.memref_slice %arg5[%arg0, %add3A_186, %dma_wait3A_196] : memref<2x10240x128xf32, #tpu.memory_space<hbm>> -> memref<1x128x128xf32, #tpu.memory_space<hbm>>
      %dma_wait3A_198 = tpu.memref_squeeze %dma_wait3A_197 : memref<1x128x128xf32, #tpu.memory_space<hbm>> -> memref<128x128xf32, #tpu.memory_space<hbm>>
      tpu.wait_dma2 semaphore(%run_scoped3A : memref<!tpu.dma_semaphore, #tpu.memory_space<semaphore_mem>>) src(%arg8 : memref<128x128xf32, #tpu.memory_space<vmem>>) dst(%dma_wait3A_198 : memref<128x128xf32, #tpu.memory_space<hbm>>)
      tpu.yield
    }) : () -> ()
    return
  }
}

#map = affine_map<(d0, d1) -> (0, 0)>
#map1 = affine_map<(d0, d1) -> (0, 0, 0)>
module attributes {stable_mosaic.version = 14 : i64} {
  func.func @_agg_body(%arg0: i32, %arg1: i32, %arg2: memref<10000x128xf32, #tpu.memory_space<hbm>>, %arg3: memref<32x80x128xi32, #tpu.memory_space<hbm>>, %arg4: memref<32x80x128xi32, #tpu.memory_space<hbm>>, %arg5: memref<2x10240x128xf32, #tpu.memory_space<hbm>>, %arg6: memref<40x128xi32, #tpu.memory_space<vmem>>, %arg7: memref<40x128xi32, #tpu.memory_space<vmem>>, %arg8: memref<128x128xf32, #tpu.memory_space<vmem>>, %arg9: memref<128x128xf32, #tpu.memory_space<vmem>>, %arg10: memref<10240x128xf32, #tpu.memory_space<vmem_shared>>, %arg11: memref<!tpu.dma_semaphore, #tpu.memory_space<semaphore_mem>>, %arg12: memref<!tpu.dma_semaphore, #tpu.memory_space<semaphore_mem>>, %arg13: memref<!tpu.dma_semaphore, #tpu.memory_space<semaphore_mem>>, %arg14: memref<!tpu.dma_semaphore, #tpu.memory_space<semaphore_mem>>) attributes {dimension_semantics = [#tpu.dimension_semantics<core_parallel>, #tpu.dimension_semantics<subcore_parallel>], iteration_bounds = array<i64: 2, 16>, scalar_prefetch = 0 : i64, scratch_operands = 9 : i64, tpu.core_type = #tpu.core_type<sc_vector_subcore>, window_params = [{transform_indices = #map}, {transform_indices = #map1}, {transform_indices = #map1}, {transform_indices = #map1}]} {
    %mul3A = arith.constant 16 : i32
    %mul3A_0 = arith.muli %arg0, %mul3A : i32
    %add3A = arith.addi %mul3A_0, %arg1 : i32
    %broadcast_in_dim3A = arith.constant 0.000000e+00 : f32
    %broadcast_in_dim3A_1 = vector.broadcast %broadcast_in_dim3A : f32 to vector<16xf32>
    %scan3A = arith.constant 0 : i32
    %scan3A_2 = arith.constant 128 : i32
    %scan3A_3 = arith.addi %scan3A, %scan3A_2 : i32
    %scan3A_4 = arith.constant 1 : i32
    scf.for %scan3A_187 = %scan3A to %scan3A_3 step %scan3A_4  : i32 {
      %mul3A_188 = arith.constant 1 : i32
      %mul3A_189 = arith.muli %scan3A_187, %mul3A_188 : i32
      %add3A_190 = arith.constant 0 : i32
      %add3A_191 = arith.addi %add3A_190, %mul3A_189 : i32
      %swap3A = arith.index_cast %add3A_191 : i32 to index
      %swap3A_192 = arith.constant 0 : index
      %swap3A_193 = tpu.vector_load %arg8[%swap3A, %swap3A_192] {strides = array<i32>} : memref<128x128xf32, #tpu.memory_space<vmem>>, vector<1x16xf32>,
      %swap3A_194 = vector.shape_cast %swap3A_193 : vector<1x16xf32> to vector<16xf32>
      %swap3A_195 = vector.shape_cast %broadcast_in_dim3A_1 : vector<16xf32> to vector<1x16xf32>
      tpu.vector_store %arg8[%swap3A, %swap3A_192], %swap3A_195 {strides = array<i32>} : memref<128x128xf32, #tpu.memory_space<vmem>>, vector<1x16xf32>,
      %swap3A_196 = arith.index_cast %add3A_191 : i32 to index
      %swap3A_197 = arith.constant 16 : index
      %swap3A_198 = tpu.vector_load %arg8[%swap3A_196, %swap3A_197] {strides = array<i32>} : memref<128x128xf32, #tpu.memory_space<vmem>>, vector<1x16xf32>,
      %swap3A_199 = vector.shape_cast %swap3A_198 : vector<1x16xf32> to vector<16xf32>
      %swap3A_200 = vector.shape_cast %broadcast_in_dim3A_1 : vector<16xf32> to vector<1x16xf32>
      tpu.vector_store %arg8[%swap3A_196, %swap3A_197], %swap3A_200 {strides = array<i32>} : memref<128x128xf32, #tpu.memory_space<vmem>>, vector<1x16xf32>,
      %swap3A_201 = arith.index_cast %add3A_191 : i32 to index
      %swap3A_202 = arith.constant 32 : index
      %swap3A_203 = tpu.vector_load %arg8[%swap3A_201, %swap3A_202] {strides = array<i32>} : memref<128x128xf32, #tpu.memory_space<vmem>>, vector<1x16xf32>,
      %swap3A_204 = vector.shape_cast %swap3A_203 : vector<1x16xf32> to vector<16xf32>
      %swap3A_205 = vector.shape_cast %broadcast_in_dim3A_1 : vector<16xf32> to vector<1x16xf32>
      tpu.vector_store %arg8[%swap3A_201, %swap3A_202], %swap3A_205 {strides = array<i32>} : memref<128x128xf32, #tpu.memory_space<vmem>>, vector<1x16xf32>,
      %swap3A_206 = arith.index_cast %add3A_191 : i32 to index
      %swap3A_207 = arith.constant 48 : index
      %swap3A_208 = tpu.vector_load %arg8[%swap3A_206, %swap3A_207] {strides = array<i32>} : memref<128x128xf32, #tpu.memory_space<vmem>>, vector<1x16xf32>,
      %swap3A_209 = vector.shape_cast %swap3A_208 : vector<1x16xf32> to vector<16xf32>
      %swap3A_210 = vector.shape_cast %broadcast_in_dim3A_1 : vector<16xf32> to vector<1x16xf32>
      tpu.vector_store %arg8[%swap3A_206, %swap3A_207], %swap3A_210 {strides = array<i32>} : memref<128x128xf32, #tpu.memory_space<vmem>>, vector<1x16xf32>,
      %swap3A_211 = arith.index_cast %add3A_191 : i32 to index
      %swap3A_212 = arith.constant 64 : index
      %swap3A_213 = tpu.vector_load %arg8[%swap3A_211, %swap3A_212] {strides = array<i32>} : memref<128x128xf32, #tpu.memory_space<vmem>>, vector<1x16xf32>,
      %swap3A_214 = vector.shape_cast %swap3A_213 : vector<1x16xf32> to vector<16xf32>
      %swap3A_215 = vector.shape_cast %broadcast_in_dim3A_1 : vector<16xf32> to vector<1x16xf32>
      tpu.vector_store %arg8[%swap3A_211, %swap3A_212], %swap3A_215 {strides = array<i32>} : memref<128x128xf32, #tpu.memory_space<vmem>>, vector<1x16xf32>,
      %swap3A_216 = arith.index_cast %add3A_191 : i32 to index
      %swap3A_217 = arith.constant 80 : index
      %swap3A_218 = tpu.vector_load %arg8[%swap3A_216, %swap3A_217] {strides = array<i32>} : memref<128x128xf32, #tpu.memory_space<vmem>>, vector<1x16xf32>,
      %swap3A_219 = vector.shape_cast %swap3A_218 : vector<1x16xf32> to vector<16xf32>
      %swap3A_220 = vector.shape_cast %broadcast_in_dim3A_1 : vector<16xf32> to vector<1x16xf32>
      tpu.vector_store %arg8[%swap3A_216, %swap3A_217], %swap3A_220 {strides = array<i32>} : memref<128x128xf32, #tpu.memory_space<vmem>>, vector<1x16xf32>,
      %swap3A_221 = arith.index_cast %add3A_191 : i32 to index
      %swap3A_222 = arith.constant 96 : index
      %swap3A_223 = tpu.vector_load %arg8[%swap3A_221, %swap3A_222] {strides = array<i32>} : memref<128x128xf32, #tpu.memory_space<vmem>>, vector<1x16xf32>,
      %swap3A_224 = vector.shape_cast %swap3A_223 : vector<1x16xf32> to vector<16xf32>
      %swap3A_225 = vector.shape_cast %broadcast_in_dim3A_1 : vector<16xf32> to vector<1x16xf32>
      tpu.vector_store %arg8[%swap3A_221, %swap3A_222], %swap3A_225 {strides = array<i32>} : memref<128x128xf32, #tpu.memory_space<vmem>>, vector<1x16xf32>,
      %swap3A_226 = arith.index_cast %add3A_191 : i32 to index
      %swap3A_227 = arith.constant 112 : index
      %swap3A_228 = tpu.vector_load %arg8[%swap3A_226, %swap3A_227] {strides = array<i32>} : memref<128x128xf32, #tpu.memory_space<vmem>>, vector<1x16xf32>,
      %swap3A_229 = vector.shape_cast %swap3A_228 : vector<1x16xf32> to vector<16xf32>
      %swap3A_230 = vector.shape_cast %broadcast_in_dim3A_1 : vector<16xf32> to vector<1x16xf32>
      tpu.vector_store %arg8[%swap3A_226, %swap3A_227], %swap3A_230 {strides = array<i32>} : memref<128x128xf32, #tpu.memory_space<vmem>>, vector<1x16xf32>,
    }
    %scan3A_5 = arith.constant 128 : i32
    %mul3A_6 = arith.constant 640 : i32
    %mul3A_7 = arith.muli %arg1, %mul3A_6 : i32
    %add3A_8 = arith.constant 0 : i32
    %add3A_9 = arith.addi %mul3A_7, %add3A_8 : i32
    "tpu.region"() ({
      %run_scoped3A = tpu.sem_alloc : memref<!tpu.dma_semaphore, #tpu.memory_space<semaphore_mem>>
      %dma_start3A_187 = arith.constant 0 : i32
      %dma_start3A_188 = tpu.memref_slice %arg10[%add3A_9, %dma_start3A_187] : memref<10240x128xf32, #tpu.memory_space<vmem_shared>> -> memref<128x128xf32, #tpu.memory_space<vmem_shared>>
      %dma_start3A_189 = arith.constant 0 : i32
      %dma_start3A_190 = tpu.memref_slice %arg10[%add3A_9, %dma_start3A_189] : memref<10240x128xf32, #tpu.memory_space<vmem_shared>> -> memref<128x128xf32, #tpu.memory_space<vmem_shared>>
      tpu.enqueue_dma source(%arg8 : memref<128x128xf32, #tpu.memory_space<vmem>>) target(%dma_start3A_190 : memref<128x128xf32, #tpu.memory_space<vmem_shared>>) target_semaphore(%run_scoped3A : memref<!tpu.dma_semaphore, #tpu.memory_space<semaphore_mem>>)
      %dma_wait3A_191 = arith.constant 0 : i32
      %dma_wait3A_192 = tpu.memref_slice %arg10[%add3A_9, %dma_wait3A_191] : memref<10240x128xf32, #tpu.memory_space<vmem_shared>> -> memref<128x128xf32, #tpu.memory_space<vmem_shared>>
      %dma_wait3A_193 = arith.constant 0 : i32
      %dma_wait3A_194 = tpu.memref_slice %arg10[%add3A_9, %dma_wait3A_193] : memref<10240x128xf32, #tpu.memory_space<vmem_shared>> -> memref<128x128xf32, #tpu.memory_space<vmem_shared>>
      tpu.wait_dma2 semaphore(%run_scoped3A : memref<!tpu.dma_semaphore, #tpu.memory_space<semaphore_mem>>) src(%arg8 : memref<128x128xf32, #tpu.memory_space<vmem>>) dst(%dma_wait3A_194 : memref<128x128xf32, #tpu.memory_space<vmem_shared>>)
      tpu.yield
    }) : () -> ()
    %mul3A_10 = arith.constant 640 : i32
    %mul3A_11 = arith.muli %arg1, %mul3A_10 : i32
    %add3A_12 = arith.constant 128 : i32
    %add3A_13 = arith.addi %mul3A_11, %add3A_12 : i32
    "tpu.region"() ({
      %run_scoped3A = tpu.sem_alloc : memref<!tpu.dma_semaphore, #tpu.memory_space<semaphore_mem>>
      %dma_start3A_187 = arith.constant 0 : i32
      %dma_start3A_188 = tpu.memref_slice %arg10[%add3A_13, %dma_start3A_187] : memref<10240x128xf32, #tpu.memory_space<vmem_shared>> -> memref<128x128xf32, #tpu.memory_space<vmem_shared>>
      %dma_start3A_189 = arith.constant 0 : i32
      %dma_start3A_190 = tpu.memref_slice %arg10[%add3A_13, %dma_start3A_189] : memref<10240x128xf32, #tpu.memory_space<vmem_shared>> -> memref<128x128xf32, #tpu.memory_space<vmem_shared>>
      tpu.enqueue_dma source(%arg8 : memref<128x128xf32, #tpu.memory_space<vmem>>) target(%dma_start3A_190 : memref<128x128xf32, #tpu.memory_space<vmem_shared>>) target_semaphore(%run_scoped3A : memref<!tpu.dma_semaphore, #tpu.memory_space<semaphore_mem>>)
      %dma_wait3A_191 = arith.constant 0 : i32
      %dma_wait3A_192 = tpu.memref_slice %arg10[%add3A_13, %dma_wait3A_191] : memref<10240x128xf32, #tpu.memory_space<vmem_shared>> -> memref<128x128xf32, #tpu.memory_space<vmem_shared>>
      %dma_wait3A_193 = arith.constant 0 : i32
      %dma_wait3A_194 = tpu.memref_slice %arg10[%add3A_13, %dma_wait3A_193] : memref<10240x128xf32, #tpu.memory_space<vmem_shared>> -> memref<128x128xf32, #tpu.memory_space<vmem_shared>>
      tpu.wait_dma2 semaphore(%run_scoped3A : memref<!tpu.dma_semaphore, #tpu.memory_space<semaphore_mem>>) src(%arg8 : memref<128x128xf32, #tpu.memory_space<vmem>>) dst(%dma_wait3A_194 : memref<128x128xf32, #tpu.memory_space<vmem_shared>>)
      tpu.yield
    }) : () -> ()
    %mul3A_14 = arith.constant 640 : i32
    %mul3A_15 = arith.muli %arg1, %mul3A_14 : i32
    %add3A_16 = arith.constant 256 : i32
    %add3A_17 = arith.addi %mul3A_15, %add3A_16 : i32
    "tpu.region"() ({
      %run_scoped3A = tpu.sem_alloc : memref<!tpu.dma_semaphore, #tpu.memory_space<semaphore_mem>>
      %dma_start3A_187 = arith.constant 0 : i32
      %dma_start3A_188 = tpu.memref_slice %arg10[%add3A_17, %dma_start3A_187] : memref<10240x128xf32, #tpu.memory_space<vmem_shared>> -> memref<128x128xf32, #tpu.memory_space<vmem_shared>>
      %dma_start3A_189 = arith.constant 0 : i32
      %dma_start3A_190 = tpu.memref_slice %arg10[%add3A_17, %dma_start3A_189] : memref<10240x128xf32, #tpu.memory_space<vmem_shared>> -> memref<128x128xf32, #tpu.memory_space<vmem_shared>>
      tpu.enqueue_dma source(%arg8 : memref<128x128xf32, #tpu.memory_space<vmem>>) target(%dma_start3A_190 : memref<128x128xf32, #tpu.memory_space<vmem_shared>>) target_semaphore(%run_scoped3A : memref<!tpu.dma_semaphore, #tpu.memory_space<semaphore_mem>>)
      %dma_wait3A_191 = arith.constant 0 : i32
      %dma_wait3A_192 = tpu.memref_slice %arg10[%add3A_17, %dma_wait3A_191] : memref<10240x128xf32, #tpu.memory_space<vmem_shared>> -> memref<128x128xf32, #tpu.memory_space<vmem_shared>>
      %dma_wait3A_193 = arith.constant 0 : i32
      %dma_wait3A_194 = tpu.memref_slice %arg10[%add3A_17, %dma_wait3A_193] : memref<10240x128xf32, #tpu.memory_space<vmem_shared>> -> memref<128x128xf32, #tpu.memory_space<vmem_shared>>
      tpu.wait_dma2 semaphore(%run_scoped3A : memref<!tpu.dma_semaphore, #tpu.memory_space<semaphore_mem>>) src(%arg8 : memref<128x128xf32, #tpu.memory_space<vmem>>) dst(%dma_wait3A_194 : memref<128x128xf32, #tpu.memory_space<vmem_shared>>)
      tpu.yield
    }) : () -> ()
    %mul3A_18 = arith.constant 640 : i32
    %mul3A_19 = arith.muli %arg1, %mul3A_18 : i32
    %add3A_20 = arith.constant 384 : i32
    %add3A_21 = arith.addi %mul3A_19, %add3A_20 : i32
    "tpu.region"() ({
      %run_scoped3A = tpu.sem_alloc : memref<!tpu.dma_semaphore, #tpu.memory_space<semaphore_mem>>
      %dma_start3A_187 = arith.constant 0 : i32
      %dma_start3A_188 = tpu.memref_slice %arg10[%add3A_21, %dma_start3A_187] : memref<10240x128xf32, #tpu.memory_space<vmem_shared>> -> memref<128x128xf32, #tpu.memory_space<vmem_shared>>
      %dma_start3A_189 = arith.constant 0 : i32
      %dma_start3A_190 = tpu.memref_slice %arg10[%add3A_21, %dma_start3A_189] : memref<10240x128xf32, #tpu.memory_space<vmem_shared>> -> memref<128x128xf32, #tpu.memory_space<vmem_shared>>
      tpu.enqueue_dma source(%arg8 : memref<128x128xf32, #tpu.memory_space<vmem>>) target(%dma_start3A_190 : memref<128x128xf32, #tpu.memory_space<vmem_shared>>) target_semaphore(%run_scoped3A : memref<!tpu.dma_semaphore, #tpu.memory_space<semaphore_mem>>)
      %dma_wait3A_191 = arith.constant 0 : i32
      %dma_wait3A_192 = tpu.memref_slice %arg10[%add3A_21, %dma_wait3A_191] : memref<10240x128xf32, #tpu.memory_space<vmem_shared>> -> memref<128x128xf32, #tpu.memory_space<vmem_shared>>
      %dma_wait3A_193 = arith.constant 0 : i32
      %dma_wait3A_194 = tpu.memref_slice %arg10[%add3A_21, %dma_wait3A_193] : memref<10240x128xf32, #tpu.memory_space<vmem_shared>> -> memref<128x128xf32, #tpu.memory_space<vmem_shared>>
      tpu.wait_dma2 semaphore(%run_scoped3A : memref<!tpu.dma_semaphore, #tpu.memory_space<semaphore_mem>>) src(%arg8 : memref<128x128xf32, #tpu.memory_space<vmem>>) dst(%dma_wait3A_194 : memref<128x128xf32, #tpu.memory_space<vmem_shared>>)
      tpu.yield
    }) : () -> ()
    %mul3A_22 = arith.constant 640 : i32
    %mul3A_23 = arith.muli %arg1, %mul3A_22 : i32
    %add3A_24 = arith.constant 512 : i32
    %add3A_25 = arith.addi %mul3A_23, %add3A_24 : i32
    "tpu.region"() ({
      %run_scoped3A = tpu.sem_alloc : memref<!tpu.dma_semaphore, #tpu.memory_space<semaphore_mem>>
      %dma_start3A_187 = arith.constant 0 : i32
      %dma_start3A_188 = tpu.memref_slice %arg10[%add3A_25, %dma_start3A_187] : memref<10240x128xf32, #tpu.memory_space<vmem_shared>> -> memref<128x128xf32, #tpu.memory_space<vmem_shared>>
      %dma_start3A_189 = arith.constant 0 : i32
      %dma_start3A_190 = tpu.memref_slice %arg10[%add3A_25, %dma_start3A_189] : memref<10240x128xf32, #tpu.memory_space<vmem_shared>> -> memref<128x128xf32, #tpu.memory_space<vmem_shared>>
      tpu.enqueue_dma source(%arg8 : memref<128x128xf32, #tpu.memory_space<vmem>>) target(%dma_start3A_190 : memref<128x128xf32, #tpu.memory_space<vmem_shared>>) target_semaphore(%run_scoped3A : memref<!tpu.dma_semaphore, #tpu.memory_space<semaphore_mem>>)
      %dma_wait3A_191 = arith.constant 0 : i32
      %dma_wait3A_192 = tpu.memref_slice %arg10[%add3A_25, %dma_wait3A_191] : memref<10240x128xf32, #tpu.memory_space<vmem_shared>> -> memref<128x128xf32, #tpu.memory_space<vmem_shared>>
      %dma_wait3A_193 = arith.constant 0 : i32
      %dma_wait3A_194 = tpu.memref_slice %arg10[%add3A_25, %dma_wait3A_193] : memref<10240x128xf32, #tpu.memory_space<vmem_shared>> -> memref<128x128xf32, #tpu.memory_space<vmem_shared>>
      tpu.wait_dma2 semaphore(%run_scoped3A : memref<!tpu.dma_semaphore, #tpu.memory_space<semaphore_mem>>) src(%arg8 : memref<128x128xf32, #tpu.memory_space<vmem>>) dst(%dma_wait3A_194 : memref<128x128xf32, #tpu.memory_space<vmem_shared>>)
      tpu.yield
    }) : () -> ()
    %barrier3A = arith.constant 0 : index
    tpu.barrier barrier_id(%barrier3A)
    "tpu.region"() ({
      %run_scoped3A = tpu.sem_alloc : memref<!tpu.dma_semaphore, #tpu.memory_space<semaphore_mem>>
      %dma_start3A_187 = arith.constant 0 : i32
      %dma_start3A_188 = arith.constant 0 : i32
      %dma_start3A_189 = tpu.memref_slice %arg3[%add3A, %dma_start3A_187, %dma_start3A_188] : memref<32x80x128xi32, #tpu.memory_space<hbm>> -> memref<1x40x128xi32, #tpu.memory_space<hbm>>
      %dma_start3A_190 = tpu.memref_squeeze %dma_start3A_189 : memref<1x40x128xi32, #tpu.memory_space<hbm>> -> memref<40x128xi32, #tpu.memory_space<hbm>>
      %dma_start3A_191 = arith.constant 0 : i32
      %dma_start3A_192 = arith.constant 0 : i32
      %dma_start3A_193 = tpu.memref_slice %arg3[%add3A, %dma_start3A_191, %dma_start3A_192] : memref<32x80x128xi32, #tpu.memory_space<hbm>> -> memref<1x40x128xi32, #tpu.memory_space<hbm>>
      %dma_start3A_194 = tpu.memref_squeeze %dma_start3A_193 : memref<1x40x128xi32, #tpu.memory_space<hbm>> -> memref<40x128xi32, #tpu.memory_space<hbm>>
      tpu.enqueue_dma source(%dma_start3A_194 : memref<40x128xi32, #tpu.memory_space<hbm>>) target(%arg6 : memref<40x128xi32, #tpu.memory_space<vmem>>) target_semaphore(%run_scoped3A : memref<!tpu.dma_semaphore, #tpu.memory_space<semaphore_mem>>)
      %dma_wait3A_195 = arith.constant 0 : i32
      %dma_wait3A_196 = arith.constant 0 : i32
      %dma_wait3A_197 = tpu.memref_slice %arg3[%add3A, %dma_wait3A_195, %dma_wait3A_196] : memref<32x80x128xi32, #tpu.memory_space<hbm>> -> memref<1x40x128xi32, #tpu.memory_space<hbm>>
      %dma_wait3A_198 = tpu.memref_squeeze %dma_wait3A_197 : memref<1x40x128xi32, #tpu.memory_space<hbm>> -> memref<40x128xi32, #tpu.memory_space<hbm>>
      %dma_wait3A_199 = arith.constant 0 : i32
      %dma_wait3A_200 = arith.constant 0 : i32
      %dma_wait3A_201 = tpu.memref_slice %arg3[%add3A, %dma_wait3A_199, %dma_wait3A_200] : memref<32x80x128xi32, #tpu.memory_space<hbm>> -> memref<1x40x128xi32, #tpu.memory_space<hbm>>
      %dma_wait3A_202 = tpu.memref_squeeze %dma_wait3A_201 : memref<1x40x128xi32, #tpu.memory_space<hbm>> -> memref<40x128xi32, #tpu.memory_space<hbm>>
      tpu.wait_dma2 semaphore(%run_scoped3A : memref<!tpu.dma_semaphore, #tpu.memory_space<semaphore_mem>>) src(%dma_wait3A_202 : memref<40x128xi32, #tpu.memory_space<hbm>>) dst(%arg6 : memref<40x128xi32, #tpu.memory_space<vmem>>)
      tpu.yield
    }) : () -> ()
    "tpu.region"() ({
      %run_scoped3A = tpu.sem_alloc : memref<!tpu.dma_semaphore, #tpu.memory_space<semaphore_mem>>
      %dma_start3A_187 = arith.constant 0 : i32
      %dma_start3A_188 = arith.constant 0 : i32
      %dma_start3A_189 = tpu.memref_slice %arg4[%add3A, %dma_start3A_187, %dma_start3A_188] : memref<32x80x128xi32, #tpu.memory_space<hbm>> -> memref<1x40x128xi32, #tpu.memory_space<hbm>>
      %dma_start3A_190 = tpu.memref_squeeze %dma_start3A_189 : memref<1x40x128xi32, #tpu.memory_space<hbm>> -> memref<40x128xi32, #tpu.memory_space<hbm>>
      %dma_start3A_191 = arith.constant 0 : i32
      %dma_start3A_192 = arith.constant 0 : i32
      %dma_start3A_193 = tpu.memref_slice %arg4[%add3A, %dma_start3A_191, %dma_start3A_192] : memref<32x80x128xi32, #tpu.memory_space<hbm>> -> memref<1x40x128xi32, #tpu.memory_space<hbm>>
      %dma_start3A_194 = tpu.memref_squeeze %dma_start3A_193 : memref<1x40x128xi32, #tpu.memory_space<hbm>> -> memref<40x128xi32, #tpu.memory_space<hbm>>
      tpu.enqueue_dma source(%dma_start3A_194 : memref<40x128xi32, #tpu.memory_space<hbm>>) target(%arg7 : memref<40x128xi32, #tpu.memory_space<vmem>>) target_semaphore(%run_scoped3A : memref<!tpu.dma_semaphore, #tpu.memory_space<semaphore_mem>>)
      %dma_wait3A_195 = arith.constant 0 : i32
      %dma_wait3A_196 = arith.constant 0 : i32
      %dma_wait3A_197 = tpu.memref_slice %arg4[%add3A, %dma_wait3A_195, %dma_wait3A_196] : memref<32x80x128xi32, #tpu.memory_space<hbm>> -> memref<1x40x128xi32, #tpu.memory_space<hbm>>
      %dma_wait3A_198 = tpu.memref_squeeze %dma_wait3A_197 : memref<1x40x128xi32, #tpu.memory_space<hbm>> -> memref<40x128xi32, #tpu.memory_space<hbm>>
      %dma_wait3A_199 = arith.constant 0 : i32
      %dma_wait3A_200 = arith.constant 0 : i32
      %dma_wait3A_201 = tpu.memref_slice %arg4[%add3A, %dma_wait3A_199, %dma_wait3A_200] : memref<32x80x128xi32, #tpu.memory_space<hbm>> -> memref<1x40x128xi32, #tpu.memory_space<hbm>>
      %dma_wait3A_202 = tpu.memref_squeeze %dma_wait3A_201 : memref<1x40x128xi32, #tpu.memory_space<hbm>> -> memref<40x128xi32, #tpu.memory_space<hbm>>
      tpu.wait_dma2 semaphore(%run_scoped3A : memref<!tpu.dma_semaphore, #tpu.memory_space<semaphore_mem>>) src(%dma_wait3A_202 : memref<40x128xi32, #tpu.memory_space<hbm>>) dst(%arg7 : memref<40x128xi32, #tpu.memory_space<vmem>>)
      tpu.yield
    }) : () -> ()
    %dma_start3A = arith.constant 0 : i32
    %dma_start3A_26 = arith.constant 0 : i32
    %dma_start3A_27 = tpu.memref_slice %arg6[%dma_start3A, %dma_start3A_26] : memref<40x128xi32, #tpu.memory_space<vmem>> -> memref<1x128xi32, #tpu.memory_space<vmem>>
    %dma_start3A_28 = tpu.memref_squeeze %dma_start3A_27 : memref<1x128xi32, #tpu.memory_space<vmem>> -> memref<128xi32, #tpu.memory_space<vmem>>
    %dma_start3A_29 = arith.constant 0 : i32
    %dma_start3A_30 = arith.constant 0 : i32
    %dma_start3A_31 = tpu.memref_slice %arg2[%dma_start3A_29, %dma_start3A_30] : memref<10000x128xf32, #tpu.memory_space<hbm>> -> memref<10000x128xf32, #tpu.memory_space<hbm>>
    tpu.enqueue_indirect_dma source(%dma_start3A_31 : memref<10000x128xf32, #tpu.memory_space<hbm>>) target(%arg8 : memref<128x128xf32, #tpu.memory_space<vmem>>) offsets(%dma_start3A_28 : memref<128xi32, #tpu.memory_space<vmem>>) semaphore(%arg11 : memref<!tpu.dma_semaphore, #tpu.memory_space<semaphore_mem>>)
    %dma_start3A_32 = arith.constant 1 : i32
    %dma_start3A_33 = arith.constant 0 : i32
    %dma_start3A_34 = tpu.memref_slice %arg6[%dma_start3A_32, %dma_start3A_33] : memref<40x128xi32, #tpu.memory_space<vmem>> -> memref<1x128xi32, #tpu.memory_space<vmem>>
    %dma_start3A_35 = tpu.memref_squeeze %dma_start3A_34 : memref<1x128xi32, #tpu.memory_space<vmem>> -> memref<128xi32, #tpu.memory_space<vmem>>
    %dma_start3A_36 = arith.constant 0 : i32
    %dma_start3A_37 = arith.constant 0 : i32
    %dma_start3A_38 = tpu.memref_slice %arg2[%dma_start3A_36, %dma_start3A_37] : memref<10000x128xf32, #tpu.memory_space<hbm>> -> memref<10000x128xf32, #tpu.memory_space<hbm>>
    tpu.enqueue_indirect_dma source(%dma_start3A_38 : memref<10000x128xf32, #tpu.memory_space<hbm>>) target(%arg9 : memref<128x128xf32, #tpu.memory_space<vmem>>) offsets(%dma_start3A_35 : memref<128xi32, #tpu.memory_space<vmem>>) semaphore(%arg12 : memref<!tpu.dma_semaphore, #tpu.memory_space<semaphore_mem>>)
    %scan3A_39 = arith.constant 0 : i32
    %scan3A_40 = arith.constant 19 : i32
    %scan3A_41 = arith.addi %scan3A_39, %scan3A_40 : i32
    %scan3A_42 = arith.constant 1 : i32
    scf.for %scan3A_187 = %scan3A_39 to %scan3A_41 step %scan3A_42  : i32 {
      %mul3A_188 = arith.constant 1 : i32
      %mul3A_189 = arith.muli %scan3A_187, %mul3A_188 : i32
      %add3A_190 = arith.constant 0 : i32
      %add3A_191 = arith.addi %add3A_190, %mul3A_189 : i32
      %dma_wait3A_192 = arith.constant 0 : i32
      %dma_wait3A_193 = arith.constant 0 : i32
      %dma_wait3A_194 = tpu.memref_slice %arg6[%dma_wait3A_192, %dma_wait3A_193] : memref<40x128xi32, #tpu.memory_space<vmem>> -> memref<1x128xi32, #tpu.memory_space<vmem>>
      %dma_wait3A_195 = tpu.memref_squeeze %dma_wait3A_194 : memref<1x128xi32, #tpu.memory_space<vmem>> -> memref<128xi32, #tpu.memory_space<vmem>>
      %dma_wait3A_196 = arith.constant 0 : i32
      %dma_wait3A_197 = arith.constant 0 : i32
      %dma_wait3A_198 = tpu.memref_slice %arg2[%dma_wait3A_196, %dma_wait3A_197] : memref<10000x128xf32, #tpu.memory_space<hbm>> -> memref<10000x128xf32, #tpu.memory_space<hbm>>
      tpu.wait_indirect_dma semaphore(%arg11 : memref<!tpu.dma_semaphore, #tpu.memory_space<semaphore_mem>>) src(%dma_wait3A_198 : memref<10000x128xf32, #tpu.memory_space<hbm>>) dst(%arg8 : memref<128x128xf32, #tpu.memory_space<vmem>>)
      %mul3A_199 = arith.constant 2 : i32
      %mul3A_200 = arith.muli %mul3A_199, %add3A_191 : i32
      %dma_start3A_201 = arith.constant 0 : i32
      %dma_start3A_202 = tpu.memref_slice %arg7[%mul3A_200, %dma_start3A_201] : memref<40x128xi32, #tpu.memory_space<vmem>> -> memref<1x128xi32, #tpu.memory_space<vmem>>
      %dma_start3A_203 = tpu.memref_squeeze %dma_start3A_202 : memref<1x128xi32, #tpu.memory_space<vmem>> -> memref<128xi32, #tpu.memory_space<vmem>>
      %dma_start3A_204 = arith.constant 0 : i32
      %dma_start3A_205 = arith.constant 0 : i32
      %dma_start3A_206 = tpu.memref_slice %arg10[%dma_start3A_204, %dma_start3A_205] : memref<10240x128xf32, #tpu.memory_space<vmem_shared>> -> memref<10240x128xf32, #tpu.memory_space<vmem_shared>>
      tpu.enqueue_indirect_dma source(%arg8 : memref<128x128xf32, #tpu.memory_space<vmem>>) target(%dma_start3A_206 : memref<10240x128xf32, #tpu.memory_space<vmem_shared>>) offsets(%dma_start3A_203 : memref<128xi32, #tpu.memory_space<vmem>>) semaphore(%arg13 : memref<!tpu.dma_semaphore, #tpu.memory_space<semaphore_mem>>) {add = true}
      %dma_wait3A_207 = arith.constant 0 : i32
      %dma_wait3A_208 = arith.constant 0 : i32
      %dma_wait3A_209 = tpu.memref_slice %arg6[%dma_wait3A_207, %dma_wait3A_208] : memref<40x128xi32, #tpu.memory_space<vmem>> -> memref<1x128xi32, #tpu.memory_space<vmem>>
      %dma_wait3A_210 = tpu.memref_squeeze %dma_wait3A_209 : memref<1x128xi32, #tpu.memory_space<vmem>> -> memref<128xi32, #tpu.memory_space<vmem>>
      %dma_wait3A_211 = arith.constant 0 : i32
      %dma_wait3A_212 = arith.constant 0 : i32
      %dma_wait3A_213 = tpu.memref_slice %arg2[%dma_wait3A_211, %dma_wait3A_212] : memref<10000x128xf32, #tpu.memory_space<hbm>> -> memref<10000x128xf32, #tpu.memory_space<hbm>>
      tpu.wait_indirect_dma semaphore(%arg12 : memref<!tpu.dma_semaphore, #tpu.memory_space<semaphore_mem>>) src(%dma_wait3A_213 : memref<10000x128xf32, #tpu.memory_space<hbm>>) dst(%arg9 : memref<128x128xf32, #tpu.memory_space<vmem>>)
      %mul3A_214 = arith.constant 2 : i32
      %mul3A_215 = arith.muli %mul3A_214, %add3A_191 : i32
      %add3A_216 = arith.constant 1 : i32
      %add3A_217 = arith.addi %mul3A_215, %add3A_216 : i32
      %dma_start3A_218 = arith.constant 0 : i32
      %dma_start3A_219 = tpu.memref_slice %arg7[%add3A_217, %dma_start3A_218] : memref<40x128xi32, #tpu.memory_space<vmem>> -> memref<1x128xi32, #tpu.memory_space<vmem>>
      %dma_start3A_220 = tpu.memref_squeeze %dma_start3A_219 : memref<1x128xi32, #tpu.memory_space<vmem>> -> memref<128xi32, #tpu.memory_space<vmem>>
      %dma_start3A_221 = arith.constant 0 : i32
      %dma_start3A_222 = arith.constant 0 : i32
      %dma_start3A_223 = tpu.memref_slice %arg10[%dma_start3A_221, %dma_start3A_222] : memref<10240x128xf32, #tpu.memory_space<vmem_shared>> -> memref<10240x128xf32, #tpu.memory_space<vmem_shared>>
      tpu.enqueue_indirect_dma source(%arg9 : memref<128x128xf32, #tpu.memory_space<vmem>>) target(%dma_start3A_223 : memref<10240x128xf32, #tpu.memory_space<vmem_shared>>) offsets(%dma_start3A_220 : memref<128xi32, #tpu.memory_space<vmem>>) semaphore(%arg14 : memref<!tpu.dma_semaphore, #tpu.memory_space<semaphore_mem>>) {add = true}
      %dma_wait3A_224 = arith.constant 0 : i32
      %dma_wait3A_225 = arith.constant 0 : i32
      %dma_wait3A_226 = tpu.memref_slice %arg6[%dma_wait3A_224, %dma_wait3A_225] : memref<40x128xi32, #tpu.memory_space<vmem>> -> memref<1x128xi32, #tpu.memory_space<vmem>>
      %dma_wait3A_227 = tpu.memref_squeeze %dma_wait3A_226 : memref<1x128xi32, #tpu.memory_space<vmem>> -> memref<128xi32, #tpu.memory_space<vmem>>
      %dma_wait3A_228 = arith.constant 0 : i32
      %dma_wait3A_229 = arith.constant 0 : i32
      %dma_wait3A_230 = tpu.memref_slice %arg2[%dma_wait3A_228, %dma_wait3A_229] : memref<10000x128xf32, #tpu.memory_space<hbm>> -> memref<10000x128xf32, #tpu.memory_space<hbm>>
      tpu.wait_indirect_dma semaphore(%arg13 : memref<!tpu.dma_semaphore, #tpu.memory_space<semaphore_mem>>) src(%dma_wait3A_230 : memref<10000x128xf32, #tpu.memory_space<hbm>>) dst(%arg8 : memref<128x128xf32, #tpu.memory_space<vmem>>)
      %mul3A_231 = arith.constant 2 : i32
      %mul3A_232 = arith.muli %mul3A_231, %add3A_191 : i32
      %add3A_233 = arith.constant 2 : i32
      %add3A_234 = arith.addi %mul3A_232, %add3A_233 : i32
      %dma_start3A_235 = arith.constant 0 : i32
      %dma_start3A_236 = tpu.memref_slice %arg6[%add3A_234, %dma_start3A_235] : memref<40x128xi32, #tpu.memory_space<vmem>> -> memref<1x128xi32, #tpu.memory_space<vmem>>
      %dma_start3A_237 = tpu.memref_squeeze %dma_start3A_236 : memref<1x128xi32, #tpu.memory_space<vmem>> -> memref<128xi32, #tpu.memory_space<vmem>>
      %dma_start3A_238 = arith.constant 0 : i32
      %dma_start3A_239 = arith.constant 0 : i32
      %dma_start3A_240 = tpu.memref_slice %arg2[%dma_start3A_238, %dma_start3A_239] : memref<10000x128xf32, #tpu.memory_space<hbm>> -> memref<10000x128xf32, #tpu.memory_space<hbm>>
      tpu.enqueue_indirect_dma source(%dma_start3A_240 : memref<10000x128xf32, #tpu.memory_space<hbm>>) target(%arg8 : memref<128x128xf32, #tpu.memory_space<vmem>>) offsets(%dma_start3A_237 : memref<128xi32, #tpu.memory_space<vmem>>) semaphore(%arg11 : memref<!tpu.dma_semaphore, #tpu.memory_space<semaphore_mem>>)
      %dma_wait3A_241 = arith.constant 0 : i32
      %dma_wait3A_242 = arith.constant 0 : i32
      %dma_wait3A_243 = tpu.memref_slice %arg6[%dma_wait3A_241, %dma_wait3A_242] : memref<40x128xi32, #tpu.memory_space<vmem>> -> memref<1x128xi32, #tpu.memory_space<vmem>>
      %dma_wait3A_244 = tpu.memref_squeeze %dma_wait3A_243 : memref<1x128xi32, #tpu.memory_space<vmem>> -> memref<128xi32, #tpu.memory_space<vmem>>
      %dma_wait3A_245 = arith.constant 0 : i32
      %dma_wait3A_246 = arith.constant 0 : i32
      %dma_wait3A_247 = tpu.memref_slice %arg2[%dma_wait3A_245, %dma_wait3A_246] : memref<10000x128xf32, #tpu.memory_space<hbm>> -> memref<10000x128xf32, #tpu.memory_space<hbm>>
      tpu.wait_indirect_dma semaphore(%arg14 : memref<!tpu.dma_semaphore, #tpu.memory_space<semaphore_mem>>) src(%dma_wait3A_247 : memref<10000x128xf32, #tpu.memory_space<hbm>>) dst(%arg9 : memref<128x128xf32, #tpu.memory_space<vmem>>)
      %mul3A_248 = arith.constant 2 : i32
      %mul3A_249 = arith.muli %mul3A_248, %add3A_191 : i32
      %add3A_250 = arith.constant 3 : i32
      %add3A_251 = arith.addi %mul3A_249, %add3A_250 : i32
      %dma_start3A_252 = arith.constant 0 : i32
      %dma_start3A_253 = tpu.memref_slice %arg6[%add3A_251, %dma_start3A_252] : memref<40x128xi32, #tpu.memory_space<vmem>> -> memref<1x128xi32, #tpu.memory_space<vmem>>
      %dma_start3A_254 = tpu.memref_squeeze %dma_start3A_253 : memref<1x128xi32, #tpu.memory_space<vmem>> -> memref<128xi32, #tpu.memory_space<vmem>>
      %dma_start3A_255 = arith.constant 0 : i32
      %dma_start3A_256 = arith.constant 0 : i32
      %dma_start3A_257 = tpu.memref_slice %arg2[%dma_start3A_255, %dma_start3A_256] : memref<10000x128xf32, #tpu.memory_space<hbm>> -> memref<10000x128xf32, #tpu.memory_space<hbm>>
      tpu.enqueue_indirect_dma source(%dma_start3A_257 : memref<10000x128xf32, #tpu.memory_space<hbm>>) target(%arg9 : memref<128x128xf32, #tpu.memory_space<vmem>>) offsets(%dma_start3A_254 : memref<128xi32, #tpu.memory_space<vmem>>) semaphore(%arg12 : memref<!tpu.dma_semaphore, #tpu.memory_space<semaphore_mem>>)
    }
    %scan3A_43 = arith.constant 19 : i32
    %dma_wait3A = arith.constant 0 : i32
    %dma_wait3A_44 = arith.constant 0 : i32
    %dma_wait3A_45 = tpu.memref_slice %arg6[%dma_wait3A, %dma_wait3A_44] : memref<40x128xi32, #tpu.memory_space<vmem>> -> memref<1x128xi32, #tpu.memory_space<vmem>>
    %dma_wait3A_46 = tpu.memref_squeeze %dma_wait3A_45 : memref<1x128xi32, #tpu.memory_space<vmem>> -> memref<128xi32, #tpu.memory_space<vmem>>
    %dma_wait3A_47 = arith.constant 0 : i32
    %dma_wait3A_48 = arith.constant 0 : i32
    %dma_wait3A_49 = tpu.memref_slice %arg2[%dma_wait3A_47, %dma_wait3A_48] : memref<10000x128xf32, #tpu.memory_space<hbm>> -> memref<10000x128xf32, #tpu.memory_space<hbm>>
    tpu.wait_indirect_dma semaphore(%arg11 : memref<!tpu.dma_semaphore, #tpu.memory_space<semaphore_mem>>) src(%dma_wait3A_49 : memref<10000x128xf32, #tpu.memory_space<hbm>>) dst(%arg8 : memref<128x128xf32, #tpu.memory_space<vmem>>)
    %dma_start3A_50 = arith.constant 38 : i32
    %dma_start3A_51 = arith.constant 0 : i32
    %dma_start3A_52 = tpu.memref_slice %arg7[%dma_start3A_50, %dma_start3A_51] : memref<40x128xi32, #tpu.memory_space<vmem>> -> memref<1x128xi32, #tpu.memory_space<vmem>>
    %dma_start3A_53 = tpu.memref_squeeze %dma_start3A_52 : memref<1x128xi32, #tpu.memory_space<vmem>> -> memref<128xi32, #tpu.memory_space<vmem>>
    %dma_start3A_54 = arith.constant 0 : i32
    %dma_start3A_55 = arith.constant 0 : i32
    %dma_start3A_56 = tpu.memref_slice %arg10[%dma_start3A_54, %dma_start3A_55] : memref<10240x128xf32, #tpu.memory_space<vmem_shared>> -> memref<10240x128xf32, #tpu.memory_space<vmem_shared>>
    tpu.enqueue_indirect_dma source(%arg8 : memref<128x128xf32, #tpu.memory_space<vmem>>) target(%dma_start3A_56 : memref<10240x128xf32, #tpu.memory_space<vmem_shared>>) offsets(%dma_start3A_53 : memref<128xi32, #tpu.memory_space<vmem>>) semaphore(%arg13 : memref<!tpu.dma_semaphore, #tpu.memory_space<semaphore_mem>>) {add = true}
    %dma_wait3A_57 = arith.constant 0 : i32
    %dma_wait3A_58 = arith.constant 0 : i32
    %dma_wait3A_59 = tpu.memref_slice %arg6[%dma_wait3A_57, %dma_wait3A_58] : memref<40x128xi32, #tpu.memory_space<vmem>> -> memref<1x128xi32, #tpu.memory_space<vmem>>
    %dma_wait3A_60 = tpu.memref_squeeze %dma_wait3A_59 : memref<1x128xi32, #tpu.memory_space<vmem>> -> memref<128xi32, #tpu.memory_space<vmem>>
    %dma_wait3A_61 = arith.constant 0 : i32
    %dma_wait3A_62 = arith.constant 0 : i32
    %dma_wait3A_63 = tpu.memref_slice %arg2[%dma_wait3A_61, %dma_wait3A_62] : memref<10000x128xf32, #tpu.memory_space<hbm>> -> memref<10000x128xf32, #tpu.memory_space<hbm>>
    tpu.wait_indirect_dma semaphore(%arg12 : memref<!tpu.dma_semaphore, #tpu.memory_space<semaphore_mem>>) src(%dma_wait3A_63 : memref<10000x128xf32, #tpu.memory_space<hbm>>) dst(%arg9 : memref<128x128xf32, #tpu.memory_space<vmem>>)
    %dma_start3A_64 = arith.constant 39 : i32
    %dma_start3A_65 = arith.constant 0 : i32
    %dma_start3A_66 = tpu.memref_slice %arg7[%dma_start3A_64, %dma_start3A_65] : memref<40x128xi32, #tpu.memory_space<vmem>> -> memref<1x128xi32, #tpu.memory_space<vmem>>
    %dma_start3A_67 = tpu.memref_squeeze %dma_start3A_66 : memref<1x128xi32, #tpu.memory_space<vmem>> -> memref<128xi32, #tpu.memory_space<vmem>>
    %dma_start3A_68 = arith.constant 0 : i32
    %dma_start3A_69 = arith.constant 0 : i32
    %dma_start3A_70 = tpu.memref_slice %arg10[%dma_start3A_68, %dma_start3A_69] : memref<10240x128xf32, #tpu.memory_space<vmem_shared>> -> memref<10240x128xf32, #tpu.memory_space<vmem_shared>>
    tpu.enqueue_indirect_dma source(%arg9 : memref<128x128xf32, #tpu.memory_space<vmem>>) target(%dma_start3A_70 : memref<10240x128xf32, #tpu.memory_space<vmem_shared>>) offsets(%dma_start3A_67 : memref<128xi32, #tpu.memory_space<vmem>>) semaphore(%arg14 : memref<!tpu.dma_semaphore, #tpu.memory_space<semaphore_mem>>) {add = true}
    %dma_wait3A_71 = arith.constant 0 : i32
    %dma_wait3A_72 = arith.constant 0 : i32
    %dma_wait3A_73 = tpu.memref_slice %arg6[%dma_wait3A_71, %dma_wait3A_72] : memref<40x128xi32, #tpu.memory_space<vmem>> -> memref<1x128xi32, #tpu.memory_space<vmem>>
    %dma_wait3A_74 = tpu.memref_squeeze %dma_wait3A_73 : memref<1x128xi32, #tpu.memory_space<vmem>> -> memref<128xi32, #tpu.memory_space<vmem>>
    %dma_wait3A_75 = arith.constant 0 : i32
    %dma_wait3A_76 = arith.constant 0 : i32
    %dma_wait3A_77 = tpu.memref_slice %arg2[%dma_wait3A_75, %dma_wait3A_76] : memref<10000x128xf32, #tpu.memory_space<hbm>> -> memref<10000x128xf32, #tpu.memory_space<hbm>>
    tpu.wait_indirect_dma semaphore(%arg13 : memref<!tpu.dma_semaphore, #tpu.memory_space<semaphore_mem>>) src(%dma_wait3A_77 : memref<10000x128xf32, #tpu.memory_space<hbm>>) dst(%arg8 : memref<128x128xf32, #tpu.memory_space<vmem>>)
    %dma_wait3A_78 = arith.constant 0 : i32
    %dma_wait3A_79 = arith.constant 0 : i32
    %dma_wait3A_80 = tpu.memref_slice %arg6[%dma_wait3A_78, %dma_wait3A_79] : memref<40x128xi32, #tpu.memory_space<vmem>> -> memref<1x128xi32, #tpu.memory_space<vmem>>
    %dma_wait3A_81 = tpu.memref_squeeze %dma_wait3A_80 : memref<1x128xi32, #tpu.memory_space<vmem>> -> memref<128xi32, #tpu.memory_space<vmem>>
    %dma_wait3A_82 = arith.constant 0 : i32
    %dma_wait3A_83 = arith.constant 0 : i32
    %dma_wait3A_84 = tpu.memref_slice %arg2[%dma_wait3A_82, %dma_wait3A_83] : memref<10000x128xf32, #tpu.memory_space<hbm>> -> memref<10000x128xf32, #tpu.memory_space<hbm>>
    tpu.wait_indirect_dma semaphore(%arg14 : memref<!tpu.dma_semaphore, #tpu.memory_space<semaphore_mem>>) src(%dma_wait3A_84 : memref<10000x128xf32, #tpu.memory_space<hbm>>) dst(%arg9 : memref<128x128xf32, #tpu.memory_space<vmem>>)
    "tpu.region"() ({
      %run_scoped3A = tpu.sem_alloc : memref<!tpu.dma_semaphore, #tpu.memory_space<semaphore_mem>>
      %dma_start3A_187 = arith.constant 40 : i32
      %dma_start3A_188 = arith.constant 0 : i32
      %dma_start3A_189 = tpu.memref_slice %arg3[%add3A, %dma_start3A_187, %dma_start3A_188] : memref<32x80x128xi32, #tpu.memory_space<hbm>> -> memref<1x40x128xi32, #tpu.memory_space<hbm>>
      %dma_start3A_190 = tpu.memref_squeeze %dma_start3A_189 : memref<1x40x128xi32, #tpu.memory_space<hbm>> -> memref<40x128xi32, #tpu.memory_space<hbm>>
      %dma_start3A_191 = arith.constant 40 : i32
      %dma_start3A_192 = arith.constant 0 : i32
      %dma_start3A_193 = tpu.memref_slice %arg3[%add3A, %dma_start3A_191, %dma_start3A_192] : memref<32x80x128xi32, #tpu.memory_space<hbm>> -> memref<1x40x128xi32, #tpu.memory_space<hbm>>
      %dma_start3A_194 = tpu.memref_squeeze %dma_start3A_193 : memref<1x40x128xi32, #tpu.memory_space<hbm>> -> memref<40x128xi32, #tpu.memory_space<hbm>>
      tpu.enqueue_dma source(%dma_start3A_194 : memref<40x128xi32, #tpu.memory_space<hbm>>) target(%arg6 : memref<40x128xi32, #tpu.memory_space<vmem>>) target_semaphore(%run_scoped3A : memref<!tpu.dma_semaphore, #tpu.memory_space<semaphore_mem>>)
      %dma_wait3A_195 = arith.constant 40 : i32
      %dma_wait3A_196 = arith.constant 0 : i32
      %dma_wait3A_197 = tpu.memref_slice %arg3[%add3A, %dma_wait3A_195, %dma_wait3A_196] : memref<32x80x128xi32, #tpu.memory_space<hbm>> -> memref<1x40x128xi32, #tpu.memory_space<hbm>>
      %dma_wait3A_198 = tpu.memref_squeeze %dma_wait3A_197 : memref<1x40x128xi32, #tpu.memory_space<hbm>> -> memref<40x128xi32, #tpu.memory_space<hbm>>
      %dma_wait3A_199 = arith.constant 40 : i32
      %dma_wait3A_200 = arith.constant 0 : i32
      %dma_wait3A_201 = tpu.memref_slice %arg3[%add3A, %dma_wait3A_199, %dma_wait3A_200] : memref<32x80x128xi32, #tpu.memory_space<hbm>> -> memref<1x40x128xi32, #tpu.memory_space<hbm>>
      %dma_wait3A_202 = tpu.memref_squeeze %dma_wait3A_201 : memref<1x40x128xi32, #tpu.memory_space<hbm>> -> memref<40x128xi32, #tpu.memory_space<hbm>>
      tpu.wait_dma2 semaphore(%run_scoped3A : memref<!tpu.dma_semaphore, #tpu.memory_space<semaphore_mem>>) src(%dma_wait3A_202 : memref<40x128xi32, #tpu.memory_space<hbm>>) dst(%arg6 : memref<40x128xi32, #tpu.memory_space<vmem>>)
      tpu.yield
    }) : () -> ()
    "tpu.region"() ({
      %run_scoped3A = tpu.sem_alloc : memref<!tpu.dma_semaphore, #tpu.memory_space<semaphore_mem>>
      %dma_start3A_187 = arith.constant 40 : i32
      %dma_start3A_188 = arith.constant 0 : i32
      %dma_start3A_189 = tpu.memref_slice %arg4[%add3A, %dma_start3A_187, %dma_start3A_188] : memref<32x80x128xi32, #tpu.memory_space<hbm>> -> memref<1x40x128xi32, #tpu.memory_space<hbm>>
      %dma_start3A_190 = tpu.memref_squeeze %dma_start3A_189 : memref<1x40x128xi32, #tpu.memory_space<hbm>> -> memref<40x128xi32, #tpu.memory_space<hbm>>
      %dma_start3A_191 = arith.constant 40 : i32
      %dma_start3A_192 = arith.constant 0 : i32
      %dma_start3A_193 = tpu.memref_slice %arg4[%add3A, %dma_start3A_191, %dma_start3A_192] : memref<32x80x128xi32, #tpu.memory_space<hbm>> -> memref<1x40x128xi32, #tpu.memory_space<hbm>>
      %dma_start3A_194 = tpu.memref_squeeze %dma_start3A_193 : memref<1x40x128xi32, #tpu.memory_space<hbm>> -> memref<40x128xi32, #tpu.memory_space<hbm>>
      tpu.enqueue_dma source(%dma_start3A_194 : memref<40x128xi32, #tpu.memory_space<hbm>>) target(%arg7 : memref<40x128xi32, #tpu.memory_space<vmem>>) target_semaphore(%run_scoped3A : memref<!tpu.dma_semaphore, #tpu.memory_space<semaphore_mem>>)
      %dma_wait3A_195 = arith.constant 40 : i32
      %dma_wait3A_196 = arith.constant 0 : i32
      %dma_wait3A_197 = tpu.memref_slice %arg4[%add3A, %dma_wait3A_195, %dma_wait3A_196] : memref<32x80x128xi32, #tpu.memory_space<hbm>> -> memref<1x40x128xi32, #tpu.memory_space<hbm>>
      %dma_wait3A_198 = tpu.memref_squeeze %dma_wait3A_197 : memref<1x40x128xi32, #tpu.memory_space<hbm>> -> memref<40x128xi32, #tpu.memory_space<hbm>>
      %dma_wait3A_199 = arith.constant 40 : i32
      %dma_wait3A_200 = arith.constant 0 : i32
      %dma_wait3A_201 = tpu.memref_slice %arg4[%add3A, %dma_wait3A_199, %dma_wait3A_200] : memref<32x80x128xi32, #tpu.memory_space<hbm>> -> memref<1x40x128xi32, #tpu.memory_space<hbm>>
      %dma_wait3A_202 = tpu.memref_squeeze %dma_wait3A_201 : memref<1x40x128xi32, #tpu.memory_space<hbm>> -> memref<40x128xi32, #tpu.memory_space<hbm>>
      tpu.wait_dma2 semaphore(%run_scoped3A : memref<!tpu.dma_semaphore, #tpu.memory_space<semaphore_mem>>) src(%dma_wait3A_202 : memref<40x128xi32, #tpu.memory_space<hbm>>) dst(%arg7 : memref<40x128xi32, #tpu.memory_space<vmem>>)
      tpu.yield
    }) : () -> ()
    %dma_start3A_85 = arith.constant 0 : i32
    %dma_start3A_86 = arith.constant 0 : i32
    %dma_start3A_87 = tpu.memref_slice %arg6[%dma_start3A_85, %dma_start3A_86] : memref<40x128xi32, #tpu.memory_space<vmem>> -> memref<1x128xi32, #tpu.memory_space<vmem>>
    %dma_start3A_88 = tpu.memref_squeeze %dma_start3A_87 : memref<1x128xi32, #tpu.memory_space<vmem>> -> memref<128xi32, #tpu.memory_space<vmem>>
    %dma_start3A_89 = arith.constant 0 : i32
    %dma_start3A_90 = arith.constant 0 : i32
    %dma_start3A_91 = tpu.memref_slice %arg2[%dma_start3A_89, %dma_start3A_90] : memref<10000x128xf32, #tpu.memory_space<hbm>> -> memref<10000x128xf32, #tpu.memory_space<hbm>>
    tpu.enqueue_indirect_dma source(%dma_start3A_91 : memref<10000x128xf32, #tpu.memory_space<hbm>>) target(%arg8 : memref<128x128xf32, #tpu.memory_space<vmem>>) offsets(%dma_start3A_88 : memref<128xi32, #tpu.memory_space<vmem>>) semaphore(%arg11 : memref<!tpu.dma_semaphore, #tpu.memory_space<semaphore_mem>>)
    %dma_start3A_92 = arith.constant 1 : i32
    %dma_start3A_93 = arith.constant 0 : i32
    %dma_start3A_94 = tpu.memref_slice %arg6[%dma_start3A_92, %dma_start3A_93] : memref<40x128xi32, #tpu.memory_space<vmem>> -> memref<1x128xi32, #tpu.memory_space<vmem>>
    %dma_start3A_95 = tpu.memref_squeeze %dma_start3A_94 : memref<1x128xi32, #tpu.memory_space<vmem>> -> memref<128xi32, #tpu.memory_space<vmem>>
    %dma_start3A_96 = arith.constant 0 : i32
    %dma_start3A_97 = arith.constant 0 : i32
    %dma_start3A_98 = tpu.memref_slice %arg2[%dma_start3A_96, %dma_start3A_97] : memref<10000x128xf32, #tpu.memory_space<hbm>> -> memref<10000x128xf32, #tpu.memory_space<hbm>>
    tpu.enqueue_indirect_dma source(%dma_start3A_98 : memref<10000x128xf32, #tpu.memory_space<hbm>>) target(%arg9 : memref<128x128xf32, #tpu.memory_space<vmem>>) offsets(%dma_start3A_95 : memref<128xi32, #tpu.memory_space<vmem>>) semaphore(%arg12 : memref<!tpu.dma_semaphore, #tpu.memory_space<semaphore_mem>>)
    %scan3A_99 = arith.constant 0 : i32
    %scan3A_100 = arith.constant 19 : i32
    %scan3A_101 = arith.addi %scan3A_99, %scan3A_100 : i32
    %scan3A_102 = arith.constant 1 : i32
    scf.for %scan3A_187 = %scan3A_99 to %scan3A_101 step %scan3A_102  : i32 {
      %mul3A_188 = arith.constant 1 : i32
      %mul3A_189 = arith.muli %scan3A_187, %mul3A_188 : i32
      %add3A_190 = arith.constant 0 : i32
      %add3A_191 = arith.addi %add3A_190, %mul3A_189 : i32
      %dma_wait3A_192 = arith.constant 0 : i32
      %dma_wait3A_193 = arith.constant 0 : i32
      %dma_wait3A_194 = tpu.memref_slice %arg6[%dma_wait3A_192, %dma_wait3A_193] : memref<40x128xi32, #tpu.memory_space<vmem>> -> memref<1x128xi32, #tpu.memory_space<vmem>>
      %dma_wait3A_195 = tpu.memref_squeeze %dma_wait3A_194 : memref<1x128xi32, #tpu.memory_space<vmem>> -> memref<128xi32, #tpu.memory_space<vmem>>
      %dma_wait3A_196 = arith.constant 0 : i32
      %dma_wait3A_197 = arith.constant 0 : i32
      %dma_wait3A_198 = tpu.memref_slice %arg2[%dma_wait3A_196, %dma_wait3A_197] : memref<10000x128xf32, #tpu.memory_space<hbm>> -> memref<10000x128xf32, #tpu.memory_space<hbm>>
      tpu.wait_indirect_dma semaphore(%arg11 : memref<!tpu.dma_semaphore, #tpu.memory_space<semaphore_mem>>) src(%dma_wait3A_198 : memref<10000x128xf32, #tpu.memory_space<hbm>>) dst(%arg8 : memref<128x128xf32, #tpu.memory_space<vmem>>)
      %mul3A_199 = arith.constant 2 : i32
      %mul3A_200 = arith.muli %mul3A_199, %add3A_191 : i32
      %dma_start3A_201 = arith.constant 0 : i32
      %dma_start3A_202 = tpu.memref_slice %arg7[%mul3A_200, %dma_start3A_201] : memref<40x128xi32, #tpu.memory_space<vmem>> -> memref<1x128xi32, #tpu.memory_space<vmem>>
      %dma_start3A_203 = tpu.memref_squeeze %dma_start3A_202 : memref<1x128xi32, #tpu.memory_space<vmem>> -> memref<128xi32, #tpu.memory_space<vmem>>
      %dma_start3A_204 = arith.constant 0 : i32
      %dma_start3A_205 = arith.constant 0 : i32
      %dma_start3A_206 = tpu.memref_slice %arg10[%dma_start3A_204, %dma_start3A_205] : memref<10240x128xf32, #tpu.memory_space<vmem_shared>> -> memref<10240x128xf32, #tpu.memory_space<vmem_shared>>
      tpu.enqueue_indirect_dma source(%arg8 : memref<128x128xf32, #tpu.memory_space<vmem>>) target(%dma_start3A_206 : memref<10240x128xf32, #tpu.memory_space<vmem_shared>>) offsets(%dma_start3A_203 : memref<128xi32, #tpu.memory_space<vmem>>) semaphore(%arg13 : memref<!tpu.dma_semaphore, #tpu.memory_space<semaphore_mem>>) {add = true}
      %dma_wait3A_207 = arith.constant 0 : i32
      %dma_wait3A_208 = arith.constant 0 : i32
      %dma_wait3A_209 = tpu.memref_slice %arg6[%dma_wait3A_207, %dma_wait3A_208] : memref<40x128xi32, #tpu.memory_space<vmem>> -> memref<1x128xi32, #tpu.memory_space<vmem>>
      %dma_wait3A_210 = tpu.memref_squeeze %dma_wait3A_209 : memref<1x128xi32, #tpu.memory_space<vmem>> -> memref<128xi32, #tpu.memory_space<vmem>>
      %dma_wait3A_211 = arith.constant 0 : i32
      %dma_wait3A_212 = arith.constant 0 : i32
      %dma_wait3A_213 = tpu.memref_slice %arg2[%dma_wait3A_211, %dma_wait3A_212] : memref<10000x128xf32, #tpu.memory_space<hbm>> -> memref<10000x128xf32, #tpu.memory_space<hbm>>
      tpu.wait_indirect_dma semaphore(%arg12 : memref<!tpu.dma_semaphore, #tpu.memory_space<semaphore_mem>>) src(%dma_wait3A_213 : memref<10000x128xf32, #tpu.memory_space<hbm>>) dst(%arg9 : memref<128x128xf32, #tpu.memory_space<vmem>>)
      %mul3A_214 = arith.constant 2 : i32
      %mul3A_215 = arith.muli %mul3A_214, %add3A_191 : i32
      %add3A_216 = arith.constant 1 : i32
      %add3A_217 = arith.addi %mul3A_215, %add3A_216 : i32
      %dma_start3A_218 = arith.constant 0 : i32
      %dma_start3A_219 = tpu.memref_slice %arg7[%add3A_217, %dma_start3A_218] : memref<40x128xi32, #tpu.memory_space<vmem>> -> memref<1x128xi32, #tpu.memory_space<vmem>>
      %dma_start3A_220 = tpu.memref_squeeze %dma_start3A_219 : memref<1x128xi32, #tpu.memory_space<vmem>> -> memref<128xi32, #tpu.memory_space<vmem>>
      %dma_start3A_221 = arith.constant 0 : i32
      %dma_start3A_222 = arith.constant 0 : i32
      %dma_start3A_223 = tpu.memref_slice %arg10[%dma_start3A_221, %dma_start3A_222] : memref<10240x128xf32, #tpu.memory_space<vmem_shared>> -> memref<10240x128xf32, #tpu.memory_space<vmem_shared>>
      tpu.enqueue_indirect_dma source(%arg9 : memref<128x128xf32, #tpu.memory_space<vmem>>) target(%dma_start3A_223 : memref<10240x128xf32, #tpu.memory_space<vmem_shared>>) offsets(%dma_start3A_220 : memref<128xi32, #tpu.memory_space<vmem>>) semaphore(%arg14 : memref<!tpu.dma_semaphore, #tpu.memory_space<semaphore_mem>>) {add = true}
      %dma_wait3A_224 = arith.constant 0 : i32
      %dma_wait3A_225 = arith.constant 0 : i32
      %dma_wait3A_226 = tpu.memref_slice %arg6[%dma_wait3A_224, %dma_wait3A_225] : memref<40x128xi32, #tpu.memory_space<vmem>> -> memref<1x128xi32, #tpu.memory_space<vmem>>
      %dma_wait3A_227 = tpu.memref_squeeze %dma_wait3A_226 : memref<1x128xi32, #tpu.memory_space<vmem>> -> memref<128xi32, #tpu.memory_space<vmem>>
      %dma_wait3A_228 = arith.constant 0 : i32
      %dma_wait3A_229 = arith.constant 0 : i32
      %dma_wait3A_230 = tpu.memref_slice %arg2[%dma_wait3A_228, %dma_wait3A_229] : memref<10000x128xf32, #tpu.memory_space<hbm>> -> memref<10000x128xf32, #tpu.memory_space<hbm>>
      tpu.wait_indirect_dma semaphore(%arg13 : memref<!tpu.dma_semaphore, #tpu.memory_space<semaphore_mem>>) src(%dma_wait3A_230 : memref<10000x128xf32, #tpu.memory_space<hbm>>) dst(%arg8 : memref<128x128xf32, #tpu.memory_space<vmem>>)
      %mul3A_231 = arith.constant 2 : i32
      %mul3A_232 = arith.muli %mul3A_231, %add3A_191 : i32
      %add3A_233 = arith.constant 2 : i32
      %add3A_234 = arith.addi %mul3A_232, %add3A_233 : i32
      %dma_start3A_235 = arith.constant 0 : i32
      %dma_start3A_236 = tpu.memref_slice %arg6[%add3A_234, %dma_start3A_235] : memref<40x128xi32, #tpu.memory_space<vmem>> -> memref<1x128xi32, #tpu.memory_space<vmem>>
      %dma_start3A_237 = tpu.memref_squeeze %dma_start3A_236 : memref<1x128xi32, #tpu.memory_space<vmem>> -> memref<128xi32, #tpu.memory_space<vmem>>
      %dma_start3A_238 = arith.constant 0 : i32
      %dma_start3A_239 = arith.constant 0 : i32
      %dma_start3A_240 = tpu.memref_slice %arg2[%dma_start3A_238, %dma_start3A_239] : memref<10000x128xf32, #tpu.memory_space<hbm>> -> memref<10000x128xf32, #tpu.memory_space<hbm>>
      tpu.enqueue_indirect_dma source(%dma_start3A_240 : memref<10000x128xf32, #tpu.memory_space<hbm>>) target(%arg8 : memref<128x128xf32, #tpu.memory_space<vmem>>) offsets(%dma_start3A_237 : memref<128xi32, #tpu.memory_space<vmem>>) semaphore(%arg11 : memref<!tpu.dma_semaphore, #tpu.memory_space<semaphore_mem>>)
      %dma_wait3A_241 = arith.constant 0 : i32
      %dma_wait3A_242 = arith.constant 0 : i32
      %dma_wait3A_243 = tpu.memref_slice %arg6[%dma_wait3A_241, %dma_wait3A_242] : memref<40x128xi32, #tpu.memory_space<vmem>> -> memref<1x128xi32, #tpu.memory_space<vmem>>
      %dma_wait3A_244 = tpu.memref_squeeze %dma_wait3A_243 : memref<1x128xi32, #tpu.memory_space<vmem>> -> memref<128xi32, #tpu.memory_space<vmem>>
      %dma_wait3A_245 = arith.constant 0 : i32
      %dma_wait3A_246 = arith.constant 0 : i32
      %dma_wait3A_247 = tpu.memref_slice %arg2[%dma_wait3A_245, %dma_wait3A_246] : memref<10000x128xf32, #tpu.memory_space<hbm>> -> memref<10000x128xf32, #tpu.memory_space<hbm>>
      tpu.wait_indirect_dma semaphore(%arg14 : memref<!tpu.dma_semaphore, #tpu.memory_space<semaphore_mem>>) src(%dma_wait3A_247 : memref<10000x128xf32, #tpu.memory_space<hbm>>) dst(%arg9 : memref<128x128xf32, #tpu.memory_space<vmem>>)
      %mul3A_248 = arith.constant 2 : i32
      %mul3A_249 = arith.muli %mul3A_248, %add3A_191 : i32
      %add3A_250 = arith.constant 3 : i32
      %add3A_251 = arith.addi %mul3A_249, %add3A_250 : i32
      %dma_start3A_252 = arith.constant 0 : i32
      %dma_start3A_253 = tpu.memref_slice %arg6[%add3A_251, %dma_start3A_252] : memref<40x128xi32, #tpu.memory_space<vmem>> -> memref<1x128xi32, #tpu.memory_space<vmem>>
      %dma_start3A_254 = tpu.memref_squeeze %dma_start3A_253 : memref<1x128xi32, #tpu.memory_space<vmem>> -> memref<128xi32, #tpu.memory_space<vmem>>
      %dma_start3A_255 = arith.constant 0 : i32
      %dma_start3A_256 = arith.constant 0 : i32
      %dma_start3A_257 = tpu.memref_slice %arg2[%dma_start3A_255, %dma_start3A_256] : memref<10000x128xf32, #tpu.memory_space<hbm>> -> memref<10000x128xf32, #tpu.memory_space<hbm>>
      tpu.enqueue_indirect_dma source(%dma_start3A_257 : memref<10000x128xf32, #tpu.memory_space<hbm>>) target(%arg9 : memref<128x128xf32, #tpu.memory_space<vmem>>) offsets(%dma_start3A_254 : memref<128xi32, #tpu.memory_space<vmem>>) semaphore(%arg12 : memref<!tpu.dma_semaphore, #tpu.memory_space<semaphore_mem>>)
    }
    %scan3A_103 = arith.constant 19 : i32
    %dma_wait3A_104 = arith.constant 0 : i32
    %dma_wait3A_105 = arith.constant 0 : i32
    %dma_wait3A_106 = tpu.memref_slice %arg6[%dma_wait3A_104, %dma_wait3A_105] : memref<40x128xi32, #tpu.memory_space<vmem>> -> memref<1x128xi32, #tpu.memory_space<vmem>>
    %dma_wait3A_107 = tpu.memref_squeeze %dma_wait3A_106 : memref<1x128xi32, #tpu.memory_space<vmem>> -> memref<128xi32, #tpu.memory_space<vmem>>
    %dma_wait3A_108 = arith.constant 0 : i32
    %dma_wait3A_109 = arith.constant 0 : i32
    %dma_wait3A_110 = tpu.memref_slice %arg2[%dma_wait3A_108, %dma_wait3A_109] : memref<10000x128xf32, #tpu.memory_space<hbm>> -> memref<10000x128xf32, #tpu.memory_space<hbm>>
    tpu.wait_indirect_dma semaphore(%arg11 : memref<!tpu.dma_semaphore, #tpu.memory_space<semaphore_mem>>) src(%dma_wait3A_110 : memref<10000x128xf32, #tpu.memory_space<hbm>>) dst(%arg8 : memref<128x128xf32, #tpu.memory_space<vmem>>)
    %dma_start3A_111 = arith.constant 38 : i32
    %dma_start3A_112 = arith.constant 0 : i32
    %dma_start3A_113 = tpu.memref_slice %arg7[%dma_start3A_111, %dma_start3A_112] : memref<40x128xi32, #tpu.memory_space<vmem>> -> memref<1x128xi32, #tpu.memory_space<vmem>>
    %dma_start3A_114 = tpu.memref_squeeze %dma_start3A_113 : memref<1x128xi32, #tpu.memory_space<vmem>> -> memref<128xi32, #tpu.memory_space<vmem>>
    %dma_start3A_115 = arith.constant 0 : i32
    %dma_start3A_116 = arith.constant 0 : i32
    %dma_start3A_117 = tpu.memref_slice %arg10[%dma_start3A_115, %dma_start3A_116] : memref<10240x128xf32, #tpu.memory_space<vmem_shared>> -> memref<10240x128xf32, #tpu.memory_space<vmem_shared>>
    tpu.enqueue_indirect_dma source(%arg8 : memref<128x128xf32, #tpu.memory_space<vmem>>) target(%dma_start3A_117 : memref<10240x128xf32, #tpu.memory_space<vmem_shared>>) offsets(%dma_start3A_114 : memref<128xi32, #tpu.memory_space<vmem>>) semaphore(%arg13 : memref<!tpu.dma_semaphore, #tpu.memory_space<semaphore_mem>>) {add = true}
    %dma_wait3A_118 = arith.constant 0 : i32
    %dma_wait3A_119 = arith.constant 0 : i32
    %dma_wait3A_120 = tpu.memref_slice %arg6[%dma_wait3A_118, %dma_wait3A_119] : memref<40x128xi32, #tpu.memory_space<vmem>> -> memref<1x128xi32, #tpu.memory_space<vmem>>
    %dma_wait3A_121 = tpu.memref_squeeze %dma_wait3A_120 : memref<1x128xi32, #tpu.memory_space<vmem>> -> memref<128xi32, #tpu.memory_space<vmem>>
    %dma_wait3A_122 = arith.constant 0 : i32
    %dma_wait3A_123 = arith.constant 0 : i32
    %dma_wait3A_124 = tpu.memref_slice %arg2[%dma_wait3A_122, %dma_wait3A_123] : memref<10000x128xf32, #tpu.memory_space<hbm>> -> memref<10000x128xf32, #tpu.memory_space<hbm>>
    tpu.wait_indirect_dma semaphore(%arg12 : memref<!tpu.dma_semaphore, #tpu.memory_space<semaphore_mem>>) src(%dma_wait3A_124 : memref<10000x128xf32, #tpu.memory_space<hbm>>) dst(%arg9 : memref<128x128xf32, #tpu.memory_space<vmem>>)
    %dma_start3A_125 = arith.constant 39 : i32
    %dma_start3A_126 = arith.constant 0 : i32
    %dma_start3A_127 = tpu.memref_slice %arg7[%dma_start3A_125, %dma_start3A_126] : memref<40x128xi32, #tpu.memory_space<vmem>> -> memref<1x128xi32, #tpu.memory_space<vmem>>
    %dma_start3A_128 = tpu.memref_squeeze %dma_start3A_127 : memref<1x128xi32, #tpu.memory_space<vmem>> -> memref<128xi32, #tpu.memory_space<vmem>>
    %dma_start3A_129 = arith.constant 0 : i32
    %dma_start3A_130 = arith.constant 0 : i32
    %dma_start3A_131 = tpu.memref_slice %arg10[%dma_start3A_129, %dma_start3A_130] : memref<10240x128xf32, #tpu.memory_space<vmem_shared>> -> memref<10240x128xf32, #tpu.memory_space<vmem_shared>>
    tpu.enqueue_indirect_dma source(%arg9 : memref<128x128xf32, #tpu.memory_space<vmem>>) target(%dma_start3A_131 : memref<10240x128xf32, #tpu.memory_space<vmem_shared>>) offsets(%dma_start3A_128 : memref<128xi32, #tpu.memory_space<vmem>>) semaphore(%arg14 : memref<!tpu.dma_semaphore, #tpu.memory_space<semaphore_mem>>) {add = true}
    %dma_wait3A_132 = arith.constant 0 : i32
    %dma_wait3A_133 = arith.constant 0 : i32
    %dma_wait3A_134 = tpu.memref_slice %arg6[%dma_wait3A_132, %dma_wait3A_133] : memref<40x128xi32, #tpu.memory_space<vmem>> -> memref<1x128xi32, #tpu.memory_space<vmem>>
    %dma_wait3A_135 = tpu.memref_squeeze %dma_wait3A_134 : memref<1x128xi32, #tpu.memory_space<vmem>> -> memref<128xi32, #tpu.memory_space<vmem>>
    %dma_wait3A_136 = arith.constant 0 : i32
    %dma_wait3A_137 = arith.constant 0 : i32
    %dma_wait3A_138 = tpu.memref_slice %arg2[%dma_wait3A_136, %dma_wait3A_137] : memref<10000x128xf32, #tpu.memory_space<hbm>> -> memref<10000x128xf32, #tpu.memory_space<hbm>>
    tpu.wait_indirect_dma semaphore(%arg13 : memref<!tpu.dma_semaphore, #tpu.memory_space<semaphore_mem>>) src(%dma_wait3A_138 : memref<10000x128xf32, #tpu.memory_space<hbm>>) dst(%arg8 : memref<128x128xf32, #tpu.memory_space<vmem>>)
    %dma_wait3A_139 = arith.constant 0 : i32
    %dma_wait3A_140 = arith.constant 0 : i32
    %dma_wait3A_141 = tpu.memref_slice %arg6[%dma_wait3A_139, %dma_wait3A_140] : memref<40x128xi32, #tpu.memory_space<vmem>> -> memref<1x128xi32, #tpu.memory_space<vmem>>
    %dma_wait3A_142 = tpu.memref_squeeze %dma_wait3A_141 : memref<1x128xi32, #tpu.memory_space<vmem>> -> memref<128xi32, #tpu.memory_space<vmem>>
    %dma_wait3A_143 = arith.constant 0 : i32
    %dma_wait3A_144 = arith.constant 0 : i32
    %dma_wait3A_145 = tpu.memref_slice %arg2[%dma_wait3A_143, %dma_wait3A_144] : memref<10000x128xf32, #tpu.memory_space<hbm>> -> memref<10000x128xf32, #tpu.memory_space<hbm>>
    tpu.wait_indirect_dma semaphore(%arg14 : memref<!tpu.dma_semaphore, #tpu.memory_space<semaphore_mem>>) src(%dma_wait3A_145 : memref<10000x128xf32, #tpu.memory_space<hbm>>) dst(%arg9 : memref<128x128xf32, #tpu.memory_space<vmem>>)
    %barrier3A_146 = arith.constant 0 : index
    tpu.barrier barrier_id(%barrier3A_146)
    %mul3A_147 = arith.constant 640 : i32
    %mul3A_148 = arith.muli %arg1, %mul3A_147 : i32
    %add3A_149 = arith.constant 0 : i32
    %add3A_150 = arith.addi %mul3A_148, %add3A_149 : i32
    "tpu.region"() ({
      %run_scoped3A = tpu.sem_alloc : memref<!tpu.dma_semaphore, #tpu.memory_space<semaphore_mem>>
      %dma_start3A_187 = arith.constant 0 : i32
      %dma_start3A_188 = tpu.memref_slice %arg10[%add3A_150, %dma_start3A_187] : memref<10240x128xf32, #tpu.memory_space<vmem_shared>> -> memref<128x128xf32, #tpu.memory_space<vmem_shared>>
      %dma_start3A_189 = arith.constant 0 : i32
      %dma_start3A_190 = tpu.memref_slice %arg10[%add3A_150, %dma_start3A_189] : memref<10240x128xf32, #tpu.memory_space<vmem_shared>> -> memref<128x128xf32, #tpu.memory_space<vmem_shared>>
      tpu.enqueue_dma source(%dma_start3A_190 : memref<128x128xf32, #tpu.memory_space<vmem_shared>>) target(%arg8 : memref<128x128xf32, #tpu.memory_space<vmem>>) target_semaphore(%run_scoped3A : memref<!tpu.dma_semaphore, #tpu.memory_space<semaphore_mem>>)
      %dma_wait3A_191 = arith.constant 0 : i32
      %dma_wait3A_192 = tpu.memref_slice %arg10[%add3A_150, %dma_wait3A_191] : memref<10240x128xf32, #tpu.memory_space<vmem_shared>> -> memref<128x128xf32, #tpu.memory_space<vmem_shared>>
      %dma_wait3A_193 = arith.constant 0 : i32
      %dma_wait3A_194 = tpu.memref_slice %arg10[%add3A_150, %dma_wait3A_193] : memref<10240x128xf32, #tpu.memory_space<vmem_shared>> -> memref<128x128xf32, #tpu.memory_space<vmem_shared>>
      tpu.wait_dma2 semaphore(%run_scoped3A : memref<!tpu.dma_semaphore, #tpu.memory_space<semaphore_mem>>) src(%dma_wait3A_194 : memref<128x128xf32, #tpu.memory_space<vmem_shared>>) dst(%arg8 : memref<128x128xf32, #tpu.memory_space<vmem>>)
      tpu.yield
    }) : () -> ()
    %mul3A_151 = arith.constant 640 : i32
    %mul3A_152 = arith.muli %arg1, %mul3A_151 : i32
    %add3A_153 = arith.constant 0 : i32
    %add3A_154 = arith.addi %mul3A_152, %add3A_153 : i32
    "tpu.region"() ({
      %run_scoped3A = tpu.sem_alloc : memref<!tpu.dma_semaphore, #tpu.memory_space<semaphore_mem>>
      %dma_start3A_187 = arith.constant 0 : i32
      %dma_start3A_188 = tpu.memref_slice %arg5[%arg0, %add3A_154, %dma_start3A_187] : memref<2x10240x128xf32, #tpu.memory_space<hbm>> -> memref<1x128x128xf32, #tpu.memory_space<hbm>>
      %dma_start3A_189 = tpu.memref_squeeze %dma_start3A_188 : memref<1x128x128xf32, #tpu.memory_space<hbm>> -> memref<128x128xf32, #tpu.memory_space<hbm>>
      %dma_start3A_190 = arith.constant 0 : i32
      %dma_start3A_191 = tpu.memref_slice %arg5[%arg0, %add3A_154, %dma_start3A_190] : memref<2x10240x128xf32, #tpu.memory_space<hbm>> -> memref<1x128x128xf32, #tpu.memory_space<hbm>>
      %dma_start3A_192 = tpu.memref_squeeze %dma_start3A_191 : memref<1x128x128xf32, #tpu.memory_space<hbm>> -> memref<128x128xf32, #tpu.memory_space<hbm>>
      tpu.enqueue_dma source(%arg8 : memref<128x128xf32, #tpu.memory_space<vmem>>) target(%dma_start3A_192 : memref<128x128xf32, #tpu.memory_space<hbm>>) target_semaphore(%run_scoped3A : memref<!tpu.dma_semaphore, #tpu.memory_space<semaphore_mem>>)
      %dma_wait3A_193 = arith.constant 0 : i32
      %dma_wait3A_194 = tpu.memref_slice %arg5[%arg0, %add3A_154, %dma_wait3A_193] : memref<2x10240x128xf32, #tpu.memory_space<hbm>> -> memref<1x128x128xf32, #tpu.memory_space<hbm>>
      %dma_wait3A_195 = tpu.memref_squeeze %dma_wait3A_194 : memref<1x128x128xf32, #tpu.memory_space<hbm>> -> memref<128x128xf32, #tpu.memory_space<hbm>>
      %dma_wait3A_196 = arith.constant 0 : i32
      %dma_wait3A_197 = tpu.memref_slice %arg5[%arg0, %add3A_154, %dma_wait3A_196] : memref<2x10240x128xf32, #tpu.memory_space<hbm>> -> memref<1x128x128xf32, #tpu.memory_space<hbm>>
      %dma_wait3A_198 = tpu.memref_squeeze %dma_wait3A_197 : memref<1x128x128xf32, #tpu.memory_space<hbm>> -> memref<128x128xf32, #tpu.memory_space<hbm>>
      tpu.wait_dma2 semaphore(%run_scoped3A : memref<!tpu.dma_semaphore, #tpu.memory_space<semaphore_mem>>) src(%arg8 : memref<128x128xf32, #tpu.memory_space<vmem>>) dst(%dma_wait3A_198 : memref<128x128xf32, #tpu.memory_space<hbm>>)
      tpu.yield
    }) : () -> ()
    %mul3A_155 = arith.constant 640 : i32
    %mul3A_156 = arith.muli %arg1, %mul3A_155 : i32
    %add3A_157 = arith.constant 128 : i32
    %add3A_158 = arith.addi %mul3A_156, %add3A_157 : i32
    "tpu.region"() ({
      %run_scoped3A = tpu.sem_alloc : memref<!tpu.dma_semaphore, #tpu.memory_space<semaphore_mem>>
      %dma_start3A_187 = arith.constant 0 : i32
      %dma_start3A_188 = tpu.memref_slice %arg10[%add3A_158, %dma_start3A_187] : memref<10240x128xf32, #tpu.memory_space<vmem_shared>> -> memref<128x128xf32, #tpu.memory_space<vmem_shared>>
      %dma_start3A_189 = arith.constant 0 : i32
      %dma_start3A_190 = tpu.memref_slice %arg10[%add3A_158, %dma_start3A_189] : memref<10240x128xf32, #tpu.memory_space<vmem_shared>> -> memref<128x128xf32, #tpu.memory_space<vmem_shared>>
      tpu.enqueue_dma source(%dma_start3A_190 : memref<128x128xf32, #tpu.memory_space<vmem_shared>>) target(%arg8 : memref<128x128xf32, #tpu.memory_space<vmem>>) target_semaphore(%run_scoped3A : memref<!tpu.dma_semaphore, #tpu.memory_space<semaphore_mem>>)
      %dma_wait3A_191 = arith.constant 0 : i32
      %dma_wait3A_192 = tpu.memref_slice %arg10[%add3A_158, %dma_wait3A_191] : memref<10240x128xf32, #tpu.memory_space<vmem_shared>> -> memref<128x128xf32, #tpu.memory_space<vmem_shared>>
      %dma_wait3A_193 = arith.constant 0 : i32
      %dma_wait3A_194 = tpu.memref_slice %arg10[%add3A_158, %dma_wait3A_193] : memref<10240x128xf32, #tpu.memory_space<vmem_shared>> -> memref<128x128xf32, #tpu.memory_space<vmem_shared>>
      tpu.wait_dma2 semaphore(%run_scoped3A : memref<!tpu.dma_semaphore, #tpu.memory_space<semaphore_mem>>) src(%dma_wait3A_194 : memref<128x128xf32, #tpu.memory_space<vmem_shared>>) dst(%arg8 : memref<128x128xf32, #tpu.memory_space<vmem>>)
      tpu.yield
    }) : () -> ()
    %mul3A_159 = arith.constant 640 : i32
    %mul3A_160 = arith.muli %arg1, %mul3A_159 : i32
    %add3A_161 = arith.constant 128 : i32
    %add3A_162 = arith.addi %mul3A_160, %add3A_161 : i32
    "tpu.region"() ({
      %run_scoped3A = tpu.sem_alloc : memref<!tpu.dma_semaphore, #tpu.memory_space<semaphore_mem>>
      %dma_start3A_187 = arith.constant 0 : i32
      %dma_start3A_188 = tpu.memref_slice %arg5[%arg0, %add3A_162, %dma_start3A_187] : memref<2x10240x128xf32, #tpu.memory_space<hbm>> -> memref<1x128x128xf32, #tpu.memory_space<hbm>>
      %dma_start3A_189 = tpu.memref_squeeze %dma_start3A_188 : memref<1x128x128xf32, #tpu.memory_space<hbm>> -> memref<128x128xf32, #tpu.memory_space<hbm>>
      %dma_start3A_190 = arith.constant 0 : i32
      %dma_start3A_191 = tpu.memref_slice %arg5[%arg0, %add3A_162, %dma_start3A_190] : memref<2x10240x128xf32, #tpu.memory_space<hbm>> -> memref<1x128x128xf32, #tpu.memory_space<hbm>>
      %dma_start3A_192 = tpu.memref_squeeze %dma_start3A_191 : memref<1x128x128xf32, #tpu.memory_space<hbm>> -> memref<128x128xf32, #tpu.memory_space<hbm>>
      tpu.enqueue_dma source(%arg8 : memref<128x128xf32, #tpu.memory_space<vmem>>) target(%dma_start3A_192 : memref<128x128xf32, #tpu.memory_space<hbm>>) target_semaphore(%run_scoped3A : memref<!tpu.dma_semaphore, #tpu.memory_space<semaphore_mem>>)
      %dma_wait3A_193 = arith.constant 0 : i32
      %dma_wait3A_194 = tpu.memref_slice %arg5[%arg0, %add3A_162, %dma_wait3A_193] : memref<2x10240x128xf32, #tpu.memory_space<hbm>> -> memref<1x128x128xf32, #tpu.memory_space<hbm>>
      %dma_wait3A_195 = tpu.memref_squeeze %dma_wait3A_194 : memref<1x128x128xf32, #tpu.memory_space<hbm>> -> memref<128x128xf32, #tpu.memory_space<hbm>>
      %dma_wait3A_196 = arith.constant 0 : i32
      %dma_wait3A_197 = tpu.memref_slice %arg5[%arg0, %add3A_162, %dma_wait3A_196] : memref<2x10240x128xf32, #tpu.memory_space<hbm>> -> memref<1x128x128xf32, #tpu.memory_space<hbm>>
      %dma_wait3A_198 = tpu.memref_squeeze %dma_wait3A_197 : memref<1x128x128xf32, #tpu.memory_space<hbm>> -> memref<128x128xf32, #tpu.memory_space<hbm>>
      tpu.wait_dma2 semaphore(%run_scoped3A : memref<!tpu.dma_semaphore, #tpu.memory_space<semaphore_mem>>) src(%arg8 : memref<128x128xf32, #tpu.memory_space<vmem>>) dst(%dma_wait3A_198 : memref<128x128xf32, #tpu.memory_space<hbm>>)
      tpu.yield
    }) : () -> ()
    %mul3A_163 = arith.constant 640 : i32
    %mul3A_164 = arith.muli %arg1, %mul3A_163 : i32
    %add3A_165 = arith.constant 256 : i32
    %add3A_166 = arith.addi %mul3A_164, %add3A_165 : i32
    "tpu.region"() ({
      %run_scoped3A = tpu.sem_alloc : memref<!tpu.dma_semaphore, #tpu.memory_space<semaphore_mem>>
      %dma_start3A_187 = arith.constant 0 : i32
      %dma_start3A_188 = tpu.memref_slice %arg10[%add3A_166, %dma_start3A_187] : memref<10240x128xf32, #tpu.memory_space<vmem_shared>> -> memref<128x128xf32, #tpu.memory_space<vmem_shared>>
      %dma_start3A_189 = arith.constant 0 : i32
      %dma_start3A_190 = tpu.memref_slice %arg10[%add3A_166, %dma_start3A_189] : memref<10240x128xf32, #tpu.memory_space<vmem_shared>> -> memref<128x128xf32, #tpu.memory_space<vmem_shared>>
      tpu.enqueue_dma source(%dma_start3A_190 : memref<128x128xf32, #tpu.memory_space<vmem_shared>>) target(%arg8 : memref<128x128xf32, #tpu.memory_space<vmem>>) target_semaphore(%run_scoped3A : memref<!tpu.dma_semaphore, #tpu.memory_space<semaphore_mem>>)
      %dma_wait3A_191 = arith.constant 0 : i32
      %dma_wait3A_192 = tpu.memref_slice %arg10[%add3A_166, %dma_wait3A_191] : memref<10240x128xf32, #tpu.memory_space<vmem_shared>> -> memref<128x128xf32, #tpu.memory_space<vmem_shared>>
      %dma_wait3A_193 = arith.constant 0 : i32
      %dma_wait3A_194 = tpu.memref_slice %arg10[%add3A_166, %dma_wait3A_193] : memref<10240x128xf32, #tpu.memory_space<vmem_shared>> -> memref<128x128xf32, #tpu.memory_space<vmem_shared>>
      tpu.wait_dma2 semaphore(%run_scoped3A : memref<!tpu.dma_semaphore, #tpu.memory_space<semaphore_mem>>) src(%dma_wait3A_194 : memref<128x128xf32, #tpu.memory_space<vmem_shared>>) dst(%arg8 : memref<128x128xf32, #tpu.memory_space<vmem>>)
      tpu.yield
    }) : () -> ()
    %mul3A_167 = arith.constant 640 : i32
    %mul3A_168 = arith.muli %arg1, %mul3A_167 : i32
    %add3A_169 = arith.constant 256 : i32
    %add3A_170 = arith.addi %mul3A_168, %add3A_169 : i32
    "tpu.region"() ({
      %run_scoped3A = tpu.sem_alloc : memref<!tpu.dma_semaphore, #tpu.memory_space<semaphore_mem>>
      %dma_start3A_187 = arith.constant 0 : i32
      %dma_start3A_188 = tpu.memref_slice %arg5[%arg0, %add3A_170, %dma_start3A_187] : memref<2x10240x128xf32, #tpu.memory_space<hbm>> -> memref<1x128x128xf32, #tpu.memory_space<hbm>>
      %dma_start3A_189 = tpu.memref_squeeze %dma_start3A_188 : memref<1x128x128xf32, #tpu.memory_space<hbm>> -> memref<128x128xf32, #tpu.memory_space<hbm>>
      %dma_start3A_190 = arith.constant 0 : i32
      %dma_start3A_191 = tpu.memref_slice %arg5[%arg0, %add3A_170, %dma_start3A_190] : memref<2x10240x128xf32, #tpu.memory_space<hbm>> -> memref<1x128x128xf32, #tpu.memory_space<hbm>>
      %dma_start3A_192 = tpu.memref_squeeze %dma_start3A_191 : memref<1x128x128xf32, #tpu.memory_space<hbm>> -> memref<128x128xf32, #tpu.memory_space<hbm>>
      tpu.enqueue_dma source(%arg8 : memref<128x128xf32, #tpu.memory_space<vmem>>) target(%dma_start3A_192 : memref<128x128xf32, #tpu.memory_space<hbm>>) target_semaphore(%run_scoped3A : memref<!tpu.dma_semaphore, #tpu.memory_space<semaphore_mem>>)
      %dma_wait3A_193 = arith.constant 0 : i32
      %dma_wait3A_194 = tpu.memref_slice %arg5[%arg0, %add3A_170, %dma_wait3A_193] : memref<2x10240x128xf32, #tpu.memory_space<hbm>> -> memref<1x128x128xf32, #tpu.memory_space<hbm>>
      %dma_wait3A_195 = tpu.memref_squeeze %dma_wait3A_194 : memref<1x128x128xf32, #tpu.memory_space<hbm>> -> memref<128x128xf32, #tpu.memory_space<hbm>>
      %dma_wait3A_196 = arith.constant 0 : i32
      %dma_wait3A_197 = tpu.memref_slice %arg5[%arg0, %add3A_170, %dma_wait3A_196] : memref<2x10240x128xf32, #tpu.memory_space<hbm>> -> memref<1x128x128xf32, #tpu.memory_space<hbm>>
      %dma_wait3A_198 = tpu.memref_squeeze %dma_wait3A_197 : memref<1x128x128xf32, #tpu.memory_space<hbm>> -> memref<128x128xf32, #tpu.memory_space<hbm>>
      tpu.wait_dma2 semaphore(%run_scoped3A : memref<!tpu.dma_semaphore, #tpu.memory_space<semaphore_mem>>) src(%arg8 : memref<128x128xf32, #tpu.memory_space<vmem>>) dst(%dma_wait3A_198 : memref<128x128xf32, #tpu.memory_space<hbm>>)
      tpu.yield
    }) : () -> ()
    %mul3A_171 = arith.constant 640 : i32
    %mul3A_172 = arith.muli %arg1, %mul3A_171 : i32
    %add3A_173 = arith.constant 384 : i32
    %add3A_174 = arith.addi %mul3A_172, %add3A_173 : i32
    "tpu.region"() ({
      %run_scoped3A = tpu.sem_alloc : memref<!tpu.dma_semaphore, #tpu.memory_space<semaphore_mem>>
      %dma_start3A_187 = arith.constant 0 : i32
      %dma_start3A_188 = tpu.memref_slice %arg10[%add3A_174, %dma_start3A_187] : memref<10240x128xf32, #tpu.memory_space<vmem_shared>> -> memref<128x128xf32, #tpu.memory_space<vmem_shared>>
      %dma_start3A_189 = arith.constant 0 : i32
      %dma_start3A_190 = tpu.memref_slice %arg10[%add3A_174, %dma_start3A_189] : memref<10240x128xf32, #tpu.memory_space<vmem_shared>> -> memref<128x128xf32, #tpu.memory_space<vmem_shared>>
      tpu.enqueue_dma source(%dma_start3A_190 : memref<128x128xf32, #tpu.memory_space<vmem_shared>>) target(%arg8 : memref<128x128xf32, #tpu.memory_space<vmem>>) target_semaphore(%run_scoped3A : memref<!tpu.dma_semaphore, #tpu.memory_space<semaphore_mem>>)
      %dma_wait3A_191 = arith.constant 0 : i32
      %dma_wait3A_192 = tpu.memref_slice %arg10[%add3A_174, %dma_wait3A_191] : memref<10240x128xf32, #tpu.memory_space<vmem_shared>> -> memref<128x128xf32, #tpu.memory_space<vmem_shared>>
      %dma_wait3A_193 = arith.constant 0 : i32
      %dma_wait3A_194 = tpu.memref_slice %arg10[%add3A_174, %dma_wait3A_193] : memref<10240x128xf32, #tpu.memory_space<vmem_shared>> -> memref<128x128xf32, #tpu.memory_space<vmem_shared>>
      tpu.wait_dma2 semaphore(%run_scoped3A : memref<!tpu.dma_semaphore, #tpu.memory_space<semaphore_mem>>) src(%dma_wait3A_194 : memref<128x128xf32, #tpu.memory_space<vmem_shared>>) dst(%arg8 : memref<128x128xf32, #tpu.memory_space<vmem>>)
      tpu.yield
    }) : () -> ()
    %mul3A_175 = arith.constant 640 : i32
    %mul3A_176 = arith.muli %arg1, %mul3A_175 : i32
    %add3A_177 = arith.constant 384 : i32
    %add3A_178 = arith.addi %mul3A_176, %add3A_177 : i32
    "tpu.region"() ({
      %run_scoped3A = tpu.sem_alloc : memref<!tpu.dma_semaphore, #tpu.memory_space<semaphore_mem>>
      %dma_start3A_187 = arith.constant 0 : i32
      %dma_start3A_188 = tpu.memref_slice %arg5[%arg0, %add3A_178, %dma_start3A_187] : memref<2x10240x128xf32, #tpu.memory_space<hbm>> -> memref<1x128x128xf32, #tpu.memory_space<hbm>>
      %dma_start3A_189 = tpu.memref_squeeze %dma_start3A_188 : memref<1x128x128xf32, #tpu.memory_space<hbm>> -> memref<128x128xf32, #tpu.memory_space<hbm>>
      %dma_start3A_190 = arith.constant 0 : i32
      %dma_start3A_191 = tpu.memref_slice %arg5[%arg0, %add3A_178, %dma_start3A_190] : memref<2x10240x128xf32, #tpu.memory_space<hbm>> -> memref<1x128x128xf32, #tpu.memory_space<hbm>>
      %dma_start3A_192 = tpu.memref_squeeze %dma_start3A_191 : memref<1x128x128xf32, #tpu.memory_space<hbm>> -> memref<128x128xf32, #tpu.memory_space<hbm>>
      tpu.enqueue_dma source(%arg8 : memref<128x128xf32, #tpu.memory_space<vmem>>) target(%dma_start3A_192 : memref<128x128xf32, #tpu.memory_space<hbm>>) target_semaphore(%run_scoped3A : memref<!tpu.dma_semaphore, #tpu.memory_space<semaphore_mem>>)
      %dma_wait3A_193 = arith.constant 0 : i32
      %dma_wait3A_194 = tpu.memref_slice %arg5[%arg0, %add3A_178, %dma_wait3A_193] : memref<2x10240x128xf32, #tpu.memory_space<hbm>> -> memref<1x128x128xf32, #tpu.memory_space<hbm>>
      %dma_wait3A_195 = tpu.memref_squeeze %dma_wait3A_194 : memref<1x128x128xf32, #tpu.memory_space<hbm>> -> memref<128x128xf32, #tpu.memory_space<hbm>>
      %dma_wait3A_196 = arith.constant 0 : i32
      %dma_wait3A_197 = tpu.memref_slice %arg5[%arg0, %add3A_178, %dma_wait3A_196] : memref<2x10240x128xf32, #tpu.memory_space<hbm>> -> memref<1x128x128xf32, #tpu.memory_space<hbm>>
      %dma_wait3A_198 = tpu.memref_squeeze %dma_wait3A_197 : memref<1x128x128xf32, #tpu.memory_space<hbm>> -> memref<128x128xf32, #tpu.memory_space<hbm>>
      tpu.wait_dma2 semaphore(%run_scoped3A : memref<!tpu.dma_semaphore, #tpu.memory_space<semaphore_mem>>) src(%arg8 : memref<128x128xf32, #tpu.memory_space<vmem>>) dst(%dma_wait3A_198 : memref<128x128xf32, #tpu.memory_space<hbm>>)
      tpu.yield
    }) : () -> ()
    %mul3A_179 = arith.constant 640 : i32
    %mul3A_180 = arith.muli %arg1, %mul3A_179 : i32
    %add3A_181 = arith.constant 512 : i32
    %add3A_182 = arith.addi %mul3A_180, %add3A_181 : i32
    "tpu.region"() ({
      %run_scoped3A = tpu.sem_alloc : memref<!tpu.dma_semaphore, #tpu.memory_space<semaphore_mem>>
      %dma_start3A_187 = arith.constant 0 : i32
      %dma_start3A_188 = tpu.memref_slice %arg10[%add3A_182, %dma_start3A_187] : memref<10240x128xf32, #tpu.memory_space<vmem_shared>> -> memref<128x128xf32, #tpu.memory_space<vmem_shared>>
      %dma_start3A_189 = arith.constant 0 : i32
      %dma_start3A_190 = tpu.memref_slice %arg10[%add3A_182, %dma_start3A_189] : memref<10240x128xf32, #tpu.memory_space<vmem_shared>> -> memref<128x128xf32, #tpu.memory_space<vmem_shared>>
      tpu.enqueue_dma source(%dma_start3A_190 : memref<128x128xf32, #tpu.memory_space<vmem_shared>>) target(%arg8 : memref<128x128xf32, #tpu.memory_space<vmem>>) target_semaphore(%run_scoped3A : memref<!tpu.dma_semaphore, #tpu.memory_space<semaphore_mem>>)
      %dma_wait3A_191 = arith.constant 0 : i32
      %dma_wait3A_192 = tpu.memref_slice %arg10[%add3A_182, %dma_wait3A_191] : memref<10240x128xf32, #tpu.memory_space<vmem_shared>> -> memref<128x128xf32, #tpu.memory_space<vmem_shared>>
      %dma_wait3A_193 = arith.constant 0 : i32
      %dma_wait3A_194 = tpu.memref_slice %arg10[%add3A_182, %dma_wait3A_193] : memref<10240x128xf32, #tpu.memory_space<vmem_shared>> -> memref<128x128xf32, #tpu.memory_space<vmem_shared>>
      tpu.wait_dma2 semaphore(%run_scoped3A : memref<!tpu.dma_semaphore, #tpu.memory_space<semaphore_mem>>) src(%dma_wait3A_194 : memref<128x128xf32, #tpu.memory_space<vmem_shared>>) dst(%arg8 : memref<128x128xf32, #tpu.memory_space<vmem>>)
      tpu.yield
    }) : () -> ()
    %mul3A_183 = arith.constant 640 : i32
    %mul3A_184 = arith.muli %arg1, %mul3A_183 : i32
    %add3A_185 = arith.constant 512 : i32
    %add3A_186 = arith.addi %mul3A_184, %add3A_185 : i32
    "tpu.region"() ({
      %run_scoped3A = tpu.sem_alloc : memref<!tpu.dma_semaphore, #tpu.memory_space<semaphore_mem>>
      %dma_start3A_187 = arith.constant 0 : i32
      %dma_start3A_188 = tpu.memref_slice %arg5[%arg0, %add3A_186, %dma_start3A_187] : memref<2x10240x128xf32, #tpu.memory_space<hbm>> -> memref<1x128x128xf32, #tpu.memory_space<hbm>>
      %dma_start3A_189 = tpu.memref_squeeze %dma_start3A_188 : memref<1x128x128xf32, #tpu.memory_space<hbm>> -> memref<128x128xf32, #tpu.memory_space<hbm>>
      %dma_start3A_190 = arith.constant 0 : i32
      %dma_start3A_191 = tpu.memref_slice %arg5[%arg0, %add3A_186, %dma_start3A_190] : memref<2x10240x128xf32, #tpu.memory_space<hbm>> -> memref<1x128x128xf32, #tpu.memory_space<hbm>>
      %dma_start3A_192 = tpu.memref_squeeze %dma_start3A_191 : memref<1x128x128xf32, #tpu.memory_space<hbm>> -> memref<128x128xf32, #tpu.memory_space<hbm>>
      tpu.enqueue_dma source(%arg8 : memref<128x128xf32, #tpu.memory_space<vmem>>) target(%dma_start3A_192 : memref<128x128xf32, #tpu.memory_space<hbm>>) target_semaphore(%run_scoped3A : memref<!tpu.dma_semaphore, #tpu.memory_space<semaphore_mem>>)
      %dma_wait3A_193 = arith.constant 0 : i32
      %dma_wait3A_194 = tpu.memref_slice %arg5[%arg0, %add3A_186, %dma_wait3A_193] : memref<2x10240x128xf32, #tpu.memory_space<hbm>> -> memref<1x128x128xf32, #tpu.memory_space<hbm>>
      %dma_wait3A_195 = tpu.memref_squeeze %dma_wait3A_194 : memref<1x128x128xf32, #tpu.memory_space<hbm>> -> memref<128x128xf32, #tpu.memory_space<hbm>>
      %dma_wait3A_196 = arith.constant 0 : i32
      %dma_wait3A_197 = tpu.memref_slice %arg5[%arg0, %add3A_186, %dma_wait3A_196] : memref<2x10240x128xf32, #tpu.memory_space<hbm>> -> memref<1x128x128xf32, #tpu.memory_space<hbm>>
      %dma_wait3A_198 = tpu.memref_squeeze %dma_wait3A_197 : memref<1x128x128xf32, #tpu.memory_space<hbm>> -> memref<128x128xf32, #tpu.memory_space<hbm>>
      tpu.wait_dma2 semaphore(%run_scoped3A : memref<!tpu.dma_semaphore, #tpu.memory_space<semaphore_mem>>) src(%arg8 : memref<128x128xf32, #tpu.memory_space<vmem>>) dst(%dma_wait3A_198 : memref<128x128xf32, #tpu.memory_space<hbm>>)
      tpu.yield
    }) : () -> ()
    return
  }
}

module attributes {stable_mosaic.version = 14 : i64} {
  func.func @_tc1_body(%arg0: i32, %arg1: memref<1000x128xf32, #tpu.memory_space<vmem>>, %arg2: memref<128x128xf32, #tpu.memory_space<vmem>>, %arg3: memref<1000x8xf32, #tpu.memory_space<vmem>>, %arg4: memref<1000x8xf32, #tpu.memory_space<vmem>>, %arg5: memref<1000x128xf32, #tpu.memory_space<vmem>>) attributes {dimension_semantics = [#tpu.dimension_semantics<arbitrary>], iteration_bounds = array<i64: 10>, scalar_prefetch = 0 : i64, scratch_operands = 0 : i64, tpu.core_type = #tpu.core_type<tc>, window_params = [{transform_indices = @transform_0, window_bounds = array<i64: 1000, 128>}, {pipeline_mode = #tpu.pipeline_mode<synchronous>, transform_indices = @transform_1, window_bounds = array<i64: 128, 128>}, {transform_indices = @transform_2, window_bounds = array<i64: 1000, 8>}, {transform_indices = @transform_3, window_bounds = array<i64: 1000, 8>}, {transform_indices = @transform_4, window_bounds = array<i64: 1000, 128>}]} {
    %get3A = arith.constant 0 : index
    %get3A_0 = arith.constant 0 : index
    %get3A_1 = vector.load %arg3[%get3A, %get3A_0] : memref<1000x8xf32, #tpu.memory_space<vmem>>, vector<1000x1xf32>
    %get3A_2 = arith.constant 0 : index
    %get3A_3 = arith.constant 0 : index
    %get3A_4 = vector.load %arg4[%get3A_2, %get3A_3] : memref<1000x8xf32, #tpu.memory_space<vmem>>, vector<1000x1xf32>
    %add3A = arith.addf %get3A_1, %get3A_4 : vector<1000x1xf32>
    %add3A_5 = arith.constant 1.000000e+00 : f32
    %add3A_6 = vector.broadcast %add3A_5 : f32 to vector<1000x1xf32>
    %add3A_7 = arith.addf %add3A, %add3A_6 : vector<1000x1xf32>
    %rsqrt3A = math.rsqrt %add3A_7 : vector<1000x1xf32>
    %get3A_8 = arith.constant 0 : index
    %get3A_9 = arith.constant 0 : index
    %get3A_10 = vector.load %arg1[%get3A_8, %get3A_9] : memref<1000x128xf32, #tpu.memory_space<vmem>>, vector<1000x128xf32>
    %get3A_11 = arith.constant 0 : index
    %get3A_12 = arith.constant 0 : index
    %get3A_13 = vector.load %arg2[%get3A_11, %get3A_12] : memref<128x128xf32, #tpu.memory_space<vmem>>, vector<128x128xf32>
    %dot_general3A = arith.constant dense<0.000000e+00> : vector<1000x128xf32>
    %dot_general3A_14 = tpu.matmul %get3A_10, %get3A_13, %dot_general3A {dimension_numbers = #tpu.dot_dimension_numbers<[1], [0], [0], [1], [0, 0, 1, 1], [], []>, transpose_lhs_hint = false} : vector<1000x128xf32>, vector<128x128xf32>, vector<1000x128xf32> -> vector<1000x128xf32>
    %mul3A = vector.broadcast %rsqrt3A : vector<1000x1xf32> to vector<1000x128xf32>
    %mul3A_15 = arith.mulf %mul3A, %dot_general3A_14 : vector<1000x128xf32>
    %swap3A = arith.constant 0 : index
    %swap3A_16 = arith.constant 0 : index
    %swap3A_17 = vector.load %arg5[%swap3A, %swap3A_16] : memref<1000x128xf32, #tpu.memory_space<vmem>>, vector<1000x128xf32>
    tpu.vector_store %arg5[%swap3A, %swap3A_16], %mul3A_15 {strides = array<i32>} : memref<1000x128xf32, #tpu.memory_space<vmem>>, vector<1000x128xf32>,
    return
  }
  func.func @transform_0(%arg0: i32) -> (i32, i32) {
    %c0_i32 = arith.constant 0 : i32
    %c0_i32_0 = arith.constant 0 : i32
    return %arg0, %c0_i32 : i32, i32
  }
  func.func @transform_1(%arg0: i32) -> (i32, i32) {
    %c0_i32 = arith.constant 0 : i32
    %c0_i32_0 = arith.constant 0 : i32
    %c0_i32_1 = arith.constant 0 : i32
    return %c0_i32, %c0_i32_0 : i32, i32
  }
  func.func @transform_2(%arg0: i32) -> (i32, i32) {
    %c0_i32 = arith.constant 0 : i32
    %c0_i32_0 = arith.constant 0 : i32
    return %arg0, %c0_i32 : i32, i32
  }
  func.func @transform_3(%arg0: i32) -> (i32, i32) {
    %c0_i32 = arith.constant 0 : i32
    %c0_i32_0 = arith.constant 0 : i32
    return %arg0, %c0_i32 : i32, i32
  }
  func.func @transform_4(%arg0: i32) -> (i32, i32) {
    %c0_i32 = arith.constant 0 : i32
    %c0_i32_0 = arith.constant 0 : i32
    return %arg0, %c0_i32 : i32, i32
  }
}

module attributes {stable_mosaic.version = 14 : i64} {
  func.func @_tc2_body(%arg0: i32, %arg1: memref<1000x128xf32, #tpu.memory_space<vmem>>, %arg2: memref<1000x128xf32, #tpu.memory_space<vmem>>, %arg3: memref<1000x128xf32, #tpu.memory_space<vmem>>, %arg4: memref<1000x8xf32, #tpu.memory_space<vmem>>, %arg5: memref<1000x8xf32, #tpu.memory_space<vmem>>, %arg6: memref<1x128xf32, #tpu.memory_space<vmem>>, %arg7: memref<128x128xf32, #tpu.memory_space<vmem>>, %arg8: memref<1000x128xf32, #tpu.memory_space<vmem>>) attributes {dimension_semantics = [#tpu.dimension_semantics<arbitrary>], iteration_bounds = array<i64: 10>, scalar_prefetch = 0 : i64, scratch_operands = 0 : i64, tpu.core_type = #tpu.core_type<tc>, window_params = [{transform_indices = @transform_0, window_bounds = array<i64: 1000, 128>}, {transform_indices = @transform_1, window_bounds = array<i64: 1000, 128>}, {transform_indices = @transform_2, window_bounds = array<i64: 1000, 128>}, {transform_indices = @transform_3, window_bounds = array<i64: 1000, 8>}, {transform_indices = @transform_4, window_bounds = array<i64: 1000, 8>}, {pipeline_mode = #tpu.pipeline_mode<synchronous>, transform_indices = @transform_5, window_bounds = array<i64: 1, 128>}, {pipeline_mode = #tpu.pipeline_mode<synchronous>, transform_indices = @transform_6, window_bounds = array<i64: 128, 128>}, {transform_indices = @transform_7, window_bounds = array<i64: 1000, 128>}]} {
    %get3A = arith.constant 0 : index
    %get3A_0 = arith.constant 0 : index
    %get3A_1 = vector.load %arg4[%get3A, %get3A_0] : memref<1000x8xf32, #tpu.memory_space<vmem>>, vector<1000x1xf32>
    %get3A_2 = arith.constant 0 : index
    %get3A_3 = arith.constant 0 : index
    %get3A_4 = vector.load %arg5[%get3A_2, %get3A_3] : memref<1000x8xf32, #tpu.memory_space<vmem>>, vector<1000x1xf32>
    %add3A = arith.addf %get3A_1, %get3A_4 : vector<1000x1xf32>
    %add3A_5 = arith.constant 1.000000e+00 : f32
    %add3A_6 = vector.broadcast %add3A_5 : f32 to vector<1000x1xf32>
    %add3A_7 = arith.addf %add3A, %add3A_6 : vector<1000x1xf32>
    %rsqrt3A = math.rsqrt %add3A_7 : vector<1000x1xf32>
    %get3A_8 = arith.constant 0 : index
    %get3A_9 = arith.constant 0 : index
    %get3A_10 = vector.load %arg1[%get3A_8, %get3A_9] : memref<1000x128xf32, #tpu.memory_space<vmem>>, vector<1000x128xf32>
    %get3A_11 = arith.constant 0 : index
    %get3A_12 = arith.constant 0 : index
    %get3A_13 = vector.load %arg2[%get3A_11, %get3A_12] : memref<1000x128xf32, #tpu.memory_space<vmem>>, vector<1000x128xf32>
    %add3A_14 = arith.addf %get3A_10, %get3A_13 : vector<1000x128xf32>
    %get3A_15 = arith.constant 0 : index
    %get3A_16 = arith.constant 0 : index
    %get3A_17 = vector.load %arg3[%get3A_15, %get3A_16] : memref<1000x128xf32, #tpu.memory_space<vmem>>, vector<1000x128xf32>
    %add3A_18 = arith.addf %add3A_14, %get3A_17 : vector<1000x128xf32>
    %mul3A = vector.broadcast %rsqrt3A : vector<1000x1xf32> to vector<1000x128xf32>
    %mul3A_19 = arith.mulf %mul3A, %add3A_18 : vector<1000x128xf32>
    %get3A_20 = arith.constant 0 : index
    %get3A_21 = arith.constant 0 : index
    %get3A_22 = vector.load %arg6[%get3A_20, %get3A_21] : memref<1x128xf32, #tpu.memory_space<vmem>>, vector<1x128xf32>
    %add3A_23 = vector.broadcast %get3A_22 : vector<1x128xf32> to vector<1000x128xf32>
    %add3A_24 = arith.addf %mul3A_19, %add3A_23 : vector<1000x128xf32>
    %max3A = arith.constant 0.000000e+00 : f32
    %max3A_25 = vector.broadcast %max3A : f32 to vector<1000x128xf32>
    %max3A_26 = arith.maximumf %add3A_24, %max3A_25 : vector<1000x128xf32>
    %get3A_27 = arith.constant 0 : index
    %get3A_28 = arith.constant 0 : index
    %get3A_29 = vector.load %arg7[%get3A_27, %get3A_28] : memref<128x128xf32, #tpu.memory_space<vmem>>, vector<128x128xf32>
    %dot_general3A = arith.constant dense<0.000000e+00> : vector<1000x128xf32>
    %dot_general3A_30 = tpu.matmul %max3A_26, %get3A_29, %dot_general3A {dimension_numbers = #tpu.dot_dimension_numbers<[1], [0], [0], [1], [0, 0, 1, 1], [], []>, transpose_lhs_hint = false} : vector<1000x128xf32>, vector<128x128xf32>, vector<1000x128xf32> -> vector<1000x128xf32>
    %mul3A_31 = vector.broadcast %rsqrt3A : vector<1000x1xf32> to vector<1000x128xf32>
    %mul3A_32 = arith.mulf %mul3A_31, %dot_general3A_30 : vector<1000x128xf32>
    %swap3A = arith.constant 0 : index
    %swap3A_33 = arith.constant 0 : index
    %swap3A_34 = vector.load %arg8[%swap3A, %swap3A_33] : memref<1000x128xf32, #tpu.memory_space<vmem>>, vector<1000x128xf32>
    tpu.vector_store %arg8[%swap3A, %swap3A_33], %mul3A_32 {strides = array<i32>} : memref<1000x128xf32, #tpu.memory_space<vmem>>, vector<1000x128xf32>,
    return
  }
  func.func @transform_0(%arg0: i32) -> (i32, i32) {
    %c0_i32 = arith.constant 0 : i32
    %c0_i32_0 = arith.constant 0 : i32
    return %arg0, %c0_i32 : i32, i32
  }
  func.func @transform_1(%arg0: i32) -> (i32, i32) {
    %c0_i32 = arith.constant 0 : i32
    %c0_i32_0 = arith.constant 0 : i32
    return %arg0, %c0_i32 : i32, i32
  }
  func.func @transform_2(%arg0: i32) -> (i32, i32) {
    %c0_i32 = arith.constant 0 : i32
    %c0_i32_0 = arith.constant 0 : i32
    return %arg0, %c0_i32 : i32, i32
  }
  func.func @transform_3(%arg0: i32) -> (i32, i32) {
    %c0_i32 = arith.constant 0 : i32
    %c0_i32_0 = arith.constant 0 : i32
    return %arg0, %c0_i32 : i32, i32
  }
  func.func @transform_4(%arg0: i32) -> (i32, i32) {
    %c0_i32 = arith.constant 0 : i32
    %c0_i32_0 = arith.constant 0 : i32
    return %arg0, %c0_i32 : i32, i32
  }
  func.func @transform_5(%arg0: i32) -> (i32, i32) {
    %c0_i32 = arith.constant 0 : i32
    %c0_i32_0 = arith.constant 0 : i32
    %c0_i32_1 = arith.constant 0 : i32
    return %c0_i32, %c0_i32_0 : i32, i32
  }
  func.func @transform_6(%arg0: i32) -> (i32, i32) {
    %c0_i32 = arith.constant 0 : i32
    %c0_i32_0 = arith.constant 0 : i32
    %c0_i32_1 = arith.constant 0 : i32
    return %c0_i32, %c0_i32_0 : i32, i32
  }
  func.func @transform_7(%arg0: i32) -> (i32, i32) {
    %c0_i32 = arith.constant 0 : i32
    %c0_i32_0 = arith.constant 0 : i32
    return %arg0, %c0_i32 : i32, i32
  }
}

module attributes {stable_mosaic.version = 14 : i64} {
  func.func @_tc3_body(%arg0: i32, %arg1: memref<1000x128xf32, #tpu.memory_space<vmem>>, %arg2: memref<1000x128xf32, #tpu.memory_space<vmem>>, %arg3: memref<1000x128xf32, #tpu.memory_space<vmem>>, %arg4: memref<1000x8xf32, #tpu.memory_space<vmem>>, %arg5: memref<1000x8xf32, #tpu.memory_space<vmem>>, %arg6: memref<1x128xf32, #tpu.memory_space<vmem>>, %arg7: memref<128x100xf32, #tpu.memory_space<vmem>>, %arg8: memref<1x100xf32, #tpu.memory_space<vmem>>, %arg9: memref<1000x100xf32, #tpu.memory_space<vmem>>) attributes {dimension_semantics = [#tpu.dimension_semantics<arbitrary>], iteration_bounds = array<i64: 10>, scalar_prefetch = 0 : i64, scratch_operands = 0 : i64, tpu.core_type = #tpu.core_type<tc>, window_params = [{transform_indices = @transform_0, window_bounds = array<i64: 1000, 128>}, {transform_indices = @transform_1, window_bounds = array<i64: 1000, 128>}, {transform_indices = @transform_2, window_bounds = array<i64: 1000, 128>}, {transform_indices = @transform_3, window_bounds = array<i64: 1000, 8>}, {transform_indices = @transform_4, window_bounds = array<i64: 1000, 8>}, {pipeline_mode = #tpu.pipeline_mode<synchronous>, transform_indices = @transform_5, window_bounds = array<i64: 1, 128>}, {pipeline_mode = #tpu.pipeline_mode<synchronous>, transform_indices = @transform_6, window_bounds = array<i64: 128, 100>}, {pipeline_mode = #tpu.pipeline_mode<synchronous>, transform_indices = @transform_7, window_bounds = array<i64: 1, 100>}, {transform_indices = @transform_8, window_bounds = array<i64: 1000, 100>}]} {
    %get3A = arith.constant 0 : index
    %get3A_0 = arith.constant 0 : index
    %get3A_1 = vector.load %arg4[%get3A, %get3A_0] : memref<1000x8xf32, #tpu.memory_space<vmem>>, vector<1000x1xf32>
    %get3A_2 = arith.constant 0 : index
    %get3A_3 = arith.constant 0 : index
    %get3A_4 = vector.load %arg5[%get3A_2, %get3A_3] : memref<1000x8xf32, #tpu.memory_space<vmem>>, vector<1000x1xf32>
    %add3A = arith.addf %get3A_1, %get3A_4 : vector<1000x1xf32>
    %add3A_5 = arith.constant 1.000000e+00 : f32
    %add3A_6 = vector.broadcast %add3A_5 : f32 to vector<1000x1xf32>
    %add3A_7 = arith.addf %add3A, %add3A_6 : vector<1000x1xf32>
    %rsqrt3A = math.rsqrt %add3A_7 : vector<1000x1xf32>
    %get3A_8 = arith.constant 0 : index
    %get3A_9 = arith.constant 0 : index
    %get3A_10 = vector.load %arg1[%get3A_8, %get3A_9] : memref<1000x128xf32, #tpu.memory_space<vmem>>, vector<1000x128xf32>
    %get3A_11 = arith.constant 0 : index
    %get3A_12 = arith.constant 0 : index
    %get3A_13 = vector.load %arg2[%get3A_11, %get3A_12] : memref<1000x128xf32, #tpu.memory_space<vmem>>, vector<1000x128xf32>
    %add3A_14 = arith.addf %get3A_10, %get3A_13 : vector<1000x128xf32>
    %get3A_15 = arith.constant 0 : index
    %get3A_16 = arith.constant 0 : index
    %get3A_17 = vector.load %arg3[%get3A_15, %get3A_16] : memref<1000x128xf32, #tpu.memory_space<vmem>>, vector<1000x128xf32>
    %add3A_18 = arith.addf %add3A_14, %get3A_17 : vector<1000x128xf32>
    %mul3A = vector.broadcast %rsqrt3A : vector<1000x1xf32> to vector<1000x128xf32>
    %mul3A_19 = arith.mulf %mul3A, %add3A_18 : vector<1000x128xf32>
    %get3A_20 = arith.constant 0 : index
    %get3A_21 = arith.constant 0 : index
    %get3A_22 = vector.load %arg6[%get3A_20, %get3A_21] : memref<1x128xf32, #tpu.memory_space<vmem>>, vector<1x128xf32>
    %add3A_23 = vector.broadcast %get3A_22 : vector<1x128xf32> to vector<1000x128xf32>
    %add3A_24 = arith.addf %mul3A_19, %add3A_23 : vector<1000x128xf32>
    %get3A_25 = arith.constant 0 : index
    %get3A_26 = arith.constant 0 : index
    %get3A_27 = vector.load %arg7[%get3A_25, %get3A_26] : memref<128x100xf32, #tpu.memory_space<vmem>>, vector<128x100xf32>
    %dot_general3A = arith.constant dense<0.000000e+00> : vector<1000x100xf32>
    %dot_general3A_28 = tpu.matmul %add3A_24, %get3A_27, %dot_general3A {dimension_numbers = #tpu.dot_dimension_numbers<[1], [0], [0], [1], [0, 0, 1, 1], [], []>, transpose_lhs_hint = false} : vector<1000x128xf32>, vector<128x100xf32>, vector<1000x100xf32> -> vector<1000x100xf32>
    %get3A_29 = arith.constant 0 : index
    %get3A_30 = arith.constant 0 : index
    %get3A_31 = vector.load %arg8[%get3A_29, %get3A_30] : memref<1x100xf32, #tpu.memory_space<vmem>>, vector<1x100xf32>
    %add3A_32 = vector.broadcast %get3A_31 : vector<1x100xf32> to vector<1000x100xf32>
    %add3A_33 = arith.addf %dot_general3A_28, %add3A_32 : vector<1000x100xf32>
    %reduce_max3A = arith.constant dense<0xFF800000> : vector<1000xf32>
    %reduce_max3A_34 = vector.multi_reduction <maximumf>, %add3A_33, %reduce_max3A [1] : vector<1000x100xf32> to vector<1000xf32>
    %broadcast_in_dim3A = vector.shape_cast %reduce_max3A_34 : vector<1000xf32> to vector<1000x1xf32>
    %sub3A = vector.broadcast %broadcast_in_dim3A : vector<1000x1xf32> to vector<1000x100xf32>
    %sub3A_35 = arith.subf %add3A_33, %sub3A : vector<1000x100xf32>
    %exp3A = math.exp %sub3A_35 : vector<1000x100xf32>
    %reduce_sum3A = arith.constant dense<0.000000e+00> : vector<1000xf32>
    %reduce_sum3A_36 = vector.multi_reduction <add>, %exp3A, %reduce_sum3A [1] : vector<1000x100xf32> to vector<1000xf32>
    %broadcast_in_dim3A_37 = vector.shape_cast %reduce_sum3A_36 : vector<1000xf32> to vector<1000x1xf32>
    %div3A = vector.broadcast %broadcast_in_dim3A_37 : vector<1000x1xf32> to vector<1000x100xf32>
    %div3A_38 = arith.divf %exp3A, %div3A : vector<1000x100xf32>
    %swap3A = arith.constant 0 : index
    %swap3A_39 = arith.constant 0 : index
    %swap3A_40 = vector.load %arg9[%swap3A, %swap3A_39] : memref<1000x100xf32, #tpu.memory_space<vmem>>, vector<1000x100xf32>
    tpu.vector_store %arg9[%swap3A, %swap3A_39], %div3A_38 {strides = array<i32>} : memref<1000x100xf32, #tpu.memory_space<vmem>>, vector<1000x100xf32>,
    return
  }
  func.func @transform_0(%arg0: i32) -> (i32, i32) {
    %c0_i32 = arith.constant 0 : i32
    %c0_i32_0 = arith.constant 0 : i32
    return %arg0, %c0_i32 : i32, i32
  }
  func.func @transform_1(%arg0: i32) -> (i32, i32) {
    %c0_i32 = arith.constant 0 : i32
    %c0_i32_0 = arith.constant 0 : i32
    return %arg0, %c0_i32 : i32, i32
  }
  func.func @transform_2(%arg0: i32) -> (i32, i32) {
    %c0_i32 = arith.constant 0 : i32
    %c0_i32_0 = arith.constant 0 : i32
    return %arg0, %c0_i32 : i32, i32
  }
  func.func @transform_3(%arg0: i32) -> (i32, i32) {
    %c0_i32 = arith.constant 0 : i32
    %c0_i32_0 = arith.constant 0 : i32
    return %arg0, %c0_i32 : i32, i32
  }
  func.func @transform_4(%arg0: i32) -> (i32, i32) {
    %c0_i32 = arith.constant 0 : i32
    %c0_i32_0 = arith.constant 0 : i32
    return %arg0, %c0_i32 : i32, i32
  }
  func.func @transform_5(%arg0: i32) -> (i32, i32) {
    %c0_i32 = arith.constant 0 : i32
    %c0_i32_0 = arith.constant 0 : i32
    %c0_i32_1 = arith.constant 0 : i32
    return %c0_i32, %c0_i32_0 : i32, i32
  }
  func.func @transform_6(%arg0: i32) -> (i32, i32) {
    %c0_i32 = arith.constant 0 : i32
    %c0_i32_0 = arith.constant 0 : i32
    %c0_i32_1 = arith.constant 0 : i32
    return %c0_i32, %c0_i32_0 : i32, i32
  }
  func.func @transform_7(%arg0: i32) -> (i32, i32) {
    %c0_i32 = arith.constant 0 : i32
    %c0_i32_0 = arith.constant 0 : i32
    %c0_i32_1 = arith.constant 0 : i32
    return %c0_i32, %c0_i32_0 : i32, i32
  }
  func.func @transform_8(%arg0: i32) -> (i32, i32) {
    %c0_i32 = arith.constant 0 : i32
    %c0_i32_0 = arith.constant 0 : i32
    return %arg0, %c0_i32 : i32, i32
  }
}

</mosaic_0001>

<sc_bundles>
// kernel: kernel.11.cloned.1.call-start
scs
__scs_entry_jumppad:
0x0: {  	(pc) =	sbr.rel $0x88, $3  }
0x1: {  	(tag) =	ssettag $0x0;
	lr =	simm.s32 $0x1  }
0x2: {  	[smem:$0x3F99] =	sst lr;
	_ =	strace $0xD0000000  }
0x3: {  	_ = 	snop  }
0x4: {  	_ = 	snop  }
0x5: {  	_ = 	snop  }
0x6: {  	_ = 	snop  }
0x7: {  	_ = 	snop  }
__scs_overlays_trampoline_lowered:
0x8: {  	[smem:$0x3FA8] =	sst s0  }
0x9: {  	[smem:$0x3FA9] =	sst s1  }
0xa: {  	[smem:$0x3FAA] =	sst s2  }
0xb: {  	[smem:$0x3FAB] =	sst s3  }
0xc: {  	[smem:$0x3FAC] =	sst s4  }
0xd: {  	[smem:$0x3FAD] =	sst s5  }
0xe: {  	[smem:$0x3FAE] =	sst s6  }
0xf: {  	[smem:$0x3FAF] =	sst s7  }
0x10: {  	[smem:$0x3FB0] =	sst s8  }
0x11: {  	[smem:$0x3FB1] =	sst s9;
	s0 =	simm.s32 @!p0 $0x0  }
0x12: {  	s1 =	sld [smem:$0x3F97];
	s0 =	simm.s32 @p0 $0x1  }
0x13: {  	[smem:$0x3FB2] =	sst s0;
	s0 =	simm.s32 @!p1 $0x0  }
0x14: {  	s2 =	sld [smem:$0x3F96];
	s0 =	simm.s32 @p1 $0x1  }
0x15: {  	[smem:$0x3FB3] =	sst s0;
	s0 =	simm.s32 @!p2 $0x0  }
0x16: {  	s3 =	sld [smem:$0x3FDB];
	s0 =	simm.s32 @p2 $0x1  }
0x17: {  	s4 =	simm.s32 $0x1BF5;
	[smem:$0x3FB5] =	sst s0  }
0x18: {  	s0 =	sld [smem:$0x3F98];
	_ =	swait.ge [sflag:s4], $0x0  }
0x19: {  	s7 =	sld [smem:$0x3F99]  }
0x1a: {  	s8 =	sadd.s32 $0xFFFFE003, lr  }
0x1b: {  	s9 =	sadd.s32 $0xFFFFFEF7, lr;
	s5 =	simm.s32 $0xFFFFFFFF;
	p2 =	slt.u32 s8, $0xFFFFF086  }
0x1c: {  	p1 =	slt.u32 s9, $0xF7A;
	s5 =	simm.s32 @!p2 $0x0  }
0x1d: {  	s5 =	simm.s32 @p1 $0x1;
	p0 =	seq.s32 s7, s2  }
0x1e: {  	s7 =	smul.u32 @!p0 $0xF7A, s2;
	p2 =	seq.s32 @!p0 s5, $0x0  }
0x1f: {  	s9 =	smul.u32 $0xF7A, s1;
	s8 =	simm.s32 @!p0 $0x1BF5;
	p2 =	por !p2, p0  }
0x20: {  	[sflag:s8] =	ssyncset.s32 @!p0 $0xFFFFF086;
	s6 =	sadd.s32 @!p0 s3, s7;
	s7 =	simm.s32 @!p0 $0x108  }
0x21: {  	s3 =	sadd.s32 s3, s9;
	s6 =	sadd.s32 @!p0 $0x88, s6;
	s7 =	simm.s32 @p2 $0x1082  }
0x22: {  	[simem:s7], [sflag:s8] =	dma.local @!p0 [hbm:s6], $0xF7A  }
0x23: {  	s9 =	sor.u32 $0xD0000000, s2;
	s6 =	simm.s32 $0x108;
	_ =	swait.ge @!p0 [sflag:s8], $0x0  }
0x24: {  	s3 =	sadd.s32 $0x88, s3;
	s6 =	simm.s32 @!p1 $0x1082;
	[sflag:s4] =	ssyncset.s32 $0xFFFFF086  }
0x25: {  	[simem:s6], [sflag:s4] =	dma.local [hbm:s3], $0xF7A  }
0x26: {  	[smem:$0x3F99] =	sst s1;
	(tag) =	ssettag s2;
	_ =	strace s9  }
0x27: {  	s1 =	sld [smem:$0x3FA9]  }
0x28: {  	s2 =	sld [smem:$0x3FAA]  }
0x29: {  	s4 =	sld [smem:$0x3FAC]  }
0x2a: {  	p0 =	seq.s32 s5, $0x0;
	s5 =	sld [smem:$0x3FAD]  }
0x2b: {  	s6 =	sld [smem:$0x3FAE]  }
0x2c: {  	s7 =	sld [smem:$0x3FAF]  }
0x2d: {  	s3 =	simm.s32 $0x108;
	s8 =	sld [smem:$0x3FB0]  }
0x2e: {  	s3 =	simm.s32 @!p0 $0x1082;
	s9 =	sld [smem:$0x3FB1]  }
0x2f: {  	lr =	sadd.s32 s0, s3;
	s0 =	sld [smem:$0x3FA8]  }
0x30: {  	s3 =	sld [smem:$0x3FAB]  }
0x31: {  	[smem:$0x3FB4] =	sst s10  }
0x32: {  	s10 =	sld [smem:$0x3FB2];
	_ =	sdelay $0x3  }
0x33: {  	p0 =	seq.s32 s10, $0x1;
	s10 =	sld [smem:$0x3FB4];
	_ =	sdelay $0x3  }
0x34: {  	[smem:$0x3FB4] =	sst s10  }
0x35: {  	s10 =	sld [smem:$0x3FB3];
	_ =	sdelay $0x3  }
0x36: {  	p1 =	seq.s32 s10, $0x1;
	s10 =	sld [smem:$0x3FB4];
	_ =	sdelay $0x3  }
0x37: {  	[smem:$0x3FB4] =	sst s10  }
0x38: {  	s10 =	sld [smem:$0x3FB5]  }
0x39: {  	_ = 	snop;
	(pc) =	sbr.ind lr, $3  }
0x3a: {  	_ = 	snop  }
0x3b: {  	_ = 	snop  }
0x3c: {  	p2 =	seq.s32 s10, $0x1;
	s10 =	sld [smem:$0x3FB4]  }
0x3d: {  	_ =	shalt  }
0x3e: {  	_ =	shalt  }
0x3f: {  	_ =	shalt  }
0x40: {  	_ =	shalt  }
0x41: {  	_ =	shalt  }
0x42: {  	_ =	shalt  }
0x43: {  	_ =	shalt  }
0x44: {  	_ =	shalt  }
0x45: {  	_ =	shalt  }
0x46: {  	_ =	shalt  }
0x47: {  	_ =	shalt  }
0x48: {  	_ =	shalt  }
0x49: {  	_ =	shalt  }
0x4a: {  	_ =	shalt  }
0x4b: {  	_ =	shalt  }
0x4c: {  	_ =	shalt  }
0x4d: {  	_ =	shalt  }
0x4e: {  	_ =	shalt  }
0x4f: {  	_ =	shalt  }
0x50: {  	_ =	shalt  }
0x51: {  	_ =	shalt  }
0x52: {  	_ =	shalt  }
0x53: {  	_ =	shalt  }
0x54: {  	_ =	shalt  }
0x55: {  	_ =	shalt  }
0x56: {  	_ =	shalt  }
0x57: {  	_ =	shalt  }
0x58: {  	_ =	shalt  }
0x59: {  	_ =	shalt  }
0x5a: {  	_ =	shalt  }
0x5b: {  	_ =	shalt  }
0x5c: {  	_ =	shalt  }
0x5d: {  	_ =	shalt  }
0x5e: {  	_ =	shalt  }
0x5f: {  	_ =	shalt  }
0x60: {  	_ =	shalt  }
0x61: {  	_ =	shalt  }
0x62: {  	_ =	shalt  }
0x63: {  	_ =	shalt  }
0x64: {  	_ =	shalt  }
0x65: {  	_ =	shalt  }
0x66: {  	_ =	shalt  }
0x67: {  	_ =	shalt  }
0x68: {  	_ =	shalt  }
0x69: {  	_ =	shalt  }
0x6a: {  	_ =	shalt  }
0x6b: {  	_ =	shalt  }
0x6c: {  	_ =	shalt  }
0x6d: {  	_ =	shalt  }
0x6e: {  	_ =	shalt  }
0x6f: {  	_ =	shalt  }
0x70: {  	_ =	shalt  }
0x71: {  	_ =	shalt  }
0x72: {  	_ =	shalt  }
0x73: {  	_ =	shalt  }
0x74: {  	_ =	shalt  }
0x75: {  	_ =	shalt  }
0x76: {  	_ =	shalt  }
0x77: {  	_ =	shalt  }
0x78: {  	_ =	shalt  }
0x79: {  	_ =	shalt  }
0x7a: {  	_ =	shalt  }
0x7b: {  	_ =	shalt  }
0x7c: {  	_ =	shalt  }
0x7d: {  	_ =	shalt  }
0x7e: {  	_ =	shalt  }
0x7f: {  	_ =	shalt  }
0x80: {  	_ =	shalt  }
0x81: {  	_ =	shalt  }
0x82: {  	_ =	shalt  }
0x83: {  	_ =	shalt  }
0x84: {  	_ =	shalt  }
0x85: {  	_ =	shalt  }
0x86: {  	_ =	shalt  }
0x87: {  	_ =	shalt  }
.Lfunc_end0:
.L_simem_size_0:
called_computation.1_lowered:
.L_overlay_start_0:
0x88: {  	s2 =	sld [smem:$0x3FD9]  }
0x89: {  	s3 =	sld [smem:$0x3FFE];
	_ =	sdelay $0x1  }
0x8a: {  	s1 =	srdreg.scid  }
0x8b: {  	s0 =	sand.u32 $0x1, s1  }
0x8c: {  	s17 =	sshll.u32 s0, $0xA;
	s2 =	sadd.s32 s3, s2  }
0x8d: {  	s2 =	sadd.s32 s2, s17  }
0x8e: {  	[smem:$0x3FC0] =	sst s2  }
0x8f: {  	_ = 	snop  }
0x90: {  	s2 =	sld [smem:$0x3FD0];
	(tm) =	ssettm $0x1  }
0x91: {  	s18 =	sld [smem:$0x3FFB];
	_ =	sdelay $0x3  }
0x92: {  	_ =	strace s18  }
0x93: {  	s3 =	sld [smem:$0x3FFC];
	_ =	sdelay $0x3  }
0x94: {  	_ =	strace s3  }
0x95: {  	s3 =	sld [smem:$0x3FFD];
	_ =	sdelay $0x3  }
0x96: {  	_ =	strace s3  }
0x97: {  	_ =	strace $0x8FFFFFFF  }
0x98: {  	s19 =	sld [smem:$0x3FDB];
	_ =	sdelay $0x1  }
0x99: {  	s4 =	simm.s32 $_scs_section_size  }
0x9a: {  	s5 =	simm.s32 $_size__tile_overlayer_lowered;
	s6 =	simm.s32 $_tile_overlayer_lowered  }
0x9b: {  	s22 =	simm.s32 $0x1BFF;
	s21 =	sshll.u32 s6, $0x1;
	s3 =	sadd.s32 s4, s19  }
0x9c: {  	s7 =	simm.s32 $0x0;
	s20 =	sshll.u32 s5, $0x1;
	s5 =	sadd.s32 s21, s3  }
0x9d: {  	[timem:s7], [sflag:s22] =	dma.local [hbm:s5], s20  }
0x9e: {  	_ =	swait.ge [sflag:s22], s20  }
0x9f: {  	s4 =	ssub.s32 $0x0, s20;
	[sflag:s22] =	ssyncset.done $0x0  }
0xa0: {  	[sflag:s22] =	ssyncadd.s32 s4;
	_ =	sdelay $0x1  }
0xa1: {  	s23 =	simm.s32 $0x1B8B  }
0xa2: {  	_ =	swait.ge [sflag:s23], $0x1  }
0xa3: {  	[sflag:s23] =	ssyncset.done $0x0  }
0xa4: {  	s25 =	simm.s32 $0x1B8E;
	s24 =	sld [smem:$0x3FFE];
	[sflag:s23] =	ssyncadd.s32 $0xFFFFFFFF  }
0xa5: {  	s26 =	simm.s32 $execute0_lowered;
	[smem:$0x3FD2] =	sst s25  }
0xa6: {  	s5 =	sshll.u32 s26, $0x1;
	_ =	strace $0x80000049;
	[dreg:$0x1] =	wrdreg $0xFFFFFFFF  }
0xa7: {  	s28 =	simm.s32 $_size_execute0_lowered;
	s3 =	sadd.s32 s3, s5;
	[dreg:$0x0] =	wrdreg $0x0  }
0xa8: {  	s5 =	sshll.u32 s28, $0x1;
	[dreg:$0x2] =	wrdreg s3  }
0xa9: {  	[dreg:$0x3] =	wrdreg s5  }
0xaa: {  	[dreg:$0x4] =	wrdreg $0xC0  }
0xab: {  	_ =	task [dreg:s7], $0x5FFFF  }
0xac: {  	[dreg:$0x1] =	wrdreg $0xFFFFFFFF  }
0xad: {  	[dreg:$0x0] =	wrdreg $0x60  }
0xae: {  	[dreg:$0x2] =	wrdreg s24  }
0xaf: {  	[dreg:$0x3] =	wrdreg s2  }
0xb0: {  	[dreg:$0x4] =	wrdreg $0xA8000  }
0xb1: {  	[dreg:$0x5] =	wrdreg $0x9  }
0xb2: {  	_ =	task.clear_ibuf [dreg:s7], $0x6FFFF;
	_ =	strace $0x90000049  }
0xb3: {  	s29 =	simm.s32 $0x9;
	_ =	strace $0x8000004B  }
0xb4: {  	_ =	swait.ge [sflag:s29], $0x1  }
0xb5: {  	[sflag:s29] =	ssyncadd.s32 $0xFFFFFFFF  }
0xb6: {  	_ =	strace $0x9000004B  }
0xb7: {  	_ =	sfence  }
0xb8: {  	s30 =	sld [smem:$0x0];
	_ =	sdelay $0x2  }
0xb9: {  	s31 =	sshll.u32 s1, $0xD;
	s1 =	sshrl.u32 s1, $0x2  }
0xba: {  	s3 =	sand.u32 $0x4000, s31;
	s1 =	sadd.s32 s1, s30  }
0xbb: {  	s0 =	sor.u32 s3, s0;
	s1 =	sshll.u32 s1, $0x11  }
0xbc: {  	s0 =	sor.u32 s1, s0  }
0xbd: {  	s0 =	sadd.s32 $0x8F2B, s0  }
0xbe: {  	[sflag:s0] =	ssyncadd.remote.s32 $0x1  }
0xbf: {  	_ =	sfence.sel $0xFFFF  }
0xc0: {  	[dreg:$0x0] =	wrdreg $0xFFFFFFFF;
	(pc) =	sbr.abs _section_cstart, $3  }
0xc1: {  	[dreg:$0x1] =	wrdreg $0xFFFFFFFF  }
0xc2: {  	_ =	task.clear_ibuf [dreg:s7], $0x2FFFF;
	_ =	strace $0x9FFFFFFF  }
0xc3: {  	(tm) =	ssettm $0x7FFFFFFF  }
tec
execute0_lowered:
.L_overlay_start_1:
0x0: {  	(tag) =	ssettag $0x1  }
0x1: {  	s0 =	rddreg [dreg:$0x0]  }
0x2: {  	s2 =	rddreg [dreg:$0x1]  }
0x3: {  	s1 =	rddreg [dreg:$0x2];
	s3 =	simm.s32 $0x0  }
0x4: {  	s4 =	srdreg.scid;
	s8 =	stileid.u32;
	s28 =	simm.s32 $0x3  }
0x5: {  	s29 =	simm.s32 $0x4;
	s30 =	simm.s32 $0x2700;
	s31 =	simm.s32 $0x2780  }
0x6: {  	[smem:$0x7FF] =	sst s3;
	s10 =	sand.u32 $0x1, s4;
	s6 =	smul.u32 $0x50000, s8  }
0x7: {  	s4 =	sadd.s32 $0x5BC00, s0;
	s13 =	smul.u32 $0x14000, s8;
	s12 =	sadd.s32 $0x3800, s0  }
0x8: {  	s0 =	sadd.s32 $0x82E00, s0;
	_ =	strace $0x8000004A;
	s5 =	ssub.s32 $0x2, s10  }
0x9: {  	s20 =	sshll.u32 s10, $0x4;
	s10 =	smul.u32 $0x140000, s10;
	s7 =	sshrl.u32 s5, $0x1  }
0xa: {  	s6 =	sshrl.u32 s6, $0x2;
	s14 =	sadd.s32 $0x4000, s13;
	s21 =	sor.u32 s8, s20  }
0xb: {  	s16 =	sadd.s32 $0x8000, s13;
	s17 =	sadd.s32 $0xC000, s13;
	s18 =	sadd.s32 $0x10000, s13  }
0xc: {  	s19 =	ssub.s32 s5, s7;
	s5 =	sadd.s32 s6, s1;
	s6 =	sadd.s32 s14, s1  }
0xd: {  	s11 =	smul.u32 $0x2800, s21;
	s7 =	sadd.s32 s16, s1;
	s8 =	sadd.s32 s17, s1  }
0xe: {  	s9 =	sadd.s32 s18, s1;
	s20 =	sadd.s32 s13, s10;
	s14 =	sadd.s32 s10, s14  }
0xf: {  	s25 =	sadd.s32 s10, s16;
	s17 =	sadd.s32 s10, s17;
	s10 =	sadd.s32 s10, s18  }
0x10: {  	s21 =	simm.s32 $0x5;
	s23 =	sshrl.u32 s20, $0x3;
	s24 =	sshrl.u32 s14, $0x3  }
0x11: {  	s26 =	sshrl.u32 s17, $0x3;
	s10 =	sshrl.u32 s10, $0x3;
	s19 =	smax.u32 s19, $0x1  }
0x12: {  	s20 =	simm.s32 $0x2800;
	s15 =	sshrl.u32 s11, $0x3;
	s14 =	sadd.s32 s0, s23  }
0x13: {  	s17 =	sadd.s32 s0, s26;
	s18 =	sadd.s32 s0, s10;
	s11 =	sadd.s32 s12, s15  }
0x14: {  	s23 =	simm.s32 $0x80;
	s22 =	sadd.s32 s2, s15;
	[dreg:$0x4] =	wrdreg s11  }
0x15: {  	s26 =	simm.s32 $0x2;
	s15 =	sadd.s32 $0x280, s15;
	[dreg:$0x5] =	wrdreg s22  }
0x16: {  	s12 =	sadd.s32 s12, s15;
	s13 =	sadd.s32 s2, s15;
	s15 =	sadd.s32 s0, s24  }
0x17: {  	s2 =	sshrl.u32 s25, $0x3;
	s22 =	simm.s32 $0x1400;
	s24 =	simm.s32 $0x6800  }
0x18: {  	v0 =	vimm.f32 $0.0e+00;
	s25 =	simm.s32 $0x1;
	s16 =	sadd.s32 s0, s2;
	s0 =	simm.s32 $0x0  }
.LBB2_1:
0x19: {  	s2 =	simm.s32 $0x0;
	s10 =	simm.s32 $0x200  }
.LBB2_2:
0x1a: {  	p0 =	sne.s32 s10, $0xFE00;
	[tilespmem:s2+$0x2870] =	vst v0  }
0x1b: {  	[tilespmem:s2+$0x2800] =	vst v0  }
0x1c: {  	[tilespmem:s2+$0x2810] =	vst v0  }
.Ltmp0:
0x1d: {  	[tilespmem:s2+$0x2820] =	vst v0;
	(pc) =	sbr.rel @p0 .LBB2_2-.Ltmp0, $4  }
0x1e: {  	[tilespmem:s2+$0x2830] =	vst v0  }
0x1f: {  	[tilespmem:s2+$0x2840] =	vst v0  }
0x20: {  	[tilespmem:s2+$0x2850] =	vst v0  }
0x21: {  	[tilespmem:s2+$0x2860] =	vst v0;
	s2 =	sshra.s32 s10, $0x2;
	s10 =	sadd.s32 $0x200, s10  }
0x22: {  	[tilespmem:s2+$0x2870] =	vst v0  }
0x23: {  	[tilespmem:s2+$0x2800] =	vst v0  }
0x24: {  	[tilespmem:s2+$0x2810] =	vst v0  }
0x25: {  	[tilespmem:s2+$0x2820] =	vst v0  }
0x26: {  	[tilespmem:s2+$0x2830] =	vst v0  }
0x27: {  	[tilespmem:s2+$0x2840] =	vst v0  }
0x28: {  	[tilespmem:s2+$0x2850] =	vst v0  }
0x29: {  	[tilespmem:s2+$0x2860] =	vst v0  }
0x2a: {  	[spmem:s5] =	stream.linear.scatter [tilespmem:s20], [sflag:$0x5], $0x4000, $0x38;
	[tilespmem:$0x1E800] =	vst v63  }
0x2b: {  	_ =	swait.ge [sflag:s21], $0x4000  }
0x2c: {  	[sflag:s21] =	ssyncset.done $0x0  }
0x2d: {  	[sflag:s21] =	ssyncadd.s32 $0xFFFFC000  }
0x2e: {  	[spmem:s6] =	stream.linear.scatter [tilespmem:s20], [sflag:$0x5], $0x4000, $0x38;
	[tilespmem:$0x1E800] =	vst v63  }
0x2f: {  	_ =	swait.ge [sflag:s21], $0x4000  }
0x30: {  	[sflag:s21] =	ssyncset.done $0x0  }
0x31: {  	[sflag:s21] =	ssyncadd.s32 $0xFFFFC000  }
0x32: {  	[spmem:s7] =	stream.linear.scatter [tilespmem:s20], [sflag:$0x5], $0x4000, $0x38;
	[tilespmem:$0x1E800] =	vst v63  }
0x33: {  	_ =	swait.ge [sflag:s21], $0x4000  }
0x34: {  	[sflag:s21] =	ssyncset.done $0x0  }
0x35: {  	[sflag:s21] =	ssyncadd.s32 $0xFFFFC000  }
0x36: {  	[spmem:s8] =	stream.linear.scatter [tilespmem:s20], [sflag:$0x5], $0x4000, $0x38;
	[tilespmem:$0x1E800] =	vst v63  }
0x37: {  	_ =	swait.ge [sflag:s21], $0x4000  }
0x38: {  	[sflag:s21] =	ssyncset.done $0x0  }
0x39: {  	[sflag:s21] =	ssyncadd.s32 $0xFFFFC000  }
0x3a: {  	[spmem:s9] =	stream.linear.scatter [tilespmem:s20], [sflag:$0x5], $0x4000, $0x38;
	[tilespmem:$0x1E800] =	vst v63  }
0x3b: {  	_ =	swait.ge [sflag:s21], $0x4000  }
0x3c: {  	[sflag:s21] =	ssyncset.done $0x0  }
0x3d: {  	[sflag:s21] =	ssyncadd.s32 $0xFFFFC000  }
0x3e: {  	[bflag:$0x0] =	sbarrier.arrive $0xFFFF  }
0x3f: {  	s2 =	simm.s32 $0x0;
	s10 =	rddreg [dreg:$0x4]  }
0x40: {  	[tilespmem:s2], [sflag:$0x5] =	stream.linear.gather [hbm4b:s10+s2], $0x1400, $0x38;
	[tilespmem:$0x1E800] =	vst v63  }
0x41: {  	_ =	swait.ge [sflag:s21], $0x1400  }
0x42: {  	[sflag:s21] =	ssyncset.done $0x0  }
0x43: {  	s11 =	rddreg [dreg:$0x5];
	[sflag:s21] =	ssyncadd.s32 $0xFFFFEC00  }
0x44: {  	[tilespmem:s22], [sflag:$0x5] =	stream.linear.gather [hbm4b:s11+s2], $0x1400, $0x38;
	[tilespmem:$0x1E800] =	vst v63  }
0x45: {  	_ =	swait.ge [sflag:s21], $0x1400  }
0x46: {  	[sflag:s21] =	ssyncset.done $0x0  }
0x47: {  	[sflag:s21] =	ssyncadd.s32 $0xFFFFEC00  }
0x48: {  	[tilespmem:s20], [sflag:$0x1] =	stream.indirect.gather [hbm4b:s4+s23], $0x80, s2, s23, $0xb8;
	[tilespmem:$0x1E800] =	vst v63  }
0x49: {  	_ = 	snop  }
0x4a: {  	[tilespmem:s24], [sflag:$0x2] =	stream.indirect.gather [hbm4b:s4+s23], $0x80, s23, s23, $0xb8;
	[tilespmem:$0x1E800] =	vst v63  }
0x4b: {  	_ =	swait.ge [sflag:s25], $0x4000  }
0x4c: {  	[sflag:s25] =	ssyncset.done $0x0  }
0x4d: {  	s11 =	simm.s32 $0x1400;
	[sflag:s25] =	ssyncadd.s32 $0xFFFFC000  }
0x4e: {  	[spmem:s1] =	stream.indirect.scatter.add.f32 [tilespmem:s20], [sflag:$0x3], $0x80, s11, s23, $0xb8;
	[tilespmem:$0x1E800] =	vst v63  }
0x4f: {  	_ =	swait.ge [sflag:s26], $0x4000  }
0x50: {  	[sflag:s26] =	ssyncset.done $0x0  }
0x51: {  	s10 =	simm.s32 $0x1480;
	[sflag:s26] =	ssyncadd.s32 $0xFFFFC000  }
0x52: {  	[spmem:s1] =	stream.indirect.scatter.add.f32 [tilespmem:s24], [sflag:$0x4], $0x80, s10, s23, $0xb8;
	[tilespmem:$0x1E800] =	vst v63  }
0x53: {  	_ =	swait.ge [sflag:s28], $0x4000  }
0x54: {  	[sflag:s28] =	ssyncset.done $0x0  }
0x55: {  	s11 =	simm.s32 $0x100;
	[sflag:s28] =	ssyncadd.s32 $0xFFFFC000  }
0x56: {  	[tilespmem:s20], [sflag:$0x1] =	stream.indirect.gather [hbm4b:s4+s23], $0x80, s11, s23, $0xb8;
	[tilespmem:$0x1E800] =	vst v63  }
0x57: {  	_ =	swait.ge [sflag:s29], $0x4000  }
0x58: {  	[sflag:s29] =	ssyncset.done $0x0  }
0x59: {  	s2 =	simm.s32 $0x400;
	s10 =	simm.s32 $0x180;
	[sflag:s29] =	ssyncadd.s32 $0xFFFFC000  }
.LBB2_4:
0x5a: {  	[tilespmem:s24], [sflag:$0x2] =	stream.indirect.gather [hbm4b:s4+s23], $0x80, s10, s23, $0xb8;
	[tilespmem:$0x1E800] =	vst v63  }
0x5b: {  	s10 =	smov.u32 s2  }
0x5c: {  	p0 =	sne.s32 s2, $0x4800;
	s2 =	sadd.s32 $0x400, s2;
	_ =	swait.ge [sflag:s25], $0x4000  }
0x5d: {  	s10 =	sshra.s32 s10, $0x2;
	[sflag:s25] =	ssyncset.done $0x0  }
0x5e: {  	s11 =	sadd.s32 $0x1400, s10;
	[sflag:s25] =	ssyncadd.s32 $0xFFFFC000  }
0x5f: {  	[spmem:s1] =	stream.indirect.scatter.add.f32 [tilespmem:s20], [sflag:$0x3], $0x80, s11, s23, $0xb8;
	[tilespmem:$0x1E800] =	vst v63  }
0x60: {  	_ =	swait.ge [sflag:s26], $0x4000  }
0x61: {  	[sflag:s26] =	ssyncset.done $0x0  }
0x62: {  	s11 =	sadd.s32 $0x1480, s10;
	[sflag:s26] =	ssyncadd.s32 $0xFFFFC000  }
0x63: {  	[spmem:s1] =	stream.indirect.scatter.add.f32 [tilespmem:s24], [sflag:$0x4], $0x80, s11, s23, $0xb8;
	[tilespmem:$0x1E800] =	vst v63  }
0x64: {  	_ =	swait.ge [sflag:s28], $0x4000  }
0x65: {  	[sflag:s28] =	ssyncset.done $0x0  }
.Ltmp1:
0x66: {  	s11 =	sadd.s32 $0x100, s10;
	[sflag:s28] =	ssyncadd.s32 $0xFFFFC000;
	(pc) =	sbr.rel @p0 .LBB2_4-.Ltmp1, $4  }
0x67: {  	[tilespmem:s20], [sflag:$0x1] =	stream.indirect.gather [hbm4b:s4+s23], $0x80, s11, s23, $0xb8;
	[tilespmem:$0x1E800] =	vst v63  }
0x68: {  	_ =	swait.ge [sflag:s29], $0x4000  }
0x69: {  	[sflag:s29] =	ssyncset.done $0x0  }
0x6a: {  	s10 =	sadd.s32 $0x180, s10;
	[sflag:s29] =	ssyncadd.s32 $0xFFFFC000  }
0x6b: {  	[tilespmem:s24], [sflag:$0x2] =	stream.indirect.gather [hbm4b:s4+s23], $0x80, s10, s23, $0xb8;
	[tilespmem:$0x1E800] =	vst v63  }
0x6c: {  	_ =	swait.ge [sflag:s25], $0x4000  }
0x6d: {  	[sflag:s25] =	ssyncset.done $0x0  }
0x6e: {  	[sflag:s25] =	ssyncadd.s32 $0xFFFFC000  }
0x6f: {  	[spmem:s1] =	stream.indirect.scatter.add.f32 [tilespmem:s20], [sflag:$0x3], $0x80, s30, s23, $0xb8;
	[tilespmem:$0x1E800] =	vst v63  }
0x70: {  	_ =	swait.ge [sflag:s26], $0x4000  }
0x71: {  	[sflag:s26] =	ssyncset.done $0x0  }
0x72: {  	[sflag:s26] =	ssyncadd.s32 $0xFFFFC000  }
0x73: {  	[spmem:s1] =	stream.indirect.scatter.add.f32 [tilespmem:s24], [sflag:$0x4], $0x80, s31, s23, $0xb8;
	[tilespmem:$0x1E800] =	vst v63  }
0x74: {  	_ =	swait.ge [sflag:s28], $0x4000  }
0x75: {  	[sflag:s28] =	ssyncset.done $0x0  }
0x76: {  	[sflag:s28] =	ssyncadd.s32 $0xFFFFC000  }
0x77: {  	_ =	swait.ge [sflag:s29], $0x4000  }
0x78: {  	[sflag:s29] =	ssyncset.done $0x0  }
0x79: {  	s2 =	simm.s32 $0x0;
	[sflag:s29] =	ssyncadd.s32 $0xFFFFC000  }
0x7a: {  	[tilespmem:s2], [sflag:$0x5] =	stream.linear.gather [hbm4b:s12+s2], $0x1400, $0x38;
	[tilespmem:$0x1E800] =	vst v63  }
0x7b: {  	_ =	swait.ge [sflag:s21], $0x1400  }
0x7c: {  	[sflag:s21] =	ssyncset.done $0x0  }
0x7d: {  	[sflag:s21] =	ssyncadd.s32 $0xFFFFEC00  }
0x7e: {  	[tilespmem:s22], [sflag:$0x5] =	stream.linear.gather [hbm4b:s13+s2], $0x1400, $0x38;
	[tilespmem:$0x1E800] =	vst v63  }
0x7f: {  	_ =	swait.ge [sflag:s21], $0x1400  }
0x80: {  	[sflag:s21] =	ssyncset.done $0x0  }
0x81: {  	[sflag:s21] =	ssyncadd.s32 $0xFFFFEC00  }
0x82: {  	[tilespmem:s20], [sflag:$0x1] =	stream.indirect.gather [hbm4b:s4+s23], $0x80, s2, s23, $0xb8;
	[tilespmem:$0x1E800] =	vst v63  }
0x83: {  	_ = 	snop  }
0x84: {  	[tilespmem:s24], [sflag:$0x2] =	stream.indirect.gather [hbm4b:s4+s23], $0x80, s23, s23, $0xb8;
	[tilespmem:$0x1E800] =	vst v63  }
0x85: {  	_ =	swait.ge [sflag:s25], $0x4000  }
0x86: {  	[sflag:s25] =	ssyncset.done $0x0  }
0x87: {  	s11 =	simm.s32 $0x1400;
	[sflag:s25] =	ssyncadd.s32 $0xFFFFC000  }
0x88: {  	[spmem:s1] =	stream.indirect.scatter.add.f32 [tilespmem:s20], [sflag:$0x3], $0x80, s11, s23, $0xb8;
	[tilespmem:$0x1E800] =	vst v63  }
0x89: {  	_ =	swait.ge [sflag:s26], $0x4000  }
0x8a: {  	[sflag:s26] =	ssyncset.done $0x0  }
0x8b: {  	s10 =	simm.s32 $0x1480;
	[sflag:s26] =	ssyncadd.s32 $0xFFFFC000  }
0x8c: {  	[spmem:s1] =	stream.indirect.scatter.add.f32 [tilespmem:s24], [sflag:$0x4], $0x80, s10, s23, $0xb8;
	[tilespmem:$0x1E800] =	vst v63  }
0x8d: {  	_ =	swait.ge [sflag:s28], $0x4000  }
0x8e: {  	[sflag:s28] =	ssyncset.done $0x0  }
0x8f: {  	s11 =	simm.s32 $0x100;
	[sflag:s28] =	ssyncadd.s32 $0xFFFFC000  }
0x90: {  	[tilespmem:s20], [sflag:$0x1] =	stream.indirect.gather [hbm4b:s4+s23], $0x80, s11, s23, $0xb8;
	[tilespmem:$0x1E800] =	vst v63  }
0x91: {  	_ =	swait.ge [sflag:s29], $0x4000  }
0x92: {  	[sflag:s29] =	ssyncset.done $0x0  }
0x93: {  	s2 =	simm.s32 $0x400;
	s10 =	simm.s32 $0x180;
	[sflag:s29] =	ssyncadd.s32 $0xFFFFC000  }
.LBB2_6:
0x94: {  	[tilespmem:s24], [sflag:$0x2] =	stream.indirect.gather [hbm4b:s4+s23], $0x80, s10, s23, $0xb8;
	[tilespmem:$0x1E800] =	vst v63  }
0x95: {  	s10 =	smov.u32 s2  }
0x96: {  	p0 =	sne.s32 s2, $0x4800;
	s2 =	sadd.s32 $0x400, s2;
	_ =	swait.ge [sflag:s25], $0x4000  }
0x97: {  	s10 =	sshra.s32 s10, $0x2;
	[sflag:s25] =	ssyncset.done $0x0  }
0x98: {  	s11 =	sadd.s32 $0x1400, s10;
	[sflag:s25] =	ssyncadd.s32 $0xFFFFC000  }
0x99: {  	[spmem:s1] =	stream.indirect.scatter.add.f32 [tilespmem:s20], [sflag:$0x3], $0x80, s11, s23, $0xb8;
	[tilespmem:$0x1E800] =	vst v63  }
0x9a: {  	_ =	swait.ge [sflag:s26], $0x4000  }
0x9b: {  	[sflag:s26] =	ssyncset.done $0x0  }
0x9c: {  	s11 =	sadd.s32 $0x1480, s10;
	[sflag:s26] =	ssyncadd.s32 $0xFFFFC000  }
0x9d: {  	[spmem:s1] =	stream.indirect.scatter.add.f32 [tilespmem:s24], [sflag:$0x4], $0x80, s11, s23, $0xb8;
	[tilespmem:$0x1E800] =	vst v63  }
0x9e: {  	_ =	swait.ge [sflag:s28], $0x4000  }
0x9f: {  	[sflag:s28] =	ssyncset.done $0x0  }
.Ltmp2:
0xa0: {  	s11 =	sadd.s32 $0x100, s10;
	[sflag:s28] =	ssyncadd.s32 $0xFFFFC000;
	(pc) =	sbr.rel @p0 .LBB2_6-.Ltmp2, $4  }
0xa1: {  	[tilespmem:s20], [sflag:$0x1] =	stream.indirect.gather [hbm4b:s4+s23], $0x80, s11, s23, $0xb8;
	[tilespmem:$0x1E800] =	vst v63  }
0xa2: {  	_ =	swait.ge [sflag:s29], $0x4000  }
0xa3: {  	[sflag:s29] =	ssyncset.done $0x0  }
0xa4: {  	s10 =	sadd.s32 $0x180, s10;
	[sflag:s29] =	ssyncadd.s32 $0xFFFFC000  }
0xa5: {  	[tilespmem:s24], [sflag:$0x2] =	stream.indirect.gather [hbm4b:s4+s23], $0x80, s10, s23, $0xb8;
	[tilespmem:$0x1E800] =	vst v63  }
0xa6: {  	_ =	swait.ge [sflag:s25], $0x4000  }
0xa7: {  	[sflag:s25] =	ssyncset.done $0x0  }
0xa8: {  	[sflag:s25] =	ssyncadd.s32 $0xFFFFC000  }
0xa9: {  	[spmem:s1] =	stream.indirect.scatter.add.f32 [tilespmem:s20], [sflag:$0x3], $0x80, s30, s23, $0xb8;
	[tilespmem:$0x1E800] =	vst v63  }
0xaa: {  	_ =	swait.ge [sflag:s26], $0x4000  }
0xab: {  	[sflag:s26] =	ssyncset.done $0x0  }
0xac: {  	[sflag:s26] =	ssyncadd.s32 $0xFFFFC000  }
0xad: {  	[spmem:s1] =	stream.indirect.scatter.add.f32 [tilespmem:s24], [sflag:$0x4], $0x80, s31, s23, $0xb8;
	[tilespmem:$0x1E800] =	vst v63  }
0xae: {  	_ =	swait.ge [sflag:s28], $0x4000  }
0xaf: {  	[sflag:s28] =	ssyncset.done $0x0  }
0xb0: {  	[sflag:s28] =	ssyncadd.s32 $0xFFFFC000  }
0xb1: {  	_ =	swait.ge [sflag:s29], $0x4000  }
0xb2: {  	[sflag:s29] =	ssyncset.done $0x0  }
0xb3: {  	[sflag:s29] =	ssyncadd.s32 $0xFFFFC000  }
0xb4: {  	[bflag:$0x0] =	sbarrier.arrive $0xFFFF  }
0xb5: {  	[tilespmem:s20], [sflag:$0x5] =	stream.linear.gather [spmem:s5], $0x4000, $0x38;
	[tilespmem:$0x1E800] =	vst v63  }
0xb6: {  	_ =	swait.ge [sflag:s21], $0x4000  }
0xb7: {  	[sflag:s21] =	ssyncset.done $0x0  }
0xb8: {  	[sflag:s21] =	ssyncadd.s32 $0xFFFFC000  }
0xb9: {  	[hbm4b:s14+s3] =	stream.linear.scatter [tilespmem:s20], [sflag:$0x5], $0x4000, $0x38;
	[tilespmem:$0x1E800] =	vst v63  }
0xba: {  	_ =	swait.ge [sflag:s21], $0x4000  }
0xbb: {  	[sflag:s21] =	ssyncset.done $0x0  }
0xbc: {  	[sflag:s21] =	ssyncadd.s32 $0xFFFFC000  }
0xbd: {  	[tilespmem:s20], [sflag:$0x5] =	stream.linear.gather [spmem:s6], $0x4000, $0x38;
	[tilespmem:$0x1E800] =	vst v63  }
0xbe: {  	_ =	swait.ge [sflag:s21], $0x4000  }
0xbf: {  	[sflag:s21] =	ssyncset.done $0x0  }
0xc0: {  	[sflag:s21] =	ssyncadd.s32 $0xFFFFC000  }
0xc1: {  	[hbm4b:s15+s3] =	stream.linear.scatter [tilespmem:s20], [sflag:$0x5], $0x4000, $0x38;
	[tilespmem:$0x1E800] =	vst v63  }
0xc2: {  	_ =	swait.ge [sflag:s21], $0x4000  }
0xc3: {  	[sflag:s21] =	ssyncset.done $0x0  }
0xc4: {  	[sflag:s21] =	ssyncadd.s32 $0xFFFFC000  }
0xc5: {  	[tilespmem:s20], [sflag:$0x5] =	stream.linear.gather [spmem:s7], $0x4000, $0x38;
	[tilespmem:$0x1E800] =	vst v63  }
0xc6: {  	_ =	swait.ge [sflag:s21], $0x4000  }
0xc7: {  	[sflag:s21] =	ssyncset.done $0x0  }
0xc8: {  	[sflag:s21] =	ssyncadd.s32 $0xFFFFC000  }
0xc9: {  	[hbm4b:s16+s3] =	stream.linear.scatter [tilespmem:s20], [sflag:$0x5], $0x4000, $0x38;
	[tilespmem:$0x1E800] =	vst v63  }
0xca: {  	_ =	swait.ge [sflag:s21], $0x4000  }
0xcb: {  	[sflag:s21] =	ssyncset.done $0x0  }
0xcc: {  	[sflag:s21] =	ssyncadd.s32 $0xFFFFC000  }
0xcd: {  	[tilespmem:s20], [sflag:$0x5] =	stream.linear.gather [spmem:s8], $0x4000, $0x38;
	[tilespmem:$0x1E800] =	vst v63  }
0xce: {  	_ =	swait.ge [sflag:s21], $0x4000  }
0xcf: {  	[sflag:s21] =	ssyncset.done $0x0  }
0xd0: {  	[sflag:s21] =	ssyncadd.s32 $0xFFFFC000  }
0xd1: {  	[hbm4b:s17+s3] =	stream.linear.scatter [tilespmem:s20], [sflag:$0x5], $0x4000, $0x38;
	[tilespmem:$0x1E800] =	vst v63  }
0xd2: {  	_ =	swait.ge [sflag:s21], $0x4000  }
0xd3: {  	[sflag:s21] =	ssyncset.done $0x0  }
0xd4: {  	[sflag:s21] =	ssyncadd.s32 $0xFFFFC000  }
0xd5: {  	[tilespmem:s20], [sflag:$0x5] =	stream.linear.gather [spmem:s9], $0x4000, $0x38;
	[tilespmem:$0x1E800] =	vst v63  }
0xd6: {  	s0 =	sadd.s32 $0x1, s0;
	_ =	swait.ge [sflag:s21], $0x4000  }
0xd7: {  	p0 =	sne.s32 s0, s19;
	[sflag:s21] =	ssyncset.done $0x0  }
.Ltmp3:
0xd8: {  	[sflag:s21] =	ssyncadd.s32 $0xFFFFC000;
	(pc) =	sbr.rel @p0 .LBB2_1-.Ltmp3, $4  }
0xd9: {  	[hbm4b:s18+s3] =	stream.linear.scatter [tilespmem:s20], [sflag:$0x5], $0x4000, $0x38;
	[tilespmem:$0x1E800] =	vst v63  }
0xda: {  	_ =	swait.ge [sflag:s21], $0x4000  }
0xdb: {  	[sflag:s21] =	ssyncset.done $0x0  }
0xdc: {  	[sflag:s21] =	ssyncadd.s32 $0xFFFFC000  }
0xdd: {  	_ =	sfence.sel $0x180000  }
0xde: {  	[bflag:$0x0] =	sbarrier.arrive $0xFFFF  }
0xdf: {  	_ =	strace $0x9000004A  }
0xe0: {  	s0 =	stileid.u32;
	[bflag:$0x2] =	sbarrier.arrive $0xFFFF  }
0xe1: {  	p0 =	sne.s32 s0, $0x0;
	s0 =	rddreg [dreg:$0x3]  }
0xe2: {  	s0 =	sadd.s32 @!p0 $0x100000, s0  }
0xe3: {  	[sflag:s0] =	ssyncadd.tile.s32 @!p0 $0x1;
	_ =	shalt  }
.Lfunc_end2:
_tile_overlayer_lowered:
.L_overlay_start_2:
0xe4: {  	(tag) =	ssettag $0x2  }
0xe5: {  	s0 =	rddreg [dreg:$0x0];
	s2 =	stileid.u32  }
0xe6: {  	s1 =	rddreg [dreg:$0x1];
	p0 =	sne.s32 s2, $0x0  }
0xe7: {  	s3 =	rddreg [dreg:$0x2];
	[bflag:$0x3] =	sbarrier.arrive $0xFFFF;
	s2 =	simm.s32 @!p0 $0x1C05  }
0xe8: {  	[timem:s3], [sflag:s2] =	dma.local @!p0 [hbm:s0], s1  }
0xe9: {  	s0 =	simm.s32 @!p0 $0x5  }
0xea: {  	_ =	swait.ge @!p0 [sflag:s0], s1  }
0xeb: {  	s1 =	ssub.s32 @!p0 $0x0, s1;
	[sflag:s0] =	ssyncset.done @!p0 $0x0  }
0xec: {  	[sflag:s0] =	ssyncadd.s32 @!p0 s1  }
0xed: {  	[bflag:$0x3] =	sbarrier.arrive $0xFFFF  }
0xee: {  	_ =	shalt  }

// kernel: kernel.14.cloned.1.call-start
scs
__scs_entry_jumppad:
0x0: {  	(pc) =	sbr.rel $0x88, $3  }
0x1: {  	(tag) =	ssettag $0x0;
	lr =	simm.s32 $0x1  }
0x2: {  	[smem:$0x3F99] =	sst lr;
	_ =	strace $0xD0000000  }
0x3: {  	_ = 	snop  }
0x4: {  	_ = 	snop  }
0x5: {  	_ = 	snop  }
0x6: {  	_ = 	snop  }
0x7: {  	_ = 	snop  }
__scs_overlays_trampoline_lowered:
0x8: {  	[smem:$0x3FA8] =	sst s0  }
0x9: {  	[smem:$0x3FA9] =	sst s1  }
0xa: {  	[smem:$0x3FAA] =	sst s2  }
0xb: {  	[smem:$0x3FAB] =	sst s3  }
0xc: {  	[smem:$0x3FAC] =	sst s4  }
0xd: {  	[smem:$0x3FAD] =	sst s5  }
0xe: {  	[smem:$0x3FAE] =	sst s6  }
0xf: {  	[smem:$0x3FAF] =	sst s7  }
0x10: {  	[smem:$0x3FB0] =	sst s8  }
0x11: {  	[smem:$0x3FB1] =	sst s9;
	s0 =	simm.s32 @!p0 $0x0  }
0x12: {  	s1 =	sld [smem:$0x3F97];
	s0 =	simm.s32 @p0 $0x1  }
0x13: {  	[smem:$0x3FB2] =	sst s0;
	s0 =	simm.s32 @!p1 $0x0  }
0x14: {  	s2 =	sld [smem:$0x3F96];
	s0 =	simm.s32 @p1 $0x1  }
0x15: {  	[smem:$0x3FB3] =	sst s0;
	s0 =	simm.s32 @!p2 $0x0  }
0x16: {  	s3 =	sld [smem:$0x3FDB];
	s0 =	simm.s32 @p2 $0x1  }
0x17: {  	s4 =	simm.s32 $0x1BF5;
	[smem:$0x3FB5] =	sst s0  }
0x18: {  	s0 =	sld [smem:$0x3F98];
	_ =	swait.ge [sflag:s4], $0x0  }
0x19: {  	s7 =	sld [smem:$0x3F99]  }
0x1a: {  	s8 =	sadd.s32 $0xFFFFE003, lr  }
0x1b: {  	s9 =	sadd.s32 $0xFFFFFEF7, lr;
	s5 =	simm.s32 $0xFFFFFFFF;
	p2 =	slt.u32 s8, $0xFFFFF086  }
0x1c: {  	p1 =	slt.u32 s9, $0xF7A;
	s5 =	simm.s32 @!p2 $0x0  }
0x1d: {  	s5 =	simm.s32 @p1 $0x1;
	p0 =	seq.s32 s7, s2  }
0x1e: {  	s7 =	smul.u32 @!p0 $0xF7A, s2;
	p2 =	seq.s32 @!p0 s5, $0x0  }
0x1f: {  	s9 =	smul.u32 $0xF7A, s1;
	s8 =	simm.s32 @!p0 $0x1BF5;
	p2 =	por !p2, p0  }
0x20: {  	[sflag:s8] =	ssyncset.s32 @!p0 $0xFFFFF086;
	s6 =	sadd.s32 @!p0 s3, s7;
	s7 =	simm.s32 @!p0 $0x108  }
0x21: {  	s3 =	sadd.s32 s3, s9;
	s6 =	sadd.s32 @!p0 $0x88, s6;
	s7 =	simm.s32 @p2 $0x1082  }
0x22: {  	[simem:s7], [sflag:s8] =	dma.local @!p0 [hbm:s6], $0xF7A  }
0x23: {  	s9 =	sor.u32 $0xD0000000, s2;
	s6 =	simm.s32 $0x108;
	_ =	swait.ge @!p0 [sflag:s8], $0x0  }
0x24: {  	s3 =	sadd.s32 $0x88, s3;
	s6 =	simm.s32 @!p1 $0x1082;
	[sflag:s4] =	ssyncset.s32 $0xFFFFF086  }
0x25: {  	[simem:s6], [sflag:s4] =	dma.local [hbm:s3], $0xF7A  }
0x26: {  	[smem:$0x3F99] =	sst s1;
	(tag) =	ssettag s2;
	_ =	strace s9  }
0x27: {  	s1 =	sld [smem:$0x3FA9]  }
0x28: {  	s2 =	sld [smem:$0x3FAA]  }
0x29: {  	s4 =	sld [smem:$0x3FAC]  }
0x2a: {  	p0 =	seq.s32 s5, $0x0;
	s5 =	sld [smem:$0x3FAD]  }
0x2b: {  	s6 =	sld [smem:$0x3FAE]  }
0x2c: {  	s7 =	sld [smem:$0x3FAF]  }
0x2d: {  	s3 =	simm.s32 $0x108;
	s8 =	sld [smem:$0x3FB0]  }
0x2e: {  	s3 =	simm.s32 @!p0 $0x1082;
	s9 =	sld [smem:$0x3FB1]  }
0x2f: {  	lr =	sadd.s32 s0, s3;
	s0 =	sld [smem:$0x3FA8]  }
0x30: {  	s3 =	sld [smem:$0x3FAB]  }
0x31: {  	[smem:$0x3FB4] =	sst s10  }
0x32: {  	s10 =	sld [smem:$0x3FB2];
	_ =	sdelay $0x3  }
0x33: {  	p0 =	seq.s32 s10, $0x1;
	s10 =	sld [smem:$0x3FB4];
	_ =	sdelay $0x3  }
0x34: {  	[smem:$0x3FB4] =	sst s10  }
0x35: {  	s10 =	sld [smem:$0x3FB3];
	_ =	sdelay $0x3  }
0x36: {  	p1 =	seq.s32 s10, $0x1;
	s10 =	sld [smem:$0x3FB4];
	_ =	sdelay $0x3  }
0x37: {  	[smem:$0x3FB4] =	sst s10  }
0x38: {  	s10 =	sld [smem:$0x3FB5]  }
0x39: {  	_ = 	snop;
	(pc) =	sbr.ind lr, $3  }
0x3a: {  	_ = 	snop  }
0x3b: {  	_ = 	snop  }
0x3c: {  	p2 =	seq.s32 s10, $0x1;
	s10 =	sld [smem:$0x3FB4]  }
0x3d: {  	_ =	shalt  }
0x3e: {  	_ =	shalt  }
0x3f: {  	_ =	shalt  }
0x40: {  	_ =	shalt  }
0x41: {  	_ =	shalt  }
0x42: {  	_ =	shalt  }
0x43: {  	_ =	shalt  }
0x44: {  	_ =	shalt  }
0x45: {  	_ =	shalt  }
0x46: {  	_ =	shalt  }
0x47: {  	_ =	shalt  }
0x48: {  	_ =	shalt  }
0x49: {  	_ =	shalt  }
0x4a: {  	_ =	shalt  }
0x4b: {  	_ =	shalt  }
0x4c: {  	_ =	shalt  }
0x4d: {  	_ =	shalt  }
0x4e: {  	_ =	shalt  }
0x4f: {  	_ =	shalt  }
0x50: {  	_ =	shalt  }
0x51: {  	_ =	shalt  }
0x52: {  	_ =	shalt  }
0x53: {  	_ =	shalt  }
0x54: {  	_ =	shalt  }
0x55: {  	_ =	shalt  }
0x56: {  	_ =	shalt  }
0x57: {  	_ =	shalt  }
0x58: {  	_ =	shalt  }
0x59: {  	_ =	shalt  }
0x5a: {  	_ =	shalt  }
0x5b: {  	_ =	shalt  }
0x5c: {  	_ =	shalt  }
0x5d: {  	_ =	shalt  }
0x5e: {  	_ =	shalt  }
0x5f: {  	_ =	shalt  }
0x60: {  	_ =	shalt  }
0x61: {  	_ =	shalt  }
0x62: {  	_ =	shalt  }
0x63: {  	_ =	shalt  }
0x64: {  	_ =	shalt  }
0x65: {  	_ =	shalt  }
0x66: {  	_ =	shalt  }
0x67: {  	_ =	shalt  }
0x68: {  	_ =	shalt  }
0x69: {  	_ =	shalt  }
0x6a: {  	_ =	shalt  }
0x6b: {  	_ =	shalt  }
0x6c: {  	_ =	shalt  }
0x6d: {  	_ =	shalt  }
0x6e: {  	_ =	shalt  }
0x6f: {  	_ =	shalt  }
0x70: {  	_ =	shalt  }
0x71: {  	_ =	shalt  }
0x72: {  	_ =	shalt  }
0x73: {  	_ =	shalt  }
0x74: {  	_ =	shalt  }
0x75: {  	_ =	shalt  }
0x76: {  	_ =	shalt  }
0x77: {  	_ =	shalt  }
0x78: {  	_ =	shalt  }
0x79: {  	_ =	shalt  }
0x7a: {  	_ =	shalt  }
0x7b: {  	_ =	shalt  }
0x7c: {  	_ =	shalt  }
0x7d: {  	_ =	shalt  }
0x7e: {  	_ =	shalt  }
0x7f: {  	_ =	shalt  }
0x80: {  	_ =	shalt  }
0x81: {  	_ =	shalt  }
0x82: {  	_ =	shalt  }
0x83: {  	_ =	shalt  }
0x84: {  	_ =	shalt  }
0x85: {  	_ =	shalt  }
0x86: {  	_ =	shalt  }
0x87: {  	_ =	shalt  }
.Lfunc_end0:
.L_simem_size_0:
called_computation.2_lowered:
.L_overlay_start_0:
0x88: {  	s2 =	sld [smem:$0x3FD9]  }
0x89: {  	s3 =	sld [smem:$0x3FFE];
	_ =	sdelay $0x1  }
0x8a: {  	s1 =	srdreg.scid  }
0x8b: {  	s0 =	sand.u32 $0x1, s1  }
0x8c: {  	s17 =	sshll.u32 s0, $0xA;
	s2 =	sadd.s32 s3, s2  }
0x8d: {  	s2 =	sadd.s32 s2, s17  }
0x8e: {  	[smem:$0x3FC0] =	sst s2  }
0x8f: {  	_ = 	snop  }
0x90: {  	s2 =	sld [smem:$0x3FD0];
	(tm) =	ssettm $0x1  }
0x91: {  	s18 =	sld [smem:$0x3FFB];
	_ =	sdelay $0x3  }
0x92: {  	_ =	strace s18  }
0x93: {  	s3 =	sld [smem:$0x3FFC];
	_ =	sdelay $0x3  }
0x94: {  	_ =	strace s3  }
0x95: {  	s3 =	sld [smem:$0x3FFD];
	_ =	sdelay $0x3  }
0x96: {  	_ =	strace s3  }
0x97: {  	_ =	strace $0x8FFFFFFF  }
0x98: {  	s19 =	sld [smem:$0x3FDB];
	_ =	sdelay $0x1  }
0x99: {  	s4 =	simm.s32 $_scs_section_size  }
0x9a: {  	s5 =	simm.s32 $_size__tile_overlayer_lowered;
	s6 =	simm.s32 $_tile_overlayer_lowered  }
0x9b: {  	s22 =	simm.s32 $0x1BFF;
	s21 =	sshll.u32 s6, $0x1;
	s3 =	sadd.s32 s4, s19  }
0x9c: {  	s7 =	simm.s32 $0x0;
	s20 =	sshll.u32 s5, $0x1;
	s5 =	sadd.s32 s21, s3  }
0x9d: {  	[timem:s7], [sflag:s22] =	dma.local [hbm:s5], s20  }
0x9e: {  	_ =	swait.ge [sflag:s22], s20  }
0x9f: {  	s4 =	ssub.s32 $0x0, s20;
	[sflag:s22] =	ssyncset.done $0x0  }
0xa0: {  	[sflag:s22] =	ssyncadd.s32 s4;
	_ =	sdelay $0x1  }
0xa1: {  	s23 =	simm.s32 $0x1B8B  }
0xa2: {  	_ =	swait.ge [sflag:s23], $0x1  }
0xa3: {  	[sflag:s23] =	ssyncset.done $0x0  }
0xa4: {  	s25 =	simm.s32 $0x1B8E;
	s24 =	sld [smem:$0x3FFE];
	[sflag:s23] =	ssyncadd.s32 $0xFFFFFFFF  }
0xa5: {  	s26 =	simm.s32 $execute0_lowered;
	[smem:$0x3FD2] =	sst s25  }
0xa6: {  	s5 =	sshll.u32 s26, $0x1;
	_ =	strace $0x8000004C;
	[dreg:$0x1] =	wrdreg $0xFFFFFFFF  }
0xa7: {  	s28 =	simm.s32 $_size_execute0_lowered;
	s3 =	sadd.s32 s3, s5;
	[dreg:$0x0] =	wrdreg $0x0  }
0xa8: {  	s5 =	sshll.u32 s28, $0x1;
	[dreg:$0x2] =	wrdreg s3  }
0xa9: {  	[dreg:$0x3] =	wrdreg s5  }
0xaa: {  	[dreg:$0x4] =	wrdreg $0xC0  }
0xab: {  	_ =	task [dreg:s7], $0x5FFFF  }
0xac: {  	[dreg:$0x1] =	wrdreg $0xFFFFFFFF  }
0xad: {  	[dreg:$0x0] =	wrdreg $0x60  }
0xae: {  	[dreg:$0x2] =	wrdreg s24  }
0xaf: {  	[dreg:$0x3] =	wrdreg s2  }
0xb0: {  	[dreg:$0x4] =	wrdreg $0xA8000  }
0xb1: {  	[dreg:$0x5] =	wrdreg $0x9  }
0xb2: {  	_ =	task.clear_ibuf [dreg:s7], $0x6FFFF;
	_ =	strace $0x9000004C  }
0xb3: {  	s29 =	simm.s32 $0x9;
	_ =	strace $0x8000004E  }
0xb4: {  	_ =	swait.ge [sflag:s29], $0x1  }
0xb5: {  	[sflag:s29] =	ssyncadd.s32 $0xFFFFFFFF  }
0xb6: {  	_ =	strace $0x9000004E  }
0xb7: {  	_ =	sfence  }
0xb8: {  	s30 =	sld [smem:$0x0];
	_ =	sdelay $0x2  }
0xb9: {  	s31 =	sshll.u32 s1, $0xD;
	s1 =	sshrl.u32 s1, $0x2  }
0xba: {  	s3 =	sand.u32 $0x4000, s31;
	s1 =	sadd.s32 s1, s30  }
0xbb: {  	s0 =	sor.u32 s3, s0;
	s1 =	sshll.u32 s1, $0x11  }
0xbc: {  	s0 =	sor.u32 s1, s0  }
0xbd: {  	s0 =	sadd.s32 $0x8F2B, s0  }
0xbe: {  	[sflag:s0] =	ssyncadd.remote.s32 $0x1  }
0xbf: {  	_ =	sfence.sel $0xFFFF  }
0xc0: {  	[dreg:$0x0] =	wrdreg $0xFFFFFFFF;
	(pc) =	sbr.abs _section_cstart, $3  }
0xc1: {  	[dreg:$0x1] =	wrdreg $0xFFFFFFFF  }
0xc2: {  	_ =	task.clear_ibuf [dreg:s7], $0x2FFFF;
	_ =	strace $0x9FFFFFFF  }
0xc3: {  	(tm) =	ssettm $0x7FFFFFFF  }
tec
execute0_lowered:
.L_overlay_start_1:
0x0: {  	(tag) =	ssettag $0x1  }
0x1: {  	s0 =	rddreg [dreg:$0x0]  }
0x2: {  	s2 =	rddreg [dreg:$0x1]  }
0x3: {  	s1 =	rddreg [dreg:$0x2];
	s3 =	simm.s32 $0x0  }
0x4: {  	s4 =	srdreg.scid;
	s8 =	stileid.u32;
	s28 =	simm.s32 $0x3  }
0x5: {  	s29 =	simm.s32 $0x4;
	s30 =	simm.s32 $0x2700;
	s31 =	simm.s32 $0x2780  }
0x6: {  	[smem:$0x7FF] =	sst s3;
	s10 =	sand.u32 $0x1, s4;
	s6 =	smul.u32 $0x50000, s8  }
0x7: {  	s4 =	sadd.s32 $0x5BC00, s0;
	s13 =	smul.u32 $0x14000, s8;
	s12 =	sadd.s32 $0x3800, s0  }
0x8: {  	s0 =	sadd.s32 $0x82E00, s0;
	_ =	strace $0x8000004D;
	s5 =	ssub.s32 $0x2, s10  }
0x9: {  	s20 =	sshll.u32 s10, $0x4;
	s10 =	smul.u32 $0x140000, s10;
	s7 =	sshrl.u32 s5, $0x1  }
0xa: {  	s6 =	sshrl.u32 s6, $0x2;
	s14 =	sadd.s32 $0x4000, s13;
	s21 =	sor.u32 s8, s20  }
0xb: {  	s16 =	sadd.s32 $0x8000, s13;
	s17 =	sadd.s32 $0xC000, s13;
	s18 =	sadd.s32 $0x10000, s13  }
0xc: {  	s19 =	ssub.s32 s5, s7;
	s5 =	sadd.s32 s6, s1;
	s6 =	sadd.s32 s14, s1  }
0xd: {  	s11 =	smul.u32 $0x2800, s21;
	s7 =	sadd.s32 s16, s1;
	s8 =	sadd.s32 s17, s1  }
0xe: {  	s9 =	sadd.s32 s18, s1;
	s20 =	sadd.s32 s13, s10;
	s14 =	sadd.s32 s10, s14  }
0xf: {  	s25 =	sadd.s32 s10, s16;
	s17 =	sadd.s32 s10, s17;
	s10 =	sadd.s32 s10, s18  }
0x10: {  	s21 =	simm.s32 $0x5;
	s23 =	sshrl.u32 s20, $0x3;
	s24 =	sshrl.u32 s14, $0x3  }
0x11: {  	s26 =	sshrl.u32 s17, $0x3;
	s10 =	sshrl.u32 s10, $0x3;
	s19 =	smax.u32 s19, $0x1  }
0x12: {  	s20 =	simm.s32 $0x2800;
	s15 =	sshrl.u32 s11, $0x3;
	s14 =	sadd.s32 s0, s23  }
0x13: {  	s17 =	sadd.s32 s0, s26;
	s18 =	sadd.s32 s0, s10;
	s11 =	sadd.s32 s12, s15  }
0x14: {  	s23 =	simm.s32 $0x80;
	s22 =	sadd.s32 s2, s15;
	[dreg:$0x4] =	wrdreg s11  }
0x15: {  	s26 =	simm.s32 $0x2;
	s15 =	sadd.s32 $0x280, s15;
	[dreg:$0x5] =	wrdreg s22  }
0x16: {  	s12 =	sadd.s32 s12, s15;
	s13 =	sadd.s32 s2, s15;
	s15 =	sadd.s32 s0, s24  }
0x17: {  	s2 =	sshrl.u32 s25, $0x3;
	s22 =	simm.s32 $0x1400;
	s24 =	simm.s32 $0x6800  }
0x18: {  	v0 =	vimm.f32 $0.0e+00;
	s25 =	simm.s32 $0x1;
	s16 =	sadd.s32 s0, s2;
	s0 =	simm.s32 $0x0  }
.LBB2_1:
0x19: {  	s2 =	simm.s32 $0x0;
	s10 =	simm.s32 $0x200  }
.LBB2_2:
0x1a: {  	p0 =	sne.s32 s10, $0xFE00;
	[tilespmem:s2+$0x2870] =	vst v0  }
0x1b: {  	[tilespmem:s2+$0x2800] =	vst v0  }
0x1c: {  	[tilespmem:s2+$0x2810] =	vst v0  }
.Ltmp0:
0x1d: {  	[tilespmem:s2+$0x2820] =	vst v0;
	(pc) =	sbr.rel @p0 .LBB2_2-.Ltmp0, $4  }
0x1e: {  	[tilespmem:s2+$0x2830] =	vst v0  }
0x1f: {  	[tilespmem:s2+$0x2840] =	vst v0  }
0x20: {  	[tilespmem:s2+$0x2850] =	vst v0  }
0x21: {  	[tilespmem:s2+$0x2860] =	vst v0;
	s2 =	sshra.s32 s10, $0x2;
	s10 =	sadd.s32 $0x200, s10  }
0x22: {  	[tilespmem:s2+$0x2870] =	vst v0  }
0x23: {  	[tilespmem:s2+$0x2800] =	vst v0  }
0x24: {  	[tilespmem:s2+$0x2810] =	vst v0  }
0x25: {  	[tilespmem:s2+$0x2820] =	vst v0  }
0x26: {  	[tilespmem:s2+$0x2830] =	vst v0  }
0x27: {  	[tilespmem:s2+$0x2840] =	vst v0  }
0x28: {  	[tilespmem:s2+$0x2850] =	vst v0  }
0x29: {  	[tilespmem:s2+$0x2860] =	vst v0  }
0x2a: {  	[spmem:s5] =	stream.linear.scatter [tilespmem:s20], [sflag:$0x5], $0x4000, $0x38;
	[tilespmem:$0x1E800] =	vst v63  }
0x2b: {  	_ =	swait.ge [sflag:s21], $0x4000  }
0x2c: {  	[sflag:s21] =	ssyncset.done $0x0  }
0x2d: {  	[sflag:s21] =	ssyncadd.s32 $0xFFFFC000  }
0x2e: {  	[spmem:s6] =	stream.linear.scatter [tilespmem:s20], [sflag:$0x5], $0x4000, $0x38;
	[tilespmem:$0x1E800] =	vst v63  }
0x2f: {  	_ =	swait.ge [sflag:s21], $0x4000  }
0x30: {  	[sflag:s21] =	ssyncset.done $0x0  }
0x31: {  	[sflag:s21] =	ssyncadd.s32 $0xFFFFC000  }
0x32: {  	[spmem:s7] =	stream.linear.scatter [tilespmem:s20], [sflag:$0x5], $0x4000, $0x38;
	[tilespmem:$0x1E800] =	vst v63  }
0x33: {  	_ =	swait.ge [sflag:s21], $0x4000  }
0x34: {  	[sflag:s21] =	ssyncset.done $0x0  }
0x35: {  	[sflag:s21] =	ssyncadd.s32 $0xFFFFC000  }
0x36: {  	[spmem:s8] =	stream.linear.scatter [tilespmem:s20], [sflag:$0x5], $0x4000, $0x38;
	[tilespmem:$0x1E800] =	vst v63  }
0x37: {  	_ =	swait.ge [sflag:s21], $0x4000  }
0x38: {  	[sflag:s21] =	ssyncset.done $0x0  }
0x39: {  	[sflag:s21] =	ssyncadd.s32 $0xFFFFC000  }
0x3a: {  	[spmem:s9] =	stream.linear.scatter [tilespmem:s20], [sflag:$0x5], $0x4000, $0x38;
	[tilespmem:$0x1E800] =	vst v63  }
0x3b: {  	_ =	swait.ge [sflag:s21], $0x4000  }
0x3c: {  	[sflag:s21] =	ssyncset.done $0x0  }
0x3d: {  	[sflag:s21] =	ssyncadd.s32 $0xFFFFC000  }
0x3e: {  	[bflag:$0x0] =	sbarrier.arrive $0xFFFF  }
0x3f: {  	s2 =	simm.s32 $0x0;
	s10 =	rddreg [dreg:$0x4]  }
0x40: {  	[tilespmem:s2], [sflag:$0x5] =	stream.linear.gather [hbm4b:s10+s2], $0x1400, $0x38;
	[tilespmem:$0x1E800] =	vst v63  }
0x41: {  	_ =	swait.ge [sflag:s21], $0x1400  }
0x42: {  	[sflag:s21] =	ssyncset.done $0x0  }
0x43: {  	s11 =	rddreg [dreg:$0x5];
	[sflag:s21] =	ssyncadd.s32 $0xFFFFEC00  }
0x44: {  	[tilespmem:s22], [sflag:$0x5] =	stream.linear.gather [hbm4b:s11+s2], $0x1400, $0x38;
	[tilespmem:$0x1E800] =	vst v63  }
0x45: {  	_ =	swait.ge [sflag:s21], $0x1400  }
0x46: {  	[sflag:s21] =	ssyncset.done $0x0  }
0x47: {  	[sflag:s21] =	ssyncadd.s32 $0xFFFFEC00  }
0x48: {  	[tilespmem:s20], [sflag:$0x1] =	stream.indirect.gather [hbm4b:s4+s23], $0x80, s2, s23, $0xb8;
	[tilespmem:$0x1E800] =	vst v63  }
0x49: {  	_ = 	snop  }
0x4a: {  	[tilespmem:s24], [sflag:$0x2] =	stream.indirect.gather [hbm4b:s4+s23], $0x80, s23, s23, $0xb8;
	[tilespmem:$0x1E800] =	vst v63  }
0x4b: {  	_ =	swait.ge [sflag:s25], $0x4000  }
0x4c: {  	[sflag:s25] =	ssyncset.done $0x0  }
0x4d: {  	s11 =	simm.s32 $0x1400;
	[sflag:s25] =	ssyncadd.s32 $0xFFFFC000  }
0x4e: {  	[spmem:s1] =	stream.indirect.scatter.add.f32 [tilespmem:s20], [sflag:$0x3], $0x80, s11, s23, $0xb8;
	[tilespmem:$0x1E800] =	vst v63  }
0x4f: {  	_ =	swait.ge [sflag:s26], $0x4000  }
0x50: {  	[sflag:s26] =	ssyncset.done $0x0  }
0x51: {  	s10 =	simm.s32 $0x1480;
	[sflag:s26] =	ssyncadd.s32 $0xFFFFC000  }
0x52: {  	[spmem:s1] =	stream.indirect.scatter.add.f32 [tilespmem:s24], [sflag:$0x4], $0x80, s10, s23, $0xb8;
	[tilespmem:$0x1E800] =	vst v63  }
0x53: {  	_ =	swait.ge [sflag:s28], $0x4000  }
0x54: {  	[sflag:s28] =	ssyncset.done $0x0  }
0x55: {  	s11 =	simm.s32 $0x100;
	[sflag:s28] =	ssyncadd.s32 $0xFFFFC000  }
0x56: {  	[tilespmem:s20], [sflag:$0x1] =	stream.indirect.gather [hbm4b:s4+s23], $0x80, s11, s23, $0xb8;
	[tilespmem:$0x1E800] =	vst v63  }
0x57: {  	_ =	swait.ge [sflag:s29], $0x4000  }
0x58: {  	[sflag:s29] =	ssyncset.done $0x0  }
0x59: {  	s2 =	simm.s32 $0x400;
	s10 =	simm.s32 $0x180;
	[sflag:s29] =	ssyncadd.s32 $0xFFFFC000  }
.LBB2_4:
0x5a: {  	[tilespmem:s24], [sflag:$0x2] =	stream.indirect.gather [hbm4b:s4+s23], $0x80, s10, s23, $0xb8;
	[tilespmem:$0x1E800] =	vst v63  }
0x5b: {  	s10 =	smov.u32 s2  }
0x5c: {  	p0 =	sne.s32 s2, $0x4800;
	s2 =	sadd.s32 $0x400, s2;
	_ =	swait.ge [sflag:s25], $0x4000  }
0x5d: {  	s10 =	sshra.s32 s10, $0x2;
	[sflag:s25] =	ssyncset.done $0x0  }
0x5e: {  	s11 =	sadd.s32 $0x1400, s10;
	[sflag:s25] =	ssyncadd.s32 $0xFFFFC000  }
0x5f: {  	[spmem:s1] =	stream.indirect.scatter.add.f32 [tilespmem:s20], [sflag:$0x3], $0x80, s11, s23, $0xb8;
	[tilespmem:$0x1E800] =	vst v63  }
0x60: {  	_ =	swait.ge [sflag:s26], $0x4000  }
0x61: {  	[sflag:s26] =	ssyncset.done $0x0  }
0x62: {  	s11 =	sadd.s32 $0x1480, s10;
	[sflag:s26] =	ssyncadd.s32 $0xFFFFC000  }
0x63: {  	[spmem:s1] =	stream.indirect.scatter.add.f32 [tilespmem:s24], [sflag:$0x4], $0x80, s11, s23, $0xb8;
	[tilespmem:$0x1E800] =	vst v63  }
0x64: {  	_ =	swait.ge [sflag:s28], $0x4000  }
0x65: {  	[sflag:s28] =	ssyncset.done $0x0  }
.Ltmp1:
0x66: {  	s11 =	sadd.s32 $0x100, s10;
	[sflag:s28] =	ssyncadd.s32 $0xFFFFC000;
	(pc) =	sbr.rel @p0 .LBB2_4-.Ltmp1, $4  }
0x67: {  	[tilespmem:s20], [sflag:$0x1] =	stream.indirect.gather [hbm4b:s4+s23], $0x80, s11, s23, $0xb8;
	[tilespmem:$0x1E800] =	vst v63  }
0x68: {  	_ =	swait.ge [sflag:s29], $0x4000  }
0x69: {  	[sflag:s29] =	ssyncset.done $0x0  }
0x6a: {  	s10 =	sadd.s32 $0x180, s10;
	[sflag:s29] =	ssyncadd.s32 $0xFFFFC000  }
0x6b: {  	[tilespmem:s24], [sflag:$0x2] =	stream.indirect.gather [hbm4b:s4+s23], $0x80, s10, s23, $0xb8;
	[tilespmem:$0x1E800] =	vst v63  }
0x6c: {  	_ =	swait.ge [sflag:s25], $0x4000  }
0x6d: {  	[sflag:s25] =	ssyncset.done $0x0  }
0x6e: {  	[sflag:s25] =	ssyncadd.s32 $0xFFFFC000  }
0x6f: {  	[spmem:s1] =	stream.indirect.scatter.add.f32 [tilespmem:s20], [sflag:$0x3], $0x80, s30, s23, $0xb8;
	[tilespmem:$0x1E800] =	vst v63  }
0x70: {  	_ =	swait.ge [sflag:s26], $0x4000  }
0x71: {  	[sflag:s26] =	ssyncset.done $0x0  }
0x72: {  	[sflag:s26] =	ssyncadd.s32 $0xFFFFC000  }
0x73: {  	[spmem:s1] =	stream.indirect.scatter.add.f32 [tilespmem:s24], [sflag:$0x4], $0x80, s31, s23, $0xb8;
	[tilespmem:$0x1E800] =	vst v63  }
0x74: {  	_ =	swait.ge [sflag:s28], $0x4000  }
0x75: {  	[sflag:s28] =	ssyncset.done $0x0  }
0x76: {  	[sflag:s28] =	ssyncadd.s32 $0xFFFFC000  }
0x77: {  	_ =	swait.ge [sflag:s29], $0x4000  }
0x78: {  	[sflag:s29] =	ssyncset.done $0x0  }
0x79: {  	s2 =	simm.s32 $0x0;
	[sflag:s29] =	ssyncadd.s32 $0xFFFFC000  }
0x7a: {  	[tilespmem:s2], [sflag:$0x5] =	stream.linear.gather [hbm4b:s12+s2], $0x1400, $0x38;
	[tilespmem:$0x1E800] =	vst v63  }
0x7b: {  	_ =	swait.ge [sflag:s21], $0x1400  }
0x7c: {  	[sflag:s21] =	ssyncset.done $0x0  }
0x7d: {  	[sflag:s21] =	ssyncadd.s32 $0xFFFFEC00  }
0x7e: {  	[tilespmem:s22], [sflag:$0x5] =	stream.linear.gather [hbm4b:s13+s2], $0x1400, $0x38;
	[tilespmem:$0x1E800] =	vst v63  }
0x7f: {  	_ =	swait.ge [sflag:s21], $0x1400  }
0x80: {  	[sflag:s21] =	ssyncset.done $0x0  }
0x81: {  	[sflag:s21] =	ssyncadd.s32 $0xFFFFEC00  }
0x82: {  	[tilespmem:s20], [sflag:$0x1] =	stream.indirect.gather [hbm4b:s4+s23], $0x80, s2, s23, $0xb8;
	[tilespmem:$0x1E800] =	vst v63  }
0x83: {  	_ = 	snop  }
0x84: {  	[tilespmem:s24], [sflag:$0x2] =	stream.indirect.gather [hbm4b:s4+s23], $0x80, s23, s23, $0xb8;
	[tilespmem:$0x1E800] =	vst v63  }
0x85: {  	_ =	swait.ge [sflag:s25], $0x4000  }
0x86: {  	[sflag:s25] =	ssyncset.done $0x0  }
0x87: {  	s11 =	simm.s32 $0x1400;
	[sflag:s25] =	ssyncadd.s32 $0xFFFFC000  }
0x88: {  	[spmem:s1] =	stream.indirect.scatter.add.f32 [tilespmem:s20], [sflag:$0x3], $0x80, s11, s23, $0xb8;
	[tilespmem:$0x1E800] =	vst v63  }
0x89: {  	_ =	swait.ge [sflag:s26], $0x4000  }
0x8a: {  	[sflag:s26] =	ssyncset.done $0x0  }
0x8b: {  	s10 =	simm.s32 $0x1480;
	[sflag:s26] =	ssyncadd.s32 $0xFFFFC000  }
0x8c: {  	[spmem:s1] =	stream.indirect.scatter.add.f32 [tilespmem:s24], [sflag:$0x4], $0x80, s10, s23, $0xb8;
	[tilespmem:$0x1E800] =	vst v63  }
0x8d: {  	_ =	swait.ge [sflag:s28], $0x4000  }
0x8e: {  	[sflag:s28] =	ssyncset.done $0x0  }
0x8f: {  	s11 =	simm.s32 $0x100;
	[sflag:s28] =	ssyncadd.s32 $0xFFFFC000  }
0x90: {  	[tilespmem:s20], [sflag:$0x1] =	stream.indirect.gather [hbm4b:s4+s23], $0x80, s11, s23, $0xb8;
	[tilespmem:$0x1E800] =	vst v63  }
0x91: {  	_ =	swait.ge [sflag:s29], $0x4000  }
0x92: {  	[sflag:s29] =	ssyncset.done $0x0  }
0x93: {  	s2 =	simm.s32 $0x400;
	s10 =	simm.s32 $0x180;
	[sflag:s29] =	ssyncadd.s32 $0xFFFFC000  }
.LBB2_6:
0x94: {  	[tilespmem:s24], [sflag:$0x2] =	stream.indirect.gather [hbm4b:s4+s23], $0x80, s10, s23, $0xb8;
	[tilespmem:$0x1E800] =	vst v63  }
0x95: {  	s10 =	smov.u32 s2  }
0x96: {  	p0 =	sne.s32 s2, $0x4800;
	s2 =	sadd.s32 $0x400, s2;
	_ =	swait.ge [sflag:s25], $0x4000  }
0x97: {  	s10 =	sshra.s32 s10, $0x2;
	[sflag:s25] =	ssyncset.done $0x0  }
0x98: {  	s11 =	sadd.s32 $0x1400, s10;
	[sflag:s25] =	ssyncadd.s32 $0xFFFFC000  }
0x99: {  	[spmem:s1] =	stream.indirect.scatter.add.f32 [tilespmem:s20], [sflag:$0x3], $0x80, s11, s23, $0xb8;
	[tilespmem:$0x1E800] =	vst v63  }
0x9a: {  	_ =	swait.ge [sflag:s26], $0x4000  }
0x9b: {  	[sflag:s26] =	ssyncset.done $0x0  }
0x9c: {  	s11 =	sadd.s32 $0x1480, s10;
	[sflag:s26] =	ssyncadd.s32 $0xFFFFC000  }
0x9d: {  	[spmem:s1] =	stream.indirect.scatter.add.f32 [tilespmem:s24], [sflag:$0x4], $0x80, s11, s23, $0xb8;
	[tilespmem:$0x1E800] =	vst v63  }
0x9e: {  	_ =	swait.ge [sflag:s28], $0x4000  }
0x9f: {  	[sflag:s28] =	ssyncset.done $0x0  }
.Ltmp2:
0xa0: {  	s11 =	sadd.s32 $0x100, s10;
	[sflag:s28] =	ssyncadd.s32 $0xFFFFC000;
	(pc) =	sbr.rel @p0 .LBB2_6-.Ltmp2, $4  }
0xa1: {  	[tilespmem:s20], [sflag:$0x1] =	stream.indirect.gather [hbm4b:s4+s23], $0x80, s11, s23, $0xb8;
	[tilespmem:$0x1E800] =	vst v63  }
0xa2: {  	_ =	swait.ge [sflag:s29], $0x4000  }
0xa3: {  	[sflag:s29] =	ssyncset.done $0x0  }
0xa4: {  	s10 =	sadd.s32 $0x180, s10;
	[sflag:s29] =	ssyncadd.s32 $0xFFFFC000  }
0xa5: {  	[tilespmem:s24], [sflag:$0x2] =	stream.indirect.gather [hbm4b:s4+s23], $0x80, s10, s23, $0xb8;
	[tilespmem:$0x1E800] =	vst v63  }
0xa6: {  	_ =	swait.ge [sflag:s25], $0x4000  }
0xa7: {  	[sflag:s25] =	ssyncset.done $0x0  }
0xa8: {  	[sflag:s25] =	ssyncadd.s32 $0xFFFFC000  }
0xa9: {  	[spmem:s1] =	stream.indirect.scatter.add.f32 [tilespmem:s20], [sflag:$0x3], $0x80, s30, s23, $0xb8;
	[tilespmem:$0x1E800] =	vst v63  }
0xaa: {  	_ =	swait.ge [sflag:s26], $0x4000  }
0xab: {  	[sflag:s26] =	ssyncset.done $0x0  }
0xac: {  	[sflag:s26] =	ssyncadd.s32 $0xFFFFC000  }
0xad: {  	[spmem:s1] =	stream.indirect.scatter.add.f32 [tilespmem:s24], [sflag:$0x4], $0x80, s31, s23, $0xb8;
	[tilespmem:$0x1E800] =	vst v63  }
0xae: {  	_ =	swait.ge [sflag:s28], $0x4000  }
0xaf: {  	[sflag:s28] =	ssyncset.done $0x0  }
0xb0: {  	[sflag:s28] =	ssyncadd.s32 $0xFFFFC000  }
0xb1: {  	_ =	swait.ge [sflag:s29], $0x4000  }
0xb2: {  	[sflag:s29] =	ssyncset.done $0x0  }
0xb3: {  	[sflag:s29] =	ssyncadd.s32 $0xFFFFC000  }
0xb4: {  	[bflag:$0x0] =	sbarrier.arrive $0xFFFF  }
0xb5: {  	[tilespmem:s20], [sflag:$0x5] =	stream.linear.gather [spmem:s5], $0x4000, $0x38;
	[tilespmem:$0x1E800] =	vst v63  }
0xb6: {  	_ =	swait.ge [sflag:s21], $0x4000  }
0xb7: {  	[sflag:s21] =	ssyncset.done $0x0  }
0xb8: {  	[sflag:s21] =	ssyncadd.s32 $0xFFFFC000  }
0xb9: {  	[hbm4b:s14+s3] =	stream.linear.scatter [tilespmem:s20], [sflag:$0x5], $0x4000, $0x38;
	[tilespmem:$0x1E800] =	vst v63  }
0xba: {  	_ =	swait.ge [sflag:s21], $0x4000  }
0xbb: {  	[sflag:s21] =	ssyncset.done $0x0  }
0xbc: {  	[sflag:s21] =	ssyncadd.s32 $0xFFFFC000  }
0xbd: {  	[tilespmem:s20], [sflag:$0x5] =	stream.linear.gather [spmem:s6], $0x4000, $0x38;
	[tilespmem:$0x1E800] =	vst v63  }
0xbe: {  	_ =	swait.ge [sflag:s21], $0x4000  }
0xbf: {  	[sflag:s21] =	ssyncset.done $0x0  }
0xc0: {  	[sflag:s21] =	ssyncadd.s32 $0xFFFFC000  }
0xc1: {  	[hbm4b:s15+s3] =	stream.linear.scatter [tilespmem:s20], [sflag:$0x5], $0x4000, $0x38;
	[tilespmem:$0x1E800] =	vst v63  }
0xc2: {  	_ =	swait.ge [sflag:s21], $0x4000  }
0xc3: {  	[sflag:s21] =	ssyncset.done $0x0  }
0xc4: {  	[sflag:s21] =	ssyncadd.s32 $0xFFFFC000  }
0xc5: {  	[tilespmem:s20], [sflag:$0x5] =	stream.linear.gather [spmem:s7], $0x4000, $0x38;
	[tilespmem:$0x1E800] =	vst v63  }
0xc6: {  	_ =	swait.ge [sflag:s21], $0x4000  }
0xc7: {  	[sflag:s21] =	ssyncset.done $0x0  }
0xc8: {  	[sflag:s21] =	ssyncadd.s32 $0xFFFFC000  }
0xc9: {  	[hbm4b:s16+s3] =	stream.linear.scatter [tilespmem:s20], [sflag:$0x5], $0x4000, $0x38;
	[tilespmem:$0x1E800] =	vst v63  }
0xca: {  	_ =	swait.ge [sflag:s21], $0x4000  }
0xcb: {  	[sflag:s21] =	ssyncset.done $0x0  }
0xcc: {  	[sflag:s21] =	ssyncadd.s32 $0xFFFFC000  }
0xcd: {  	[tilespmem:s20], [sflag:$0x5] =	stream.linear.gather [spmem:s8], $0x4000, $0x38;
	[tilespmem:$0x1E800] =	vst v63  }
0xce: {  	_ =	swait.ge [sflag:s21], $0x4000  }
0xcf: {  	[sflag:s21] =	ssyncset.done $0x0  }
0xd0: {  	[sflag:s21] =	ssyncadd.s32 $0xFFFFC000  }
0xd1: {  	[hbm4b:s17+s3] =	stream.linear.scatter [tilespmem:s20], [sflag:$0x5], $0x4000, $0x38;
	[tilespmem:$0x1E800] =	vst v63  }
0xd2: {  	_ =	swait.ge [sflag:s21], $0x4000  }
0xd3: {  	[sflag:s21] =	ssyncset.done $0x0  }
0xd4: {  	[sflag:s21] =	ssyncadd.s32 $0xFFFFC000  }
0xd5: {  	[tilespmem:s20], [sflag:$0x5] =	stream.linear.gather [spmem:s9], $0x4000, $0x38;
	[tilespmem:$0x1E800] =	vst v63  }
0xd6: {  	s0 =	sadd.s32 $0x1, s0;
	_ =	swait.ge [sflag:s21], $0x4000  }
0xd7: {  	p0 =	sne.s32 s0, s19;
	[sflag:s21] =	ssyncset.done $0x0  }
.Ltmp3:
0xd8: {  	[sflag:s21] =	ssyncadd.s32 $0xFFFFC000;
	(pc) =	sbr.rel @p0 .LBB2_1-.Ltmp3, $4  }
0xd9: {  	[hbm4b:s18+s3] =	stream.linear.scatter [tilespmem:s20], [sflag:$0x5], $0x4000, $0x38;
	[tilespmem:$0x1E800] =	vst v63  }
0xda: {  	_ =	swait.ge [sflag:s21], $0x4000  }
0xdb: {  	[sflag:s21] =	ssyncset.done $0x0  }
0xdc: {  	[sflag:s21] =	ssyncadd.s32 $0xFFFFC000  }
0xdd: {  	_ =	sfence.sel $0x180000  }
0xde: {  	[bflag:$0x0] =	sbarrier.arrive $0xFFFF  }
0xdf: {  	_ =	strace $0x9000004D  }
0xe0: {  	s0 =	stileid.u32;
	[bflag:$0x2] =	sbarrier.arrive $0xFFFF  }
0xe1: {  	p0 =	sne.s32 s0, $0x0;
	s0 =	rddreg [dreg:$0x3]  }
0xe2: {  	s0 =	sadd.s32 @!p0 $0x100000, s0  }
0xe3: {  	[sflag:s0] =	ssyncadd.tile.s32 @!p0 $0x1;
	_ =	shalt  }
.Lfunc_end2:
_tile_overlayer_lowered:
.L_overlay_start_2:
0xe4: {  	(tag) =	ssettag $0x2  }
0xe5: {  	s0 =	rddreg [dreg:$0x0];
	s2 =	stileid.u32  }
0xe6: {  	s1 =	rddreg [dreg:$0x1];
	p0 =	sne.s32 s2, $0x0  }
0xe7: {  	s3 =	rddreg [dreg:$0x2];
	[bflag:$0x3] =	sbarrier.arrive $0xFFFF;
	s2 =	simm.s32 @!p0 $0x1C05  }
0xe8: {  	[timem:s3], [sflag:s2] =	dma.local @!p0 [hbm:s0], s1  }
0xe9: {  	s0 =	simm.s32 @!p0 $0x5  }
0xea: {  	_ =	swait.ge @!p0 [sflag:s0], s1  }
0xeb: {  	s1 =	ssub.s32 @!p0 $0x0, s1;
	[sflag:s0] =	ssyncset.done @!p0 $0x0  }
0xec: {  	[sflag:s0] =	ssyncadd.s32 @!p0 s1  }
0xed: {  	[bflag:$0x3] =	sbarrier.arrive $0xFFFF  }
0xee: {  	_ =	shalt  }

// kernel: kernel.8.cloned.1.call-start
scs
__scs_entry_jumppad:
0x0: {  	(pc) =	sbr.rel $0x88, $3  }
0x1: {  	(tag) =	ssettag $0x0;
	lr =	simm.s32 $0x1  }
0x2: {  	[smem:$0x3F99] =	sst lr;
	_ =	strace $0xD0000000  }
0x3: {  	_ = 	snop  }
0x4: {  	_ = 	snop  }
0x5: {  	_ = 	snop  }
0x6: {  	_ = 	snop  }
0x7: {  	_ = 	snop  }
__scs_overlays_trampoline_lowered:
0x8: {  	[smem:$0x3FA8] =	sst s0  }
0x9: {  	[smem:$0x3FA9] =	sst s1  }
0xa: {  	[smem:$0x3FAA] =	sst s2  }
0xb: {  	[smem:$0x3FAB] =	sst s3  }
0xc: {  	[smem:$0x3FAC] =	sst s4  }
0xd: {  	[smem:$0x3FAD] =	sst s5  }
0xe: {  	[smem:$0x3FAE] =	sst s6  }
0xf: {  	[smem:$0x3FAF] =	sst s7  }
0x10: {  	[smem:$0x3FB0] =	sst s8  }
0x11: {  	[smem:$0x3FB1] =	sst s9;
	s0 =	simm.s32 @!p0 $0x0  }
0x12: {  	s1 =	sld [smem:$0x3F97];
	s0 =	simm.s32 @p0 $0x1  }
0x13: {  	[smem:$0x3FB2] =	sst s0;
	s0 =	simm.s32 @!p1 $0x0  }
0x14: {  	s2 =	sld [smem:$0x3F96];
	s0 =	simm.s32 @p1 $0x1  }
0x15: {  	[smem:$0x3FB3] =	sst s0;
	s0 =	simm.s32 @!p2 $0x0  }
0x16: {  	s3 =	sld [smem:$0x3FDB];
	s0 =	simm.s32 @p2 $0x1  }
0x17: {  	s4 =	simm.s32 $0x1BF5;
	[smem:$0x3FB5] =	sst s0  }
0x18: {  	s0 =	sld [smem:$0x3F98];
	_ =	swait.ge [sflag:s4], $0x0  }
0x19: {  	s7 =	sld [smem:$0x3F99]  }
0x1a: {  	s8 =	sadd.s32 $0xFFFFE003, lr  }
0x1b: {  	s9 =	sadd.s32 $0xFFFFFEF7, lr;
	s5 =	simm.s32 $0xFFFFFFFF;
	p2 =	slt.u32 s8, $0xFFFFF086  }
0x1c: {  	p1 =	slt.u32 s9, $0xF7A;
	s5 =	simm.s32 @!p2 $0x0  }
0x1d: {  	s5 =	simm.s32 @p1 $0x1;
	p0 =	seq.s32 s7, s2  }
0x1e: {  	s7 =	smul.u32 @!p0 $0xF7A, s2;
	p2 =	seq.s32 @!p0 s5, $0x0  }
0x1f: {  	s9 =	smul.u32 $0xF7A, s1;
	s8 =	simm.s32 @!p0 $0x1BF5;
	p2 =	por !p2, p0  }
0x20: {  	[sflag:s8] =	ssyncset.s32 @!p0 $0xFFFFF086;
	s6 =	sadd.s32 @!p0 s3, s7;
	s7 =	simm.s32 @!p0 $0x108  }
0x21: {  	s3 =	sadd.s32 s3, s9;
	s6 =	sadd.s32 @!p0 $0x88, s6;
	s7 =	simm.s32 @p2 $0x1082  }
0x22: {  	[simem:s7], [sflag:s8] =	dma.local @!p0 [hbm:s6], $0xF7A  }
0x23: {  	s9 =	sor.u32 $0xD0000000, s2;
	s6 =	simm.s32 $0x108;
	_ =	swait.ge @!p0 [sflag:s8], $0x0  }
0x24: {  	s3 =	sadd.s32 $0x88, s3;
	s6 =	simm.s32 @!p1 $0x1082;
	[sflag:s4] =	ssyncset.s32 $0xFFFFF086  }
0x25: {  	[simem:s6], [sflag:s4] =	dma.local [hbm:s3], $0xF7A  }
0x26: {  	[smem:$0x3F99] =	sst s1;
	(tag) =	ssettag s2;
	_ =	strace s9  }
0x27: {  	s1 =	sld [smem:$0x3FA9]  }
0x28: {  	s2 =	sld [smem:$0x3FAA]  }
0x29: {  	s4 =	sld [smem:$0x3FAC]  }
0x2a: {  	p0 =	seq.s32 s5, $0x0;
	s5 =	sld [smem:$0x3FAD]  }
0x2b: {  	s6 =	sld [smem:$0x3FAE]  }
0x2c: {  	s7 =	sld [smem:$0x3FAF]  }
0x2d: {  	s3 =	simm.s32 $0x108;
	s8 =	sld [smem:$0x3FB0]  }
0x2e: {  	s3 =	simm.s32 @!p0 $0x1082;
	s9 =	sld [smem:$0x3FB1]  }
0x2f: {  	lr =	sadd.s32 s0, s3;
	s0 =	sld [smem:$0x3FA8]  }
0x30: {  	s3 =	sld [smem:$0x3FAB]  }
0x31: {  	[smem:$0x3FB4] =	sst s10  }
0x32: {  	s10 =	sld [smem:$0x3FB2];
	_ =	sdelay $0x3  }
0x33: {  	p0 =	seq.s32 s10, $0x1;
	s10 =	sld [smem:$0x3FB4];
	_ =	sdelay $0x3  }
0x34: {  	[smem:$0x3FB4] =	sst s10  }
0x35: {  	s10 =	sld [smem:$0x3FB3];
	_ =	sdelay $0x3  }
0x36: {  	p1 =	seq.s32 s10, $0x1;
	s10 =	sld [smem:$0x3FB4];
	_ =	sdelay $0x3  }
0x37: {  	[smem:$0x3FB4] =	sst s10  }
0x38: {  	s10 =	sld [smem:$0x3FB5]  }
0x39: {  	_ = 	snop;
	(pc) =	sbr.ind lr, $3  }
0x3a: {  	_ = 	snop  }
0x3b: {  	_ = 	snop  }
0x3c: {  	p2 =	seq.s32 s10, $0x1;
	s10 =	sld [smem:$0x3FB4]  }
0x3d: {  	_ =	shalt  }
0x3e: {  	_ =	shalt  }
0x3f: {  	_ =	shalt  }
0x40: {  	_ =	shalt  }
0x41: {  	_ =	shalt  }
0x42: {  	_ =	shalt  }
0x43: {  	_ =	shalt  }
0x44: {  	_ =	shalt  }
0x45: {  	_ =	shalt  }
0x46: {  	_ =	shalt  }
0x47: {  	_ =	shalt  }
0x48: {  	_ =	shalt  }
0x49: {  	_ =	shalt  }
0x4a: {  	_ =	shalt  }
0x4b: {  	_ =	shalt  }
0x4c: {  	_ =	shalt  }
0x4d: {  	_ =	shalt  }
0x4e: {  	_ =	shalt  }
0x4f: {  	_ =	shalt  }
0x50: {  	_ =	shalt  }
0x51: {  	_ =	shalt  }
0x52: {  	_ =	shalt  }
0x53: {  	_ =	shalt  }
0x54: {  	_ =	shalt  }
0x55: {  	_ =	shalt  }
0x56: {  	_ =	shalt  }
0x57: {  	_ =	shalt  }
0x58: {  	_ =	shalt  }
0x59: {  	_ =	shalt  }
0x5a: {  	_ =	shalt  }
0x5b: {  	_ =	shalt  }
0x5c: {  	_ =	shalt  }
0x5d: {  	_ =	shalt  }
0x5e: {  	_ =	shalt  }
0x5f: {  	_ =	shalt  }
0x60: {  	_ =	shalt  }
0x61: {  	_ =	shalt  }
0x62: {  	_ =	shalt  }
0x63: {  	_ =	shalt  }
0x64: {  	_ =	shalt  }
0x65: {  	_ =	shalt  }
0x66: {  	_ =	shalt  }
0x67: {  	_ =	shalt  }
0x68: {  	_ =	shalt  }
0x69: {  	_ =	shalt  }
0x6a: {  	_ =	shalt  }
0x6b: {  	_ =	shalt  }
0x6c: {  	_ =	shalt  }
0x6d: {  	_ =	shalt  }
0x6e: {  	_ =	shalt  }
0x6f: {  	_ =	shalt  }
0x70: {  	_ =	shalt  }
0x71: {  	_ =	shalt  }
0x72: {  	_ =	shalt  }
0x73: {  	_ =	shalt  }
0x74: {  	_ =	shalt  }
0x75: {  	_ =	shalt  }
0x76: {  	_ =	shalt  }
0x77: {  	_ =	shalt  }
0x78: {  	_ =	shalt  }
0x79: {  	_ =	shalt  }
0x7a: {  	_ =	shalt  }
0x7b: {  	_ =	shalt  }
0x7c: {  	_ =	shalt  }
0x7d: {  	_ =	shalt  }
0x7e: {  	_ =	shalt  }
0x7f: {  	_ =	shalt  }
0x80: {  	_ =	shalt  }
0x81: {  	_ =	shalt  }
0x82: {  	_ =	shalt  }
0x83: {  	_ =	shalt  }
0x84: {  	_ =	shalt  }
0x85: {  	_ =	shalt  }
0x86: {  	_ =	shalt  }
0x87: {  	_ =	shalt  }
.Lfunc_end0:
.L_simem_size_0:
called_computation_lowered:
.L_overlay_start_0:
0x88: {  	s2 =	sld [smem:$0x3FD9]  }
0x89: {  	s3 =	sld [smem:$0x3FFE];
	_ =	sdelay $0x1  }
0x8a: {  	s1 =	srdreg.scid  }
0x8b: {  	s0 =	sand.u32 $0x1, s1  }
0x8c: {  	s17 =	sshll.u32 s0, $0xA;
	s2 =	sadd.s32 s3, s2  }
0x8d: {  	s2 =	sadd.s32 s2, s17  }
0x8e: {  	[smem:$0x3FC0] =	sst s2  }
0x8f: {  	_ = 	snop  }
0x90: {  	s2 =	sld [smem:$0x3FD0];
	(tm) =	ssettm $0x1  }
0x91: {  	s18 =	sld [smem:$0x3FFB];
	_ =	sdelay $0x3  }
0x92: {  	_ =	strace s18  }
0x93: {  	s3 =	sld [smem:$0x3FFC];
	_ =	sdelay $0x3  }
0x94: {  	_ =	strace s3  }
0x95: {  	s3 =	sld [smem:$0x3FFD];
	_ =	sdelay $0x3  }
0x96: {  	_ =	strace s3  }
0x97: {  	_ =	strace $0x8FFFFFFF  }
0x98: {  	s19 =	sld [smem:$0x3FDB];
	_ =	sdelay $0x1  }
0x99: {  	s4 =	simm.s32 $_scs_section_size  }
0x9a: {  	s5 =	simm.s32 $_size__tile_overlayer_lowered;
	s6 =	simm.s32 $_tile_overlayer_lowered  }
0x9b: {  	s22 =	simm.s32 $0x1BFF;
	s21 =	sshll.u32 s6, $0x1;
	s3 =	sadd.s32 s4, s19  }
0x9c: {  	s7 =	simm.s32 $0x0;
	s20 =	sshll.u32 s5, $0x1;
	s5 =	sadd.s32 s21, s3  }
0x9d: {  	[timem:s7], [sflag:s22] =	dma.local [hbm:s5], s20  }
0x9e: {  	_ =	swait.ge [sflag:s22], s20  }
0x9f: {  	s4 =	ssub.s32 $0x0, s20;
	[sflag:s22] =	ssyncset.done $0x0  }
0xa0: {  	[sflag:s22] =	ssyncadd.s32 s4;
	_ =	sdelay $0x1  }
0xa1: {  	s23 =	simm.s32 $0x1B8B  }
0xa2: {  	_ =	swait.ge [sflag:s23], $0x1  }
0xa3: {  	[sflag:s23] =	ssyncset.done $0x0  }
0xa4: {  	s25 =	simm.s32 $0x1B8E;
	s24 =	sld [smem:$0x3FFE];
	[sflag:s23] =	ssyncadd.s32 $0xFFFFFFFF  }
0xa5: {  	s26 =	simm.s32 $execute0_lowered;
	[smem:$0x3FD2] =	sst s25  }
0xa6: {  	s5 =	sshll.u32 s26, $0x1;
	_ =	strace $0x80000046;
	[dreg:$0x1] =	wrdreg $0xFFFFFFFF  }
0xa7: {  	s28 =	simm.s32 $_size_execute0_lowered;
	s3 =	sadd.s32 s3, s5;
	[dreg:$0x0] =	wrdreg $0x0  }
0xa8: {  	s5 =	sshll.u32 s28, $0x1;
	[dreg:$0x2] =	wrdreg s3  }
0xa9: {  	[dreg:$0x3] =	wrdreg s5  }
0xaa: {  	[dreg:$0x4] =	wrdreg $0xC0  }
0xab: {  	_ =	task [dreg:s7], $0x5FFFF  }
0xac: {  	[dreg:$0x1] =	wrdreg $0xFFFFFFFF  }
0xad: {  	[dreg:$0x0] =	wrdreg $0x60  }
0xae: {  	[dreg:$0x2] =	wrdreg s2  }
0xaf: {  	[dreg:$0x3] =	wrdreg s24  }
0xb0: {  	[dreg:$0x4] =	wrdreg $0x68000  }
0xb1: {  	[dreg:$0x5] =	wrdreg $0x9  }
0xb2: {  	_ =	task.clear_ibuf [dreg:s7], $0x6FFFF;
	_ =	strace $0x90000046  }
0xb3: {  	s29 =	simm.s32 $0x9;
	_ =	strace $0x80000048  }
0xb4: {  	_ =	swait.ge [sflag:s29], $0x1  }
0xb5: {  	[sflag:s29] =	ssyncadd.s32 $0xFFFFFFFF  }
0xb6: {  	_ =	strace $0x90000048  }
0xb7: {  	_ =	sfence  }
0xb8: {  	s30 =	sld [smem:$0x0];
	_ =	sdelay $0x2  }
0xb9: {  	s31 =	sshll.u32 s1, $0xD;
	s1 =	sshrl.u32 s1, $0x2  }
0xba: {  	s3 =	sand.u32 $0x4000, s31;
	s1 =	sadd.s32 s1, s30  }
0xbb: {  	s0 =	sor.u32 s3, s0;
	s1 =	sshll.u32 s1, $0x11  }
0xbc: {  	s0 =	sor.u32 s1, s0  }
0xbd: {  	s0 =	sadd.s32 $0x8F2B, s0  }
0xbe: {  	[sflag:s0] =	ssyncadd.remote.s32 $0x1  }
0xbf: {  	_ =	sfence.sel $0xFFFF  }
0xc0: {  	[dreg:$0x0] =	wrdreg $0xFFFFFFFF;
	(pc) =	sbr.abs _section_cstart, $3  }
0xc1: {  	[dreg:$0x1] =	wrdreg $0xFFFFFFFF  }
0xc2: {  	_ =	task.clear_ibuf [dreg:s7], $0x2FFFF;
	_ =	strace $0x9FFFFFFF  }
0xc3: {  	(tm) =	ssettm $0x7FFFFFFF  }
tec
execute0_lowered:
.L_overlay_start_1:
0x0: {  	(tag) =	ssettag $0x1  }
0x1: {  	s4 =	rddreg [dreg:$0x0]  }
0x2: {  	s5 =	rddreg [dreg:$0x1]  }
0x3: {  	s1 =	rddreg [dreg:$0x2];
	s2 =	srdreg.scid  }
0x4: {  	s0 =	rddreg [dreg:$0x3];
	s3 =	simm.s32 $0x0;
	s18 =	simm.s32 $0x80  }
0x5: {  	s19 =	simm.s32 $0x100;
	s20 =	simm.s32 $0x180;
	s21 =	simm.s32 $0x200  }
0x6: {  	s22 =	simm.s32 $0x280;
	s23 =	simm.s32 $0x300;
	s24 =	simm.s32 $0x380  }
0x7: {  	s25 =	simm.s32 $0x1;
	s6 =	sand.u32 $0x1, s2;
	s2 =	stileid.u32  }
0x8: {  	s26 =	simm.s32 $0x0;
	[smem:$0x7FF] =	sst s3;
	s8 =	smul.u32 $0x50000, s2  }
0x9: {  	s14 =	sadd.s32 $0xD800, s5;
	s7 =	sshll.u32 s6, $0x4;
	s10 =	smul.u32 $0x14000, s2  }
0xa: {  	s28 =	ssub.s32 $0x2, s6;
	s13 =	smul.u32 $0x140000, s6;
	s7 =	sor.u32 s2, s7  }
0xb: {  	_ =	strace $0x80000047;
	s9 =	sshrl.u32 s28, $0x1;
	s7 =	smul.u32 $0x500, s7  }
0xc: {  	s8 =	sshrl.u32 s8, $0x2;
	s15 =	ssub.s32 s28, s9;
	s29 =	sadd.s32 $0x4000, s10  }
0xd: {  	s12 =	sadd.s32 $0x8000, s10;
	s16 =	sadd.s32 $0xC000, s10;
	s11 =	sadd.s32 s10, s13  }
0xe: {  	s17 =	sadd.s32 $0x10000, s10;
	s5 =	sadd.s32 s8, s1;
	s6 =	sadd.s32 s29, s1  }
0xf: {  	s8 =	sadd.s32 s16, s1;
	s9 =	sadd.s32 s13, s29;
	s30 =	sshrl.u32 s11, $0x3  }
0x10: {  	s16 =	sadd.s32 s13, s16;
	s15 =	smax.u32 s15, $0x1;
	s4 =	sadd.s32 s4, s7  }
0x11: {  	s7 =	sadd.s32 s12, s1;
	s31 =	sshrl.u32 s9, $0x3;
	s9 =	sadd.s32 s17, s1  }
0x12: {  	s10 =	sadd.s32 s14, s30;
	s12 =	sadd.s32 s13, s12;
	s13 =	sadd.s32 s13, s17  }
0x13: {  	s16 =	sshrl.u32 s16, $0x3;
	s11 =	sadd.s32 s14, s31;
	s12 =	sshrl.u32 s12, $0x3  }
0x14: {  	s17 =	sshrl.u32 s13, $0x3;
	s13 =	sadd.s32 s14, s16;
	s16 =	simm.s32 $0x2  }
0x15: {  	v0 =	vimm.f32 $0.0e+00;
	v1 =	vimm.f32 $1.000000000e+00;
	s12 =	sadd.s32 s14, s12;
	s14 =	sadd.s32 s14, s17;
	s17 =	simm.s32 $0x2800  }
.LBB2_1:
0x16: {  	s28 =	simm.s32 $0x0;
	s29 =	simm.s32 $0x200  }
.LBB2_2:
0x17: {  	p0 =	sne.s32 s29, $0xFE00;
	[tilespmem:s28+$0x2870] =	vst v0  }
0x18: {  	[tilespmem:s28+$0x2800] =	vst v0  }
0x19: {  	[tilespmem:s28+$0x2810] =	vst v0  }
.Ltmp0:
0x1a: {  	[tilespmem:s28+$0x2820] =	vst v0;
	(pc) =	sbr.rel @p0 .LBB2_2-.Ltmp0, $4  }
0x1b: {  	[tilespmem:s28+$0x2830] =	vst v0  }
0x1c: {  	[tilespmem:s28+$0x2840] =	vst v0  }
0x1d: {  	[tilespmem:s28+$0x2850] =	vst v0  }
0x1e: {  	[tilespmem:s28+$0x2860] =	vst v0;
	s28 =	sshra.s32 s29, $0x2;
	s29 =	sadd.s32 $0x200, s29  }
0x1f: {  	[tilespmem:s28+$0x2870] =	vst v0  }
0x20: {  	[tilespmem:s28+$0x2800] =	vst v0  }
0x21: {  	[tilespmem:s28+$0x2810] =	vst v0  }
0x22: {  	[tilespmem:s28+$0x2820] =	vst v0  }
0x23: {  	[tilespmem:s28+$0x2830] =	vst v0  }
0x24: {  	[tilespmem:s28+$0x2840] =	vst v0  }
0x25: {  	[tilespmem:s28+$0x2850] =	vst v0  }
0x26: {  	[tilespmem:s28+$0x2860] =	vst v0;
	s28 =	simm.s32 $0x0  }
0x27: {  	[tilespmem:s28], [sflag:$0x2] =	stream.linear.gather [hbm4b:s4+s28], $0x2800, $0x38;
	[tilespmem:$0x1A800] =	vst v63  }
0x28: {  	_ =	swait.ge [sflag:s16], $0x2800  }
0x29: {  	[sflag:s16] =	ssyncset.done $0x0  }
0x2a: {  	[sflag:s16] =	ssyncadd.s32 $0xFFFFD800  }
0x2b: {  	[spmem:s5] =	stream.linear.scatter [tilespmem:s17], [sflag:$0x2], $0x4000, $0x38;
	[tilespmem:$0x1A800] =	vst v63  }
0x2c: {  	_ =	swait.ge [sflag:s16], $0x4000  }
0x2d: {  	[sflag:s16] =	ssyncset.done $0x0  }
0x2e: {  	[sflag:s16] =	ssyncadd.s32 $0xFFFFC000  }
0x2f: {  	[spmem:s6] =	stream.linear.scatter [tilespmem:s17], [sflag:$0x2], $0x4000, $0x38;
	[tilespmem:$0x1A800] =	vst v63  }
0x30: {  	_ =	swait.ge [sflag:s16], $0x4000  }
0x31: {  	[sflag:s16] =	ssyncset.done $0x0  }
0x32: {  	[sflag:s16] =	ssyncadd.s32 $0xFFFFC000  }
0x33: {  	[spmem:s7] =	stream.linear.scatter [tilespmem:s17], [sflag:$0x2], $0x4000, $0x38;
	[tilespmem:$0x1A800] =	vst v63  }
0x34: {  	_ =	swait.ge [sflag:s16], $0x4000  }
0x35: {  	[sflag:s16] =	ssyncset.done $0x0  }
0x36: {  	[sflag:s16] =	ssyncadd.s32 $0xFFFFC000  }
0x37: {  	[spmem:s8] =	stream.linear.scatter [tilespmem:s17], [sflag:$0x2], $0x4000, $0x38;
	[tilespmem:$0x1A800] =	vst v63  }
0x38: {  	_ =	swait.ge [sflag:s16], $0x4000  }
0x39: {  	[sflag:s16] =	ssyncset.done $0x0  }
0x3a: {  	[sflag:s16] =	ssyncadd.s32 $0xFFFFC000  }
0x3b: {  	[spmem:s9] =	stream.linear.scatter [tilespmem:s17], [sflag:$0x2], $0x4000, $0x38;
	[tilespmem:$0x1A800] =	vst v63  }
0x3c: {  	_ =	swait.ge [sflag:s16], $0x4000  }
0x3d: {  	[sflag:s16] =	ssyncset.done $0x0  }
0x3e: {  	s29 =	simm.s32 $0x200;
	s28 =	simm.s32 $0x0;
	[sflag:s16] =	ssyncadd.s32 $0xFFFFC000  }
.LBB2_4:
0x3f: {  	p0 =	sne.s32 s29, $0xFE00;
	[tilespmem:s28+$0x2870] =	vst v1  }
0x40: {  	[tilespmem:s28+$0x2800] =	vst v1  }
0x41: {  	[tilespmem:s28+$0x2810] =	vst v1  }
.Ltmp1:
0x42: {  	[tilespmem:s28+$0x2820] =	vst v1;
	(pc) =	sbr.rel @p0 .LBB2_4-.Ltmp1, $4  }
0x43: {  	[tilespmem:s28+$0x2830] =	vst v1  }
0x44: {  	[tilespmem:s28+$0x2840] =	vst v1  }
0x45: {  	[tilespmem:s28+$0x2850] =	vst v1  }
0x46: {  	[tilespmem:s28+$0x2860] =	vst v1;
	s28 =	sshra.s32 s29, $0x2;
	s29 =	sadd.s32 $0x200, s29  }
0x47: {  	[tilespmem:s28+$0x2870] =	vst v1  }
0x48: {  	[tilespmem:s28+$0x2800] =	vst v1  }
0x49: {  	[tilespmem:s28+$0x2810] =	vst v1  }
0x4a: {  	[tilespmem:s28+$0x2820] =	vst v1  }
0x4b: {  	[tilespmem:s28+$0x2830] =	vst v1  }
0x4c: {  	[tilespmem:s28+$0x2840] =	vst v1  }
0x4d: {  	[tilespmem:s28+$0x2850] =	vst v1  }
0x4e: {  	[tilespmem:s28+$0x2860] =	vst v1  }
0x4f: {  	[bflag:$0x0] =	sbarrier.arrive $0xFFFF  }
0x50: {  	[spmem:s1] =	stream.indirect.scatter.add.f32 [tilespmem:s17], [sflag:$0x1], $0x80, s3, s18, $0xb8;
	[tilespmem:$0x1A800] =	vst v63  }
0x51: {  	_ = 	snop  }
0x52: {  	[spmem:s1] =	stream.indirect.scatter.add.f32 [tilespmem:s17], [sflag:$0x1], $0x80, s18, s18, $0xb8;
	[tilespmem:$0x1A800] =	vst v63  }
0x53: {  	_ = 	snop  }
0x54: {  	[spmem:s1] =	stream.indirect.scatter.add.f32 [tilespmem:s17], [sflag:$0x1], $0x80, s19, s18, $0xb8;
	[tilespmem:$0x1A800] =	vst v63  }
0x55: {  	_ = 	snop  }
0x56: {  	[spmem:s1] =	stream.indirect.scatter.add.f32 [tilespmem:s17], [sflag:$0x1], $0x80, s20, s18, $0xb8;
	[tilespmem:$0x1A800] =	vst v63  }
0x57: {  	_ = 	snop  }
0x58: {  	[spmem:s1] =	stream.indirect.scatter.add.f32 [tilespmem:s17], [sflag:$0x1], $0x80, s21, s18, $0xb8;
	[tilespmem:$0x1A800] =	vst v63  }
0x59: {  	_ = 	snop  }
0x5a: {  	[spmem:s1] =	stream.indirect.scatter.add.f32 [tilespmem:s17], [sflag:$0x1], $0x80, s22, s18, $0xb8;
	[tilespmem:$0x1A800] =	vst v63  }
0x5b: {  	_ = 	snop  }
0x5c: {  	[spmem:s1] =	stream.indirect.scatter.add.f32 [tilespmem:s17], [sflag:$0x1], $0x80, s23, s18, $0xb8;
	[tilespmem:$0x1A800] =	vst v63  }
0x5d: {  	_ = 	snop  }
0x5e: {  	[spmem:s1] =	stream.indirect.scatter.add.f32 [tilespmem:s17], [sflag:$0x1], $0x80, s24, s18, $0xb8;
	[tilespmem:$0x1A800] =	vst v63  }
0x5f: {  	s28 =	simm.s32 $0x400  }
0x60: {  	[spmem:s1] =	stream.indirect.scatter.add.f32 [tilespmem:s17], [sflag:$0x1], $0x80, s28, s18, $0xb8;
	[tilespmem:$0x1A800] =	vst v63  }
0x61: {  	_ =	swait.ge [sflag:s25], $0x4000  }
0x62: {  	s28 =	simm.s32 $0x1200;
	[sflag:s25] =	ssyncset.done $0x0  }
.LBB2_6:
0x63: {  	s29 =	sshra.s32 s28, $0x2;
	[sflag:s25] =	ssyncadd.s32 $0xFFFFC000;
	p0 =	sne.s32 s28, $0x9E00  }
0x64: {  	[spmem:s1] =	stream.indirect.scatter.add.f32 [tilespmem:s17], [sflag:$0x1], $0x80, s29, s18, $0xb8;
	[tilespmem:$0x1A800] =	vst v63  }
.Ltmp2:
0x65: {  	_ = 	snop;
	(pc) =	sbr.rel @p0 .LBB2_6-.Ltmp2, $4  }
0x66: {  	_ = 	snop  }
0x67: {  	s28 =	sadd.s32 $0x200, s28  }
0x68: {  	_ =	swait.ge [sflag:s25], $0x4000  }
0x69: {  	[sflag:s25] =	ssyncset.done $0x0  }
0x6a: {  	[sflag:s25] =	ssyncadd.s32 $0xFFFFC000  }
0x6b: {  	_ =	swait.ge [sflag:s25], $0x4000  }
0x6c: {  	[sflag:s25] =	ssyncset.done $0x0  }
0x6d: {  	[sflag:s25] =	ssyncadd.s32 $0xFFFFC000  }
0x6e: {  	_ =	swait.ge [sflag:s25], $0x4000  }
0x6f: {  	[sflag:s25] =	ssyncset.done $0x0  }
0x70: {  	[sflag:s25] =	ssyncadd.s32 $0xFFFFC000  }
0x71: {  	_ =	swait.ge [sflag:s25], $0x4000  }
0x72: {  	[sflag:s25] =	ssyncset.done $0x0  }
0x73: {  	[sflag:s25] =	ssyncadd.s32 $0xFFFFC000  }
0x74: {  	_ =	swait.ge [sflag:s25], $0x4000  }
0x75: {  	[sflag:s25] =	ssyncset.done $0x0  }
0x76: {  	[sflag:s25] =	ssyncadd.s32 $0xFFFFC000  }
0x77: {  	_ =	swait.ge [sflag:s25], $0x4000  }
0x78: {  	[sflag:s25] =	ssyncset.done $0x0  }
0x79: {  	[sflag:s25] =	ssyncadd.s32 $0xFFFFC000  }
0x7a: {  	_ =	swait.ge [sflag:s25], $0x4000  }
0x7b: {  	[sflag:s25] =	ssyncset.done $0x0  }
0x7c: {  	[sflag:s25] =	ssyncadd.s32 $0xFFFFC000  }
0x7d: {  	_ =	swait.ge [sflag:s25], $0x4000  }
0x7e: {  	[sflag:s25] =	ssyncset.done $0x0  }
0x7f: {  	[sflag:s25] =	ssyncadd.s32 $0xFFFFC000  }
0x80: {  	_ =	swait.ge [sflag:s25], $0x4000  }
0x81: {  	[sflag:s25] =	ssyncset.done $0x0  }
0x82: {  	[sflag:s25] =	ssyncadd.s32 $0xFFFFC000  }
0x83: {  	[bflag:$0x0] =	sbarrier.arrive $0xFFFF  }
0x84: {  	[tilespmem:s17], [sflag:$0x2] =	stream.linear.gather [spmem:s5], $0x4000, $0x38;
	[tilespmem:$0x1A800] =	vst v63  }
0x85: {  	_ =	swait.ge [sflag:s16], $0x4000  }
0x86: {  	[sflag:s16] =	ssyncset.done $0x0  }
0x87: {  	[sflag:s16] =	ssyncadd.s32 $0xFFFFC000  }
0x88: {  	[hbm4b:s10+s3] =	stream.linear.scatter [tilespmem:s17], [sflag:$0x2], $0x4000, $0x38;
	[tilespmem:$0x1A800] =	vst v63  }
0x89: {  	_ =	swait.ge [sflag:s16], $0x4000  }
0x8a: {  	[sflag:s16] =	ssyncset.done $0x0  }
0x8b: {  	[sflag:s16] =	ssyncadd.s32 $0xFFFFC000  }
0x8c: {  	[tilespmem:s17], [sflag:$0x2] =	stream.linear.gather [spmem:s6], $0x4000, $0x38;
	[tilespmem:$0x1A800] =	vst v63  }
0x8d: {  	_ =	swait.ge [sflag:s16], $0x4000  }
0x8e: {  	[sflag:s16] =	ssyncset.done $0x0  }
0x8f: {  	[sflag:s16] =	ssyncadd.s32 $0xFFFFC000  }
0x90: {  	[hbm4b:s11+s3] =	stream.linear.scatter [tilespmem:s17], [sflag:$0x2], $0x4000, $0x38;
	[tilespmem:$0x1A800] =	vst v63  }
0x91: {  	_ =	swait.ge [sflag:s16], $0x4000  }
0x92: {  	[sflag:s16] =	ssyncset.done $0x0  }
0x93: {  	[sflag:s16] =	ssyncadd.s32 $0xFFFFC000  }
0x94: {  	[tilespmem:s17], [sflag:$0x2] =	stream.linear.gather [spmem:s7], $0x4000, $0x38;
	[tilespmem:$0x1A800] =	vst v63  }
0x95: {  	_ =	swait.ge [sflag:s16], $0x4000  }
0x96: {  	[sflag:s16] =	ssyncset.done $0x0  }
0x97: {  	[sflag:s16] =	ssyncadd.s32 $0xFFFFC000  }
0x98: {  	[hbm4b:s12+s3] =	stream.linear.scatter [tilespmem:s17], [sflag:$0x2], $0x4000, $0x38;
	[tilespmem:$0x1A800] =	vst v63  }
0x99: {  	_ =	swait.ge [sflag:s16], $0x4000  }
0x9a: {  	[sflag:s16] =	ssyncset.done $0x0  }
0x9b: {  	[sflag:s16] =	ssyncadd.s32 $0xFFFFC000  }
0x9c: {  	[tilespmem:s17], [sflag:$0x2] =	stream.linear.gather [spmem:s8], $0x4000, $0x38;
	[tilespmem:$0x1A800] =	vst v63  }
0x9d: {  	_ =	swait.ge [sflag:s16], $0x4000  }
0x9e: {  	[sflag:s16] =	ssyncset.done $0x0  }
0x9f: {  	[sflag:s16] =	ssyncadd.s32 $0xFFFFC000  }
0xa0: {  	[hbm4b:s13+s3] =	stream.linear.scatter [tilespmem:s17], [sflag:$0x2], $0x4000, $0x38;
	[tilespmem:$0x1A800] =	vst v63  }
0xa1: {  	_ =	swait.ge [sflag:s16], $0x4000  }
0xa2: {  	[sflag:s16] =	ssyncset.done $0x0  }
0xa3: {  	[sflag:s16] =	ssyncadd.s32 $0xFFFFC000  }
0xa4: {  	[tilespmem:s17], [sflag:$0x2] =	stream.linear.gather [spmem:s9], $0x4000, $0x38;
	[tilespmem:$0x1A800] =	vst v63  }
0xa5: {  	s26 =	sadd.s32 $0x1, s26;
	_ =	swait.ge [sflag:s16], $0x4000  }
0xa6: {  	p0 =	sne.s32 s26, s15;
	[sflag:s16] =	ssyncset.done $0x0  }
.Ltmp3:
0xa7: {  	[sflag:s16] =	ssyncadd.s32 $0xFFFFC000;
	(pc) =	sbr.rel @p0 .LBB2_1-.Ltmp3, $4  }
0xa8: {  	[hbm4b:s14+s3] =	stream.linear.scatter [tilespmem:s17], [sflag:$0x2], $0x4000, $0x38;
	[tilespmem:$0x1A800] =	vst v63  }
0xa9: {  	_ =	swait.ge [sflag:s16], $0x4000  }
0xaa: {  	[sflag:s16] =	ssyncset.done $0x0  }
0xab: {  	[sflag:s16] =	ssyncadd.s32 $0xFFFFC000  }
0xac: {  	_ =	sfence.sel $0x180000  }
0xad: {  	[bflag:$0x0] =	sbarrier.arrive $0xFFFF  }
0xae: {  	p0 =	sne.s32 s2, $0x0;
	_ =	strace $0x90000047  }
0xaf: {  	s0 =	sadd.s32 @!p0 $0x100000, s0;
	[bflag:$0x2] =	sbarrier.arrive $0xFFFF  }
0xb0: {  	[sflag:s0] =	ssyncadd.tile.s32 @!p0 $0x1;
	_ =	shalt  }
.Lfunc_end2:
_tile_overlayer_lowered:
.L_overlay_start_2:
0xb1: {  	(tag) =	ssettag $0x2  }
0xb2: {  	s0 =	rddreg [dreg:$0x0];
	s2 =	stileid.u32  }
0xb3: {  	s1 =	rddreg [dreg:$0x1];
	p0 =	sne.s32 s2, $0x0  }
0xb4: {  	s3 =	rddreg [dreg:$0x2];
	[bflag:$0x3] =	sbarrier.arrive $0xFFFF;
	s2 =	simm.s32 @!p0 $0x1C02  }
0xb5: {  	[timem:s3], [sflag:s2] =	dma.local @!p0 [hbm:s0], s1  }
0xb6: {  	s0 =	simm.s32 @!p0 $0x2  }
0xb7: {  	_ =	swait.ge @!p0 [sflag:s0], s1  }
0xb8: {  	s1 =	ssub.s32 @!p0 $0x0, s1;
	[sflag:s0] =	ssyncset.done @!p0 $0x0  }
0xb9: {  	[sflag:s0] =	ssyncadd.s32 @!p0 s1  }
0xba: {  	[bflag:$0x3] =	sbarrier.arrive $0xFFFF  }
0xbb: {  	_ =	shalt  }

</sc_bundles>
